<compile_context>
chip_gen: v7x
topology: tpu7x:2x2x1
jax: 0.10.2.dev20260603
libtpu: 0.0.44.dev20260713+nightly
codegen_flags: <defaults>
</compile_context>

<pallas_src>
import jax
import jax.numpy as jnp
from jax import lax
from jax.experimental import pallas as pl
from jax.experimental.pallas import tpu as pltpu
from jax.experimental.pallas import tpu_sc as plsc

D = 128
K = 40
NC = 2
NS = 16
NW = NC * NS
L = 16
NP = 10240
BLK = 1024


def _mm_body(x_ref, w_ref, b_ref, h1_ref, h23_ref, h4_ref, hr_ref):
    h = jnp.dot(x_ref[...], w_ref[...], preferred_element_type=jnp.float32)
    h = h + b_ref[...]
    h1_ref[...] = h[:, 0:D]
    h23_ref[...] = h[:, D:3 * D]
    h4_ref[...] = h[:, 3 * D:4 * D]
    hr_ref[...] = h[:, 4 * D:5 * D]


def _matmuls(x, wt, bc):
    grid = NP // BLK
    return pl.pallas_call(
        _mm_body,
        grid=(grid,),
        in_specs=[
            pl.BlockSpec((BLK, D), lambda i: (i, 0)),
            pl.BlockSpec((D, 5 * D), lambda i: (0, 0)),
            pl.BlockSpec((1, 5 * D), lambda i: (0, 0)),
        ],
        out_specs=[
            pl.BlockSpec((BLK, D), lambda i: (i, 0)),
            pl.BlockSpec((BLK, 2 * D), lambda i: (i, 0)),
            pl.BlockSpec((BLK, D), lambda i: (i, 0)),
            pl.BlockSpec((BLK, D), lambda i: (i, 0)),
        ],
        out_shape=[
            jax.ShapeDtypeStruct((NP, D), jnp.float32),
            jax.ShapeDtypeStruct((NP, 2 * D), jnp.float32),
            jax.ShapeDtypeStruct((NP, D), jnp.float32),
            jax.ShapeDtypeStruct((NP, D), jnp.float32),
        ],
    )(x, wt, bc)


def _sc_edge_kernel(e):
    nchunks = e // K
    per_core = nchunks // NC
    per_sub = per_core // NS
    pairs = per_sub // 2
    rps = NP // NS
    mesh = plsc.VectorSubcoreMesh(core_axis_name="c", subcore_axis_name="s")

    def body(h23_hbm, h4_hbm, src_hbm, dst_hbm, acc_out, cnt_out,
             src_v, dst_v, dstS, g23, g4, hist, acc_sh,
             si0, si1, di0, di1, s23a, s23b, s4a, s4b, ssa, ssb):
        cid = lax.axis_index("c")
        sid = lax.axis_index("s")
        wid = sid * NC + cid

        sis = (si0, si1)
        dis = (di0, di1)
        s23 = (s23a, s23b)
        s4 = (s4a, s4b)
        ssc = (ssa, ssb)

        zero = jnp.zeros((L,), jnp.float32)

        def zfill(r, _):
            for j in range(D // L):
                g4[0, r, pl.ds(j * L, L)] = zero
            return 0
        lax.fori_loop(0, K, zfill, 0, unroll=False)

        def hfill(r, _):
            hist[pl.ds(r * L, L)] = zero
            return 0
        lax.fori_loop(0, NP // L, hfill, 0, unroll=False)

        r0 = pl.multiple_of(sid * rps, 8)
        for t in range(rps // K):
            pltpu.sync_copy(g4.at[0], acc_sh.at[pl.ds(r0 + t * K, K)])

        plsc.subcore_barrier()

        def idx_issue(i, p):
            base = (cid * per_core + sid + i * NS) * K
            pltpu.async_copy(src_hbm.at[pl.ds(base, K)], src_v.at[p], sis[p])
            pltpu.async_copy(dst_hbm.at[pl.ds(base, K)], dst_v.at[p], dis[p])

        def idx_wait(p):
            pltpu.make_async_copy(src_hbm.at[pl.ds(0, K)],
                                  src_v.at[p], sis[p]).wait()
            pltpu.make_async_copy(dst_hbm.at[pl.ds(0, K)],
                                  dst_v.at[p], dis[p]).wait()

        def gather_issue(p):
            pltpu.async_copy(h23_hbm.at[src_v.at[p]], g23.at[p], s23[p])
            pltpu.async_copy(h4_hbm.at[dst_v.at[p]], g4.at[p], s4[p])

        def gather_wait(p):
            pltpu.make_async_copy(h23_hbm.at[src_v.at[p]],
                                  g23.at[p], s23[p]).wait()
            pltpu.make_async_copy(h4_hbm.at[dst_v.at[p]],
                                  g4.at[p], s4[p]).wait()

        lane = jnp.arange(L, dtype=jnp.int32)
        tailm = lane >= (3 * L - K)

        def hist_update(p):
            for off, msk in ((0, None), (L, None), (K - L, tailm)):
                idxv = dst_v[p, pl.ds(off, L)]
                cnt, lastm = plsc.scan_count(idxv, msk)
                old = plsc.load_gather(hist, [idxv], mask=lastm)
                plsc.store_scatter(
                    hist, [idxv], old + cnt.astype(jnp.float32), mask=lastm)

        def compute(p):
            def row_body(r, _):
                vals = []
                for j in range(D // L):
                    sl = pl.ds(j * L, L)
                    x2 = g23[p, r, sl]
                    x3 = g23[p, r, pl.ds(D + j * L, L)]
                    x4 = g4[p, r, sl]
                    vals.append(x2 / (1.0 + jnp.exp(-(x3 + x4))))
                for j in range(D // L):
                    g4[p, r, pl.ds(j * L, L)] = vals[j]
                return 0
            lax.fori_loop(0, K, row_body, 0, unroll=2)

        idx_issue(0, 0)
        idx_issue(1, 1)
        idx_wait(0)
        gather_issue(0)

        def scatter_wait(p):
            pltpu.make_async_copy(g4.at[p],
                                  acc_sh.at[dstS.at[p]], ssc[p]).wait()

        def pair_body(i2, _):
            for b in (0, 1):
                i = 2 * i2 + b
                p, q = b, 1 - b

                @pl.when(i < per_sub - 1)
                def _():
                    idx_wait(q)

                @pl.when(i >= 1)
                def _():
                    scatter_wait(q)

                @pl.when(i < per_sub - 1)
                def _():
                    gather_issue(q)

                hist_update(p)
                gather_wait(p)
                for off in (0, L, K - L):
                    dstS[p, pl.ds(off, L)] = dst_v[p, pl.ds(off, L)]
                compute(p)
                pltpu.async_copy(g4.at[p], acc_sh.at[dstS.at[p]],
                                 ssc[p], add=True)

                @pl.when(i + 2 < per_sub)
                def _():
                    idx_issue(i + 2, p)
            return 0

        lax.fori_loop(0, pairs, pair_body, 0, unroll=False)

        scatter_wait(1)
        plsc.subcore_barrier()

        for t in range(rps // K):
            row = r0 + t * K
            pltpu.sync_copy(acc_sh.at[pl.ds(row, K)], g4.at[0])
            pltpu.sync_copy(g4.at[0], acc_out.at[cid, pl.ds(row, K)])

        pltpu.sync_copy(hist, cnt_out.at[pl.ds(wid * NP, NP)])

    return pl.kernel(
        body,
        out_type=[
            jax.ShapeDtypeStruct((NC, NP, D), jnp.float32),
            jax.ShapeDtypeStruct((NW * NP,), jnp.float32),
        ],
        mesh=mesh,
        compiler_params=pltpu.CompilerParams(needs_layout_passes=False),
        scratch_types=[
            pltpu.VMEM((2, K), jnp.int32),
            pltpu.VMEM((2, K), jnp.int32),
            pltpu.VMEM((2, K), jnp.int32),
            pltpu.VMEM((2, K, 2 * D), jnp.float32),
            pltpu.VMEM((2, K, D), jnp.float32),
            pltpu.VMEM((NP,), jnp.float32),
            pltpu.VMEM_SHARED((NP, D), jnp.float32),
            pltpu.SemaphoreType.DMA,
            pltpu.SemaphoreType.DMA,
            pltpu.SemaphoreType.DMA,
            pltpu.SemaphoreType.DMA,
            pltpu.SemaphoreType.DMA,
            pltpu.SemaphoreType.DMA,
            pltpu.SemaphoreType.DMA,
            pltpu.SemaphoreType.DMA,
            pltpu.SemaphoreType.DMA,
            pltpu.SemaphoreType.DMA,
        ],
    )


def _comb_body(h1_ref, hr_ref, acc_ref, cnt_ref, o_ref):
    a = acc_ref[0] + acc_ref[1]
    c = jnp.sum(cnt_ref[...], axis=0)[:, None]
    o_ref[...] = (h1_ref[...] + a) / jnp.maximum(c, 1.0) + hr_ref[...]


def _combine(h1, hres, acc, cnt):
    grid = NP // BLK
    return pl.pallas_call(
        _comb_body,
        grid=(grid,),
        in_specs=[
            pl.BlockSpec((BLK, D), lambda i: (i, 0)),
            pl.BlockSpec((BLK, D), lambda i: (i, 0)),
            pl.BlockSpec((NC, BLK, D), lambda i: (0, i, 0)),
            pl.BlockSpec((NW, BLK), lambda i: (0, i)),
        ],
        out_specs=pl.BlockSpec((BLK, D), lambda i: (i, 0)),
        out_shape=jax.ShapeDtypeStruct((NP, D), jnp.float32),
    )(h1, hres, acc, cnt)


def kernel(features, edge_index, W1, b1, W2, b2, W3, b3, W4, b4, Wres, bres):
    n = features.shape[0]
    e = edge_index.shape[1]
    xp = jnp.pad(features, ((0, NP - n), (0, 0)))
    wt = jnp.concatenate([W1.T, W2.T, W3.T, W4.T, Wres.T], axis=1)
    bc = jnp.concatenate([b1, b2, b3, b4, bres]).reshape(1, 5 * D)
    h1, h23, h4, hres = _matmuls(xp, wt, bc)
    src = edge_index[0]
    dst = edge_index[1]
    acc, cnt = _sc_edge_kernel(e)(h23, h4, src, dst)
    z = _combine(h1, hres, acc, cnt.reshape(NW, NP))
    return z[:n]

# --- scband reference (transcript-rebuilt; emitter-appended) ---
"""Pipeline reference for scband-res-gated-graph-conv-86285892976710 (READ-ONLY COPY).

The authoritative reference and input builder live on the scoring server;
editing this copy changes nothing except your own understanding.
"""

import jax, jax.numpy as jnp
import numpy as np

N = 10000
E = 320000
D = 128

def _xavier(k, shape, gain=np.sqrt(2.0)):
    fan_out, fan_in = shape
    a = gain * np.sqrt(6.0 / (fan_in + fan_out))
    return jax.random.uniform(k, shape, jnp.float32, -a, a)

def setup_inputs(seed: int = 0) -> dict:
    key = jax.random.key(seed)
    ks = jax.random.split(key, 8)
    return {
        "features": jax.random.normal(ks[0], (N, D), jnp.float32),
        "edge_index": jax.random.randint(ks[1], (2, E), 0, N, jnp.int32),
        "W1": _xavier(ks[2], (D, D)), "b1": jnp.zeros((D,), jnp.float32),
        "W2": _xavier(ks[3], (D, D)), "b2": jnp.zeros((D,), jnp.float32),
        "W3": _xavier(ks[4], (D, D)), "b3": jnp.zeros((D,), jnp.float32),
        "W4": _xavier(ks[5], (D, D)), "b4": jnp.zeros((D,), jnp.float32),
        "Wres": _xavier(ks[6], (D, D)), "bres": jnp.zeros((D,), jnp.float32),
    }

def reference(features, edge_index, W1, b1, W2, b2, W3, b3, W4, b4, Wres, bres):
    src = edge_index[0]
    dst = edge_index[1]
    n = features.shape[0]
    h1 = features @ W1.T + b1
    h2 = features @ W2.T + b2
    h3 = (features @ W3.T + b3)[src]
    h4 = (features @ W4.T + b4)[dst]
    z1 = jax.nn.sigmoid(h3 + h4)
    h = z1 * h2[src]
    # torch_scatter scatter(..., out=h1.clone(), reduce='mean'):
    # sums src into out (which already holds h1), then divides by per-index
    # counts clamped to a minimum of 1.
    summed = h1 + jax.ops.segment_sum(h, dst, num_segments=n)
    count = jax.ops.segment_sum(jnp.ones((dst.shape[0],), jnp.float32), dst, num_segments=n)
    count = jnp.maximum(count, 1.0)[:, None]
    z = summed / count
    z = z + features @ Wres.T + bres
    return z

if __name__ == "__main__":
    import jax
    _d = setup_inputs()
    print(jax.jit(kernel)(*tuple(_d.values())))

</pallas_src>

<mosaic_0001>
#map = affine_map<(d0, d1) -> (0, 0)>
#map1 = affine_map<(d0, d1) -> (0)>
#map2 = affine_map<(d0, d1) -> (0, 0, 0)>
module attributes {stable_mosaic.version = 14 : i64} {
  func.func @body(%arg0: i32, %arg1: i32, %arg2: memref<10240x256xf32, #tpu.memory_space<hbm>>, %arg3: memref<10240x128xf32, #tpu.memory_space<hbm>>, %arg4: memref<320000xi32, #tpu.memory_space<hbm>>, %arg5: memref<320000xi32, #tpu.memory_space<hbm>>, %arg6: memref<2x10240x128xf32, #tpu.memory_space<hbm>>, %arg7: memref<327680xf32, #tpu.memory_space<hbm>>, %arg8: memref<2x40xi32, #tpu.memory_space<vmem>>, %arg9: memref<2x40xi32, #tpu.memory_space<vmem>>, %arg10: memref<2x40xi32, #tpu.memory_space<vmem>>, %arg11: memref<2x40x256xf32, #tpu.memory_space<vmem>>, %arg12: memref<2x40x128xf32, #tpu.memory_space<vmem>>, %arg13: memref<10240xf32, #tpu.memory_space<vmem>>, %arg14: memref<10240x128xf32, #tpu.memory_space<vmem_shared>>, %arg15: memref<!tpu.dma_semaphore, #tpu.memory_space<semaphore_mem>>, %arg16: memref<!tpu.dma_semaphore, #tpu.memory_space<semaphore_mem>>, %arg17: memref<!tpu.dma_semaphore, #tpu.memory_space<semaphore_mem>>, %arg18: memref<!tpu.dma_semaphore, #tpu.memory_space<semaphore_mem>>, %arg19: memref<!tpu.dma_semaphore, #tpu.memory_space<semaphore_mem>>, %arg20: memref<!tpu.dma_semaphore, #tpu.memory_space<semaphore_mem>>, %arg21: memref<!tpu.dma_semaphore, #tpu.memory_space<semaphore_mem>>, %arg22: memref<!tpu.dma_semaphore, #tpu.memory_space<semaphore_mem>>, %arg23: memref<!tpu.dma_semaphore, #tpu.memory_space<semaphore_mem>>, %arg24: memref<!tpu.dma_semaphore, #tpu.memory_space<semaphore_mem>>) attributes {dimension_semantics = [#tpu.dimension_semantics<core_parallel>, #tpu.dimension_semantics<subcore_parallel>], iteration_bounds = array<i64: 2, 16>, scalar_prefetch = 0 : i64, scratch_operands = 17 : i64, tpu.core_type = #tpu.core_type<sc_vector_subcore>, window_params = [{transform_indices = #map}, {transform_indices = #map}, {transform_indices = #map1}, {transform_indices = #map1}, {transform_indices = #map2}, {transform_indices = #map1}]} {
    %mul3A = arith.constant 2 : i32
    %mul3A_0 = arith.muli %arg1, %mul3A : i32
    %add3A = arith.addi %mul3A_0, %arg0 : i32
    %broadcast_in_dim3A = arith.constant 0.000000e+00 : f32
    %broadcast_in_dim3A_1 = vector.broadcast %broadcast_in_dim3A : f32 to vector<16xf32>
    %scan3A = arith.constant 0 : i32
    %scan3A_2 = arith.constant 0 : i32
    %scan3A_3 = arith.constant 40 : i32
    %scan3A_4 = arith.addi %scan3A_2, %scan3A_3 : i32
    %scan3A_5 = arith.constant 1 : i32
    %scan3A_6 = scf.for %scan3A_246 = %scan3A_2 to %scan3A_4 step %scan3A_5 iter_args(%scan3A_247 = %scan3A) -> (i32)  : i32 {
      %swap3A = arith.constant 0 : i32
      %swap3A_248 = arith.index_cast %swap3A : i32 to index
      %swap3A_249 = arith.index_cast %scan3A_246 : i32 to index
      %swap3A_250 = arith.constant 0 : index
      %swap3A_251 = tpu.vector_load %arg12[%swap3A_248, %swap3A_249, %swap3A_250] {strides = array<i32>} : memref<2x40x128xf32, #tpu.memory_space<vmem>>, vector<16xf32>,
      tpu.vector_store %arg12[%swap3A_248, %swap3A_249, %swap3A_250], %broadcast_in_dim3A_1 {strides = array<i32>} : memref<2x40x128xf32, #tpu.memory_space<vmem>>, vector<16xf32>,
      %swap3A_252 = arith.constant 0 : i32
      %swap3A_253 = arith.index_cast %swap3A_252 : i32 to index
      %swap3A_254 = arith.index_cast %scan3A_246 : i32 to index
      %swap3A_255 = arith.constant 16 : index
      %swap3A_256 = tpu.vector_load %arg12[%swap3A_253, %swap3A_254, %swap3A_255] {strides = array<i32>} : memref<2x40x128xf32, #tpu.memory_space<vmem>>, vector<16xf32>,
      tpu.vector_store %arg12[%swap3A_253, %swap3A_254, %swap3A_255], %broadcast_in_dim3A_1 {strides = array<i32>} : memref<2x40x128xf32, #tpu.memory_space<vmem>>, vector<16xf32>,
      %swap3A_257 = arith.constant 0 : i32
      %swap3A_258 = arith.index_cast %swap3A_257 : i32 to index
      %swap3A_259 = arith.index_cast %scan3A_246 : i32 to index
      %swap3A_260 = arith.constant 32 : index
      %swap3A_261 = tpu.vector_load %arg12[%swap3A_258, %swap3A_259, %swap3A_260] {strides = array<i32>} : memref<2x40x128xf32, #tpu.memory_space<vmem>>, vector<16xf32>,
      tpu.vector_store %arg12[%swap3A_258, %swap3A_259, %swap3A_260], %broadcast_in_dim3A_1 {strides = array<i32>} : memref<2x40x128xf32, #tpu.memory_space<vmem>>, vector<16xf32>,
      %swap3A_262 = arith.constant 0 : i32
      %swap3A_263 = arith.index_cast %swap3A_262 : i32 to index
      %swap3A_264 = arith.index_cast %scan3A_246 : i32 to index
      %swap3A_265 = arith.constant 48 : index
      %swap3A_266 = tpu.vector_load %arg12[%swap3A_263, %swap3A_264, %swap3A_265] {strides = array<i32>} : memref<2x40x128xf32, #tpu.memory_space<vmem>>, vector<16xf32>,
      tpu.vector_store %arg12[%swap3A_263, %swap3A_264, %swap3A_265], %broadcast_in_dim3A_1 {strides = array<i32>} : memref<2x40x128xf32, #tpu.memory_space<vmem>>, vector<16xf32>,
      %swap3A_267 = arith.constant 0 : i32
      %swap3A_268 = arith.index_cast %swap3A_267 : i32 to index
      %swap3A_269 = arith.index_cast %scan3A_246 : i32 to index
      %swap3A_270 = arith.constant 64 : index
      %swap3A_271 = tpu.vector_load %arg12[%swap3A_268, %swap3A_269, %swap3A_270] {strides = array<i32>} : memref<2x40x128xf32, #tpu.memory_space<vmem>>, vector<16xf32>,
      tpu.vector_store %arg12[%swap3A_268, %swap3A_269, %swap3A_270], %broadcast_in_dim3A_1 {strides = array<i32>} : memref<2x40x128xf32, #tpu.memory_space<vmem>>, vector<16xf32>,
      %swap3A_272 = arith.constant 0 : i32
      %swap3A_273 = arith.index_cast %swap3A_272 : i32 to index
      %swap3A_274 = arith.index_cast %scan3A_246 : i32 to index
      %swap3A_275 = arith.constant 80 : index
      %swap3A_276 = tpu.vector_load %arg12[%swap3A_273, %swap3A_274, %swap3A_275] {strides = array<i32>} : memref<2x40x128xf32, #tpu.memory_space<vmem>>, vector<16xf32>,
      tpu.vector_store %arg12[%swap3A_273, %swap3A_274, %swap3A_275], %broadcast_in_dim3A_1 {strides = array<i32>} : memref<2x40x128xf32, #tpu.memory_space<vmem>>, vector<16xf32>,
      %swap3A_277 = arith.constant 0 : i32
      %swap3A_278 = arith.index_cast %swap3A_277 : i32 to index
      %swap3A_279 = arith.index_cast %scan3A_246 : i32 to index
      %swap3A_280 = arith.constant 96 : index
      %swap3A_281 = tpu.vector_load %arg12[%swap3A_278, %swap3A_279, %swap3A_280] {strides = array<i32>} : memref<2x40x128xf32, #tpu.memory_space<vmem>>, vector<16xf32>,
      tpu.vector_store %arg12[%swap3A_278, %swap3A_279, %swap3A_280], %broadcast_in_dim3A_1 {strides = array<i32>} : memref<2x40x128xf32, #tpu.memory_space<vmem>>, vector<16xf32>,
      %swap3A_282 = arith.constant 0 : i32
      %swap3A_283 = arith.index_cast %swap3A_282 : i32 to index
      %swap3A_284 = arith.index_cast %scan3A_246 : i32 to index
      %swap3A_285 = arith.constant 112 : index
      %swap3A_286 = tpu.vector_load %arg12[%swap3A_283, %swap3A_284, %swap3A_285] {strides = array<i32>} : memref<2x40x128xf32, #tpu.memory_space<vmem>>, vector<16xf32>,
      tpu.vector_store %arg12[%swap3A_283, %swap3A_284, %swap3A_285], %broadcast_in_dim3A_1 {strides = array<i32>} : memref<2x40x128xf32, #tpu.memory_space<vmem>>, vector<16xf32>,
      %scan3A_287 = arith.constant 0 : i32
      scf.yield %scan3A_287 : i32
    }
    %scan3A_7 = arith.constant 40 : i32
    %scan3A_8 = arith.constant 0 : i32
    %scan3A_9 = arith.constant 0 : i32
    %scan3A_10 = arith.constant 640 : i32
    %scan3A_11 = arith.addi %scan3A_9, %scan3A_10 : i32
    %scan3A_12 = arith.constant 1 : i32
    %scan3A_13 = scf.for %scan3A_246 = %scan3A_9 to %scan3A_11 step %scan3A_12 iter_args(%scan3A_247 = %scan3A_8) -> (i32)  : i32 {
      %mul3A_248 = arith.constant 16 : i32
      %mul3A_249 = arith.muli %scan3A_246, %mul3A_248 : i32
      %swap3A = arith.index_cast %mul3A_249 : i32 to index
      %swap3A_250 = tpu.vector_load %arg13[%swap3A] {strides = array<i32>} : memref<10240xf32, #tpu.memory_space<vmem>>, vector<16xf32>,
      tpu.vector_store %arg13[%swap3A], %broadcast_in_dim3A_1 {strides = array<i32>} : memref<10240xf32, #tpu.memory_space<vmem>>, vector<16xf32>,
      %scan3A_251 = arith.constant 0 : i32
      scf.yield %scan3A_251 : i32
    }
    %scan3A_14 = arith.constant 640 : i32
    %mul3A_15 = arith.constant 640 : i32
    %mul3A_16 = arith.muli %arg1, %mul3A_15 : i32
    %multiple_of3A = tpu.assume_multiple %mul3A_16, 8 : i32
    %add3A_17 = arith.constant 0 : i32
    %add3A_18 = arith.addi %multiple_of3A, %add3A_17 : i32
    %run_scoped3A = arith.constant 0 : i32
    "tpu.region"() ({
      %run_scoped3A_246 = tpu.sem_alloc : memref<!tpu.dma_semaphore, #tpu.memory_space<semaphore_mem>>
      %dma_start3A_247 = arith.constant 0 : i32
      %dma_start3A_248 = arith.constant 0 : i32
      %dma_start3A_249 = tpu.memref_slice %arg12[%run_scoped3A, %dma_start3A_247, %dma_start3A_248] : memref<2x40x128xf32, #tpu.memory_space<vmem>> -> memref<1x40x128xf32, #tpu.memory_space<vmem>>
      %dma_start3A_250 = tpu.memref_squeeze %dma_start3A_249 : memref<1x40x128xf32, #tpu.memory_space<vmem>> -> memref<40x128xf32, #tpu.memory_space<vmem>>
      %dma_start3A_251 = arith.constant 0 : i32
      %dma_start3A_252 = tpu.memref_slice %arg14[%add3A_18, %dma_start3A_251] : memref<10240x128xf32, #tpu.memory_space<vmem_shared>> -> memref<40x128xf32, #tpu.memory_space<vmem_shared>>
      %dma_start3A_253 = arith.constant 0 : i32
      %dma_start3A_254 = tpu.memref_slice %arg14[%add3A_18, %dma_start3A_253] : memref<10240x128xf32, #tpu.memory_space<vmem_shared>> -> memref<40x128xf32, #tpu.memory_space<vmem_shared>>
      %dma_start3A_255 = arith.constant 0 : i32
      %dma_start3A_256 = arith.constant 0 : i32
      %dma_start3A_257 = tpu.memref_slice %arg12[%run_scoped3A, %dma_start3A_255, %dma_start3A_256] : memref<2x40x128xf32, #tpu.memory_space<vmem>> -> memref<1x40x128xf32, #tpu.memory_space<vmem>>
      %dma_start3A_258 = tpu.memref_squeeze %dma_start3A_257 : memref<1x40x128xf32, #tpu.memory_space<vmem>> -> memref<40x128xf32, #tpu.memory_space<vmem>>
      tpu.enqueue_dma source(%dma_start3A_258 : memref<40x128xf32, #tpu.memory_space<vmem>>) target(%dma_start3A_254 : memref<40x128xf32, #tpu.memory_space<vmem_shared>>) target_semaphore(%run_scoped3A_246 : memref<!tpu.dma_semaphore, #tpu.memory_space<semaphore_mem>>)
      %dma_wait3A_259 = arith.constant 0 : i32
      %dma_wait3A_260 = arith.constant 0 : i32
      %dma_wait3A_261 = tpu.memref_slice %arg12[%run_scoped3A, %dma_wait3A_259, %dma_wait3A_260] : memref<2x40x128xf32, #tpu.memory_space<vmem>> -> memref<1x40x128xf32, #tpu.memory_space<vmem>>
      %dma_wait3A_262 = tpu.memref_squeeze %dma_wait3A_261 : memref<1x40x128xf32, #tpu.memory_space<vmem>> -> memref<40x128xf32, #tpu.memory_space<vmem>>
      %dma_wait3A_263 = arith.constant 0 : i32
      %dma_wait3A_264 = tpu.memref_slice %arg14[%add3A_18, %dma_wait3A_263] : memref<10240x128xf32, #tpu.memory_space<vmem_shared>> -> memref<40x128xf32, #tpu.memory_space<vmem_shared>>
      %dma_wait3A_265 = arith.constant 0 : i32
      %dma_wait3A_266 = tpu.memref_slice %arg14[%add3A_18, %dma_wait3A_265] : memref<10240x128xf32, #tpu.memory_space<vmem_shared>> -> memref<40x128xf32, #tpu.memory_space<vmem_shared>>
      %dma_wait3A_267 = arith.constant 0 : i32
      %dma_wait3A_268 = arith.constant 0 : i32
      %dma_wait3A_269 = tpu.memref_slice %arg12[%run_scoped3A, %dma_wait3A_267, %dma_wait3A_268] : memref<2x40x128xf32, #tpu.memory_space<vmem>> -> memref<1x40x128xf32, #tpu.memory_space<vmem>>
      %dma_wait3A_270 = tpu.memref_squeeze %dma_wait3A_269 : memref<1x40x128xf32, #tpu.memory_space<vmem>> -> memref<40x128xf32, #tpu.memory_space<vmem>>
      tpu.wait_dma2 semaphore(%run_scoped3A_246 : memref<!tpu.dma_semaphore, #tpu.memory_space<semaphore_mem>>) src(%dma_wait3A_270 : memref<40x128xf32, #tpu.memory_space<vmem>>) dst(%dma_wait3A_266 : memref<40x128xf32, #tpu.memory_space<vmem_shared>>)
      tpu.yield
    }) : () -> ()
    %add3A_19 = arith.constant 40 : i32
    %add3A_20 = arith.addi %multiple_of3A, %add3A_19 : i32
    %run_scoped3A_21 = arith.constant 0 : i32
    "tpu.region"() ({
      %run_scoped3A_246 = tpu.sem_alloc : memref<!tpu.dma_semaphore, #tpu.memory_space<semaphore_mem>>
      %dma_start3A_247 = arith.constant 0 : i32
      %dma_start3A_248 = arith.constant 0 : i32
      %dma_start3A_249 = tpu.memref_slice %arg12[%run_scoped3A_21, %dma_start3A_247, %dma_start3A_248] : memref<2x40x128xf32, #tpu.memory_space<vmem>> -> memref<1x40x128xf32, #tpu.memory_space<vmem>>
      %dma_start3A_250 = tpu.memref_squeeze %dma_start3A_249 : memref<1x40x128xf32, #tpu.memory_space<vmem>> -> memref<40x128xf32, #tpu.memory_space<vmem>>
      %dma_start3A_251 = arith.constant 0 : i32
      %dma_start3A_252 = tpu.memref_slice %arg14[%add3A_20, %dma_start3A_251] : memref<10240x128xf32, #tpu.memory_space<vmem_shared>> -> memref<40x128xf32, #tpu.memory_space<vmem_shared>>
      %dma_start3A_253 = arith.constant 0 : i32
      %dma_start3A_254 = tpu.memref_slice %arg14[%add3A_20, %dma_start3A_253] : memref<10240x128xf32, #tpu.memory_space<vmem_shared>> -> memref<40x128xf32, #tpu.memory_space<vmem_shared>>
      %dma_start3A_255 = arith.constant 0 : i32
      %dma_start3A_256 = arith.constant 0 : i32
      %dma_start3A_257 = tpu.memref_slice %arg12[%run_scoped3A_21, %dma_start3A_255, %dma_start3A_256] : memref<2x40x128xf32, #tpu.memory_space<vmem>> -> memref<1x40x128xf32, #tpu.memory_space<vmem>>
      %dma_start3A_258 = tpu.memref_squeeze %dma_start3A_257 : memref<1x40x128xf32, #tpu.memory_space<vmem>> -> memref<40x128xf32, #tpu.memory_space<vmem>>
      tpu.enqueue_dma source(%dma_start3A_258 : memref<40x128xf32, #tpu.memory_space<vmem>>) target(%dma_start3A_254 : memref<40x128xf32, #tpu.memory_space<vmem_shared>>) target_semaphore(%run_scoped3A_246 : memref<!tpu.dma_semaphore, #tpu.memory_space<semaphore_mem>>)
      %dma_wait3A_259 = arith.constant 0 : i32
      %dma_wait3A_260 = arith.constant 0 : i32
      %dma_wait3A_261 = tpu.memref_slice %arg12[%run_scoped3A_21, %dma_wait3A_259, %dma_wait3A_260] : memref<2x40x128xf32, #tpu.memory_space<vmem>> -> memref<1x40x128xf32, #tpu.memory_space<vmem>>
      %dma_wait3A_262 = tpu.memref_squeeze %dma_wait3A_261 : memref<1x40x128xf32, #tpu.memory_space<vmem>> -> memref<40x128xf32, #tpu.memory_space<vmem>>
      %dma_wait3A_263 = arith.constant 0 : i32
      %dma_wait3A_264 = tpu.memref_slice %arg14[%add3A_20, %dma_wait3A_263] : memref<10240x128xf32, #tpu.memory_space<vmem_shared>> -> memref<40x128xf32, #tpu.memory_space<vmem_shared>>
      %dma_wait3A_265 = arith.constant 0 : i32
      %dma_wait3A_266 = tpu.memref_slice %arg14[%add3A_20, %dma_wait3A_265] : memref<10240x128xf32, #tpu.memory_space<vmem_shared>> -> memref<40x128xf32, #tpu.memory_space<vmem_shared>>
      %dma_wait3A_267 = arith.constant 0 : i32
      %dma_wait3A_268 = arith.constant 0 : i32
      %dma_wait3A_269 = tpu.memref_slice %arg12[%run_scoped3A_21, %dma_wait3A_267, %dma_wait3A_268] : memref<2x40x128xf32, #tpu.memory_space<vmem>> -> memref<1x40x128xf32, #tpu.memory_space<vmem>>
      %dma_wait3A_270 = tpu.memref_squeeze %dma_wait3A_269 : memref<1x40x128xf32, #tpu.memory_space<vmem>> -> memref<40x128xf32, #tpu.memory_space<vmem>>
      tpu.wait_dma2 semaphore(%run_scoped3A_246 : memref<!tpu.dma_semaphore, #tpu.memory_space<semaphore_mem>>) src(%dma_wait3A_270 : memref<40x128xf32, #tpu.memory_space<vmem>>) dst(%dma_wait3A_266 : memref<40x128xf32, #tpu.memory_space<vmem_shared>>)
      tpu.yield
    }) : () -> ()
    %add3A_22 = arith.constant 80 : i32
    %add3A_23 = arith.addi %multiple_of3A, %add3A_22 : i32
    %run_scoped3A_24 = arith.constant 0 : i32
    "tpu.region"() ({
      %run_scoped3A_246 = tpu.sem_alloc : memref<!tpu.dma_semaphore, #tpu.memory_space<semaphore_mem>>
      %dma_start3A_247 = arith.constant 0 : i32
      %dma_start3A_248 = arith.constant 0 : i32
      %dma_start3A_249 = tpu.memref_slice %arg12[%run_scoped3A_24, %dma_start3A_247, %dma_start3A_248] : memref<2x40x128xf32, #tpu.memory_space<vmem>> -> memref<1x40x128xf32, #tpu.memory_space<vmem>>
      %dma_start3A_250 = tpu.memref_squeeze %dma_start3A_249 : memref<1x40x128xf32, #tpu.memory_space<vmem>> -> memref<40x128xf32, #tpu.memory_space<vmem>>
      %dma_start3A_251 = arith.constant 0 : i32
      %dma_start3A_252 = tpu.memref_slice %arg14[%add3A_23, %dma_start3A_251] : memref<10240x128xf32, #tpu.memory_space<vmem_shared>> -> memref<40x128xf32, #tpu.memory_space<vmem_shared>>
      %dma_start3A_253 = arith.constant 0 : i32
      %dma_start3A_254 = tpu.memref_slice %arg14[%add3A_23, %dma_start3A_253] : memref<10240x128xf32, #tpu.memory_space<vmem_shared>> -> memref<40x128xf32, #tpu.memory_space<vmem_shared>>
      %dma_start3A_255 = arith.constant 0 : i32
      %dma_start3A_256 = arith.constant 0 : i32
      %dma_start3A_257 = tpu.memref_slice %arg12[%run_scoped3A_24, %dma_start3A_255, %dma_start3A_256] : memref<2x40x128xf32, #tpu.memory_space<vmem>> -> memref<1x40x128xf32, #tpu.memory_space<vmem>>
      %dma_start3A_258 = tpu.memref_squeeze %dma_start3A_257 : memref<1x40x128xf32, #tpu.memory_space<vmem>> -> memref<40x128xf32, #tpu.memory_space<vmem>>
      tpu.enqueue_dma source(%dma_start3A_258 : memref<40x128xf32, #tpu.memory_space<vmem>>) target(%dma_start3A_254 : memref<40x128xf32, #tpu.memory_space<vmem_shared>>) target_semaphore(%run_scoped3A_246 : memref<!tpu.dma_semaphore, #tpu.memory_space<semaphore_mem>>)
      %dma_wait3A_259 = arith.constant 0 : i32
      %dma_wait3A_260 = arith.constant 0 : i32
      %dma_wait3A_261 = tpu.memref_slice %arg12[%run_scoped3A_24, %dma_wait3A_259, %dma_wait3A_260] : memref<2x40x128xf32, #tpu.memory_space<vmem>> -> memref<1x40x128xf32, #tpu.memory_space<vmem>>
      %dma_wait3A_262 = tpu.memref_squeeze %dma_wait3A_261 : memref<1x40x128xf32, #tpu.memory_space<vmem>> -> memref<40x128xf32, #tpu.memory_space<vmem>>
      %dma_wait3A_263 = arith.constant 0 : i32
      %dma_wait3A_264 = tpu.memref_slice %arg14[%add3A_23, %dma_wait3A_263] : memref<10240x128xf32, #tpu.memory_space<vmem_shared>> -> memref<40x128xf32, #tpu.memory_space<vmem_shared>>
      %dma_wait3A_265 = arith.constant 0 : i32
      %dma_wait3A_266 = tpu.memref_slice %arg14[%add3A_23, %dma_wait3A_265] : memref<10240x128xf32, #tpu.memory_space<vmem_shared>> -> memref<40x128xf32, #tpu.memory_space<vmem_shared>>
      %dma_wait3A_267 = arith.constant 0 : i32
      %dma_wait3A_268 = arith.constant 0 : i32
      %dma_wait3A_269 = tpu.memref_slice %arg12[%run_scoped3A_24, %dma_wait3A_267, %dma_wait3A_268] : memref<2x40x128xf32, #tpu.memory_space<vmem>> -> memref<1x40x128xf32, #tpu.memory_space<vmem>>
      %dma_wait3A_270 = tpu.memref_squeeze %dma_wait3A_269 : memref<1x40x128xf32, #tpu.memory_space<vmem>> -> memref<40x128xf32, #tpu.memory_space<vmem>>
      tpu.wait_dma2 semaphore(%run_scoped3A_246 : memref<!tpu.dma_semaphore, #tpu.memory_space<semaphore_mem>>) src(%dma_wait3A_270 : memref<40x128xf32, #tpu.memory_space<vmem>>) dst(%dma_wait3A_266 : memref<40x128xf32, #tpu.memory_space<vmem_shared>>)
      tpu.yield
    }) : () -> ()
    %add3A_25 = arith.constant 120 : i32
    %add3A_26 = arith.addi %multiple_of3A, %add3A_25 : i32
    %run_scoped3A_27 = arith.constant 0 : i32
    "tpu.region"() ({
      %run_scoped3A_246 = tpu.sem_alloc : memref<!tpu.dma_semaphore, #tpu.memory_space<semaphore_mem>>
      %dma_start3A_247 = arith.constant 0 : i32
      %dma_start3A_248 = arith.constant 0 : i32
      %dma_start3A_249 = tpu.memref_slice %arg12[%run_scoped3A_27, %dma_start3A_247, %dma_start3A_248] : memref<2x40x128xf32, #tpu.memory_space<vmem>> -> memref<1x40x128xf32, #tpu.memory_space<vmem>>
      %dma_start3A_250 = tpu.memref_squeeze %dma_start3A_249 : memref<1x40x128xf32, #tpu.memory_space<vmem>> -> memref<40x128xf32, #tpu.memory_space<vmem>>
      %dma_start3A_251 = arith.constant 0 : i32
      %dma_start3A_252 = tpu.memref_slice %arg14[%add3A_26, %dma_start3A_251] : memref<10240x128xf32, #tpu.memory_space<vmem_shared>> -> memref<40x128xf32, #tpu.memory_space<vmem_shared>>
      %dma_start3A_253 = arith.constant 0 : i32
      %dma_start3A_254 = tpu.memref_slice %arg14[%add3A_26, %dma_start3A_253] : memref<10240x128xf32, #tpu.memory_space<vmem_shared>> -> memref<40x128xf32, #tpu.memory_space<vmem_shared>>
      %dma_start3A_255 = arith.constant 0 : i32
      %dma_start3A_256 = arith.constant 0 : i32
      %dma_start3A_257 = tpu.memref_slice %arg12[%run_scoped3A_27, %dma_start3A_255, %dma_start3A_256] : memref<2x40x128xf32, #tpu.memory_space<vmem>> -> memref<1x40x128xf32, #tpu.memory_space<vmem>>
      %dma_start3A_258 = tpu.memref_squeeze %dma_start3A_257 : memref<1x40x128xf32, #tpu.memory_space<vmem>> -> memref<40x128xf32, #tpu.memory_space<vmem>>
      tpu.enqueue_dma source(%dma_start3A_258 : memref<40x128xf32, #tpu.memory_space<vmem>>) target(%dma_start3A_254 : memref<40x128xf32, #tpu.memory_space<vmem_shared>>) target_semaphore(%run_scoped3A_246 : memref<!tpu.dma_semaphore, #tpu.memory_space<semaphore_mem>>)
      %dma_wait3A_259 = arith.constant 0 : i32
      %dma_wait3A_260 = arith.constant 0 : i32
      %dma_wait3A_261 = tpu.memref_slice %arg12[%run_scoped3A_27, %dma_wait3A_259, %dma_wait3A_260] : memref<2x40x128xf32, #tpu.memory_space<vmem>> -> memref<1x40x128xf32, #tpu.memory_space<vmem>>
      %dma_wait3A_262 = tpu.memref_squeeze %dma_wait3A_261 : memref<1x40x128xf32, #tpu.memory_space<vmem>> -> memref<40x128xf32, #tpu.memory_space<vmem>>
      %dma_wait3A_263 = arith.constant 0 : i32
      %dma_wait3A_264 = tpu.memref_slice %arg14[%add3A_26, %dma_wait3A_263] : memref<10240x128xf32, #tpu.memory_space<vmem_shared>> -> memref<40x128xf32, #tpu.memory_space<vmem_shared>>
      %dma_wait3A_265 = arith.constant 0 : i32
      %dma_wait3A_266 = tpu.memref_slice %arg14[%add3A_26, %dma_wait3A_265] : memref<10240x128xf32, #tpu.memory_space<vmem_shared>> -> memref<40x128xf32, #tpu.memory_space<vmem_shared>>
      %dma_wait3A_267 = arith.constant 0 : i32
      %dma_wait3A_268 = arith.constant 0 : i32
      %dma_wait3A_269 = tpu.memref_slice %arg12[%run_scoped3A_27, %dma_wait3A_267, %dma_wait3A_268] : memref<2x40x128xf32, #tpu.memory_space<vmem>> -> memref<1x40x128xf32, #tpu.memory_space<vmem>>
      %dma_wait3A_270 = tpu.memref_squeeze %dma_wait3A_269 : memref<1x40x128xf32, #tpu.memory_space<vmem>> -> memref<40x128xf32, #tpu.memory_space<vmem>>
      tpu.wait_dma2 semaphore(%run_scoped3A_246 : memref<!tpu.dma_semaphore, #tpu.memory_space<semaphore_mem>>) src(%dma_wait3A_270 : memref<40x128xf32, #tpu.memory_space<vmem>>) dst(%dma_wait3A_266 : memref<40x128xf32, #tpu.memory_space<vmem_shared>>)
      tpu.yield
    }) : () -> ()
    %add3A_28 = arith.constant 160 : i32
    %add3A_29 = arith.addi %multiple_of3A, %add3A_28 : i32
    %run_scoped3A_30 = arith.constant 0 : i32
    "tpu.region"() ({
      %run_scoped3A_246 = tpu.sem_alloc : memref<!tpu.dma_semaphore, #tpu.memory_space<semaphore_mem>>
      %dma_start3A_247 = arith.constant 0 : i32
      %dma_start3A_248 = arith.constant 0 : i32
      %dma_start3A_249 = tpu.memref_slice %arg12[%run_scoped3A_30, %dma_start3A_247, %dma_start3A_248] : memref<2x40x128xf32, #tpu.memory_space<vmem>> -> memref<1x40x128xf32, #tpu.memory_space<vmem>>
      %dma_start3A_250 = tpu.memref_squeeze %dma_start3A_249 : memref<1x40x128xf32, #tpu.memory_space<vmem>> -> memref<40x128xf32, #tpu.memory_space<vmem>>
      %dma_start3A_251 = arith.constant 0 : i32
      %dma_start3A_252 = tpu.memref_slice %arg14[%add3A_29, %dma_start3A_251] : memref<10240x128xf32, #tpu.memory_space<vmem_shared>> -> memref<40x128xf32, #tpu.memory_space<vmem_shared>>
      %dma_start3A_253 = arith.constant 0 : i32
      %dma_start3A_254 = tpu.memref_slice %arg14[%add3A_29, %dma_start3A_253] : memref<10240x128xf32, #tpu.memory_space<vmem_shared>> -> memref<40x128xf32, #tpu.memory_space<vmem_shared>>
      %dma_start3A_255 = arith.constant 0 : i32
      %dma_start3A_256 = arith.constant 0 : i32
      %dma_start3A_257 = tpu.memref_slice %arg12[%run_scoped3A_30, %dma_start3A_255, %dma_start3A_256] : memref<2x40x128xf32, #tpu.memory_space<vmem>> -> memref<1x40x128xf32, #tpu.memory_space<vmem>>
      %dma_start3A_258 = tpu.memref_squeeze %dma_start3A_257 : memref<1x40x128xf32, #tpu.memory_space<vmem>> -> memref<40x128xf32, #tpu.memory_space<vmem>>
      tpu.enqueue_dma source(%dma_start3A_258 : memref<40x128xf32, #tpu.memory_space<vmem>>) target(%dma_start3A_254 : memref<40x128xf32, #tpu.memory_space<vmem_shared>>) target_semaphore(%run_scoped3A_246 : memref<!tpu.dma_semaphore, #tpu.memory_space<semaphore_mem>>)
      %dma_wait3A_259 = arith.constant 0 : i32
      %dma_wait3A_260 = arith.constant 0 : i32
      %dma_wait3A_261 = tpu.memref_slice %arg12[%run_scoped3A_30, %dma_wait3A_259, %dma_wait3A_260] : memref<2x40x128xf32, #tpu.memory_space<vmem>> -> memref<1x40x128xf32, #tpu.memory_space<vmem>>
      %dma_wait3A_262 = tpu.memref_squeeze %dma_wait3A_261 : memref<1x40x128xf32, #tpu.memory_space<vmem>> -> memref<40x128xf32, #tpu.memory_space<vmem>>
      %dma_wait3A_263 = arith.constant 0 : i32
      %dma_wait3A_264 = tpu.memref_slice %arg14[%add3A_29, %dma_wait3A_263] : memref<10240x128xf32, #tpu.memory_space<vmem_shared>> -> memref<40x128xf32, #tpu.memory_space<vmem_shared>>
      %dma_wait3A_265 = arith.constant 0 : i32
      %dma_wait3A_266 = tpu.memref_slice %arg14[%add3A_29, %dma_wait3A_265] : memref<10240x128xf32, #tpu.memory_space<vmem_shared>> -> memref<40x128xf32, #tpu.memory_space<vmem_shared>>
      %dma_wait3A_267 = arith.constant 0 : i32
      %dma_wait3A_268 = arith.constant 0 : i32
      %dma_wait3A_269 = tpu.memref_slice %arg12[%run_scoped3A_30, %dma_wait3A_267, %dma_wait3A_268] : memref<2x40x128xf32, #tpu.memory_space<vmem>> -> memref<1x40x128xf32, #tpu.memory_space<vmem>>
      %dma_wait3A_270 = tpu.memref_squeeze %dma_wait3A_269 : memref<1x40x128xf32, #tpu.memory_space<vmem>> -> memref<40x128xf32, #tpu.memory_space<vmem>>
      tpu.wait_dma2 semaphore(%run_scoped3A_246 : memref<!tpu.dma_semaphore, #tpu.memory_space<semaphore_mem>>) src(%dma_wait3A_270 : memref<40x128xf32, #tpu.memory_space<vmem>>) dst(%dma_wait3A_266 : memref<40x128xf32, #tpu.memory_space<vmem_shared>>)
      tpu.yield
    }) : () -> ()
    %add3A_31 = arith.constant 200 : i32
    %add3A_32 = arith.addi %multiple_of3A, %add3A_31 : i32
    %run_scoped3A_33 = arith.constant 0 : i32
    "tpu.region"() ({
      %run_scoped3A_246 = tpu.sem_alloc : memref<!tpu.dma_semaphore, #tpu.memory_space<semaphore_mem>>
      %dma_start3A_247 = arith.constant 0 : i32
      %dma_start3A_248 = arith.constant 0 : i32
      %dma_start3A_249 = tpu.memref_slice %arg12[%run_scoped3A_33, %dma_start3A_247, %dma_start3A_248] : memref<2x40x128xf32, #tpu.memory_space<vmem>> -> memref<1x40x128xf32, #tpu.memory_space<vmem>>
      %dma_start3A_250 = tpu.memref_squeeze %dma_start3A_249 : memref<1x40x128xf32, #tpu.memory_space<vmem>> -> memref<40x128xf32, #tpu.memory_space<vmem>>
      %dma_start3A_251 = arith.constant 0 : i32
      %dma_start3A_252 = tpu.memref_slice %arg14[%add3A_32, %dma_start3A_251] : memref<10240x128xf32, #tpu.memory_space<vmem_shared>> -> memref<40x128xf32, #tpu.memory_space<vmem_shared>>
      %dma_start3A_253 = arith.constant 0 : i32
      %dma_start3A_254 = tpu.memref_slice %arg14[%add3A_32, %dma_start3A_253] : memref<10240x128xf32, #tpu.memory_space<vmem_shared>> -> memref<40x128xf32, #tpu.memory_space<vmem_shared>>
      %dma_start3A_255 = arith.constant 0 : i32
      %dma_start3A_256 = arith.constant 0 : i32
      %dma_start3A_257 = tpu.memref_slice %arg12[%run_scoped3A_33, %dma_start3A_255, %dma_start3A_256] : memref<2x40x128xf32, #tpu.memory_space<vmem>> -> memref<1x40x128xf32, #tpu.memory_space<vmem>>
      %dma_start3A_258 = tpu.memref_squeeze %dma_start3A_257 : memref<1x40x128xf32, #tpu.memory_space<vmem>> -> memref<40x128xf32, #tpu.memory_space<vmem>>
      tpu.enqueue_dma source(%dma_start3A_258 : memref<40x128xf32, #tpu.memory_space<vmem>>) target(%dma_start3A_254 : memref<40x128xf32, #tpu.memory_space<vmem_shared>>) target_semaphore(%run_scoped3A_246 : memref<!tpu.dma_semaphore, #tpu.memory_space<semaphore_mem>>)
      %dma_wait3A_259 = arith.constant 0 : i32
      %dma_wait3A_260 = arith.constant 0 : i32
      %dma_wait3A_261 = tpu.memref_slice %arg12[%run_scoped3A_33, %dma_wait3A_259, %dma_wait3A_260] : memref<2x40x128xf32, #tpu.memory_space<vmem>> -> memref<1x40x128xf32, #tpu.memory_space<vmem>>
      %dma_wait3A_262 = tpu.memref_squeeze %dma_wait3A_261 : memref<1x40x128xf32, #tpu.memory_space<vmem>> -> memref<40x128xf32, #tpu.memory_space<vmem>>
      %dma_wait3A_263 = arith.constant 0 : i32
      %dma_wait3A_264 = tpu.memref_slice %arg14[%add3A_32, %dma_wait3A_263] : memref<10240x128xf32, #tpu.memory_space<vmem_shared>> -> memref<40x128xf32, #tpu.memory_space<vmem_shared>>
      %dma_wait3A_265 = arith.constant 0 : i32
      %dma_wait3A_266 = tpu.memref_slice %arg14[%add3A_32, %dma_wait3A_265] : memref<10240x128xf32, #tpu.memory_space<vmem_shared>> -> memref<40x128xf32, #tpu.memory_space<vmem_shared>>
      %dma_wait3A_267 = arith.constant 0 : i32
      %dma_wait3A_268 = arith.constant 0 : i32
      %dma_wait3A_269 = tpu.memref_slice %arg12[%run_scoped3A_33, %dma_wait3A_267, %dma_wait3A_268] : memref<2x40x128xf32, #tpu.memory_space<vmem>> -> memref<1x40x128xf32, #tpu.memory_space<vmem>>
      %dma_wait3A_270 = tpu.memref_squeeze %dma_wait3A_269 : memref<1x40x128xf32, #tpu.memory_space<vmem>> -> memref<40x128xf32, #tpu.memory_space<vmem>>
      tpu.wait_dma2 semaphore(%run_scoped3A_246 : memref<!tpu.dma_semaphore, #tpu.memory_space<semaphore_mem>>) src(%dma_wait3A_270 : memref<40x128xf32, #tpu.memory_space<vmem>>) dst(%dma_wait3A_266 : memref<40x128xf32, #tpu.memory_space<vmem_shared>>)
      tpu.yield
    }) : () -> ()
    %add3A_34 = arith.constant 240 : i32
    %add3A_35 = arith.addi %multiple_of3A, %add3A_34 : i32
    %run_scoped3A_36 = arith.constant 0 : i32
    "tpu.region"() ({
      %run_scoped3A_246 = tpu.sem_alloc : memref<!tpu.dma_semaphore, #tpu.memory_space<semaphore_mem>>
      %dma_start3A_247 = arith.constant 0 : i32
      %dma_start3A_248 = arith.constant 0 : i32
      %dma_start3A_249 = tpu.memref_slice %arg12[%run_scoped3A_36, %dma_start3A_247, %dma_start3A_248] : memref<2x40x128xf32, #tpu.memory_space<vmem>> -> memref<1x40x128xf32, #tpu.memory_space<vmem>>
      %dma_start3A_250 = tpu.memref_squeeze %dma_start3A_249 : memref<1x40x128xf32, #tpu.memory_space<vmem>> -> memref<40x128xf32, #tpu.memory_space<vmem>>
      %dma_start3A_251 = arith.constant 0 : i32
      %dma_start3A_252 = tpu.memref_slice %arg14[%add3A_35, %dma_start3A_251] : memref<10240x128xf32, #tpu.memory_space<vmem_shared>> -> memref<40x128xf32, #tpu.memory_space<vmem_shared>>
      %dma_start3A_253 = arith.constant 0 : i32
      %dma_start3A_254 = tpu.memref_slice %arg14[%add3A_35, %dma_start3A_253] : memref<10240x128xf32, #tpu.memory_space<vmem_shared>> -> memref<40x128xf32, #tpu.memory_space<vmem_shared>>
      %dma_start3A_255 = arith.constant 0 : i32
      %dma_start3A_256 = arith.constant 0 : i32
      %dma_start3A_257 = tpu.memref_slice %arg12[%run_scoped3A_36, %dma_start3A_255, %dma_start3A_256] : memref<2x40x128xf32, #tpu.memory_space<vmem>> -> memref<1x40x128xf32, #tpu.memory_space<vmem>>
      %dma_start3A_258 = tpu.memref_squeeze %dma_start3A_257 : memref<1x40x128xf32, #tpu.memory_space<vmem>> -> memref<40x128xf32, #tpu.memory_space<vmem>>
      tpu.enqueue_dma source(%dma_start3A_258 : memref<40x128xf32, #tpu.memory_space<vmem>>) target(%dma_start3A_254 : memref<40x128xf32, #tpu.memory_space<vmem_shared>>) target_semaphore(%run_scoped3A_246 : memref<!tpu.dma_semaphore, #tpu.memory_space<semaphore_mem>>)
      %dma_wait3A_259 = arith.constant 0 : i32
      %dma_wait3A_260 = arith.constant 0 : i32
      %dma_wait3A_261 = tpu.memref_slice %arg12[%run_scoped3A_36, %dma_wait3A_259, %dma_wait3A_260] : memref<2x40x128xf32, #tpu.memory_space<vmem>> -> memref<1x40x128xf32, #tpu.memory_space<vmem>>
      %dma_wait3A_262 = tpu.memref_squeeze %dma_wait3A_261 : memref<1x40x128xf32, #tpu.memory_space<vmem>> -> memref<40x128xf32, #tpu.memory_space<vmem>>
      %dma_wait3A_263 = arith.constant 0 : i32
      %dma_wait3A_264 = tpu.memref_slice %arg14[%add3A_35, %dma_wait3A_263] : memref<10240x128xf32, #tpu.memory_space<vmem_shared>> -> memref<40x128xf32, #tpu.memory_space<vmem_shared>>
      %dma_wait3A_265 = arith.constant 0 : i32
      %dma_wait3A_266 = tpu.memref_slice %arg14[%add3A_35, %dma_wait3A_265] : memref<10240x128xf32, #tpu.memory_space<vmem_shared>> -> memref<40x128xf32, #tpu.memory_space<vmem_shared>>
      %dma_wait3A_267 = arith.constant 0 : i32
      %dma_wait3A_268 = arith.constant 0 : i32
      %dma_wait3A_269 = tpu.memref_slice %arg12[%run_scoped3A_36, %dma_wait3A_267, %dma_wait3A_268] : memref<2x40x128xf32, #tpu.memory_space<vmem>> -> memref<1x40x128xf32, #tpu.memory_space<vmem>>
      %dma_wait3A_270 = tpu.memref_squeeze %dma_wait3A_269 : memref<1x40x128xf32, #tpu.memory_space<vmem>> -> memref<40x128xf32, #tpu.memory_space<vmem>>
      tpu.wait_dma2 semaphore(%run_scoped3A_246 : memref<!tpu.dma_semaphore, #tpu.memory_space<semaphore_mem>>) src(%dma_wait3A_270 : memref<40x128xf32, #tpu.memory_space<vmem>>) dst(%dma_wait3A_266 : memref<40x128xf32, #tpu.memory_space<vmem_shared>>)
      tpu.yield
    }) : () -> ()
    %add3A_37 = arith.constant 280 : i32
    %add3A_38 = arith.addi %multiple_of3A, %add3A_37 : i32
    %run_scoped3A_39 = arith.constant 0 : i32
    "tpu.region"() ({
      %run_scoped3A_246 = tpu.sem_alloc : memref<!tpu.dma_semaphore, #tpu.memory_space<semaphore_mem>>
      %dma_start3A_247 = arith.constant 0 : i32
      %dma_start3A_248 = arith.constant 0 : i32
      %dma_start3A_249 = tpu.memref_slice %arg12[%run_scoped3A_39, %dma_start3A_247, %dma_start3A_248] : memref<2x40x128xf32, #tpu.memory_space<vmem>> -> memref<1x40x128xf32, #tpu.memory_space<vmem>>
      %dma_start3A_250 = tpu.memref_squeeze %dma_start3A_249 : memref<1x40x128xf32, #tpu.memory_space<vmem>> -> memref<40x128xf32, #tpu.memory_space<vmem>>
      %dma_start3A_251 = arith.constant 0 : i32
      %dma_start3A_252 = tpu.memref_slice %arg14[%add3A_38, %dma_start3A_251] : memref<10240x128xf32, #tpu.memory_space<vmem_shared>> -> memref<40x128xf32, #tpu.memory_space<vmem_shared>>
      %dma_start3A_253 = arith.constant 0 : i32
      %dma_start3A_254 = tpu.memref_slice %arg14[%add3A_38, %dma_start3A_253] : memref<10240x128xf32, #tpu.memory_space<vmem_shared>> -> memref<40x128xf32, #tpu.memory_space<vmem_shared>>
      %dma_start3A_255 = arith.constant 0 : i32
      %dma_start3A_256 = arith.constant 0 : i32
      %dma_start3A_257 = tpu.memref_slice %arg12[%run_scoped3A_39, %dma_start3A_255, %dma_start3A_256] : memref<2x40x128xf32, #tpu.memory_space<vmem>> -> memref<1x40x128xf32, #tpu.memory_space<vmem>>
      %dma_start3A_258 = tpu.memref_squeeze %dma_start3A_257 : memref<1x40x128xf32, #tpu.memory_space<vmem>> -> memref<40x128xf32, #tpu.memory_space<vmem>>
      tpu.enqueue_dma source(%dma_start3A_258 : memref<40x128xf32, #tpu.memory_space<vmem>>) target(%dma_start3A_254 : memref<40x128xf32, #tpu.memory_space<vmem_shared>>) target_semaphore(%run_scoped3A_246 : memref<!tpu.dma_semaphore, #tpu.memory_space<semaphore_mem>>)
      %dma_wait3A_259 = arith.constant 0 : i32
      %dma_wait3A_260 = arith.constant 0 : i32
      %dma_wait3A_261 = tpu.memref_slice %arg12[%run_scoped3A_39, %dma_wait3A_259, %dma_wait3A_260] : memref<2x40x128xf32, #tpu.memory_space<vmem>> -> memref<1x40x128xf32, #tpu.memory_space<vmem>>
      %dma_wait3A_262 = tpu.memref_squeeze %dma_wait3A_261 : memref<1x40x128xf32, #tpu.memory_space<vmem>> -> memref<40x128xf32, #tpu.memory_space<vmem>>
      %dma_wait3A_263 = arith.constant 0 : i32
      %dma_wait3A_264 = tpu.memref_slice %arg14[%add3A_38, %dma_wait3A_263] : memref<10240x128xf32, #tpu.memory_space<vmem_shared>> -> memref<40x128xf32, #tpu.memory_space<vmem_shared>>
      %dma_wait3A_265 = arith.constant 0 : i32
      %dma_wait3A_266 = tpu.memref_slice %arg14[%add3A_38, %dma_wait3A_265] : memref<10240x128xf32, #tpu.memory_space<vmem_shared>> -> memref<40x128xf32, #tpu.memory_space<vmem_shared>>
      %dma_wait3A_267 = arith.constant 0 : i32
      %dma_wait3A_268 = arith.constant 0 : i32
      %dma_wait3A_269 = tpu.memref_slice %arg12[%run_scoped3A_39, %dma_wait3A_267, %dma_wait3A_268] : memref<2x40x128xf32, #tpu.memory_space<vmem>> -> memref<1x40x128xf32, #tpu.memory_space<vmem>>
      %dma_wait3A_270 = tpu.memref_squeeze %dma_wait3A_269 : memref<1x40x128xf32, #tpu.memory_space<vmem>> -> memref<40x128xf32, #tpu.memory_space<vmem>>
      tpu.wait_dma2 semaphore(%run_scoped3A_246 : memref<!tpu.dma_semaphore, #tpu.memory_space<semaphore_mem>>) src(%dma_wait3A_270 : memref<40x128xf32, #tpu.memory_space<vmem>>) dst(%dma_wait3A_266 : memref<40x128xf32, #tpu.memory_space<vmem_shared>>)
      tpu.yield
    }) : () -> ()
    %add3A_40 = arith.constant 320 : i32
    %add3A_41 = arith.addi %multiple_of3A, %add3A_40 : i32
    %run_scoped3A_42 = arith.constant 0 : i32
    "tpu.region"() ({
      %run_scoped3A_246 = tpu.sem_alloc : memref<!tpu.dma_semaphore, #tpu.memory_space<semaphore_mem>>
      %dma_start3A_247 = arith.constant 0 : i32
      %dma_start3A_248 = arith.constant 0 : i32
      %dma_start3A_249 = tpu.memref_slice %arg12[%run_scoped3A_42, %dma_start3A_247, %dma_start3A_248] : memref<2x40x128xf32, #tpu.memory_space<vmem>> -> memref<1x40x128xf32, #tpu.memory_space<vmem>>
      %dma_start3A_250 = tpu.memref_squeeze %dma_start3A_249 : memref<1x40x128xf32, #tpu.memory_space<vmem>> -> memref<40x128xf32, #tpu.memory_space<vmem>>
      %dma_start3A_251 = arith.constant 0 : i32
      %dma_start3A_252 = tpu.memref_slice %arg14[%add3A_41, %dma_start3A_251] : memref<10240x128xf32, #tpu.memory_space<vmem_shared>> -> memref<40x128xf32, #tpu.memory_space<vmem_shared>>
      %dma_start3A_253 = arith.constant 0 : i32
      %dma_start3A_254 = tpu.memref_slice %arg14[%add3A_41, %dma_start3A_253] : memref<10240x128xf32, #tpu.memory_space<vmem_shared>> -> memref<40x128xf32, #tpu.memory_space<vmem_shared>>
      %dma_start3A_255 = arith.constant 0 : i32
      %dma_start3A_256 = arith.constant 0 : i32
      %dma_start3A_257 = tpu.memref_slice %arg12[%run_scoped3A_42, %dma_start3A_255, %dma_start3A_256] : memref<2x40x128xf32, #tpu.memory_space<vmem>> -> memref<1x40x128xf32, #tpu.memory_space<vmem>>
      %dma_start3A_258 = tpu.memref_squeeze %dma_start3A_257 : memref<1x40x128xf32, #tpu.memory_space<vmem>> -> memref<40x128xf32, #tpu.memory_space<vmem>>
      tpu.enqueue_dma source(%dma_start3A_258 : memref<40x128xf32, #tpu.memory_space<vmem>>) target(%dma_start3A_254 : memref<40x128xf32, #tpu.memory_space<vmem_shared>>) target_semaphore(%run_scoped3A_246 : memref<!tpu.dma_semaphore, #tpu.memory_space<semaphore_mem>>)
      %dma_wait3A_259 = arith.constant 0 : i32
      %dma_wait3A_260 = arith.constant 0 : i32
      %dma_wait3A_261 = tpu.memref_slice %arg12[%run_scoped3A_42, %dma_wait3A_259, %dma_wait3A_260] : memref<2x40x128xf32, #tpu.memory_space<vmem>> -> memref<1x40x128xf32, #tpu.memory_space<vmem>>
      %dma_wait3A_262 = tpu.memref_squeeze %dma_wait3A_261 : memref<1x40x128xf32, #tpu.memory_space<vmem>> -> memref<40x128xf32, #tpu.memory_space<vmem>>
      %dma_wait3A_263 = arith.constant 0 : i32
      %dma_wait3A_264 = tpu.memref_slice %arg14[%add3A_41, %dma_wait3A_263] : memref<10240x128xf32, #tpu.memory_space<vmem_shared>> -> memref<40x128xf32, #tpu.memory_space<vmem_shared>>
      %dma_wait3A_265 = arith.constant 0 : i32
      %dma_wait3A_266 = tpu.memref_slice %arg14[%add3A_41, %dma_wait3A_265] : memref<10240x128xf32, #tpu.memory_space<vmem_shared>> -> memref<40x128xf32, #tpu.memory_space<vmem_shared>>
      %dma_wait3A_267 = arith.constant 0 : i32
      %dma_wait3A_268 = arith.constant 0 : i32
      %dma_wait3A_269 = tpu.memref_slice %arg12[%run_scoped3A_42, %dma_wait3A_267, %dma_wait3A_268] : memref<2x40x128xf32, #tpu.memory_space<vmem>> -> memref<1x40x128xf32, #tpu.memory_space<vmem>>
      %dma_wait3A_270 = tpu.memref_squeeze %dma_wait3A_269 : memref<1x40x128xf32, #tpu.memory_space<vmem>> -> memref<40x128xf32, #tpu.memory_space<vmem>>
      tpu.wait_dma2 semaphore(%run_scoped3A_246 : memref<!tpu.dma_semaphore, #tpu.memory_space<semaphore_mem>>) src(%dma_wait3A_270 : memref<40x128xf32, #tpu.memory_space<vmem>>) dst(%dma_wait3A_266 : memref<40x128xf32, #tpu.memory_space<vmem_shared>>)
      tpu.yield
    }) : () -> ()
    %add3A_43 = arith.constant 360 : i32
    %add3A_44 = arith.addi %multiple_of3A, %add3A_43 : i32
    %run_scoped3A_45 = arith.constant 0 : i32
    "tpu.region"() ({
      %run_scoped3A_246 = tpu.sem_alloc : memref<!tpu.dma_semaphore, #tpu.memory_space<semaphore_mem>>
      %dma_start3A_247 = arith.constant 0 : i32
      %dma_start3A_248 = arith.constant 0 : i32
      %dma_start3A_249 = tpu.memref_slice %arg12[%run_scoped3A_45, %dma_start3A_247, %dma_start3A_248] : memref<2x40x128xf32, #tpu.memory_space<vmem>> -> memref<1x40x128xf32, #tpu.memory_space<vmem>>
      %dma_start3A_250 = tpu.memref_squeeze %dma_start3A_249 : memref<1x40x128xf32, #tpu.memory_space<vmem>> -> memref<40x128xf32, #tpu.memory_space<vmem>>
      %dma_start3A_251 = arith.constant 0 : i32
      %dma_start3A_252 = tpu.memref_slice %arg14[%add3A_44, %dma_start3A_251] : memref<10240x128xf32, #tpu.memory_space<vmem_shared>> -> memref<40x128xf32, #tpu.memory_space<vmem_shared>>
      %dma_start3A_253 = arith.constant 0 : i32
      %dma_start3A_254 = tpu.memref_slice %arg14[%add3A_44, %dma_start3A_253] : memref<10240x128xf32, #tpu.memory_space<vmem_shared>> -> memref<40x128xf32, #tpu.memory_space<vmem_shared>>
      %dma_start3A_255 = arith.constant 0 : i32
      %dma_start3A_256 = arith.constant 0 : i32
      %dma_start3A_257 = tpu.memref_slice %arg12[%run_scoped3A_45, %dma_start3A_255, %dma_start3A_256] : memref<2x40x128xf32, #tpu.memory_space<vmem>> -> memref<1x40x128xf32, #tpu.memory_space<vmem>>
      %dma_start3A_258 = tpu.memref_squeeze %dma_start3A_257 : memref<1x40x128xf32, #tpu.memory_space<vmem>> -> memref<40x128xf32, #tpu.memory_space<vmem>>
      tpu.enqueue_dma source(%dma_start3A_258 : memref<40x128xf32, #tpu.memory_space<vmem>>) target(%dma_start3A_254 : memref<40x128xf32, #tpu.memory_space<vmem_shared>>) target_semaphore(%run_scoped3A_246 : memref<!tpu.dma_semaphore, #tpu.memory_space<semaphore_mem>>)
      %dma_wait3A_259 = arith.constant 0 : i32
      %dma_wait3A_260 = arith.constant 0 : i32
      %dma_wait3A_261 = tpu.memref_slice %arg12[%run_scoped3A_45, %dma_wait3A_259, %dma_wait3A_260] : memref<2x40x128xf32, #tpu.memory_space<vmem>> -> memref<1x40x128xf32, #tpu.memory_space<vmem>>
      %dma_wait3A_262 = tpu.memref_squeeze %dma_wait3A_261 : memref<1x40x128xf32, #tpu.memory_space<vmem>> -> memref<40x128xf32, #tpu.memory_space<vmem>>
      %dma_wait3A_263 = arith.constant 0 : i32
      %dma_wait3A_264 = tpu.memref_slice %arg14[%add3A_44, %dma_wait3A_263] : memref<10240x128xf32, #tpu.memory_space<vmem_shared>> -> memref<40x128xf32, #tpu.memory_space<vmem_shared>>
      %dma_wait3A_265 = arith.constant 0 : i32
      %dma_wait3A_266 = tpu.memref_slice %arg14[%add3A_44, %dma_wait3A_265] : memref<10240x128xf32, #tpu.memory_space<vmem_shared>> -> memref<40x128xf32, #tpu.memory_space<vmem_shared>>
      %dma_wait3A_267 = arith.constant 0 : i32
      %dma_wait3A_268 = arith.constant 0 : i32
      %dma_wait3A_269 = tpu.memref_slice %arg12[%run_scoped3A_45, %dma_wait3A_267, %dma_wait3A_268] : memref<2x40x128xf32, #tpu.memory_space<vmem>> -> memref<1x40x128xf32, #tpu.memory_space<vmem>>
      %dma_wait3A_270 = tpu.memref_squeeze %dma_wait3A_269 : memref<1x40x128xf32, #tpu.memory_space<vmem>> -> memref<40x128xf32, #tpu.memory_space<vmem>>
      tpu.wait_dma2 semaphore(%run_scoped3A_246 : memref<!tpu.dma_semaphore, #tpu.memory_space<semaphore_mem>>) src(%dma_wait3A_270 : memref<40x128xf32, #tpu.memory_space<vmem>>) dst(%dma_wait3A_266 : memref<40x128xf32, #tpu.memory_space<vmem_shared>>)
      tpu.yield
    }) : () -> ()
    %add3A_46 = arith.constant 400 : i32
    %add3A_47 = arith.addi %multiple_of3A, %add3A_46 : i32
    %run_scoped3A_48 = arith.constant 0 : i32
    "tpu.region"() ({
      %run_scoped3A_246 = tpu.sem_alloc : memref<!tpu.dma_semaphore, #tpu.memory_space<semaphore_mem>>
      %dma_start3A_247 = arith.constant 0 : i32
      %dma_start3A_248 = arith.constant 0 : i32
      %dma_start3A_249 = tpu.memref_slice %arg12[%run_scoped3A_48, %dma_start3A_247, %dma_start3A_248] : memref<2x40x128xf32, #tpu.memory_space<vmem>> -> memref<1x40x128xf32, #tpu.memory_space<vmem>>
      %dma_start3A_250 = tpu.memref_squeeze %dma_start3A_249 : memref<1x40x128xf32, #tpu.memory_space<vmem>> -> memref<40x128xf32, #tpu.memory_space<vmem>>
      %dma_start3A_251 = arith.constant 0 : i32
      %dma_start3A_252 = tpu.memref_slice %arg14[%add3A_47, %dma_start3A_251] : memref<10240x128xf32, #tpu.memory_space<vmem_shared>> -> memref<40x128xf32, #tpu.memory_space<vmem_shared>>
      %dma_start3A_253 = arith.constant 0 : i32
      %dma_start3A_254 = tpu.memref_slice %arg14[%add3A_47, %dma_start3A_253] : memref<10240x128xf32, #tpu.memory_space<vmem_shared>> -> memref<40x128xf32, #tpu.memory_space<vmem_shared>>
      %dma_start3A_255 = arith.constant 0 : i32
      %dma_start3A_256 = arith.constant 0 : i32
      %dma_start3A_257 = tpu.memref_slice %arg12[%run_scoped3A_48, %dma_start3A_255, %dma_start3A_256] : memref<2x40x128xf32, #tpu.memory_space<vmem>> -> memref<1x40x128xf32, #tpu.memory_space<vmem>>
      %dma_start3A_258 = tpu.memref_squeeze %dma_start3A_257 : memref<1x40x128xf32, #tpu.memory_space<vmem>> -> memref<40x128xf32, #tpu.memory_space<vmem>>
      tpu.enqueue_dma source(%dma_start3A_258 : memref<40x128xf32, #tpu.memory_space<vmem>>) target(%dma_start3A_254 : memref<40x128xf32, #tpu.memory_space<vmem_shared>>) target_semaphore(%run_scoped3A_246 : memref<!tpu.dma_semaphore, #tpu.memory_space<semaphore_mem>>)
      %dma_wait3A_259 = arith.constant 0 : i32
      %dma_wait3A_260 = arith.constant 0 : i32
      %dma_wait3A_261 = tpu.memref_slice %arg12[%run_scoped3A_48, %dma_wait3A_259, %dma_wait3A_260] : memref<2x40x128xf32, #tpu.memory_space<vmem>> -> memref<1x40x128xf32, #tpu.memory_space<vmem>>
      %dma_wait3A_262 = tpu.memref_squeeze %dma_wait3A_261 : memref<1x40x128xf32, #tpu.memory_space<vmem>> -> memref<40x128xf32, #tpu.memory_space<vmem>>
      %dma_wait3A_263 = arith.constant 0 : i32
      %dma_wait3A_264 = tpu.memref_slice %arg14[%add3A_47, %dma_wait3A_263] : memref<10240x128xf32, #tpu.memory_space<vmem_shared>> -> memref<40x128xf32, #tpu.memory_space<vmem_shared>>
      %dma_wait3A_265 = arith.constant 0 : i32
      %dma_wait3A_266 = tpu.memref_slice %arg14[%add3A_47, %dma_wait3A_265] : memref<10240x128xf32, #tpu.memory_space<vmem_shared>> -> memref<40x128xf32, #tpu.memory_space<vmem_shared>>
      %dma_wait3A_267 = arith.constant 0 : i32
      %dma_wait3A_268 = arith.constant 0 : i32
      %dma_wait3A_269 = tpu.memref_slice %arg12[%run_scoped3A_48, %dma_wait3A_267, %dma_wait3A_268] : memref<2x40x128xf32, #tpu.memory_space<vmem>> -> memref<1x40x128xf32, #tpu.memory_space<vmem>>
      %dma_wait3A_270 = tpu.memref_squeeze %dma_wait3A_269 : memref<1x40x128xf32, #tpu.memory_space<vmem>> -> memref<40x128xf32, #tpu.memory_space<vmem>>
      tpu.wait_dma2 semaphore(%run_scoped3A_246 : memref<!tpu.dma_semaphore, #tpu.memory_space<semaphore_mem>>) src(%dma_wait3A_270 : memref<40x128xf32, #tpu.memory_space<vmem>>) dst(%dma_wait3A_266 : memref<40x128xf32, #tpu.memory_space<vmem_shared>>)
      tpu.yield
    }) : () -> ()
    %add3A_49 = arith.constant 440 : i32
    %add3A_50 = arith.addi %multiple_of3A, %add3A_49 : i32
    %run_scoped3A_51 = arith.constant 0 : i32
    "tpu.region"() ({
      %run_scoped3A_246 = tpu.sem_alloc : memref<!tpu.dma_semaphore, #tpu.memory_space<semaphore_mem>>
      %dma_start3A_247 = arith.constant 0 : i32
      %dma_start3A_248 = arith.constant 0 : i32
      %dma_start3A_249 = tpu.memref_slice %arg12[%run_scoped3A_51, %dma_start3A_247, %dma_start3A_248] : memref<2x40x128xf32, #tpu.memory_space<vmem>> -> memref<1x40x128xf32, #tpu.memory_space<vmem>>
      %dma_start3A_250 = tpu.memref_squeeze %dma_start3A_249 : memref<1x40x128xf32, #tpu.memory_space<vmem>> -> memref<40x128xf32, #tpu.memory_space<vmem>>
      %dma_start3A_251 = arith.constant 0 : i32
      %dma_start3A_252 = tpu.memref_slice %arg14[%add3A_50, %dma_start3A_251] : memref<10240x128xf32, #tpu.memory_space<vmem_shared>> -> memref<40x128xf32, #tpu.memory_space<vmem_shared>>
      %dma_start3A_253 = arith.constant 0 : i32
      %dma_start3A_254 = tpu.memref_slice %arg14[%add3A_50, %dma_start3A_253] : memref<10240x128xf32, #tpu.memory_space<vmem_shared>> -> memref<40x128xf32, #tpu.memory_space<vmem_shared>>
      %dma_start3A_255 = arith.constant 0 : i32
      %dma_start3A_256 = arith.constant 0 : i32
      %dma_start3A_257 = tpu.memref_slice %arg12[%run_scoped3A_51, %dma_start3A_255, %dma_start3A_256] : memref<2x40x128xf32, #tpu.memory_space<vmem>> -> memref<1x40x128xf32, #tpu.memory_space<vmem>>
      %dma_start3A_258 = tpu.memref_squeeze %dma_start3A_257 : memref<1x40x128xf32, #tpu.memory_space<vmem>> -> memref<40x128xf32, #tpu.memory_space<vmem>>
      tpu.enqueue_dma source(%dma_start3A_258 : memref<40x128xf32, #tpu.memory_space<vmem>>) target(%dma_start3A_254 : memref<40x128xf32, #tpu.memory_space<vmem_shared>>) target_semaphore(%run_scoped3A_246 : memref<!tpu.dma_semaphore, #tpu.memory_space<semaphore_mem>>)
      %dma_wait3A_259 = arith.constant 0 : i32
      %dma_wait3A_260 = arith.constant 0 : i32
      %dma_wait3A_261 = tpu.memref_slice %arg12[%run_scoped3A_51, %dma_wait3A_259, %dma_wait3A_260] : memref<2x40x128xf32, #tpu.memory_space<vmem>> -> memref<1x40x128xf32, #tpu.memory_space<vmem>>
      %dma_wait3A_262 = tpu.memref_squeeze %dma_wait3A_261 : memref<1x40x128xf32, #tpu.memory_space<vmem>> -> memref<40x128xf32, #tpu.memory_space<vmem>>
      %dma_wait3A_263 = arith.constant 0 : i32
      %dma_wait3A_264 = tpu.memref_slice %arg14[%add3A_50, %dma_wait3A_263] : memref<10240x128xf32, #tpu.memory_space<vmem_shared>> -> memref<40x128xf32, #tpu.memory_space<vmem_shared>>
      %dma_wait3A_265 = arith.constant 0 : i32
      %dma_wait3A_266 = tpu.memref_slice %arg14[%add3A_50, %dma_wait3A_265] : memref<10240x128xf32, #tpu.memory_space<vmem_shared>> -> memref<40x128xf32, #tpu.memory_space<vmem_shared>>
      %dma_wait3A_267 = arith.constant 0 : i32
      %dma_wait3A_268 = arith.constant 0 : i32
      %dma_wait3A_269 = tpu.memref_slice %arg12[%run_scoped3A_51, %dma_wait3A_267, %dma_wait3A_268] : memref<2x40x128xf32, #tpu.memory_space<vmem>> -> memref<1x40x128xf32, #tpu.memory_space<vmem>>
      %dma_wait3A_270 = tpu.memref_squeeze %dma_wait3A_269 : memref<1x40x128xf32, #tpu.memory_space<vmem>> -> memref<40x128xf32, #tpu.memory_space<vmem>>
      tpu.wait_dma2 semaphore(%run_scoped3A_246 : memref<!tpu.dma_semaphore, #tpu.memory_space<semaphore_mem>>) src(%dma_wait3A_270 : memref<40x128xf32, #tpu.memory_space<vmem>>) dst(%dma_wait3A_266 : memref<40x128xf32, #tpu.memory_space<vmem_shared>>)
      tpu.yield
    }) : () -> ()
    %add3A_52 = arith.constant 480 : i32
    %add3A_53 = arith.addi %multiple_of3A, %add3A_52 : i32
    %run_scoped3A_54 = arith.constant 0 : i32
    "tpu.region"() ({
      %run_scoped3A_246 = tpu.sem_alloc : memref<!tpu.dma_semaphore, #tpu.memory_space<semaphore_mem>>
      %dma_start3A_247 = arith.constant 0 : i32
      %dma_start3A_248 = arith.constant 0 : i32
      %dma_start3A_249 = tpu.memref_slice %arg12[%run_scoped3A_54, %dma_start3A_247, %dma_start3A_248] : memref<2x40x128xf32, #tpu.memory_space<vmem>> -> memref<1x40x128xf32, #tpu.memory_space<vmem>>
      %dma_start3A_250 = tpu.memref_squeeze %dma_start3A_249 : memref<1x40x128xf32, #tpu.memory_space<vmem>> -> memref<40x128xf32, #tpu.memory_space<vmem>>
      %dma_start3A_251 = arith.constant 0 : i32
      %dma_start3A_252 = tpu.memref_slice %arg14[%add3A_53, %dma_start3A_251] : memref<10240x128xf32, #tpu.memory_space<vmem_shared>> -> memref<40x128xf32, #tpu.memory_space<vmem_shared>>
      %dma_start3A_253 = arith.constant 0 : i32
      %dma_start3A_254 = tpu.memref_slice %arg14[%add3A_53, %dma_start3A_253] : memref<10240x128xf32, #tpu.memory_space<vmem_shared>> -> memref<40x128xf32, #tpu.memory_space<vmem_shared>>
      %dma_start3A_255 = arith.constant 0 : i32
      %dma_start3A_256 = arith.constant 0 : i32
      %dma_start3A_257 = tpu.memref_slice %arg12[%run_scoped3A_54, %dma_start3A_255, %dma_start3A_256] : memref<2x40x128xf32, #tpu.memory_space<vmem>> -> memref<1x40x128xf32, #tpu.memory_space<vmem>>
      %dma_start3A_258 = tpu.memref_squeeze %dma_start3A_257 : memref<1x40x128xf32, #tpu.memory_space<vmem>> -> memref<40x128xf32, #tpu.memory_space<vmem>>
      tpu.enqueue_dma source(%dma_start3A_258 : memref<40x128xf32, #tpu.memory_space<vmem>>) target(%dma_start3A_254 : memref<40x128xf32, #tpu.memory_space<vmem_shared>>) target_semaphore(%run_scoped3A_246 : memref<!tpu.dma_semaphore, #tpu.memory_space<semaphore_mem>>)
      %dma_wait3A_259 = arith.constant 0 : i32
      %dma_wait3A_260 = arith.constant 0 : i32
      %dma_wait3A_261 = tpu.memref_slice %arg12[%run_scoped3A_54, %dma_wait3A_259, %dma_wait3A_260] : memref<2x40x128xf32, #tpu.memory_space<vmem>> -> memref<1x40x128xf32, #tpu.memory_space<vmem>>
      %dma_wait3A_262 = tpu.memref_squeeze %dma_wait3A_261 : memref<1x40x128xf32, #tpu.memory_space<vmem>> -> memref<40x128xf32, #tpu.memory_space<vmem>>
      %dma_wait3A_263 = arith.constant 0 : i32
      %dma_wait3A_264 = tpu.memref_slice %arg14[%add3A_53, %dma_wait3A_263] : memref<10240x128xf32, #tpu.memory_space<vmem_shared>> -> memref<40x128xf32, #tpu.memory_space<vmem_shared>>
      %dma_wait3A_265 = arith.constant 0 : i32
      %dma_wait3A_266 = tpu.memref_slice %arg14[%add3A_53, %dma_wait3A_265] : memref<10240x128xf32, #tpu.memory_space<vmem_shared>> -> memref<40x128xf32, #tpu.memory_space<vmem_shared>>
      %dma_wait3A_267 = arith.constant 0 : i32
      %dma_wait3A_268 = arith.constant 0 : i32
      %dma_wait3A_269 = tpu.memref_slice %arg12[%run_scoped3A_54, %dma_wait3A_267, %dma_wait3A_268] : memref<2x40x128xf32, #tpu.memory_space<vmem>> -> memref<1x40x128xf32, #tpu.memory_space<vmem>>
      %dma_wait3A_270 = tpu.memref_squeeze %dma_wait3A_269 : memref<1x40x128xf32, #tpu.memory_space<vmem>> -> memref<40x128xf32, #tpu.memory_space<vmem>>
      tpu.wait_dma2 semaphore(%run_scoped3A_246 : memref<!tpu.dma_semaphore, #tpu.memory_space<semaphore_mem>>) src(%dma_wait3A_270 : memref<40x128xf32, #tpu.memory_space<vmem>>) dst(%dma_wait3A_266 : memref<40x128xf32, #tpu.memory_space<vmem_shared>>)
      tpu.yield
    }) : () -> ()
    %add3A_55 = arith.constant 520 : i32
    %add3A_56 = arith.addi %multiple_of3A, %add3A_55 : i32
    %run_scoped3A_57 = arith.constant 0 : i32
    "tpu.region"() ({
      %run_scoped3A_246 = tpu.sem_alloc : memref<!tpu.dma_semaphore, #tpu.memory_space<semaphore_mem>>
      %dma_start3A_247 = arith.constant 0 : i32
      %dma_start3A_248 = arith.constant 0 : i32
      %dma_start3A_249 = tpu.memref_slice %arg12[%run_scoped3A_57, %dma_start3A_247, %dma_start3A_248] : memref<2x40x128xf32, #tpu.memory_space<vmem>> -> memref<1x40x128xf32, #tpu.memory_space<vmem>>
      %dma_start3A_250 = tpu.memref_squeeze %dma_start3A_249 : memref<1x40x128xf32, #tpu.memory_space<vmem>> -> memref<40x128xf32, #tpu.memory_space<vmem>>
      %dma_start3A_251 = arith.constant 0 : i32
      %dma_start3A_252 = tpu.memref_slice %arg14[%add3A_56, %dma_start3A_251] : memref<10240x128xf32, #tpu.memory_space<vmem_shared>> -> memref<40x128xf32, #tpu.memory_space<vmem_shared>>
      %dma_start3A_253 = arith.constant 0 : i32
      %dma_start3A_254 = tpu.memref_slice %arg14[%add3A_56, %dma_start3A_253] : memref<10240x128xf32, #tpu.memory_space<vmem_shared>> -> memref<40x128xf32, #tpu.memory_space<vmem_shared>>
      %dma_start3A_255 = arith.constant 0 : i32
      %dma_start3A_256 = arith.constant 0 : i32
      %dma_start3A_257 = tpu.memref_slice %arg12[%run_scoped3A_57, %dma_start3A_255, %dma_start3A_256] : memref<2x40x128xf32, #tpu.memory_space<vmem>> -> memref<1x40x128xf32, #tpu.memory_space<vmem>>
      %dma_start3A_258 = tpu.memref_squeeze %dma_start3A_257 : memref<1x40x128xf32, #tpu.memory_space<vmem>> -> memref<40x128xf32, #tpu.memory_space<vmem>>
      tpu.enqueue_dma source(%dma_start3A_258 : memref<40x128xf32, #tpu.memory_space<vmem>>) target(%dma_start3A_254 : memref<40x128xf32, #tpu.memory_space<vmem_shared>>) target_semaphore(%run_scoped3A_246 : memref<!tpu.dma_semaphore, #tpu.memory_space<semaphore_mem>>)
      %dma_wait3A_259 = arith.constant 0 : i32
      %dma_wait3A_260 = arith.constant 0 : i32
      %dma_wait3A_261 = tpu.memref_slice %arg12[%run_scoped3A_57, %dma_wait3A_259, %dma_wait3A_260] : memref<2x40x128xf32, #tpu.memory_space<vmem>> -> memref<1x40x128xf32, #tpu.memory_space<vmem>>
      %dma_wait3A_262 = tpu.memref_squeeze %dma_wait3A_261 : memref<1x40x128xf32, #tpu.memory_space<vmem>> -> memref<40x128xf32, #tpu.memory_space<vmem>>
      %dma_wait3A_263 = arith.constant 0 : i32
      %dma_wait3A_264 = tpu.memref_slice %arg14[%add3A_56, %dma_wait3A_263] : memref<10240x128xf32, #tpu.memory_space<vmem_shared>> -> memref<40x128xf32, #tpu.memory_space<vmem_shared>>
      %dma_wait3A_265 = arith.constant 0 : i32
      %dma_wait3A_266 = tpu.memref_slice %arg14[%add3A_56, %dma_wait3A_265] : memref<10240x128xf32, #tpu.memory_space<vmem_shared>> -> memref<40x128xf32, #tpu.memory_space<vmem_shared>>
      %dma_wait3A_267 = arith.constant 0 : i32
      %dma_wait3A_268 = arith.constant 0 : i32
      %dma_wait3A_269 = tpu.memref_slice %arg12[%run_scoped3A_57, %dma_wait3A_267, %dma_wait3A_268] : memref<2x40x128xf32, #tpu.memory_space<vmem>> -> memref<1x40x128xf32, #tpu.memory_space<vmem>>
      %dma_wait3A_270 = tpu.memref_squeeze %dma_wait3A_269 : memref<1x40x128xf32, #tpu.memory_space<vmem>> -> memref<40x128xf32, #tpu.memory_space<vmem>>
      tpu.wait_dma2 semaphore(%run_scoped3A_246 : memref<!tpu.dma_semaphore, #tpu.memory_space<semaphore_mem>>) src(%dma_wait3A_270 : memref<40x128xf32, #tpu.memory_space<vmem>>) dst(%dma_wait3A_266 : memref<40x128xf32, #tpu.memory_space<vmem_shared>>)
      tpu.yield
    }) : () -> ()
    %add3A_58 = arith.constant 560 : i32
    %add3A_59 = arith.addi %multiple_of3A, %add3A_58 : i32
    %run_scoped3A_60 = arith.constant 0 : i32
    "tpu.region"() ({
      %run_scoped3A_246 = tpu.sem_alloc : memref<!tpu.dma_semaphore, #tpu.memory_space<semaphore_mem>>
      %dma_start3A_247 = arith.constant 0 : i32
      %dma_start3A_248 = arith.constant 0 : i32
      %dma_start3A_249 = tpu.memref_slice %arg12[%run_scoped3A_60, %dma_start3A_247, %dma_start3A_248] : memref<2x40x128xf32, #tpu.memory_space<vmem>> -> memref<1x40x128xf32, #tpu.memory_space<vmem>>
      %dma_start3A_250 = tpu.memref_squeeze %dma_start3A_249 : memref<1x40x128xf32, #tpu.memory_space<vmem>> -> memref<40x128xf32, #tpu.memory_space<vmem>>
      %dma_start3A_251 = arith.constant 0 : i32
      %dma_start3A_252 = tpu.memref_slice %arg14[%add3A_59, %dma_start3A_251] : memref<10240x128xf32, #tpu.memory_space<vmem_shared>> -> memref<40x128xf32, #tpu.memory_space<vmem_shared>>
      %dma_start3A_253 = arith.constant 0 : i32
      %dma_start3A_254 = tpu.memref_slice %arg14[%add3A_59, %dma_start3A_253] : memref<10240x128xf32, #tpu.memory_space<vmem_shared>> -> memref<40x128xf32, #tpu.memory_space<vmem_shared>>
      %dma_start3A_255 = arith.constant 0 : i32
      %dma_start3A_256 = arith.constant 0 : i32
      %dma_start3A_257 = tpu.memref_slice %arg12[%run_scoped3A_60, %dma_start3A_255, %dma_start3A_256] : memref<2x40x128xf32, #tpu.memory_space<vmem>> -> memref<1x40x128xf32, #tpu.memory_space<vmem>>
      %dma_start3A_258 = tpu.memref_squeeze %dma_start3A_257 : memref<1x40x128xf32, #tpu.memory_space<vmem>> -> memref<40x128xf32, #tpu.memory_space<vmem>>
      tpu.enqueue_dma source(%dma_start3A_258 : memref<40x128xf32, #tpu.memory_space<vmem>>) target(%dma_start3A_254 : memref<40x128xf32, #tpu.memory_space<vmem_shared>>) target_semaphore(%run_scoped3A_246 : memref<!tpu.dma_semaphore, #tpu.memory_space<semaphore_mem>>)
      %dma_wait3A_259 = arith.constant 0 : i32
      %dma_wait3A_260 = arith.constant 0 : i32
      %dma_wait3A_261 = tpu.memref_slice %arg12[%run_scoped3A_60, %dma_wait3A_259, %dma_wait3A_260] : memref<2x40x128xf32, #tpu.memory_space<vmem>> -> memref<1x40x128xf32, #tpu.memory_space<vmem>>
      %dma_wait3A_262 = tpu.memref_squeeze %dma_wait3A_261 : memref<1x40x128xf32, #tpu.memory_space<vmem>> -> memref<40x128xf32, #tpu.memory_space<vmem>>
      %dma_wait3A_263 = arith.constant 0 : i32
      %dma_wait3A_264 = tpu.memref_slice %arg14[%add3A_59, %dma_wait3A_263] : memref<10240x128xf32, #tpu.memory_space<vmem_shared>> -> memref<40x128xf32, #tpu.memory_space<vmem_shared>>
      %dma_wait3A_265 = arith.constant 0 : i32
      %dma_wait3A_266 = tpu.memref_slice %arg14[%add3A_59, %dma_wait3A_265] : memref<10240x128xf32, #tpu.memory_space<vmem_shared>> -> memref<40x128xf32, #tpu.memory_space<vmem_shared>>
      %dma_wait3A_267 = arith.constant 0 : i32
      %dma_wait3A_268 = arith.constant 0 : i32
      %dma_wait3A_269 = tpu.memref_slice %arg12[%run_scoped3A_60, %dma_wait3A_267, %dma_wait3A_268] : memref<2x40x128xf32, #tpu.memory_space<vmem>> -> memref<1x40x128xf32, #tpu.memory_space<vmem>>
      %dma_wait3A_270 = tpu.memref_squeeze %dma_wait3A_269 : memref<1x40x128xf32, #tpu.memory_space<vmem>> -> memref<40x128xf32, #tpu.memory_space<vmem>>
      tpu.wait_dma2 semaphore(%run_scoped3A_246 : memref<!tpu.dma_semaphore, #tpu.memory_space<semaphore_mem>>) src(%dma_wait3A_270 : memref<40x128xf32, #tpu.memory_space<vmem>>) dst(%dma_wait3A_266 : memref<40x128xf32, #tpu.memory_space<vmem_shared>>)
      tpu.yield
    }) : () -> ()
    %add3A_61 = arith.constant 600 : i32
    %add3A_62 = arith.addi %multiple_of3A, %add3A_61 : i32
    %run_scoped3A_63 = arith.constant 0 : i32
    "tpu.region"() ({
      %run_scoped3A_246 = tpu.sem_alloc : memref<!tpu.dma_semaphore, #tpu.memory_space<semaphore_mem>>
      %dma_start3A_247 = arith.constant 0 : i32
      %dma_start3A_248 = arith.constant 0 : i32
      %dma_start3A_249 = tpu.memref_slice %arg12[%run_scoped3A_63, %dma_start3A_247, %dma_start3A_248] : memref<2x40x128xf32, #tpu.memory_space<vmem>> -> memref<1x40x128xf32, #tpu.memory_space<vmem>>
      %dma_start3A_250 = tpu.memref_squeeze %dma_start3A_249 : memref<1x40x128xf32, #tpu.memory_space<vmem>> -> memref<40x128xf32, #tpu.memory_space<vmem>>
      %dma_start3A_251 = arith.constant 0 : i32
      %dma_start3A_252 = tpu.memref_slice %arg14[%add3A_62, %dma_start3A_251] : memref<10240x128xf32, #tpu.memory_space<vmem_shared>> -> memref<40x128xf32, #tpu.memory_space<vmem_shared>>
      %dma_start3A_253 = arith.constant 0 : i32
      %dma_start3A_254 = tpu.memref_slice %arg14[%add3A_62, %dma_start3A_253] : memref<10240x128xf32, #tpu.memory_space<vmem_shared>> -> memref<40x128xf32, #tpu.memory_space<vmem_shared>>
      %dma_start3A_255 = arith.constant 0 : i32
      %dma_start3A_256 = arith.constant 0 : i32
      %dma_start3A_257 = tpu.memref_slice %arg12[%run_scoped3A_63, %dma_start3A_255, %dma_start3A_256] : memref<2x40x128xf32, #tpu.memory_space<vmem>> -> memref<1x40x128xf32, #tpu.memory_space<vmem>>
      %dma_start3A_258 = tpu.memref_squeeze %dma_start3A_257 : memref<1x40x128xf32, #tpu.memory_space<vmem>> -> memref<40x128xf32, #tpu.memory_space<vmem>>
      tpu.enqueue_dma source(%dma_start3A_258 : memref<40x128xf32, #tpu.memory_space<vmem>>) target(%dma_start3A_254 : memref<40x128xf32, #tpu.memory_space<vmem_shared>>) target_semaphore(%run_scoped3A_246 : memref<!tpu.dma_semaphore, #tpu.memory_space<semaphore_mem>>)
      %dma_wait3A_259 = arith.constant 0 : i32
      %dma_wait3A_260 = arith.constant 0 : i32
      %dma_wait3A_261 = tpu.memref_slice %arg12[%run_scoped3A_63, %dma_wait3A_259, %dma_wait3A_260] : memref<2x40x128xf32, #tpu.memory_space<vmem>> -> memref<1x40x128xf32, #tpu.memory_space<vmem>>
      %dma_wait3A_262 = tpu.memref_squeeze %dma_wait3A_261 : memref<1x40x128xf32, #tpu.memory_space<vmem>> -> memref<40x128xf32, #tpu.memory_space<vmem>>
      %dma_wait3A_263 = arith.constant 0 : i32
      %dma_wait3A_264 = tpu.memref_slice %arg14[%add3A_62, %dma_wait3A_263] : memref<10240x128xf32, #tpu.memory_space<vmem_shared>> -> memref<40x128xf32, #tpu.memory_space<vmem_shared>>
      %dma_wait3A_265 = arith.constant 0 : i32
      %dma_wait3A_266 = tpu.memref_slice %arg14[%add3A_62, %dma_wait3A_265] : memref<10240x128xf32, #tpu.memory_space<vmem_shared>> -> memref<40x128xf32, #tpu.memory_space<vmem_shared>>
      %dma_wait3A_267 = arith.constant 0 : i32
      %dma_wait3A_268 = arith.constant 0 : i32
      %dma_wait3A_269 = tpu.memref_slice %arg12[%run_scoped3A_63, %dma_wait3A_267, %dma_wait3A_268] : memref<2x40x128xf32, #tpu.memory_space<vmem>> -> memref<1x40x128xf32, #tpu.memory_space<vmem>>
      %dma_wait3A_270 = tpu.memref_squeeze %dma_wait3A_269 : memref<1x40x128xf32, #tpu.memory_space<vmem>> -> memref<40x128xf32, #tpu.memory_space<vmem>>
      tpu.wait_dma2 semaphore(%run_scoped3A_246 : memref<!tpu.dma_semaphore, #tpu.memory_space<semaphore_mem>>) src(%dma_wait3A_270 : memref<40x128xf32, #tpu.memory_space<vmem>>) dst(%dma_wait3A_266 : memref<40x128xf32, #tpu.memory_space<vmem_shared>>)
      tpu.yield
    }) : () -> ()
    %barrier3A = arith.constant 0 : index
    tpu.barrier barrier_id(%barrier3A)
    %iota3A = tpu.iota {dimensions = array<i32: 0>} : vector<16xi32>
    %ge3A = arith.constant 8 : i32
    %ge3A_64 = vector.broadcast %ge3A : i32 to vector<16xi32>
    %ge3A_65 = arith.cmpi sge, %iota3A, %ge3A_64 : vector<16xi32>
    %mul3A_66 = arith.constant 4000 : i32
    %mul3A_67 = arith.muli %arg0, %mul3A_66 : i32
    %add3A_68 = arith.addi %mul3A_67, %arg1 : i32
    %add3A_69 = arith.constant 0 : i32
    %add3A_70 = arith.addi %add3A_68, %add3A_69 : i32
    %mul3A_71 = arith.constant 40 : i32
    %mul3A_72 = arith.muli %add3A_70, %mul3A_71 : i32
    %dma_start3A = arith.constant 0 : i32
    %dma_start3A_73 = arith.constant 0 : i32
    %dma_start3A_74 = tpu.memref_slice %arg8[%dma_start3A, %dma_start3A_73] : memref<2x40xi32, #tpu.memory_space<vmem>> -> memref<1x40xi32, #tpu.memory_space<vmem>>
    %dma_start3A_75 = tpu.memref_squeeze %dma_start3A_74 : memref<1x40xi32, #tpu.memory_space<vmem>> -> memref<40xi32, #tpu.memory_space<vmem>>
    %dma_start3A_76 = tpu.memref_slice %arg4[%mul3A_72] : memref<320000xi32, #tpu.memory_space<hbm>> -> memref<40xi32, #tpu.memory_space<hbm>>
    %dma_start3A_77 = arith.constant 0 : i32
    %dma_start3A_78 = tpu.memref_slice %arg8[%dma_start3A, %dma_start3A_77] : memref<2x40xi32, #tpu.memory_space<vmem>> -> memref<1x40xi32, #tpu.memory_space<vmem>>
    %dma_start3A_79 = tpu.memref_squeeze %dma_start3A_78 : memref<1x40xi32, #tpu.memory_space<vmem>> -> memref<40xi32, #tpu.memory_space<vmem>>
    %dma_start3A_80 = tpu.memref_slice %arg4[%mul3A_72] : memref<320000xi32, #tpu.memory_space<hbm>> -> memref<40xi32, #tpu.memory_space<hbm>>
    tpu.enqueue_dma source(%dma_start3A_80 : memref<40xi32, #tpu.memory_space<hbm>>) target(%dma_start3A_79 : memref<40xi32, #tpu.memory_space<vmem>>) target_semaphore(%arg15 : memref<!tpu.dma_semaphore, #tpu.memory_space<semaphore_mem>>)
    %dma_start3A_81 = arith.constant 0 : i32
    %dma_start3A_82 = arith.constant 0 : i32
    %dma_start3A_83 = tpu.memref_slice %arg9[%dma_start3A_81, %dma_start3A_82] : memref<2x40xi32, #tpu.memory_space<vmem>> -> memref<1x40xi32, #tpu.memory_space<vmem>>
    %dma_start3A_84 = tpu.memref_squeeze %dma_start3A_83 : memref<1x40xi32, #tpu.memory_space<vmem>> -> memref<40xi32, #tpu.memory_space<vmem>>
    %dma_start3A_85 = tpu.memref_slice %arg5[%mul3A_72] : memref<320000xi32, #tpu.memory_space<hbm>> -> memref<40xi32, #tpu.memory_space<hbm>>
    %dma_start3A_86 = arith.constant 0 : i32
    %dma_start3A_87 = tpu.memref_slice %arg9[%dma_start3A_81, %dma_start3A_86] : memref<2x40xi32, #tpu.memory_space<vmem>> -> memref<1x40xi32, #tpu.memory_space<vmem>>
    %dma_start3A_88 = tpu.memref_squeeze %dma_start3A_87 : memref<1x40xi32, #tpu.memory_space<vmem>> -> memref<40xi32, #tpu.memory_space<vmem>>
    %dma_start3A_89 = tpu.memref_slice %arg5[%mul3A_72] : memref<320000xi32, #tpu.memory_space<hbm>> -> memref<40xi32, #tpu.memory_space<hbm>>
    tpu.enqueue_dma source(%dma_start3A_89 : memref<40xi32, #tpu.memory_space<hbm>>) target(%dma_start3A_88 : memref<40xi32, #tpu.memory_space<vmem>>) target_semaphore(%arg17 : memref<!tpu.dma_semaphore, #tpu.memory_space<semaphore_mem>>)
    %mul3A_90 = arith.constant 4000 : i32
    %mul3A_91 = arith.muli %arg0, %mul3A_90 : i32
    %add3A_92 = arith.addi %mul3A_91, %arg1 : i32
    %add3A_93 = arith.constant 16 : i32
    %add3A_94 = arith.addi %add3A_92, %add3A_93 : i32
    %mul3A_95 = arith.constant 40 : i32
    %mul3A_96 = arith.muli %add3A_94, %mul3A_95 : i32
    %dma_start3A_97 = arith.constant 1 : i32
    %dma_start3A_98 = arith.constant 0 : i32
    %dma_start3A_99 = tpu.memref_slice %arg8[%dma_start3A_97, %dma_start3A_98] : memref<2x40xi32, #tpu.memory_space<vmem>> -> memref<1x40xi32, #tpu.memory_space<vmem>>
    %dma_start3A_100 = tpu.memref_squeeze %dma_start3A_99 : memref<1x40xi32, #tpu.memory_space<vmem>> -> memref<40xi32, #tpu.memory_space<vmem>>
    %dma_start3A_101 = tpu.memref_slice %arg4[%mul3A_96] : memref<320000xi32, #tpu.memory_space<hbm>> -> memref<40xi32, #tpu.memory_space<hbm>>
    %dma_start3A_102 = arith.constant 0 : i32
    %dma_start3A_103 = tpu.memref_slice %arg8[%dma_start3A_97, %dma_start3A_102] : memref<2x40xi32, #tpu.memory_space<vmem>> -> memref<1x40xi32, #tpu.memory_space<vmem>>
    %dma_start3A_104 = tpu.memref_squeeze %dma_start3A_103 : memref<1x40xi32, #tpu.memory_space<vmem>> -> memref<40xi32, #tpu.memory_space<vmem>>
    %dma_start3A_105 = tpu.memref_slice %arg4[%mul3A_96] : memref<320000xi32, #tpu.memory_space<hbm>> -> memref<40xi32, #tpu.memory_space<hbm>>
    tpu.enqueue_dma source(%dma_start3A_105 : memref<40xi32, #tpu.memory_space<hbm>>) target(%dma_start3A_104 : memref<40xi32, #tpu.memory_space<vmem>>) target_semaphore(%arg16 : memref<!tpu.dma_semaphore, #tpu.memory_space<semaphore_mem>>)
    %dma_start3A_106 = arith.constant 1 : i32
    %dma_start3A_107 = arith.constant 0 : i32
    %dma_start3A_108 = tpu.memref_slice %arg9[%dma_start3A_106, %dma_start3A_107] : memref<2x40xi32, #tpu.memory_space<vmem>> -> memref<1x40xi32, #tpu.memory_space<vmem>>
    %dma_start3A_109 = tpu.memref_squeeze %dma_start3A_108 : memref<1x40xi32, #tpu.memory_space<vmem>> -> memref<40xi32, #tpu.memory_space<vmem>>
    %dma_start3A_110 = tpu.memref_slice %arg5[%mul3A_96] : memref<320000xi32, #tpu.memory_space<hbm>> -> memref<40xi32, #tpu.memory_space<hbm>>
    %dma_start3A_111 = arith.constant 0 : i32
    %dma_start3A_112 = tpu.memref_slice %arg9[%dma_start3A_106, %dma_start3A_111] : memref<2x40xi32, #tpu.memory_space<vmem>> -> memref<1x40xi32, #tpu.memory_space<vmem>>
    %dma_start3A_113 = tpu.memref_squeeze %dma_start3A_112 : memref<1x40xi32, #tpu.memory_space<vmem>> -> memref<40xi32, #tpu.memory_space<vmem>>
    %dma_start3A_114 = tpu.memref_slice %arg5[%mul3A_96] : memref<320000xi32, #tpu.memory_space<hbm>> -> memref<40xi32, #tpu.memory_space<hbm>>
    tpu.enqueue_dma source(%dma_start3A_114 : memref<40xi32, #tpu.memory_space<hbm>>) target(%dma_start3A_113 : memref<40xi32, #tpu.memory_space<vmem>>) target_semaphore(%arg18 : memref<!tpu.dma_semaphore, #tpu.memory_space<semaphore_mem>>)
    %dma_wait3A = arith.constant 0 : i32
    %dma_wait3A_115 = arith.constant 0 : i32
    %dma_wait3A_116 = tpu.memref_slice %arg8[%dma_wait3A, %dma_wait3A_115] : memref<2x40xi32, #tpu.memory_space<vmem>> -> memref<1x40xi32, #tpu.memory_space<vmem>>
    %dma_wait3A_117 = tpu.memref_squeeze %dma_wait3A_116 : memref<1x40xi32, #tpu.memory_space<vmem>> -> memref<40xi32, #tpu.memory_space<vmem>>
    %dma_wait3A_118 = arith.constant 0 : i32
    %dma_wait3A_119 = tpu.memref_slice %arg4[%dma_wait3A_118] : memref<320000xi32, #tpu.memory_space<hbm>> -> memref<40xi32, #tpu.memory_space<hbm>>
    %dma_wait3A_120 = arith.constant 0 : i32
    %dma_wait3A_121 = tpu.memref_slice %arg8[%dma_wait3A, %dma_wait3A_120] : memref<2x40xi32, #tpu.memory_space<vmem>> -> memref<1x40xi32, #tpu.memory_space<vmem>>
    %dma_wait3A_122 = tpu.memref_squeeze %dma_wait3A_121 : memref<1x40xi32, #tpu.memory_space<vmem>> -> memref<40xi32, #tpu.memory_space<vmem>>
    %dma_wait3A_123 = arith.constant 0 : i32
    %dma_wait3A_124 = tpu.memref_slice %arg4[%dma_wait3A_123] : memref<320000xi32, #tpu.memory_space<hbm>> -> memref<40xi32, #tpu.memory_space<hbm>>
    tpu.wait_dma2 semaphore(%arg15 : memref<!tpu.dma_semaphore, #tpu.memory_space<semaphore_mem>>) src(%dma_wait3A_124 : memref<40xi32, #tpu.memory_space<hbm>>) dst(%dma_wait3A_122 : memref<40xi32, #tpu.memory_space<vmem>>)
    %dma_wait3A_125 = arith.constant 0 : i32
    %dma_wait3A_126 = arith.constant 0 : i32
    %dma_wait3A_127 = tpu.memref_slice %arg9[%dma_wait3A_125, %dma_wait3A_126] : memref<2x40xi32, #tpu.memory_space<vmem>> -> memref<1x40xi32, #tpu.memory_space<vmem>>
    %dma_wait3A_128 = tpu.memref_squeeze %dma_wait3A_127 : memref<1x40xi32, #tpu.memory_space<vmem>> -> memref<40xi32, #tpu.memory_space<vmem>>
    %dma_wait3A_129 = arith.constant 0 : i32
    %dma_wait3A_130 = tpu.memref_slice %arg5[%dma_wait3A_129] : memref<320000xi32, #tpu.memory_space<hbm>> -> memref<40xi32, #tpu.memory_space<hbm>>
    %dma_wait3A_131 = arith.constant 0 : i32
    %dma_wait3A_132 = tpu.memref_slice %arg9[%dma_wait3A_125, %dma_wait3A_131] : memref<2x40xi32, #tpu.memory_space<vmem>> -> memref<1x40xi32, #tpu.memory_space<vmem>>
    %dma_wait3A_133 = tpu.memref_squeeze %dma_wait3A_132 : memref<1x40xi32, #tpu.memory_space<vmem>> -> memref<40xi32, #tpu.memory_space<vmem>>
    %dma_wait3A_134 = arith.constant 0 : i32
    %dma_wait3A_135 = tpu.memref_slice %arg5[%dma_wait3A_134] : memref<320000xi32, #tpu.memory_space<hbm>> -> memref<40xi32, #tpu.memory_space<hbm>>
    tpu.wait_dma2 semaphore(%arg17 : memref<!tpu.dma_semaphore, #tpu.memory_space<semaphore_mem>>) src(%dma_wait3A_135 : memref<40xi32, #tpu.memory_space<hbm>>) dst(%dma_wait3A_133 : memref<40xi32, #tpu.memory_space<vmem>>)
    %dma_start3A_136 = arith.constant 0 : i32
    %dma_start3A_137 = arith.constant 0 : i32
    %dma_start3A_138 = arith.constant 0 : i32
    %dma_start3A_139 = arith.constant 0 : i32
    %dma_start3A_140 = tpu.memref_slice %arg11[%dma_start3A_137, %dma_start3A_138, %dma_start3A_139] : memref<2x40x256xf32, #tpu.memory_space<vmem>> -> memref<1x40x256xf32, #tpu.memory_space<vmem>>
    %dma_start3A_141 = tpu.memref_squeeze %dma_start3A_140 : memref<1x40x256xf32, #tpu.memory_space<vmem>> -> memref<40x256xf32, #tpu.memory_space<vmem>>
    %dma_start3A_142 = arith.constant 0 : i32
    %dma_start3A_143 = tpu.memref_slice %arg8[%dma_start3A_136, %dma_start3A_142] : memref<2x40xi32, #tpu.memory_space<vmem>> -> memref<1x40xi32, #tpu.memory_space<vmem>>
    %dma_start3A_144 = tpu.memref_squeeze %dma_start3A_143 : memref<1x40xi32, #tpu.memory_space<vmem>> -> memref<40xi32, #tpu.memory_space<vmem>>
    %dma_start3A_145 = arith.constant 0 : i32
    %dma_start3A_146 = arith.constant 0 : i32
    %dma_start3A_147 = tpu.memref_slice %arg2[%dma_start3A_145, %dma_start3A_146] : memref<10240x256xf32, #tpu.memory_space<hbm>> -> memref<10240x256xf32, #tpu.memory_space<hbm>>
    tpu.enqueue_indirect_dma source(%dma_start3A_147 : memref<10240x256xf32, #tpu.memory_space<hbm>>) target(%dma_start3A_141 : memref<40x256xf32, #tpu.memory_space<vmem>>) offsets(%dma_start3A_144 : memref<40xi32, #tpu.memory_space<vmem>>) semaphore(%arg19 : memref<!tpu.dma_semaphore, #tpu.memory_space<semaphore_mem>>)
    %dma_start3A_148 = arith.constant 0 : i32
    %dma_start3A_149 = arith.constant 0 : i32
    %dma_start3A_150 = arith.constant 0 : i32
    %dma_start3A_151 = arith.constant 0 : i32
    %dma_start3A_152 = tpu.memref_slice %arg12[%dma_start3A_149, %dma_start3A_150, %dma_start3A_151] : memref<2x40x128xf32, #tpu.memory_space<vmem>> -> memref<1x40x128xf32, #tpu.memory_space<vmem>>
    %dma_start3A_153 = tpu.memref_squeeze %dma_start3A_152 : memref<1x40x128xf32, #tpu.memory_space<vmem>> -> memref<40x128xf32, #tpu.memory_space<vmem>>
    %dma_start3A_154 = arith.constant 0 : i32
    %dma_start3A_155 = tpu.memref_slice %arg9[%dma_start3A_148, %dma_start3A_154] : memref<2x40xi32, #tpu.memory_space<vmem>> -> memref<1x40xi32, #tpu.memory_space<vmem>>
    %dma_start3A_156 = tpu.memref_squeeze %dma_start3A_155 : memref<1x40xi32, #tpu.memory_space<vmem>> -> memref<40xi32, #tpu.memory_space<vmem>>
    %dma_start3A_157 = arith.constant 0 : i32
    %dma_start3A_158 = arith.constant 0 : i32
    %dma_start3A_159 = tpu.memref_slice %arg3[%dma_start3A_157, %dma_start3A_158] : memref<10240x128xf32, #tpu.memory_space<hbm>> -> memref<10240x128xf32, #tpu.memory_space<hbm>>
    tpu.enqueue_indirect_dma source(%dma_start3A_159 : memref<10240x128xf32, #tpu.memory_space<hbm>>) target(%dma_start3A_153 : memref<40x128xf32, #tpu.memory_space<vmem>>) offsets(%dma_start3A_156 : memref<40xi32, #tpu.memory_space<vmem>>) semaphore(%arg21 : memref<!tpu.dma_semaphore, #tpu.memory_space<semaphore_mem>>)
    %scan3A_160 = arith.constant 0 : i32
    %scan3A_161 = arith.constant 0 : i32
    %scan3A_162 = arith.constant 125 : i32
    %scan3A_163 = arith.addi %scan3A_161, %scan3A_162 : i32
    %scan3A_164 = arith.constant 1 : i32
    %scan3A_165 = scf.for %scan3A_246 = %scan3A_161 to %scan3A_163 step %scan3A_164 iter_args(%scan3A_247 = %scan3A_160) -> (i32)  : i32 {
      %mul3A_248 = arith.constant 2 : i32
      %mul3A_249 = arith.muli %mul3A_248, %scan3A_246 : i32
      %add3A_250 = arith.constant 0 : i32
      %add3A_251 = arith.addi %mul3A_249, %add3A_250 : i32
      %lt3A = arith.constant 249 : i32
      %lt3A_252 = arith.cmpi slt, %add3A_251, %lt3A : i32
      %convert_element_type3A = arith.extui %lt3A_252 : i1 to i32
      %cond3A = arith.constant 0 : i32
      %cond3A_253 = arith.cmpi ne, %convert_element_type3A, %cond3A : i32
      scf.if %cond3A_253 {
        %dma_wait3A_490 = arith.constant 1 : i32
        %dma_wait3A_491 = arith.constant 0 : i32
        %dma_wait3A_492 = tpu.memref_slice %arg8[%dma_wait3A_490, %dma_wait3A_491] : memref<2x40xi32, #tpu.memory_space<vmem>> -> memref<1x40xi32, #tpu.memory_space<vmem>>
        %dma_wait3A_493 = tpu.memref_squeeze %dma_wait3A_492 : memref<1x40xi32, #tpu.memory_space<vmem>> -> memref<40xi32, #tpu.memory_space<vmem>>
        %dma_wait3A_494 = arith.constant 0 : i32
        %dma_wait3A_495 = tpu.memref_slice %arg4[%dma_wait3A_494] : memref<320000xi32, #tpu.memory_space<hbm>> -> memref<40xi32, #tpu.memory_space<hbm>>
        %dma_wait3A_496 = arith.constant 0 : i32
        %dma_wait3A_497 = tpu.memref_slice %arg8[%dma_wait3A_490, %dma_wait3A_496] : memref<2x40xi32, #tpu.memory_space<vmem>> -> memref<1x40xi32, #tpu.memory_space<vmem>>
        %dma_wait3A_498 = tpu.memref_squeeze %dma_wait3A_497 : memref<1x40xi32, #tpu.memory_space<vmem>> -> memref<40xi32, #tpu.memory_space<vmem>>
        %dma_wait3A_499 = arith.constant 0 : i32
        %dma_wait3A_500 = tpu.memref_slice %arg4[%dma_wait3A_499] : memref<320000xi32, #tpu.memory_space<hbm>> -> memref<40xi32, #tpu.memory_space<hbm>>
        tpu.wait_dma2 semaphore(%arg16 : memref<!tpu.dma_semaphore, #tpu.memory_space<semaphore_mem>>) src(%dma_wait3A_500 : memref<40xi32, #tpu.memory_space<hbm>>) dst(%dma_wait3A_498 : memref<40xi32, #tpu.memory_space<vmem>>)
        %dma_wait3A_501 = arith.constant 1 : i32
        %dma_wait3A_502 = arith.constant 0 : i32
        %dma_wait3A_503 = tpu.memref_slice %arg9[%dma_wait3A_501, %dma_wait3A_502] : memref<2x40xi32, #tpu.memory_space<vmem>> -> memref<1x40xi32, #tpu.memory_space<vmem>>
        %dma_wait3A_504 = tpu.memref_squeeze %dma_wait3A_503 : memref<1x40xi32, #tpu.memory_space<vmem>> -> memref<40xi32, #tpu.memory_space<vmem>>
        %dma_wait3A_505 = arith.constant 0 : i32
        %dma_wait3A_506 = tpu.memref_slice %arg5[%dma_wait3A_505] : memref<320000xi32, #tpu.memory_space<hbm>> -> memref<40xi32, #tpu.memory_space<hbm>>
        %dma_wait3A_507 = arith.constant 0 : i32
        %dma_wait3A_508 = tpu.memref_slice %arg9[%dma_wait3A_501, %dma_wait3A_507] : memref<2x40xi32, #tpu.memory_space<vmem>> -> memref<1x40xi32, #tpu.memory_space<vmem>>
        %dma_wait3A_509 = tpu.memref_squeeze %dma_wait3A_508 : memref<1x40xi32, #tpu.memory_space<vmem>> -> memref<40xi32, #tpu.memory_space<vmem>>
        %dma_wait3A_510 = arith.constant 0 : i32
        %dma_wait3A_511 = tpu.memref_slice %arg5[%dma_wait3A_510] : memref<320000xi32, #tpu.memory_space<hbm>> -> memref<40xi32, #tpu.memory_space<hbm>>
        tpu.wait_dma2 semaphore(%arg18 : memref<!tpu.dma_semaphore, #tpu.memory_space<semaphore_mem>>) src(%dma_wait3A_511 : memref<40xi32, #tpu.memory_space<hbm>>) dst(%dma_wait3A_509 : memref<40xi32, #tpu.memory_space<vmem>>)
      } else {
      }
      %ge3A_254 = arith.constant 1 : i32
      %ge3A_255 = arith.cmpi sge, %add3A_251, %ge3A_254 : i32
      %convert_element_type3A_256 = arith.extui %ge3A_255 : i1 to i32
      %cond3A_257 = arith.constant 0 : i32
      %cond3A_258 = arith.cmpi ne, %convert_element_type3A_256, %cond3A_257 : i32
      scf.if %cond3A_258 {
        %dma_wait3A_490 = arith.constant 1 : i32
        %dma_wait3A_491 = arith.constant 1 : i32
        %dma_wait3A_492 = arith.constant 0 : i32
        %dma_wait3A_493 = arith.constant 0 : i32
        %dma_wait3A_494 = tpu.memref_slice %arg12[%dma_wait3A_490, %dma_wait3A_492, %dma_wait3A_493] : memref<2x40x128xf32, #tpu.memory_space<vmem>> -> memref<1x40x128xf32, #tpu.memory_space<vmem>>
        %dma_wait3A_495 = tpu.memref_squeeze %dma_wait3A_494 : memref<1x40x128xf32, #tpu.memory_space<vmem>> -> memref<40x128xf32, #tpu.memory_space<vmem>>
        %dma_wait3A_496 = arith.constant 0 : i32
        %dma_wait3A_497 = tpu.memref_slice %arg10[%dma_wait3A_491, %dma_wait3A_496] : memref<2x40xi32, #tpu.memory_space<vmem>> -> memref<1x40xi32, #tpu.memory_space<vmem>>
        %dma_wait3A_498 = tpu.memref_squeeze %dma_wait3A_497 : memref<1x40xi32, #tpu.memory_space<vmem>> -> memref<40xi32, #tpu.memory_space<vmem>>
        %dma_wait3A_499 = arith.constant 0 : i32
        %dma_wait3A_500 = arith.constant 0 : i32
        %dma_wait3A_501 = tpu.memref_slice %arg14[%dma_wait3A_499, %dma_wait3A_500] : memref<10240x128xf32, #tpu.memory_space<vmem_shared>> -> memref<10240x128xf32, #tpu.memory_space<vmem_shared>>
        tpu.wait_indirect_dma semaphore(%arg24 : memref<!tpu.dma_semaphore, #tpu.memory_space<semaphore_mem>>) src(%dma_wait3A_495 : memref<40x128xf32, #tpu.memory_space<vmem>>) dst(%dma_wait3A_501 : memref<10240x128xf32, #tpu.memory_space<vmem_shared>>)
      } else {
      }
      %lt3A_259 = arith.constant 249 : i32
      %lt3A_260 = arith.cmpi slt, %add3A_251, %lt3A_259 : i32
      %convert_element_type3A_261 = arith.extui %lt3A_260 : i1 to i32
      %cond3A_262 = arith.constant 0 : i32
      %cond3A_263 = arith.cmpi ne, %convert_element_type3A_261, %cond3A_262 : i32
      scf.if %cond3A_263 {
        %dma_start3A_490 = arith.constant 1 : i32
        %dma_start3A_491 = arith.constant 1 : i32
        %dma_start3A_492 = arith.constant 0 : i32
        %dma_start3A_493 = arith.constant 0 : i32
        %dma_start3A_494 = tpu.memref_slice %arg11[%dma_start3A_491, %dma_start3A_492, %dma_start3A_493] : memref<2x40x256xf32, #tpu.memory_space<vmem>> -> memref<1x40x256xf32, #tpu.memory_space<vmem>>
        %dma_start3A_495 = tpu.memref_squeeze %dma_start3A_494 : memref<1x40x256xf32, #tpu.memory_space<vmem>> -> memref<40x256xf32, #tpu.memory_space<vmem>>
        %dma_start3A_496 = arith.constant 0 : i32
        %dma_start3A_497 = tpu.memref_slice %arg8[%dma_start3A_490, %dma_start3A_496] : memref<2x40xi32, #tpu.memory_space<vmem>> -> memref<1x40xi32, #tpu.memory_space<vmem>>
        %dma_start3A_498 = tpu.memref_squeeze %dma_start3A_497 : memref<1x40xi32, #tpu.memory_space<vmem>> -> memref<40xi32, #tpu.memory_space<vmem>>
        %dma_start3A_499 = arith.constant 0 : i32
        %dma_start3A_500 = arith.constant 0 : i32
        %dma_start3A_501 = tpu.memref_slice %arg2[%dma_start3A_499, %dma_start3A_500] : memref<10240x256xf32, #tpu.memory_space<hbm>> -> memref<10240x256xf32, #tpu.memory_space<hbm>>
        tpu.enqueue_indirect_dma source(%dma_start3A_501 : memref<10240x256xf32, #tpu.memory_space<hbm>>) target(%dma_start3A_495 : memref<40x256xf32, #tpu.memory_space<vmem>>) offsets(%dma_start3A_498 : memref<40xi32, #tpu.memory_space<vmem>>) semaphore(%arg20 : memref<!tpu.dma_semaphore, #tpu.memory_space<semaphore_mem>>)
        %dma_start3A_502 = arith.constant 1 : i32
        %dma_start3A_503 = arith.constant 1 : i32
        %dma_start3A_504 = arith.constant 0 : i32
        %dma_start3A_505 = arith.constant 0 : i32
        %dma_start3A_506 = tpu.memref_slice %arg12[%dma_start3A_503, %dma_start3A_504, %dma_start3A_505] : memref<2x40x128xf32, #tpu.memory_space<vmem>> -> memref<1x40x128xf32, #tpu.memory_space<vmem>>
        %dma_start3A_507 = tpu.memref_squeeze %dma_start3A_506 : memref<1x40x128xf32, #tpu.memory_space<vmem>> -> memref<40x128xf32, #tpu.memory_space<vmem>>
        %dma_start3A_508 = arith.constant 0 : i32
        %dma_start3A_509 = tpu.memref_slice %arg9[%dma_start3A_502, %dma_start3A_508] : memref<2x40xi32, #tpu.memory_space<vmem>> -> memref<1x40xi32, #tpu.memory_space<vmem>>
        %dma_start3A_510 = tpu.memref_squeeze %dma_start3A_509 : memref<1x40xi32, #tpu.memory_space<vmem>> -> memref<40xi32, #tpu.memory_space<vmem>>
        %dma_start3A_511 = arith.constant 0 : i32
        %dma_start3A_512 = arith.constant 0 : i32
        %dma_start3A_513 = tpu.memref_slice %arg3[%dma_start3A_511, %dma_start3A_512] : memref<10240x128xf32, #tpu.memory_space<hbm>> -> memref<10240x128xf32, #tpu.memory_space<hbm>>
        tpu.enqueue_indirect_dma source(%dma_start3A_513 : memref<10240x128xf32, #tpu.memory_space<hbm>>) target(%dma_start3A_507 : memref<40x128xf32, #tpu.memory_space<vmem>>) offsets(%dma_start3A_510 : memref<40xi32, #tpu.memory_space<vmem>>) semaphore(%arg22 : memref<!tpu.dma_semaphore, #tpu.memory_space<semaphore_mem>>)
      } else {
      }
      %get3A = arith.constant 0 : i32
      %get3A_264 = arith.index_cast %get3A : i32 to index
      %get3A_265 = arith.constant 0 : index
      %get3A_266 = tpu.vector_load %arg9[%get3A_264, %get3A_265] {strides = array<i32>} : memref<2x40xi32, #tpu.memory_space<vmem>>, vector<16xi32>,
      %broadcast_in_dim3A_267 = arith.constant true
      %broadcast_in_dim3A_268 = vector.broadcast %broadcast_in_dim3A_267 : i1 to vector<16xi1>
      %unique3A, %unique3A_269 = tpu.scan_count mask(%broadcast_in_dim3A_268 : vector<16xi1>) value(%get3A_266 : vector<16xi32>) : vector<16xi1>, vector<16xi32>
      %gather3A = tpu.vector_load_idx %arg13[%get3A_266] masked %unique3A : memref<10240xf32, #tpu.memory_space<vmem>>[vector<16xi32>], vector<16xf32>, vector<16xi1>
      %convert_element_type3A_270 = arith.sitofp %unique3A_269 : vector<16xi32> to vector<16xf32>
      %add3A_271 = arith.addf %gather3A, %convert_element_type3A_270 : vector<16xf32>
      tpu.vector_store_idx %arg13[%get3A_266], %add3A_271 masked %unique3A : memref<10240xf32, #tpu.memory_space<vmem>>[vector<16xi32>], vector<16xf32>, vector<16xi1>
      %get3A_272 = arith.constant 0 : i32
      %get3A_273 = arith.index_cast %get3A_272 : i32 to index
      %get3A_274 = arith.constant 16 : index
      %get3A_275 = tpu.vector_load %arg9[%get3A_273, %get3A_274] {strides = array<i32>} : memref<2x40xi32, #tpu.memory_space<vmem>>, vector<16xi32>,
      %broadcast_in_dim3A_276 = arith.constant true
      %broadcast_in_dim3A_277 = vector.broadcast %broadcast_in_dim3A_276 : i1 to vector<16xi1>
      %unique3A_278, %unique3A_279 = tpu.scan_count mask(%broadcast_in_dim3A_277 : vector<16xi1>) value(%get3A_275 : vector<16xi32>) : vector<16xi1>, vector<16xi32>
      %gather3A_280 = tpu.vector_load_idx %arg13[%get3A_275] masked %unique3A_278 : memref<10240xf32, #tpu.memory_space<vmem>>[vector<16xi32>], vector<16xf32>, vector<16xi1>
      %convert_element_type3A_281 = arith.sitofp %unique3A_279 : vector<16xi32> to vector<16xf32>
      %add3A_282 = arith.addf %gather3A_280, %convert_element_type3A_281 : vector<16xf32>
      tpu.vector_store_idx %arg13[%get3A_275], %add3A_282 masked %unique3A_278 : memref<10240xf32, #tpu.memory_space<vmem>>[vector<16xi32>], vector<16xf32>, vector<16xi1>
      %get3A_283 = arith.constant 0 : i32
      %get3A_284 = arith.index_cast %get3A_283 : i32 to index
      %get3A_285 = arith.constant 24 : index
      %get3A_286 = tpu.vector_load %arg9[%get3A_284, %get3A_285] {strides = array<i32>} : memref<2x40xi32, #tpu.memory_space<vmem>>, vector<16xi32>,
      %unique3A_287, %unique3A_288 = tpu.scan_count mask(%ge3A_65 : vector<16xi1>) value(%get3A_286 : vector<16xi32>) : vector<16xi1>, vector<16xi32>
      %gather3A_289 = tpu.vector_load_idx %arg13[%get3A_286] masked %unique3A_287 : memref<10240xf32, #tpu.memory_space<vmem>>[vector<16xi32>], vector<16xf32>, vector<16xi1>
      %convert_element_type3A_290 = arith.sitofp %unique3A_288 : vector<16xi32> to vector<16xf32>
      %add3A_291 = arith.addf %gather3A_289, %convert_element_type3A_290 : vector<16xf32>
      tpu.vector_store_idx %arg13[%get3A_286], %add3A_291 masked %unique3A_287 : memref<10240xf32, #tpu.memory_space<vmem>>[vector<16xi32>], vector<16xf32>, vector<16xi1>
      %dma_wait3A_292 = arith.constant 0 : i32
      %dma_wait3A_293 = arith.constant 0 : i32
      %dma_wait3A_294 = arith.constant 0 : i32
      %dma_wait3A_295 = arith.constant 0 : i32
      %dma_wait3A_296 = tpu.memref_slice %arg11[%dma_wait3A_293, %dma_wait3A_294, %dma_wait3A_295] : memref<2x40x256xf32, #tpu.memory_space<vmem>> -> memref<1x40x256xf32, #tpu.memory_space<vmem>>
      %dma_wait3A_297 = tpu.memref_squeeze %dma_wait3A_296 : memref<1x40x256xf32, #tpu.memory_space<vmem>> -> memref<40x256xf32, #tpu.memory_space<vmem>>
      %dma_wait3A_298 = arith.constant 0 : i32
      %dma_wait3A_299 = tpu.memref_slice %arg8[%dma_wait3A_292, %dma_wait3A_298] : memref<2x40xi32, #tpu.memory_space<vmem>> -> memref<1x40xi32, #tpu.memory_space<vmem>>
      %dma_wait3A_300 = tpu.memref_squeeze %dma_wait3A_299 : memref<1x40xi32, #tpu.memory_space<vmem>> -> memref<40xi32, #tpu.memory_space<vmem>>
      %dma_wait3A_301 = arith.constant 0 : i32
      %dma_wait3A_302 = arith.constant 0 : i32
      %dma_wait3A_303 = tpu.memref_slice %arg2[%dma_wait3A_301, %dma_wait3A_302] : memref<10240x256xf32, #tpu.memory_space<hbm>> -> memref<10240x256xf32, #tpu.memory_space<hbm>>
      tpu.wait_indirect_dma semaphore(%arg19 : memref<!tpu.dma_semaphore, #tpu.memory_space<semaphore_mem>>) src(%dma_wait3A_303 : memref<10240x256xf32, #tpu.memory_space<hbm>>) dst(%dma_wait3A_297 : memref<40x256xf32, #tpu.memory_space<vmem>>)
      %dma_wait3A_304 = arith.constant 0 : i32
      %dma_wait3A_305 = arith.constant 0 : i32
      %dma_wait3A_306 = arith.constant 0 : i32
      %dma_wait3A_307 = arith.constant 0 : i32
      %dma_wait3A_308 = tpu.memref_slice %arg12[%dma_wait3A_305, %dma_wait3A_306, %dma_wait3A_307] : memref<2x40x128xf32, #tpu.memory_space<vmem>> -> memref<1x40x128xf32, #tpu.memory_space<vmem>>
      %dma_wait3A_309 = tpu.memref_squeeze %dma_wait3A_308 : memref<1x40x128xf32, #tpu.memory_space<vmem>> -> memref<40x128xf32, #tpu.memory_space<vmem>>
      %dma_wait3A_310 = arith.constant 0 : i32
      %dma_wait3A_311 = tpu.memref_slice %arg9[%dma_wait3A_304, %dma_wait3A_310] : memref<2x40xi32, #tpu.memory_space<vmem>> -> memref<1x40xi32, #tpu.memory_space<vmem>>
      %dma_wait3A_312 = tpu.memref_squeeze %dma_wait3A_311 : memref<1x40xi32, #tpu.memory_space<vmem>> -> memref<40xi32, #tpu.memory_space<vmem>>
      %dma_wait3A_313 = arith.constant 0 : i32
      %dma_wait3A_314 = arith.constant 0 : i32
      %dma_wait3A_315 = tpu.memref_slice %arg3[%dma_wait3A_313, %dma_wait3A_314] : memref<10240x128xf32, #tpu.memory_space<hbm>> -> memref<10240x128xf32, #tpu.memory_space<hbm>>
      tpu.wait_indirect_dma semaphore(%arg21 : memref<!tpu.dma_semaphore, #tpu.memory_space<semaphore_mem>>) src(%dma_wait3A_315 : memref<10240x128xf32, #tpu.memory_space<hbm>>) dst(%dma_wait3A_309 : memref<40x128xf32, #tpu.memory_space<vmem>>)
      %get3A_316 = arith.constant 0 : i32
      %get3A_317 = arith.index_cast %get3A_316 : i32 to index
      %get3A_318 = arith.constant 0 : index
      %get3A_319 = tpu.vector_load %arg9[%get3A_317, %get3A_318] {strides = array<i32>} : memref<2x40xi32, #tpu.memory_space<vmem>>, vector<16xi32>,
      %swap3A = arith.constant 0 : i32
      %swap3A_320 = arith.index_cast %swap3A : i32 to index
      %swap3A_321 = arith.constant 0 : index
      %swap3A_322 = tpu.vector_load %arg10[%swap3A_320, %swap3A_321] {strides = array<i32>} : memref<2x40xi32, #tpu.memory_space<vmem>>, vector<16xi32>,
      tpu.vector_store %arg10[%swap3A_320, %swap3A_321], %get3A_319 {strides = array<i32>} : memref<2x40xi32, #tpu.memory_space<vmem>>, vector<16xi32>,
      %get3A_323 = arith.constant 0 : i32
      %get3A_324 = arith.index_cast %get3A_323 : i32 to index
      %get3A_325 = arith.constant 16 : index
      %get3A_326 = tpu.vector_load %arg9[%get3A_324, %get3A_325] {strides = array<i32>} : memref<2x40xi32, #tpu.memory_space<vmem>>, vector<16xi32>,
      %swap3A_327 = arith.constant 0 : i32
      %swap3A_328 = arith.index_cast %swap3A_327 : i32 to index
      %swap3A_329 = arith.constant 16 : index
      %swap3A_330 = tpu.vector_load %arg10[%swap3A_328, %swap3A_329] {strides = array<i32>} : memref<2x40xi32, #tpu.memory_space<vmem>>, vector<16xi32>,
      tpu.vector_store %arg10[%swap3A_328, %swap3A_329], %get3A_326 {strides = array<i32>} : memref<2x40xi32, #tpu.memory_space<vmem>>, vector<16xi32>,
      %get3A_331 = arith.constant 0 : i32
      %get3A_332 = arith.index_cast %get3A_331 : i32 to index
      %get3A_333 = arith.constant 24 : index
      %get3A_334 = tpu.vector_load %arg9[%get3A_332, %get3A_333] {strides = array<i32>} : memref<2x40xi32, #tpu.memory_space<vmem>>, vector<16xi32>,
      %swap3A_335 = arith.constant 0 : i32
      %swap3A_336 = arith.index_cast %swap3A_335 : i32 to index
      %swap3A_337 = arith.constant 24 : index
      %swap3A_338 = tpu.vector_load %arg10[%swap3A_336, %swap3A_337] {strides = array<i32>} : memref<2x40xi32, #tpu.memory_space<vmem>>, vector<16xi32>,
      tpu.vector_store %arg10[%swap3A_336, %swap3A_337], %get3A_334 {strides = array<i32>} : memref<2x40xi32, #tpu.memory_space<vmem>>, vector<16xi32>,
      %scan3A_339 = arith.constant 0 : i32
      %scan3A_340 = arith.constant 0 : i32
      %scan3A_341 = arith.constant 40 : i32
      %scan3A_342 = arith.addi %scan3A_340, %scan3A_341 : i32
      %scan3A_343 = arith.constant 2 : i32
      %scan3A_344 = scf.for %scan3A_490 = %scan3A_340 to %scan3A_342 step %scan3A_343 iter_args(%scan3A_491 = %scan3A_339) -> (i32)  : i32 {
        %get3A_492 = arith.constant 0 : i32
        %get3A_493 = arith.index_cast %get3A_492 : i32 to index
        %get3A_494 = arith.index_cast %scan3A_490 : i32 to index
        %get3A_495 = arith.constant 0 : index
        %get3A_496 = tpu.vector_load %arg11[%get3A_493, %get3A_494, %get3A_495] {strides = array<i32>} : memref<2x40x256xf32, #tpu.memory_space<vmem>>, vector<16xf32>,
        %get3A_497 = arith.constant 0 : i32
        %get3A_498 = arith.index_cast %get3A_497 : i32 to index
        %get3A_499 = arith.index_cast %scan3A_490 : i32 to index
        %get3A_500 = arith.constant 128 : index
        %get3A_501 = tpu.vector_load %arg11[%get3A_498, %get3A_499, %get3A_500] {strides = array<i32>} : memref<2x40x256xf32, #tpu.memory_space<vmem>>, vector<16xf32>,
        %get3A_502 = arith.constant 0 : i32
        %get3A_503 = arith.index_cast %get3A_502 : i32 to index
        %get3A_504 = arith.index_cast %scan3A_490 : i32 to index
        %get3A_505 = arith.constant 0 : index
        %get3A_506 = tpu.vector_load %arg12[%get3A_503, %get3A_504, %get3A_505] {strides = array<i32>} : memref<2x40x128xf32, #tpu.memory_space<vmem>>, vector<16xf32>,
        %add3A_507 = arith.addf %get3A_501, %get3A_506 : vector<16xf32>
        %neg3A = arith.constant 0.000000e+00 : f32
        %neg3A_508 = vector.broadcast %neg3A : f32 to vector<16xf32>
        %neg3A_509 = arith.subf %neg3A_508, %add3A_507 : vector<16xf32>
        %exp3A = math.exp %neg3A_509 : vector<16xf32>
        %add3A_510 = arith.constant 1.000000e+00 : f32
        %add3A_511 = vector.broadcast %add3A_510 : f32 to vector<16xf32>
        %add3A_512 = arith.addf %add3A_511, %exp3A : vector<16xf32>
        %div3A = arith.divf %get3A_496, %add3A_512 : vector<16xf32>
        %get3A_513 = arith.constant 0 : i32
        %get3A_514 = arith.index_cast %get3A_513 : i32 to index
        %get3A_515 = arith.index_cast %scan3A_490 : i32 to index
        %get3A_516 = arith.constant 16 : index
        %get3A_517 = tpu.vector_load %arg11[%get3A_514, %get3A_515, %get3A_516] {strides = array<i32>} : memref<2x40x256xf32, #tpu.memory_space<vmem>>, vector<16xf32>,
        %get3A_518 = arith.constant 0 : i32
        %get3A_519 = arith.index_cast %get3A_518 : i32 to index
        %get3A_520 = arith.index_cast %scan3A_490 : i32 to index
        %get3A_521 = arith.constant 144 : index
        %get3A_522 = tpu.vector_load %arg11[%get3A_519, %get3A_520, %get3A_521] {strides = array<i32>} : memref<2x40x256xf32, #tpu.memory_space<vmem>>, vector<16xf32>,
        %get3A_523 = arith.constant 0 : i32
        %get3A_524 = arith.index_cast %get3A_523 : i32 to index
        %get3A_525 = arith.index_cast %scan3A_490 : i32 to index
        %get3A_526 = arith.constant 16 : index
        %get3A_527 = tpu.vector_load %arg12[%get3A_524, %get3A_525, %get3A_526] {strides = array<i32>} : memref<2x40x128xf32, #tpu.memory_space<vmem>>, vector<16xf32>,
        %add3A_528 = arith.addf %get3A_522, %get3A_527 : vector<16xf32>
        %neg3A_529 = arith.constant 0.000000e+00 : f32
        %neg3A_530 = vector.broadcast %neg3A_529 : f32 to vector<16xf32>
        %neg3A_531 = arith.subf %neg3A_530, %add3A_528 : vector<16xf32>
        %exp3A_532 = math.exp %neg3A_531 : vector<16xf32>
        %add3A_533 = arith.constant 1.000000e+00 : f32
        %add3A_534 = vector.broadcast %add3A_533 : f32 to vector<16xf32>
        %add3A_535 = arith.addf %add3A_534, %exp3A_532 : vector<16xf32>
        %div3A_536 = arith.divf %get3A_517, %add3A_535 : vector<16xf32>
        %get3A_537 = arith.constant 0 : i32
        %get3A_538 = arith.index_cast %get3A_537 : i32 to index
        %get3A_539 = arith.index_cast %scan3A_490 : i32 to index
        %get3A_540 = arith.constant 32 : index
        %get3A_541 = tpu.vector_load %arg11[%get3A_538, %get3A_539, %get3A_540] {strides = array<i32>} : memref<2x40x256xf32, #tpu.memory_space<vmem>>, vector<16xf32>,
        %get3A_542 = arith.constant 0 : i32
        %get3A_543 = arith.index_cast %get3A_542 : i32 to index
        %get3A_544 = arith.index_cast %scan3A_490 : i32 to index
        %get3A_545 = arith.constant 160 : index
        %get3A_546 = tpu.vector_load %arg11[%get3A_543, %get3A_544, %get3A_545] {strides = array<i32>} : memref<2x40x256xf32, #tpu.memory_space<vmem>>, vector<16xf32>,
        %get3A_547 = arith.constant 0 : i32
        %get3A_548 = arith.index_cast %get3A_547 : i32 to index
        %get3A_549 = arith.index_cast %scan3A_490 : i32 to index
        %get3A_550 = arith.constant 32 : index
        %get3A_551 = tpu.vector_load %arg12[%get3A_548, %get3A_549, %get3A_550] {strides = array<i32>} : memref<2x40x128xf32, #tpu.memory_space<vmem>>, vector<16xf32>,
        %add3A_552 = arith.addf %get3A_546, %get3A_551 : vector<16xf32>
        %neg3A_553 = arith.constant 0.000000e+00 : f32
        %neg3A_554 = vector.broadcast %neg3A_553 : f32 to vector<16xf32>
        %neg3A_555 = arith.subf %neg3A_554, %add3A_552 : vector<16xf32>
        %exp3A_556 = math.exp %neg3A_555 : vector<16xf32>
        %add3A_557 = arith.constant 1.000000e+00 : f32
        %add3A_558 = vector.broadcast %add3A_557 : f32 to vector<16xf32>
        %add3A_559 = arith.addf %add3A_558, %exp3A_556 : vector<16xf32>
        %div3A_560 = arith.divf %get3A_541, %add3A_559 : vector<16xf32>
        %get3A_561 = arith.constant 0 : i32
        %get3A_562 = arith.index_cast %get3A_561 : i32 to index
        %get3A_563 = arith.index_cast %scan3A_490 : i32 to index
        %get3A_564 = arith.constant 48 : index
        %get3A_565 = tpu.vector_load %arg11[%get3A_562, %get3A_563, %get3A_564] {strides = array<i32>} : memref<2x40x256xf32, #tpu.memory_space<vmem>>, vector<16xf32>,
        %get3A_566 = arith.constant 0 : i32
        %get3A_567 = arith.index_cast %get3A_566 : i32 to index
        %get3A_568 = arith.index_cast %scan3A_490 : i32 to index
        %get3A_569 = arith.constant 176 : index
        %get3A_570 = tpu.vector_load %arg11[%get3A_567, %get3A_568, %get3A_569] {strides = array<i32>} : memref<2x40x256xf32, #tpu.memory_space<vmem>>, vector<16xf32>,
        %get3A_571 = arith.constant 0 : i32
        %get3A_572 = arith.index_cast %get3A_571 : i32 to index
        %get3A_573 = arith.index_cast %scan3A_490 : i32 to index
        %get3A_574 = arith.constant 48 : index
        %get3A_575 = tpu.vector_load %arg12[%get3A_572, %get3A_573, %get3A_574] {strides = array<i32>} : memref<2x40x128xf32, #tpu.memory_space<vmem>>, vector<16xf32>,
        %add3A_576 = arith.addf %get3A_570, %get3A_575 : vector<16xf32>
        %neg3A_577 = arith.constant 0.000000e+00 : f32
        %neg3A_578 = vector.broadcast %neg3A_577 : f32 to vector<16xf32>
        %neg3A_579 = arith.subf %neg3A_578, %add3A_576 : vector<16xf32>
        %exp3A_580 = math.exp %neg3A_579 : vector<16xf32>
        %add3A_581 = arith.constant 1.000000e+00 : f32
        %add3A_582 = vector.broadcast %add3A_581 : f32 to vector<16xf32>
        %add3A_583 = arith.addf %add3A_582, %exp3A_580 : vector<16xf32>
        %div3A_584 = arith.divf %get3A_565, %add3A_583 : vector<16xf32>
        %get3A_585 = arith.constant 0 : i32
        %get3A_586 = arith.index_cast %get3A_585 : i32 to index
        %get3A_587 = arith.index_cast %scan3A_490 : i32 to index
        %get3A_588 = arith.constant 64 : index
        %get3A_589 = tpu.vector_load %arg11[%get3A_586, %get3A_587, %get3A_588] {strides = array<i32>} : memref<2x40x256xf32, #tpu.memory_space<vmem>>, vector<16xf32>,
        %get3A_590 = arith.constant 0 : i32
        %get3A_591 = arith.index_cast %get3A_590 : i32 to index
        %get3A_592 = arith.index_cast %scan3A_490 : i32 to index
        %get3A_593 = arith.constant 192 : index
        %get3A_594 = tpu.vector_load %arg11[%get3A_591, %get3A_592, %get3A_593] {strides = array<i32>} : memref<2x40x256xf32, #tpu.memory_space<vmem>>, vector<16xf32>,
        %get3A_595 = arith.constant 0 : i32
        %get3A_596 = arith.index_cast %get3A_595 : i32 to index
        %get3A_597 = arith.index_cast %scan3A_490 : i32 to index
        %get3A_598 = arith.constant 64 : index
        %get3A_599 = tpu.vector_load %arg12[%get3A_596, %get3A_597, %get3A_598] {strides = array<i32>} : memref<2x40x128xf32, #tpu.memory_space<vmem>>, vector<16xf32>,
        %add3A_600 = arith.addf %get3A_594, %get3A_599 : vector<16xf32>
        %neg3A_601 = arith.constant 0.000000e+00 : f32
        %neg3A_602 = vector.broadcast %neg3A_601 : f32 to vector<16xf32>
        %neg3A_603 = arith.subf %neg3A_602, %add3A_600 : vector<16xf32>
        %exp3A_604 = math.exp %neg3A_603 : vector<16xf32>
        %add3A_605 = arith.constant 1.000000e+00 : f32
        %add3A_606 = vector.broadcast %add3A_605 : f32 to vector<16xf32>
        %add3A_607 = arith.addf %add3A_606, %exp3A_604 : vector<16xf32>
        %div3A_608 = arith.divf %get3A_589, %add3A_607 : vector<16xf32>
        %get3A_609 = arith.constant 0 : i32
        %get3A_610 = arith.index_cast %get3A_609 : i32 to index
        %get3A_611 = arith.index_cast %scan3A_490 : i32 to index
        %get3A_612 = arith.constant 80 : index
        %get3A_613 = tpu.vector_load %arg11[%get3A_610, %get3A_611, %get3A_612] {strides = array<i32>} : memref<2x40x256xf32, #tpu.memory_space<vmem>>, vector<16xf32>,
        %get3A_614 = arith.constant 0 : i32
        %get3A_615 = arith.index_cast %get3A_614 : i32 to index
        %get3A_616 = arith.index_cast %scan3A_490 : i32 to index
        %get3A_617 = arith.constant 208 : index
        %get3A_618 = tpu.vector_load %arg11[%get3A_615, %get3A_616, %get3A_617] {strides = array<i32>} : memref<2x40x256xf32, #tpu.memory_space<vmem>>, vector<16xf32>,
        %get3A_619 = arith.constant 0 : i32
        %get3A_620 = arith.index_cast %get3A_619 : i32 to index
        %get3A_621 = arith.index_cast %scan3A_490 : i32 to index
        %get3A_622 = arith.constant 80 : index
        %get3A_623 = tpu.vector_load %arg12[%get3A_620, %get3A_621, %get3A_622] {strides = array<i32>} : memref<2x40x128xf32, #tpu.memory_space<vmem>>, vector<16xf32>,
        %add3A_624 = arith.addf %get3A_618, %get3A_623 : vector<16xf32>
        %neg3A_625 = arith.constant 0.000000e+00 : f32
        %neg3A_626 = vector.broadcast %neg3A_625 : f32 to vector<16xf32>
        %neg3A_627 = arith.subf %neg3A_626, %add3A_624 : vector<16xf32>
        %exp3A_628 = math.exp %neg3A_627 : vector<16xf32>
        %add3A_629 = arith.constant 1.000000e+00 : f32
        %add3A_630 = vector.broadcast %add3A_629 : f32 to vector<16xf32>
        %add3A_631 = arith.addf %add3A_630, %exp3A_628 : vector<16xf32>
        %div3A_632 = arith.divf %get3A_613, %add3A_631 : vector<16xf32>
        %get3A_633 = arith.constant 0 : i32
        %get3A_634 = arith.index_cast %get3A_633 : i32 to index
        %get3A_635 = arith.index_cast %scan3A_490 : i32 to index
        %get3A_636 = arith.constant 96 : index
        %get3A_637 = tpu.vector_load %arg11[%get3A_634, %get3A_635, %get3A_636] {strides = array<i32>} : memref<2x40x256xf32, #tpu.memory_space<vmem>>, vector<16xf32>,
        %get3A_638 = arith.constant 0 : i32
        %get3A_639 = arith.index_cast %get3A_638 : i32 to index
        %get3A_640 = arith.index_cast %scan3A_490 : i32 to index
        %get3A_641 = arith.constant 224 : index
        %get3A_642 = tpu.vector_load %arg11[%get3A_639, %get3A_640, %get3A_641] {strides = array<i32>} : memref<2x40x256xf32, #tpu.memory_space<vmem>>, vector<16xf32>,
        %get3A_643 = arith.constant 0 : i32
        %get3A_644 = arith.index_cast %get3A_643 : i32 to index
        %get3A_645 = arith.index_cast %scan3A_490 : i32 to index
        %get3A_646 = arith.constant 96 : index
        %get3A_647 = tpu.vector_load %arg12[%get3A_644, %get3A_645, %get3A_646] {strides = array<i32>} : memref<2x40x128xf32, #tpu.memory_space<vmem>>, vector<16xf32>,
        %add3A_648 = arith.addf %get3A_642, %get3A_647 : vector<16xf32>
        %neg3A_649 = arith.constant 0.000000e+00 : f32
        %neg3A_650 = vector.broadcast %neg3A_649 : f32 to vector<16xf32>
        %neg3A_651 = arith.subf %neg3A_650, %add3A_648 : vector<16xf32>
        %exp3A_652 = math.exp %neg3A_651 : vector<16xf32>
        %add3A_653 = arith.constant 1.000000e+00 : f32
        %add3A_654 = vector.broadcast %add3A_653 : f32 to vector<16xf32>
        %add3A_655 = arith.addf %add3A_654, %exp3A_652 : vector<16xf32>
        %div3A_656 = arith.divf %get3A_637, %add3A_655 : vector<16xf32>
        %get3A_657 = arith.constant 0 : i32
        %get3A_658 = arith.index_cast %get3A_657 : i32 to index
        %get3A_659 = arith.index_cast %scan3A_490 : i32 to index
        %get3A_660 = arith.constant 112 : index
        %get3A_661 = tpu.vector_load %arg11[%get3A_658, %get3A_659, %get3A_660] {strides = array<i32>} : memref<2x40x256xf32, #tpu.memory_space<vmem>>, vector<16xf32>,
        %get3A_662 = arith.constant 0 : i32
        %get3A_663 = arith.index_cast %get3A_662 : i32 to index
        %get3A_664 = arith.index_cast %scan3A_490 : i32 to index
        %get3A_665 = arith.constant 240 : index
        %get3A_666 = tpu.vector_load %arg11[%get3A_663, %get3A_664, %get3A_665] {strides = array<i32>} : memref<2x40x256xf32, #tpu.memory_space<vmem>>, vector<16xf32>,
        %get3A_667 = arith.constant 0 : i32
        %get3A_668 = arith.index_cast %get3A_667 : i32 to index
        %get3A_669 = arith.index_cast %scan3A_490 : i32 to index
        %get3A_670 = arith.constant 112 : index
        %get3A_671 = tpu.vector_load %arg12[%get3A_668, %get3A_669, %get3A_670] {strides = array<i32>} : memref<2x40x128xf32, #tpu.memory_space<vmem>>, vector<16xf32>,
        %add3A_672 = arith.addf %get3A_666, %get3A_671 : vector<16xf32>
        %neg3A_673 = arith.constant 0.000000e+00 : f32
        %neg3A_674 = vector.broadcast %neg3A_673 : f32 to vector<16xf32>
        %neg3A_675 = arith.subf %neg3A_674, %add3A_672 : vector<16xf32>
        %exp3A_676 = math.exp %neg3A_675 : vector<16xf32>
        %add3A_677 = arith.constant 1.000000e+00 : f32
        %add3A_678 = vector.broadcast %add3A_677 : f32 to vector<16xf32>
        %add3A_679 = arith.addf %add3A_678, %exp3A_676 : vector<16xf32>
        %div3A_680 = arith.divf %get3A_661, %add3A_679 : vector<16xf32>
        %swap3A_681 = arith.constant 0 : i32
        %swap3A_682 = arith.index_cast %swap3A_681 : i32 to index
        %swap3A_683 = arith.index_cast %scan3A_490 : i32 to index
        %swap3A_684 = arith.constant 0 : index
        %swap3A_685 = tpu.vector_load %arg12[%swap3A_682, %swap3A_683, %swap3A_684] {strides = array<i32>} : memref<2x40x128xf32, #tpu.memory_space<vmem>>, vector<16xf32>,
        tpu.vector_store %arg12[%swap3A_682, %swap3A_683, %swap3A_684], %div3A {strides = array<i32>} : memref<2x40x128xf32, #tpu.memory_space<vmem>>, vector<16xf32>,
        %swap3A_686 = arith.constant 0 : i32
        %swap3A_687 = arith.index_cast %swap3A_686 : i32 to index
        %swap3A_688 = arith.index_cast %scan3A_490 : i32 to index
        %swap3A_689 = arith.constant 16 : index
        %swap3A_690 = tpu.vector_load %arg12[%swap3A_687, %swap3A_688, %swap3A_689] {strides = array<i32>} : memref<2x40x128xf32, #tpu.memory_space<vmem>>, vector<16xf32>,
        tpu.vector_store %arg12[%swap3A_687, %swap3A_688, %swap3A_689], %div3A_536 {strides = array<i32>} : memref<2x40x128xf32, #tpu.memory_space<vmem>>, vector<16xf32>,
        %swap3A_691 = arith.constant 0 : i32
        %swap3A_692 = arith.index_cast %swap3A_691 : i32 to index
        %swap3A_693 = arith.index_cast %scan3A_490 : i32 to index
        %swap3A_694 = arith.constant 32 : index
        %swap3A_695 = tpu.vector_load %arg12[%swap3A_692, %swap3A_693, %swap3A_694] {strides = array<i32>} : memref<2x40x128xf32, #tpu.memory_space<vmem>>, vector<16xf32>,
        tpu.vector_store %arg12[%swap3A_692, %swap3A_693, %swap3A_694], %div3A_560 {strides = array<i32>} : memref<2x40x128xf32, #tpu.memory_space<vmem>>, vector<16xf32>,
        %swap3A_696 = arith.constant 0 : i32
        %swap3A_697 = arith.index_cast %swap3A_696 : i32 to index
        %swap3A_698 = arith.index_cast %scan3A_490 : i32 to index
        %swap3A_699 = arith.constant 48 : index
        %swap3A_700 = tpu.vector_load %arg12[%swap3A_697, %swap3A_698, %swap3A_699] {strides = array<i32>} : memref<2x40x128xf32, #tpu.memory_space<vmem>>, vector<16xf32>,
        tpu.vector_store %arg12[%swap3A_697, %swap3A_698, %swap3A_699], %div3A_584 {strides = array<i32>} : memref<2x40x128xf32, #tpu.memory_space<vmem>>, vector<16xf32>,
        %swap3A_701 = arith.constant 0 : i32
        %swap3A_702 = arith.index_cast %swap3A_701 : i32 to index
        %swap3A_703 = arith.index_cast %scan3A_490 : i32 to index
        %swap3A_704 = arith.constant 64 : index
        %swap3A_705 = tpu.vector_load %arg12[%swap3A_702, %swap3A_703, %swap3A_704] {strides = array<i32>} : memref<2x40x128xf32, #tpu.memory_space<vmem>>, vector<16xf32>,
        tpu.vector_store %arg12[%swap3A_702, %swap3A_703, %swap3A_704], %div3A_608 {strides = array<i32>} : memref<2x40x128xf32, #tpu.memory_space<vmem>>, vector<16xf32>,
        %swap3A_706 = arith.constant 0 : i32
        %swap3A_707 = arith.index_cast %swap3A_706 : i32 to index
        %swap3A_708 = arith.index_cast %scan3A_490 : i32 to index
        %swap3A_709 = arith.constant 80 : index
        %swap3A_710 = tpu.vector_load %arg12[%swap3A_707, %swap3A_708, %swap3A_709] {strides = array<i32>} : memref<2x40x128xf32, #tpu.memory_space<vmem>>, vector<16xf32>,
        tpu.vector_store %arg12[%swap3A_707, %swap3A_708, %swap3A_709], %div3A_632 {strides = array<i32>} : memref<2x40x128xf32, #tpu.memory_space<vmem>>, vector<16xf32>,
        %swap3A_711 = arith.constant 0 : i32
        %swap3A_712 = arith.index_cast %swap3A_711 : i32 to index
        %swap3A_713 = arith.index_cast %scan3A_490 : i32 to index
        %swap3A_714 = arith.constant 96 : index
        %swap3A_715 = tpu.vector_load %arg12[%swap3A_712, %swap3A_713, %swap3A_714] {strides = array<i32>} : memref<2x40x128xf32, #tpu.memory_space<vmem>>, vector<16xf32>,
        tpu.vector_store %arg12[%swap3A_712, %swap3A_713, %swap3A_714], %div3A_656 {strides = array<i32>} : memref<2x40x128xf32, #tpu.memory_space<vmem>>, vector<16xf32>,
        %swap3A_716 = arith.constant 0 : i32
        %swap3A_717 = arith.index_cast %swap3A_716 : i32 to index
        %swap3A_718 = arith.index_cast %scan3A_490 : i32 to index
        %swap3A_719 = arith.constant 112 : index
        %swap3A_720 = tpu.vector_load %arg12[%swap3A_717, %swap3A_718, %swap3A_719] {strides = array<i32>} : memref<2x40x128xf32, #tpu.memory_space<vmem>>, vector<16xf32>,
        tpu.vector_store %arg12[%swap3A_717, %swap3A_718, %swap3A_719], %div3A_680 {strides = array<i32>} : memref<2x40x128xf32, #tpu.memory_space<vmem>>, vector<16xf32>,
        %scan3A_721 = arith.constant 0 : i32
        %scan3A_722 = arith.constant 1 : i32
        %scan3A_723 = arith.addi %scan3A_490, %scan3A_722 : i32
        %get3A_724 = arith.constant 0 : i32
        %get3A_725 = arith.index_cast %get3A_724 : i32 to index
        %get3A_726 = arith.index_cast %scan3A_723 : i32 to index
        %get3A_727 = arith.constant 0 : index
        %get3A_728 = tpu.vector_load %arg11[%get3A_725, %get3A_726, %get3A_727] {strides = array<i32>} : memref<2x40x256xf32, #tpu.memory_space<vmem>>, vector<16xf32>,
        %get3A_729 = arith.constant 0 : i32
        %get3A_730 = arith.index_cast %get3A_729 : i32 to index
        %get3A_731 = arith.index_cast %scan3A_723 : i32 to index
        %get3A_732 = arith.constant 128 : index
        %get3A_733 = tpu.vector_load %arg11[%get3A_730, %get3A_731, %get3A_732] {strides = array<i32>} : memref<2x40x256xf32, #tpu.memory_space<vmem>>, vector<16xf32>,
        %get3A_734 = arith.constant 0 : i32
        %get3A_735 = arith.index_cast %get3A_734 : i32 to index
        %get3A_736 = arith.index_cast %scan3A_723 : i32 to index
        %get3A_737 = arith.constant 0 : index
        %get3A_738 = tpu.vector_load %arg12[%get3A_735, %get3A_736, %get3A_737] {strides = array<i32>} : memref<2x40x128xf32, #tpu.memory_space<vmem>>, vector<16xf32>,
        %add3A_739 = arith.addf %get3A_733, %get3A_738 : vector<16xf32>
        %neg3A_740 = arith.constant 0.000000e+00 : f32
        %neg3A_741 = vector.broadcast %neg3A_740 : f32 to vector<16xf32>
        %neg3A_742 = arith.subf %neg3A_741, %add3A_739 : vector<16xf32>
        %exp3A_743 = math.exp %neg3A_742 : vector<16xf32>
        %add3A_744 = arith.constant 1.000000e+00 : f32
        %add3A_745 = vector.broadcast %add3A_744 : f32 to vector<16xf32>
        %add3A_746 = arith.addf %add3A_745, %exp3A_743 : vector<16xf32>
        %div3A_747 = arith.divf %get3A_728, %add3A_746 : vector<16xf32>
        %get3A_748 = arith.constant 0 : i32
        %get3A_749 = arith.index_cast %get3A_748 : i32 to index
        %get3A_750 = arith.index_cast %scan3A_723 : i32 to index
        %get3A_751 = arith.constant 16 : index
        %get3A_752 = tpu.vector_load %arg11[%get3A_749, %get3A_750, %get3A_751] {strides = array<i32>} : memref<2x40x256xf32, #tpu.memory_space<vmem>>, vector<16xf32>,
        %get3A_753 = arith.constant 0 : i32
        %get3A_754 = arith.index_cast %get3A_753 : i32 to index
        %get3A_755 = arith.index_cast %scan3A_723 : i32 to index
        %get3A_756 = arith.constant 144 : index
        %get3A_757 = tpu.vector_load %arg11[%get3A_754, %get3A_755, %get3A_756] {strides = array<i32>} : memref<2x40x256xf32, #tpu.memory_space<vmem>>, vector<16xf32>,
        %get3A_758 = arith.constant 0 : i32
        %get3A_759 = arith.index_cast %get3A_758 : i32 to index
        %get3A_760 = arith.index_cast %scan3A_723 : i32 to index
        %get3A_761 = arith.constant 16 : index
        %get3A_762 = tpu.vector_load %arg12[%get3A_759, %get3A_760, %get3A_761] {strides = array<i32>} : memref<2x40x128xf32, #tpu.memory_space<vmem>>, vector<16xf32>,
        %add3A_763 = arith.addf %get3A_757, %get3A_762 : vector<16xf32>
        %neg3A_764 = arith.constant 0.000000e+00 : f32
        %neg3A_765 = vector.broadcast %neg3A_764 : f32 to vector<16xf32>
        %neg3A_766 = arith.subf %neg3A_765, %add3A_763 : vector<16xf32>
        %exp3A_767 = math.exp %neg3A_766 : vector<16xf32>
        %add3A_768 = arith.constant 1.000000e+00 : f32
        %add3A_769 = vector.broadcast %add3A_768 : f32 to vector<16xf32>
        %add3A_770 = arith.addf %add3A_769, %exp3A_767 : vector<16xf32>
        %div3A_771 = arith.divf %get3A_752, %add3A_770 : vector<16xf32>
        %get3A_772 = arith.constant 0 : i32
        %get3A_773 = arith.index_cast %get3A_772 : i32 to index
        %get3A_774 = arith.index_cast %scan3A_723 : i32 to index
        %get3A_775 = arith.constant 32 : index
        %get3A_776 = tpu.vector_load %arg11[%get3A_773, %get3A_774, %get3A_775] {strides = array<i32>} : memref<2x40x256xf32, #tpu.memory_space<vmem>>, vector<16xf32>,
        %get3A_777 = arith.constant 0 : i32
        %get3A_778 = arith.index_cast %get3A_777 : i32 to index
        %get3A_779 = arith.index_cast %scan3A_723 : i32 to index
        %get3A_780 = arith.constant 160 : index
        %get3A_781 = tpu.vector_load %arg11[%get3A_778, %get3A_779, %get3A_780] {strides = array<i32>} : memref<2x40x256xf32, #tpu.memory_space<vmem>>, vector<16xf32>,
        %get3A_782 = arith.constant 0 : i32
        %get3A_783 = arith.index_cast %get3A_782 : i32 to index
        %get3A_784 = arith.index_cast %scan3A_723 : i32 to index
        %get3A_785 = arith.constant 32 : index
        %get3A_786 = tpu.vector_load %arg12[%get3A_783, %get3A_784, %get3A_785] {strides = array<i32>} : memref<2x40x128xf32, #tpu.memory_space<vmem>>, vector<16xf32>,
        %add3A_787 = arith.addf %get3A_781, %get3A_786 : vector<16xf32>
        %neg3A_788 = arith.constant 0.000000e+00 : f32
        %neg3A_789 = vector.broadcast %neg3A_788 : f32 to vector<16xf32>
        %neg3A_790 = arith.subf %neg3A_789, %add3A_787 : vector<16xf32>
        %exp3A_791 = math.exp %neg3A_790 : vector<16xf32>
        %add3A_792 = arith.constant 1.000000e+00 : f32
        %add3A_793 = vector.broadcast %add3A_792 : f32 to vector<16xf32>
        %add3A_794 = arith.addf %add3A_793, %exp3A_791 : vector<16xf32>
        %div3A_795 = arith.divf %get3A_776, %add3A_794 : vector<16xf32>
        %get3A_796 = arith.constant 0 : i32
        %get3A_797 = arith.index_cast %get3A_796 : i32 to index
        %get3A_798 = arith.index_cast %scan3A_723 : i32 to index
        %get3A_799 = arith.constant 48 : index
        %get3A_800 = tpu.vector_load %arg11[%get3A_797, %get3A_798, %get3A_799] {strides = array<i32>} : memref<2x40x256xf32, #tpu.memory_space<vmem>>, vector<16xf32>,
        %get3A_801 = arith.constant 0 : i32
        %get3A_802 = arith.index_cast %get3A_801 : i32 to index
        %get3A_803 = arith.index_cast %scan3A_723 : i32 to index
        %get3A_804 = arith.constant 176 : index
        %get3A_805 = tpu.vector_load %arg11[%get3A_802, %get3A_803, %get3A_804] {strides = array<i32>} : memref<2x40x256xf32, #tpu.memory_space<vmem>>, vector<16xf32>,
        %get3A_806 = arith.constant 0 : i32
        %get3A_807 = arith.index_cast %get3A_806 : i32 to index
        %get3A_808 = arith.index_cast %scan3A_723 : i32 to index
        %get3A_809 = arith.constant 48 : index
        %get3A_810 = tpu.vector_load %arg12[%get3A_807, %get3A_808, %get3A_809] {strides = array<i32>} : memref<2x40x128xf32, #tpu.memory_space<vmem>>, vector<16xf32>,
        %add3A_811 = arith.addf %get3A_805, %get3A_810 : vector<16xf32>
        %neg3A_812 = arith.constant 0.000000e+00 : f32
        %neg3A_813 = vector.broadcast %neg3A_812 : f32 to vector<16xf32>
        %neg3A_814 = arith.subf %neg3A_813, %add3A_811 : vector<16xf32>
        %exp3A_815 = math.exp %neg3A_814 : vector<16xf32>
        %add3A_816 = arith.constant 1.000000e+00 : f32
        %add3A_817 = vector.broadcast %add3A_816 : f32 to vector<16xf32>
        %add3A_818 = arith.addf %add3A_817, %exp3A_815 : vector<16xf32>
        %div3A_819 = arith.divf %get3A_800, %add3A_818 : vector<16xf32>
        %get3A_820 = arith.constant 0 : i32
        %get3A_821 = arith.index_cast %get3A_820 : i32 to index
        %get3A_822 = arith.index_cast %scan3A_723 : i32 to index
        %get3A_823 = arith.constant 64 : index
        %get3A_824 = tpu.vector_load %arg11[%get3A_821, %get3A_822, %get3A_823] {strides = array<i32>} : memref<2x40x256xf32, #tpu.memory_space<vmem>>, vector<16xf32>,
        %get3A_825 = arith.constant 0 : i32
        %get3A_826 = arith.index_cast %get3A_825 : i32 to index
        %get3A_827 = arith.index_cast %scan3A_723 : i32 to index
        %get3A_828 = arith.constant 192 : index
        %get3A_829 = tpu.vector_load %arg11[%get3A_826, %get3A_827, %get3A_828] {strides = array<i32>} : memref<2x40x256xf32, #tpu.memory_space<vmem>>, vector<16xf32>,
        %get3A_830 = arith.constant 0 : i32
        %get3A_831 = arith.index_cast %get3A_830 : i32 to index
        %get3A_832 = arith.index_cast %scan3A_723 : i32 to index
        %get3A_833 = arith.constant 64 : index
        %get3A_834 = tpu.vector_load %arg12[%get3A_831, %get3A_832, %get3A_833] {strides = array<i32>} : memref<2x40x128xf32, #tpu.memory_space<vmem>>, vector<16xf32>,
        %add3A_835 = arith.addf %get3A_829, %get3A_834 : vector<16xf32>
        %neg3A_836 = arith.constant 0.000000e+00 : f32
        %neg3A_837 = vector.broadcast %neg3A_836 : f32 to vector<16xf32>
        %neg3A_838 = arith.subf %neg3A_837, %add3A_835 : vector<16xf32>
        %exp3A_839 = math.exp %neg3A_838 : vector<16xf32>
        %add3A_840 = arith.constant 1.000000e+00 : f32
        %add3A_841 = vector.broadcast %add3A_840 : f32 to vector<16xf32>
        %add3A_842 = arith.addf %add3A_841, %exp3A_839 : vector<16xf32>
        %div3A_843 = arith.divf %get3A_824, %add3A_842 : vector<16xf32>
        %get3A_844 = arith.constant 0 : i32
        %get3A_845 = arith.index_cast %get3A_844 : i32 to index
        %get3A_846 = arith.index_cast %scan3A_723 : i32 to index
        %get3A_847 = arith.constant 80 : index
        %get3A_848 = tpu.vector_load %arg11[%get3A_845, %get3A_846, %get3A_847] {strides = array<i32>} : memref<2x40x256xf32, #tpu.memory_space<vmem>>, vector<16xf32>,
        %get3A_849 = arith.constant 0 : i32
        %get3A_850 = arith.index_cast %get3A_849 : i32 to index
        %get3A_851 = arith.index_cast %scan3A_723 : i32 to index
        %get3A_852 = arith.constant 208 : index
        %get3A_853 = tpu.vector_load %arg11[%get3A_850, %get3A_851, %get3A_852] {strides = array<i32>} : memref<2x40x256xf32, #tpu.memory_space<vmem>>, vector<16xf32>,
        %get3A_854 = arith.constant 0 : i32
        %get3A_855 = arith.index_cast %get3A_854 : i32 to index
        %get3A_856 = arith.index_cast %scan3A_723 : i32 to index
        %get3A_857 = arith.constant 80 : index
        %get3A_858 = tpu.vector_load %arg12[%get3A_855, %get3A_856, %get3A_857] {strides = array<i32>} : memref<2x40x128xf32, #tpu.memory_space<vmem>>, vector<16xf32>,
        %add3A_859 = arith.addf %get3A_853, %get3A_858 : vector<16xf32>
        %neg3A_860 = arith.constant 0.000000e+00 : f32
        %neg3A_861 = vector.broadcast %neg3A_860 : f32 to vector<16xf32>
        %neg3A_862 = arith.subf %neg3A_861, %add3A_859 : vector<16xf32>
        %exp3A_863 = math.exp %neg3A_862 : vector<16xf32>
        %add3A_864 = arith.constant 1.000000e+00 : f32
        %add3A_865 = vector.broadcast %add3A_864 : f32 to vector<16xf32>
        %add3A_866 = arith.addf %add3A_865, %exp3A_863 : vector<16xf32>
        %div3A_867 = arith.divf %get3A_848, %add3A_866 : vector<16xf32>
        %get3A_868 = arith.constant 0 : i32
        %get3A_869 = arith.index_cast %get3A_868 : i32 to index
        %get3A_870 = arith.index_cast %scan3A_723 : i32 to index
        %get3A_871 = arith.constant 96 : index
        %get3A_872 = tpu.vector_load %arg11[%get3A_869, %get3A_870, %get3A_871] {strides = array<i32>} : memref<2x40x256xf32, #tpu.memory_space<vmem>>, vector<16xf32>,
        %get3A_873 = arith.constant 0 : i32
        %get3A_874 = arith.index_cast %get3A_873 : i32 to index
        %get3A_875 = arith.index_cast %scan3A_723 : i32 to index
        %get3A_876 = arith.constant 224 : index
        %get3A_877 = tpu.vector_load %arg11[%get3A_874, %get3A_875, %get3A_876] {strides = array<i32>} : memref<2x40x256xf32, #tpu.memory_space<vmem>>, vector<16xf32>,
        %get3A_878 = arith.constant 0 : i32
        %get3A_879 = arith.index_cast %get3A_878 : i32 to index
        %get3A_880 = arith.index_cast %scan3A_723 : i32 to index
        %get3A_881 = arith.constant 96 : index
        %get3A_882 = tpu.vector_load %arg12[%get3A_879, %get3A_880, %get3A_881] {strides = array<i32>} : memref<2x40x128xf32, #tpu.memory_space<vmem>>, vector<16xf32>,
        %add3A_883 = arith.addf %get3A_877, %get3A_882 : vector<16xf32>
        %neg3A_884 = arith.constant 0.000000e+00 : f32
        %neg3A_885 = vector.broadcast %neg3A_884 : f32 to vector<16xf32>
        %neg3A_886 = arith.subf %neg3A_885, %add3A_883 : vector<16xf32>
        %exp3A_887 = math.exp %neg3A_886 : vector<16xf32>
        %add3A_888 = arith.constant 1.000000e+00 : f32
        %add3A_889 = vector.broadcast %add3A_888 : f32 to vector<16xf32>
        %add3A_890 = arith.addf %add3A_889, %exp3A_887 : vector<16xf32>
        %div3A_891 = arith.divf %get3A_872, %add3A_890 : vector<16xf32>
        %get3A_892 = arith.constant 0 : i32
        %get3A_893 = arith.index_cast %get3A_892 : i32 to index
        %get3A_894 = arith.index_cast %scan3A_723 : i32 to index
        %get3A_895 = arith.constant 112 : index
        %get3A_896 = tpu.vector_load %arg11[%get3A_893, %get3A_894, %get3A_895] {strides = array<i32>} : memref<2x40x256xf32, #tpu.memory_space<vmem>>, vector<16xf32>,
        %get3A_897 = arith.constant 0 : i32
        %get3A_898 = arith.index_cast %get3A_897 : i32 to index
        %get3A_899 = arith.index_cast %scan3A_723 : i32 to index
        %get3A_900 = arith.constant 240 : index
        %get3A_901 = tpu.vector_load %arg11[%get3A_898, %get3A_899, %get3A_900] {strides = array<i32>} : memref<2x40x256xf32, #tpu.memory_space<vmem>>, vector<16xf32>,
        %get3A_902 = arith.constant 0 : i32
        %get3A_903 = arith.index_cast %get3A_902 : i32 to index
        %get3A_904 = arith.index_cast %scan3A_723 : i32 to index
        %get3A_905 = arith.constant 112 : index
        %get3A_906 = tpu.vector_load %arg12[%get3A_903, %get3A_904, %get3A_905] {strides = array<i32>} : memref<2x40x128xf32, #tpu.memory_space<vmem>>, vector<16xf32>,
        %add3A_907 = arith.addf %get3A_901, %get3A_906 : vector<16xf32>
        %neg3A_908 = arith.constant 0.000000e+00 : f32
        %neg3A_909 = vector.broadcast %neg3A_908 : f32 to vector<16xf32>
        %neg3A_910 = arith.subf %neg3A_909, %add3A_907 : vector<16xf32>
        %exp3A_911 = math.exp %neg3A_910 : vector<16xf32>
        %add3A_912 = arith.constant 1.000000e+00 : f32
        %add3A_913 = vector.broadcast %add3A_912 : f32 to vector<16xf32>
        %add3A_914 = arith.addf %add3A_913, %exp3A_911 : vector<16xf32>
        %div3A_915 = arith.divf %get3A_896, %add3A_914 : vector<16xf32>
        %swap3A_916 = arith.constant 0 : i32
        %swap3A_917 = arith.index_cast %swap3A_916 : i32 to index
        %swap3A_918 = arith.index_cast %scan3A_723 : i32 to index
        %swap3A_919 = arith.constant 0 : index
        %swap3A_920 = tpu.vector_load %arg12[%swap3A_917, %swap3A_918, %swap3A_919] {strides = array<i32>} : memref<2x40x128xf32, #tpu.memory_space<vmem>>, vector<16xf32>,
        tpu.vector_store %arg12[%swap3A_917, %swap3A_918, %swap3A_919], %div3A_747 {strides = array<i32>} : memref<2x40x128xf32, #tpu.memory_space<vmem>>, vector<16xf32>,
        %swap3A_921 = arith.constant 0 : i32
        %swap3A_922 = arith.index_cast %swap3A_921 : i32 to index
        %swap3A_923 = arith.index_cast %scan3A_723 : i32 to index
        %swap3A_924 = arith.constant 16 : index
        %swap3A_925 = tpu.vector_load %arg12[%swap3A_922, %swap3A_923, %swap3A_924] {strides = array<i32>} : memref<2x40x128xf32, #tpu.memory_space<vmem>>, vector<16xf32>,
        tpu.vector_store %arg12[%swap3A_922, %swap3A_923, %swap3A_924], %div3A_771 {strides = array<i32>} : memref<2x40x128xf32, #tpu.memory_space<vmem>>, vector<16xf32>,
        %swap3A_926 = arith.constant 0 : i32
        %swap3A_927 = arith.index_cast %swap3A_926 : i32 to index
        %swap3A_928 = arith.index_cast %scan3A_723 : i32 to index
        %swap3A_929 = arith.constant 32 : index
        %swap3A_930 = tpu.vector_load %arg12[%swap3A_927, %swap3A_928, %swap3A_929] {strides = array<i32>} : memref<2x40x128xf32, #tpu.memory_space<vmem>>, vector<16xf32>,
        tpu.vector_store %arg12[%swap3A_927, %swap3A_928, %swap3A_929], %div3A_795 {strides = array<i32>} : memref<2x40x128xf32, #tpu.memory_space<vmem>>, vector<16xf32>,
        %swap3A_931 = arith.constant 0 : i32
        %swap3A_932 = arith.index_cast %swap3A_931 : i32 to index
        %swap3A_933 = arith.index_cast %scan3A_723 : i32 to index
        %swap3A_934 = arith.constant 48 : index
        %swap3A_935 = tpu.vector_load %arg12[%swap3A_932, %swap3A_933, %swap3A_934] {strides = array<i32>} : memref<2x40x128xf32, #tpu.memory_space<vmem>>, vector<16xf32>,
        tpu.vector_store %arg12[%swap3A_932, %swap3A_933, %swap3A_934], %div3A_819 {strides = array<i32>} : memref<2x40x128xf32, #tpu.memory_space<vmem>>, vector<16xf32>,
        %swap3A_936 = arith.constant 0 : i32
        %swap3A_937 = arith.index_cast %swap3A_936 : i32 to index
        %swap3A_938 = arith.index_cast %scan3A_723 : i32 to index
        %swap3A_939 = arith.constant 64 : index
        %swap3A_940 = tpu.vector_load %arg12[%swap3A_937, %swap3A_938, %swap3A_939] {strides = array<i32>} : memref<2x40x128xf32, #tpu.memory_space<vmem>>, vector<16xf32>,
        tpu.vector_store %arg12[%swap3A_937, %swap3A_938, %swap3A_939], %div3A_843 {strides = array<i32>} : memref<2x40x128xf32, #tpu.memory_space<vmem>>, vector<16xf32>,
        %swap3A_941 = arith.constant 0 : i32
        %swap3A_942 = arith.index_cast %swap3A_941 : i32 to index
        %swap3A_943 = arith.index_cast %scan3A_723 : i32 to index
        %swap3A_944 = arith.constant 80 : index
        %swap3A_945 = tpu.vector_load %arg12[%swap3A_942, %swap3A_943, %swap3A_944] {strides = array<i32>} : memref<2x40x128xf32, #tpu.memory_space<vmem>>, vector<16xf32>,
        tpu.vector_store %arg12[%swap3A_942, %swap3A_943, %swap3A_944], %div3A_867 {strides = array<i32>} : memref<2x40x128xf32, #tpu.memory_space<vmem>>, vector<16xf32>,
        %swap3A_946 = arith.constant 0 : i32
        %swap3A_947 = arith.index_cast %swap3A_946 : i32 to index
        %swap3A_948 = arith.index_cast %scan3A_723 : i32 to index
        %swap3A_949 = arith.constant 96 : index
        %swap3A_950 = tpu.vector_load %arg12[%swap3A_947, %swap3A_948, %swap3A_949] {strides = array<i32>} : memref<2x40x128xf32, #tpu.memory_space<vmem>>, vector<16xf32>,
        tpu.vector_store %arg12[%swap3A_947, %swap3A_948, %swap3A_949], %div3A_891 {strides = array<i32>} : memref<2x40x128xf32, #tpu.memory_space<vmem>>, vector<16xf32>,
        %swap3A_951 = arith.constant 0 : i32
        %swap3A_952 = arith.index_cast %swap3A_951 : i32 to index
        %swap3A_953 = arith.index_cast %scan3A_723 : i32 to index
        %swap3A_954 = arith.constant 112 : index
        %swap3A_955 = tpu.vector_load %arg12[%swap3A_952, %swap3A_953, %swap3A_954] {strides = array<i32>} : memref<2x40x128xf32, #tpu.memory_space<vmem>>, vector<16xf32>,
        tpu.vector_store %arg12[%swap3A_952, %swap3A_953, %swap3A_954], %div3A_915 {strides = array<i32>} : memref<2x40x128xf32, #tpu.memory_space<vmem>>, vector<16xf32>,
        %scan3A_956 = arith.constant 0 : i32
        scf.yield %scan3A_956 : i32
      }
      %scan3A_345 = arith.constant 40 : i32
      %dma_start3A_346 = arith.constant 0 : i32
      %dma_start3A_347 = arith.constant 0 : i32
      %dma_start3A_348 = arith.constant 0 : i32
      %dma_start3A_349 = arith.constant 0 : i32
      %dma_start3A_350 = tpu.memref_slice %arg12[%dma_start3A_346, %dma_start3A_348, %dma_start3A_349] : memref<2x40x128xf32, #tpu.memory_space<vmem>> -> memref<1x40x128xf32, #tpu.memory_space<vmem>>
      %dma_start3A_351 = tpu.memref_squeeze %dma_start3A_350 : memref<1x40x128xf32, #tpu.memory_space<vmem>> -> memref<40x128xf32, #tpu.memory_space<vmem>>
      %dma_start3A_352 = arith.constant 0 : i32
      %dma_start3A_353 = tpu.memref_slice %arg10[%dma_start3A_347, %dma_start3A_352] : memref<2x40xi32, #tpu.memory_space<vmem>> -> memref<1x40xi32, #tpu.memory_space<vmem>>
      %dma_start3A_354 = tpu.memref_squeeze %dma_start3A_353 : memref<1x40xi32, #tpu.memory_space<vmem>> -> memref<40xi32, #tpu.memory_space<vmem>>
      %dma_start3A_355 = arith.constant 0 : i32
      %dma_start3A_356 = arith.constant 0 : i32
      %dma_start3A_357 = tpu.memref_slice %arg14[%dma_start3A_355, %dma_start3A_356] : memref<10240x128xf32, #tpu.memory_space<vmem_shared>> -> memref<10240x128xf32, #tpu.memory_space<vmem_shared>>
      tpu.enqueue_indirect_dma source(%dma_start3A_351 : memref<40x128xf32, #tpu.memory_space<vmem>>) target(%dma_start3A_357 : memref<10240x128xf32, #tpu.memory_space<vmem_shared>>) offsets(%dma_start3A_354 : memref<40xi32, #tpu.memory_space<vmem>>) semaphore(%arg23 : memref<!tpu.dma_semaphore, #tpu.memory_space<semaphore_mem>>) {add = true}
      %add3A_358 = arith.constant 2 : i32
      %add3A_359 = arith.addi %add3A_251, %add3A_358 : i32
      %lt3A_360 = arith.constant 250 : i32
      %lt3A_361 = arith.cmpi slt, %add3A_359, %lt3A_360 : i32
      %convert_element_type3A_362 = arith.extui %lt3A_361 : i1 to i32
      %cond3A_363 = arith.constant 0 : i32
      %cond3A_364 = arith.cmpi ne, %convert_element_type3A_362, %cond3A_363 : i32
      scf.if %cond3A_364 {
        %add3A_490 = arith.constant 2 : i32
        %add3A_491 = arith.addi %add3A_251, %add3A_490 : i32
        %mul3A_492 = arith.constant 4000 : i32
        %mul3A_493 = arith.muli %arg0, %mul3A_492 : i32
        %add3A_494 = arith.addi %mul3A_493, %arg1 : i32
        %mul3A_495 = arith.constant 16 : i32
        %mul3A_496 = arith.muli %add3A_491, %mul3A_495 : i32
        %add3A_497 = arith.addi %add3A_494, %mul3A_496 : i32
        %mul3A_498 = arith.constant 40 : i32
        %mul3A_499 = arith.muli %add3A_497, %mul3A_498 : i32
        %dma_start3A_500 = arith.constant 0 : i32
        %dma_start3A_501 = arith.constant 0 : i32
        %dma_start3A_502 = tpu.memref_slice %arg8[%dma_start3A_500, %dma_start3A_501] : memref<2x40xi32, #tpu.memory_space<vmem>> -> memref<1x40xi32, #tpu.memory_space<vmem>>
        %dma_start3A_503 = tpu.memref_squeeze %dma_start3A_502 : memref<1x40xi32, #tpu.memory_space<vmem>> -> memref<40xi32, #tpu.memory_space<vmem>>
        %dma_start3A_504 = tpu.memref_slice %arg4[%mul3A_499] : memref<320000xi32, #tpu.memory_space<hbm>> -> memref<40xi32, #tpu.memory_space<hbm>>
        %dma_start3A_505 = arith.constant 0 : i32
        %dma_start3A_506 = tpu.memref_slice %arg8[%dma_start3A_500, %dma_start3A_505] : memref<2x40xi32, #tpu.memory_space<vmem>> -> memref<1x40xi32, #tpu.memory_space<vmem>>
        %dma_start3A_507 = tpu.memref_squeeze %dma_start3A_506 : memref<1x40xi32, #tpu.memory_space<vmem>> -> memref<40xi32, #tpu.memory_space<vmem>>
        %dma_start3A_508 = tpu.memref_slice %arg4[%mul3A_499] : memref<320000xi32, #tpu.memory_space<hbm>> -> memref<40xi32, #tpu.memory_space<hbm>>
        tpu.enqueue_dma source(%dma_start3A_508 : memref<40xi32, #tpu.memory_space<hbm>>) target(%dma_start3A_507 : memref<40xi32, #tpu.memory_space<vmem>>) target_semaphore(%arg15 : memref<!tpu.dma_semaphore, #tpu.memory_space<semaphore_mem>>)
        %dma_start3A_509 = arith.constant 0 : i32
        %dma_start3A_510 = arith.constant 0 : i32
        %dma_start3A_511 = tpu.memref_slice %arg9[%dma_start3A_509, %dma_start3A_510] : memref<2x40xi32, #tpu.memory_space<vmem>> -> memref<1x40xi32, #tpu.memory_space<vmem>>
        %dma_start3A_512 = tpu.memref_squeeze %dma_start3A_511 : memref<1x40xi32, #tpu.memory_space<vmem>> -> memref<40xi32, #tpu.memory_space<vmem>>
        %dma_start3A_513 = tpu.memref_slice %arg5[%mul3A_499] : memref<320000xi32, #tpu.memory_space<hbm>> -> memref<40xi32, #tpu.memory_space<hbm>>
        %dma_start3A_514 = arith.constant 0 : i32
        %dma_start3A_515 = tpu.memref_slice %arg9[%dma_start3A_509, %dma_start3A_514] : memref<2x40xi32, #tpu.memory_space<vmem>> -> memref<1x40xi32, #tpu.memory_space<vmem>>
        %dma_start3A_516 = tpu.memref_squeeze %dma_start3A_515 : memref<1x40xi32, #tpu.memory_space<vmem>> -> memref<40xi32, #tpu.memory_space<vmem>>
        %dma_start3A_517 = tpu.memref_slice %arg5[%mul3A_499] : memref<320000xi32, #tpu.memory_space<hbm>> -> memref<40xi32, #tpu.memory_space<hbm>>
        tpu.enqueue_dma source(%dma_start3A_517 : memref<40xi32, #tpu.memory_space<hbm>>) target(%dma_start3A_516 : memref<40xi32, #tpu.memory_space<vmem>>) target_semaphore(%arg17 : memref<!tpu.dma_semaphore, #tpu.memory_space<semaphore_mem>>)
      } else {
      }
      %mul3A_365 = arith.constant 2 : i32
      %mul3A_366 = arith.muli %mul3A_365, %scan3A_246 : i32
      %add3A_367 = arith.constant 1 : i32
      %add3A_368 = arith.addi %mul3A_366, %add3A_367 : i32
      %lt3A_369 = arith.constant 249 : i32
      %lt3A_370 = arith.cmpi slt, %add3A_368, %lt3A_369 : i32
      %convert_element_type3A_371 = arith.extui %lt3A_370 : i1 to i32
      %cond3A_372 = arith.constant 0 : i32
      %cond3A_373 = arith.cmpi ne, %convert_element_type3A_371, %cond3A_372 : i32
      scf.if %cond3A_373 {
        %dma_wait3A_490 = arith.constant 0 : i32
        %dma_wait3A_491 = arith.constant 0 : i32
        %dma_wait3A_492 = tpu.memref_slice %arg8[%dma_wait3A_490, %dma_wait3A_491] : memref<2x40xi32, #tpu.memory_space<vmem>> -> memref<1x40xi32, #tpu.memory_space<vmem>>
        %dma_wait3A_493 = tpu.memref_squeeze %dma_wait3A_492 : memref<1x40xi32, #tpu.memory_space<vmem>> -> memref<40xi32, #tpu.memory_space<vmem>>
        %dma_wait3A_494 = arith.constant 0 : i32
        %dma_wait3A_495 = tpu.memref_slice %arg4[%dma_wait3A_494] : memref<320000xi32, #tpu.memory_space<hbm>> -> memref<40xi32, #tpu.memory_space<hbm>>
        %dma_wait3A_496 = arith.constant 0 : i32
        %dma_wait3A_497 = tpu.memref_slice %arg8[%dma_wait3A_490, %dma_wait3A_496] : memref<2x40xi32, #tpu.memory_space<vmem>> -> memref<1x40xi32, #tpu.memory_space<vmem>>
        %dma_wait3A_498 = tpu.memref_squeeze %dma_wait3A_497 : memref<1x40xi32, #tpu.memory_space<vmem>> -> memref<40xi32, #tpu.memory_space<vmem>>
        %dma_wait3A_499 = arith.constant 0 : i32
        %dma_wait3A_500 = tpu.memref_slice %arg4[%dma_wait3A_499] : memref<320000xi32, #tpu.memory_space<hbm>> -> memref<40xi32, #tpu.memory_space<hbm>>
        tpu.wait_dma2 semaphore(%arg15 : memref<!tpu.dma_semaphore, #tpu.memory_space<semaphore_mem>>) src(%dma_wait3A_500 : memref<40xi32, #tpu.memory_space<hbm>>) dst(%dma_wait3A_498 : memref<40xi32, #tpu.memory_space<vmem>>)
        %dma_wait3A_501 = arith.constant 0 : i32
        %dma_wait3A_502 = arith.constant 0 : i32
        %dma_wait3A_503 = tpu.memref_slice %arg9[%dma_wait3A_501, %dma_wait3A_502] : memref<2x40xi32, #tpu.memory_space<vmem>> -> memref<1x40xi32, #tpu.memory_space<vmem>>
        %dma_wait3A_504 = tpu.memref_squeeze %dma_wait3A_503 : memref<1x40xi32, #tpu.memory_space<vmem>> -> memref<40xi32, #tpu.memory_space<vmem>>
        %dma_wait3A_505 = arith.constant 0 : i32
        %dma_wait3A_506 = tpu.memref_slice %arg5[%dma_wait3A_505] : memref<320000xi32, #tpu.memory_space<hbm>> -> memref<40xi32, #tpu.memory_space<hbm>>
        %dma_wait3A_507 = arith.constant 0 : i32
        %dma_wait3A_508 = tpu.memref_slice %arg9[%dma_wait3A_501, %dma_wait3A_507] : memref<2x40xi32, #tpu.memory_space<vmem>> -> memref<1x40xi32, #tpu.memory_space<vmem>>
        %dma_wait3A_509 = tpu.memref_squeeze %dma_wait3A_508 : memref<1x40xi32, #tpu.memory_space<vmem>> -> memref<40xi32, #tpu.memory_space<vmem>>
        %dma_wait3A_510 = arith.constant 0 : i32
        %dma_wait3A_511 = tpu.memref_slice %arg5[%dma_wait3A_510] : memref<320000xi32, #tpu.memory_space<hbm>> -> memref<40xi32, #tpu.memory_space<hbm>>
        tpu.wait_dma2 semaphore(%arg17 : memref<!tpu.dma_semaphore, #tpu.memory_space<semaphore_mem>>) src(%dma_wait3A_511 : memref<40xi32, #tpu.memory_space<hbm>>) dst(%dma_wait3A_509 : memref<40xi32, #tpu.memory_space<vmem>>)
      } else {
      }
      %ge3A_374 = arith.constant 1 : i32
      %ge3A_375 = arith.cmpi sge, %add3A_368, %ge3A_374 : i32
      %convert_element_type3A_376 = arith.extui %ge3A_375 : i1 to i32
      %cond3A_377 = arith.constant 0 : i32
      %cond3A_378 = arith.cmpi ne, %convert_element_type3A_376, %cond3A_377 : i32
      scf.if %cond3A_378 {
        %dma_wait3A_490 = arith.constant 0 : i32
        %dma_wait3A_491 = arith.constant 0 : i32
        %dma_wait3A_492 = arith.constant 0 : i32
        %dma_wait3A_493 = arith.constant 0 : i32
        %dma_wait3A_494 = tpu.memref_slice %arg12[%dma_wait3A_490, %dma_wait3A_492, %dma_wait3A_493] : memref<2x40x128xf32, #tpu.memory_space<vmem>> -> memref<1x40x128xf32, #tpu.memory_space<vmem>>
        %dma_wait3A_495 = tpu.memref_squeeze %dma_wait3A_494 : memref<1x40x128xf32, #tpu.memory_space<vmem>> -> memref<40x128xf32, #tpu.memory_space<vmem>>
        %dma_wait3A_496 = arith.constant 0 : i32
        %dma_wait3A_497 = tpu.memref_slice %arg10[%dma_wait3A_491, %dma_wait3A_496] : memref<2x40xi32, #tpu.memory_space<vmem>> -> memref<1x40xi32, #tpu.memory_space<vmem>>
        %dma_wait3A_498 = tpu.memref_squeeze %dma_wait3A_497 : memref<1x40xi32, #tpu.memory_space<vmem>> -> memref<40xi32, #tpu.memory_space<vmem>>
        %dma_wait3A_499 = arith.constant 0 : i32
        %dma_wait3A_500 = arith.constant 0 : i32
        %dma_wait3A_501 = tpu.memref_slice %arg14[%dma_wait3A_499, %dma_wait3A_500] : memref<10240x128xf32, #tpu.memory_space<vmem_shared>> -> memref<10240x128xf32, #tpu.memory_space<vmem_shared>>
        tpu.wait_indirect_dma semaphore(%arg23 : memref<!tpu.dma_semaphore, #tpu.memory_space<semaphore_mem>>) src(%dma_wait3A_495 : memref<40x128xf32, #tpu.memory_space<vmem>>) dst(%dma_wait3A_501 : memref<10240x128xf32, #tpu.memory_space<vmem_shared>>)
      } else {
      }
      %lt3A_379 = arith.constant 249 : i32
      %lt3A_380 = arith.cmpi slt, %add3A_368, %lt3A_379 : i32
      %convert_element_type3A_381 = arith.extui %lt3A_380 : i1 to i32
      %cond3A_382 = arith.constant 0 : i32
      %cond3A_383 = arith.cmpi ne, %convert_element_type3A_381, %cond3A_382 : i32
      scf.if %cond3A_383 {
        %dma_start3A_490 = arith.constant 0 : i32
        %dma_start3A_491 = arith.constant 0 : i32
        %dma_start3A_492 = arith.constant 0 : i32
        %dma_start3A_493 = arith.constant 0 : i32
        %dma_start3A_494 = tpu.memref_slice %arg11[%dma_start3A_491, %dma_start3A_492, %dma_start3A_493] : memref<2x40x256xf32, #tpu.memory_space<vmem>> -> memref<1x40x256xf32, #tpu.memory_space<vmem>>
        %dma_start3A_495 = tpu.memref_squeeze %dma_start3A_494 : memref<1x40x256xf32, #tpu.memory_space<vmem>> -> memref<40x256xf32, #tpu.memory_space<vmem>>
        %dma_start3A_496 = arith.constant 0 : i32
        %dma_start3A_497 = tpu.memref_slice %arg8[%dma_start3A_490, %dma_start3A_496] : memref<2x40xi32, #tpu.memory_space<vmem>> -> memref<1x40xi32, #tpu.memory_space<vmem>>
        %dma_start3A_498 = tpu.memref_squeeze %dma_start3A_497 : memref<1x40xi32, #tpu.memory_space<vmem>> -> memref<40xi32, #tpu.memory_space<vmem>>
        %dma_start3A_499 = arith.constant 0 : i32
        %dma_start3A_500 = arith.constant 0 : i32
        %dma_start3A_501 = tpu.memref_slice %arg2[%dma_start3A_499, %dma_start3A_500] : memref<10240x256xf32, #tpu.memory_space<hbm>> -> memref<10240x256xf32, #tpu.memory_space<hbm>>
        tpu.enqueue_indirect_dma source(%dma_start3A_501 : memref<10240x256xf32, #tpu.memory_space<hbm>>) target(%dma_start3A_495 : memref<40x256xf32, #tpu.memory_space<vmem>>) offsets(%dma_start3A_498 : memref<40xi32, #tpu.memory_space<vmem>>) semaphore(%arg19 : memref<!tpu.dma_semaphore, #tpu.memory_space<semaphore_mem>>)
        %dma_start3A_502 = arith.constant 0 : i32
        %dma_start3A_503 = arith.constant 0 : i32
        %dma_start3A_504 = arith.constant 0 : i32
        %dma_start3A_505 = arith.constant 0 : i32
        %dma_start3A_506 = tpu.memref_slice %arg12[%dma_start3A_503, %dma_start3A_504, %dma_start3A_505] : memref<2x40x128xf32, #tpu.memory_space<vmem>> -> memref<1x40x128xf32, #tpu.memory_space<vmem>>
        %dma_start3A_507 = tpu.memref_squeeze %dma_start3A_506 : memref<1x40x128xf32, #tpu.memory_space<vmem>> -> memref<40x128xf32, #tpu.memory_space<vmem>>
        %dma_start3A_508 = arith.constant 0 : i32
        %dma_start3A_509 = tpu.memref_slice %arg9[%dma_start3A_502, %dma_start3A_508] : memref<2x40xi32, #tpu.memory_space<vmem>> -> memref<1x40xi32, #tpu.memory_space<vmem>>
        %dma_start3A_510 = tpu.memref_squeeze %dma_start3A_509 : memref<1x40xi32, #tpu.memory_space<vmem>> -> memref<40xi32, #tpu.memory_space<vmem>>
        %dma_start3A_511 = arith.constant 0 : i32
        %dma_start3A_512 = arith.constant 0 : i32
        %dma_start3A_513 = tpu.memref_slice %arg3[%dma_start3A_511, %dma_start3A_512] : memref<10240x128xf32, #tpu.memory_space<hbm>> -> memref<10240x128xf32, #tpu.memory_space<hbm>>
        tpu.enqueue_indirect_dma source(%dma_start3A_513 : memref<10240x128xf32, #tpu.memory_space<hbm>>) target(%dma_start3A_507 : memref<40x128xf32, #tpu.memory_space<vmem>>) offsets(%dma_start3A_510 : memref<40xi32, #tpu.memory_space<vmem>>) semaphore(%arg21 : memref<!tpu.dma_semaphore, #tpu.memory_space<semaphore_mem>>)
      } else {
      }
      %get3A_384 = arith.constant 1 : i32
      %get3A_385 = arith.index_cast %get3A_384 : i32 to index
      %get3A_386 = arith.constant 0 : index
      %get3A_387 = tpu.vector_load %arg9[%get3A_385, %get3A_386] {strides = array<i32>} : memref<2x40xi32, #tpu.memory_space<vmem>>, vector<16xi32>,
      %broadcast_in_dim3A_388 = arith.constant true
      %broadcast_in_dim3A_389 = vector.broadcast %broadcast_in_dim3A_388 : i1 to vector<16xi1>
      %unique3A_390, %unique3A_391 = tpu.scan_count mask(%broadcast_in_dim3A_389 : vector<16xi1>) value(%get3A_387 : vector<16xi32>) : vector<16xi1>, vector<16xi32>
      %gather3A_392 = tpu.vector_load_idx %arg13[%get3A_387] masked %unique3A_390 : memref<10240xf32, #tpu.memory_space<vmem>>[vector<16xi32>], vector<16xf32>, vector<16xi1>
      %convert_element_type3A_393 = arith.sitofp %unique3A_391 : vector<16xi32> to vector<16xf32>
      %add3A_394 = arith.addf %gather3A_392, %convert_element_type3A_393 : vector<16xf32>
      tpu.vector_store_idx %arg13[%get3A_387], %add3A_394 masked %unique3A_390 : memref<10240xf32, #tpu.memory_space<vmem>>[vector<16xi32>], vector<16xf32>, vector<16xi1>
      %get3A_395 = arith.constant 1 : i32
      %get3A_396 = arith.index_cast %get3A_395 : i32 to index
      %get3A_397 = arith.constant 16 : index
      %get3A_398 = tpu.vector_load %arg9[%get3A_396, %get3A_397] {strides = array<i32>} : memref<2x40xi32, #tpu.memory_space<vmem>>, vector<16xi32>,
      %broadcast_in_dim3A_399 = arith.constant true
      %broadcast_in_dim3A_400 = vector.broadcast %broadcast_in_dim3A_399 : i1 to vector<16xi1>
      %unique3A_401, %unique3A_402 = tpu.scan_count mask(%broadcast_in_dim3A_400 : vector<16xi1>) value(%get3A_398 : vector<16xi32>) : vector<16xi1>, vector<16xi32>
      %gather3A_403 = tpu.vector_load_idx %arg13[%get3A_398] masked %unique3A_401 : memref<10240xf32, #tpu.memory_space<vmem>>[vector<16xi32>], vector<16xf32>, vector<16xi1>
      %convert_element_type3A_404 = arith.sitofp %unique3A_402 : vector<16xi32> to vector<16xf32>
      %add3A_405 = arith.addf %gather3A_403, %convert_element_type3A_404 : vector<16xf32>
      tpu.vector_store_idx %arg13[%get3A_398], %add3A_405 masked %unique3A_401 : memref<10240xf32, #tpu.memory_space<vmem>>[vector<16xi32>], vector<16xf32>, vector<16xi1>
      %get3A_406 = arith.constant 1 : i32
      %get3A_407 = arith.index_cast %get3A_406 : i32 to index
      %get3A_408 = arith.constant 24 : index
      %get3A_409 = tpu.vector_load %arg9[%get3A_407, %get3A_408] {strides = array<i32>} : memref<2x40xi32, #tpu.memory_space<vmem>>, vector<16xi32>,
      %unique3A_410, %unique3A_411 = tpu.scan_count mask(%ge3A_65 : vector<16xi1>) value(%get3A_409 : vector<16xi32>) : vector<16xi1>, vector<16xi32>
      %gather3A_412 = tpu.vector_load_idx %arg13[%get3A_409] masked %unique3A_410 : memref<10240xf32, #tpu.memory_space<vmem>>[vector<16xi32>], vector<16xf32>, vector<16xi1>
      %convert_element_type3A_413 = arith.sitofp %unique3A_411 : vector<16xi32> to vector<16xf32>
      %add3A_414 = arith.addf %gather3A_412, %convert_element_type3A_413 : vector<16xf32>
      tpu.vector_store_idx %arg13[%get3A_409], %add3A_414 masked %unique3A_410 : memref<10240xf32, #tpu.memory_space<vmem>>[vector<16xi32>], vector<16xf32>, vector<16xi1>
      %dma_wait3A_415 = arith.constant 1 : i32
      %dma_wait3A_416 = arith.constant 1 : i32
      %dma_wait3A_417 = arith.constant 0 : i32
      %dma_wait3A_418 = arith.constant 0 : i32
      %dma_wait3A_419 = tpu.memref_slice %arg11[%dma_wait3A_416, %dma_wait3A_417, %dma_wait3A_418] : memref<2x40x256xf32, #tpu.memory_space<vmem>> -> memref<1x40x256xf32, #tpu.memory_space<vmem>>
      %dma_wait3A_420 = tpu.memref_squeeze %dma_wait3A_419 : memref<1x40x256xf32, #tpu.memory_space<vmem>> -> memref<40x256xf32, #tpu.memory_space<vmem>>
      %dma_wait3A_421 = arith.constant 0 : i32
      %dma_wait3A_422 = tpu.memref_slice %arg8[%dma_wait3A_415, %dma_wait3A_421] : memref<2x40xi32, #tpu.memory_space<vmem>> -> memref<1x40xi32, #tpu.memory_space<vmem>>
      %dma_wait3A_423 = tpu.memref_squeeze %dma_wait3A_422 : memref<1x40xi32, #tpu.memory_space<vmem>> -> memref<40xi32, #tpu.memory_space<vmem>>
      %dma_wait3A_424 = arith.constant 0 : i32
      %dma_wait3A_425 = arith.constant 0 : i32
      %dma_wait3A_426 = tpu.memref_slice %arg2[%dma_wait3A_424, %dma_wait3A_425] : memref<10240x256xf32, #tpu.memory_space<hbm>> -> memref<10240x256xf32, #tpu.memory_space<hbm>>
      tpu.wait_indirect_dma semaphore(%arg20 : memref<!tpu.dma_semaphore, #tpu.memory_space<semaphore_mem>>) src(%dma_wait3A_426 : memref<10240x256xf32, #tpu.memory_space<hbm>>) dst(%dma_wait3A_420 : memref<40x256xf32, #tpu.memory_space<vmem>>)
      %dma_wait3A_427 = arith.constant 1 : i32
      %dma_wait3A_428 = arith.constant 1 : i32
      %dma_wait3A_429 = arith.constant 0 : i32
      %dma_wait3A_430 = arith.constant 0 : i32
      %dma_wait3A_431 = tpu.memref_slice %arg12[%dma_wait3A_428, %dma_wait3A_429, %dma_wait3A_430] : memref<2x40x128xf32, #tpu.memory_space<vmem>> -> memref<1x40x128xf32, #tpu.memory_space<vmem>>
      %dma_wait3A_432 = tpu.memref_squeeze %dma_wait3A_431 : memref<1x40x128xf32, #tpu.memory_space<vmem>> -> memref<40x128xf32, #tpu.memory_space<vmem>>
      %dma_wait3A_433 = arith.constant 0 : i32
      %dma_wait3A_434 = tpu.memref_slice %arg9[%dma_wait3A_427, %dma_wait3A_433] : memref<2x40xi32, #tpu.memory_space<vmem>> -> memref<1x40xi32, #tpu.memory_space<vmem>>
      %dma_wait3A_435 = tpu.memref_squeeze %dma_wait3A_434 : memref<1x40xi32, #tpu.memory_space<vmem>> -> memref<40xi32, #tpu.memory_space<vmem>>
      %dma_wait3A_436 = arith.constant 0 : i32
      %dma_wait3A_437 = arith.constant 0 : i32
      %dma_wait3A_438 = tpu.memref_slice %arg3[%dma_wait3A_436, %dma_wait3A_437] : memref<10240x128xf32, #tpu.memory_space<hbm>> -> memref<10240x128xf32, #tpu.memory_space<hbm>>
      tpu.wait_indirect_dma semaphore(%arg22 : memref<!tpu.dma_semaphore, #tpu.memory_space<semaphore_mem>>) src(%dma_wait3A_438 : memref<10240x128xf32, #tpu.memory_space<hbm>>) dst(%dma_wait3A_432 : memref<40x128xf32, #tpu.memory_space<vmem>>)
      %get3A_439 = arith.constant 1 : i32
      %get3A_440 = arith.index_cast %get3A_439 : i32 to index
      %get3A_441 = arith.constant 0 : index
      %get3A_442 = tpu.vector_load %arg9[%get3A_440, %get3A_441] {strides = array<i32>} : memref<2x40xi32, #tpu.memory_space<vmem>>, vector<16xi32>,
      %swap3A_443 = arith.constant 1 : i32
      %swap3A_444 = arith.index_cast %swap3A_443 : i32 to index
      %swap3A_445 = arith.constant 0 : index
      %swap3A_446 = tpu.vector_load %arg10[%swap3A_444, %swap3A_445] {strides = array<i32>} : memref<2x40xi32, #tpu.memory_space<vmem>>, vector<16xi32>,
      tpu.vector_store %arg10[%swap3A_444, %swap3A_445], %get3A_442 {strides = array<i32>} : memref<2x40xi32, #tpu.memory_space<vmem>>, vector<16xi32>,
      %get3A_447 = arith.constant 1 : i32
      %get3A_448 = arith.index_cast %get3A_447 : i32 to index
      %get3A_449 = arith.constant 16 : index
      %get3A_450 = tpu.vector_load %arg9[%get3A_448, %get3A_449] {strides = array<i32>} : memref<2x40xi32, #tpu.memory_space<vmem>>, vector<16xi32>,
      %swap3A_451 = arith.constant 1 : i32
      %swap3A_452 = arith.index_cast %swap3A_451 : i32 to index
      %swap3A_453 = arith.constant 16 : index
      %swap3A_454 = tpu.vector_load %arg10[%swap3A_452, %swap3A_453] {strides = array<i32>} : memref<2x40xi32, #tpu.memory_space<vmem>>, vector<16xi32>,
      tpu.vector_store %arg10[%swap3A_452, %swap3A_453], %get3A_450 {strides = array<i32>} : memref<2x40xi32, #tpu.memory_space<vmem>>, vector<16xi32>,
      %get3A_455 = arith.constant 1 : i32
      %get3A_456 = arith.index_cast %get3A_455 : i32 to index
      %get3A_457 = arith.constant 24 : index
      %get3A_458 = tpu.vector_load %arg9[%get3A_456, %get3A_457] {strides = array<i32>} : memref<2x40xi32, #tpu.memory_space<vmem>>, vector<16xi32>,
      %swap3A_459 = arith.constant 1 : i32
      %swap3A_460 = arith.index_cast %swap3A_459 : i32 to index
      %swap3A_461 = arith.constant 24 : index
      %swap3A_462 = tpu.vector_load %arg10[%swap3A_460, %swap3A_461] {strides = array<i32>} : memref<2x40xi32, #tpu.memory_space<vmem>>, vector<16xi32>,
      tpu.vector_store %arg10[%swap3A_460, %swap3A_461], %get3A_458 {strides = array<i32>} : memref<2x40xi32, #tpu.memory_space<vmem>>, vector<16xi32>,
      %scan3A_463 = arith.constant 0 : i32
      %scan3A_464 = arith.constant 0 : i32
      %scan3A_465 = arith.constant 40 : i32
      %scan3A_466 = arith.addi %scan3A_464, %scan3A_465 : i32
      %scan3A_467 = arith.constant 2 : i32
      %scan3A_468 = scf.for %scan3A_490 = %scan3A_464 to %scan3A_466 step %scan3A_467 iter_args(%scan3A_491 = %scan3A_463) -> (i32)  : i32 {
        %get3A_492 = arith.constant 1 : i32
        %get3A_493 = arith.index_cast %get3A_492 : i32 to index
        %get3A_494 = arith.index_cast %scan3A_490 : i32 to index
        %get3A_495 = arith.constant 0 : index
        %get3A_496 = tpu.vector_load %arg11[%get3A_493, %get3A_494, %get3A_495] {strides = array<i32>} : memref<2x40x256xf32, #tpu.memory_space<vmem>>, vector<16xf32>,
        %get3A_497 = arith.constant 1 : i32
        %get3A_498 = arith.index_cast %get3A_497 : i32 to index
        %get3A_499 = arith.index_cast %scan3A_490 : i32 to index
        %get3A_500 = arith.constant 128 : index
        %get3A_501 = tpu.vector_load %arg11[%get3A_498, %get3A_499, %get3A_500] {strides = array<i32>} : memref<2x40x256xf32, #tpu.memory_space<vmem>>, vector<16xf32>,
        %get3A_502 = arith.constant 1 : i32
        %get3A_503 = arith.index_cast %get3A_502 : i32 to index
        %get3A_504 = arith.index_cast %scan3A_490 : i32 to index
        %get3A_505 = arith.constant 0 : index
        %get3A_506 = tpu.vector_load %arg12[%get3A_503, %get3A_504, %get3A_505] {strides = array<i32>} : memref<2x40x128xf32, #tpu.memory_space<vmem>>, vector<16xf32>,
        %add3A_507 = arith.addf %get3A_501, %get3A_506 : vector<16xf32>
        %neg3A = arith.constant 0.000000e+00 : f32
        %neg3A_508 = vector.broadcast %neg3A : f32 to vector<16xf32>
        %neg3A_509 = arith.subf %neg3A_508, %add3A_507 : vector<16xf32>
        %exp3A = math.exp %neg3A_509 : vector<16xf32>
        %add3A_510 = arith.constant 1.000000e+00 : f32
        %add3A_511 = vector.broadcast %add3A_510 : f32 to vector<16xf32>
        %add3A_512 = arith.addf %add3A_511, %exp3A : vector<16xf32>
        %div3A = arith.divf %get3A_496, %add3A_512 : vector<16xf32>
        %get3A_513 = arith.constant 1 : i32
        %get3A_514 = arith.index_cast %get3A_513 : i32 to index
        %get3A_515 = arith.index_cast %scan3A_490 : i32 to index
        %get3A_516 = arith.constant 16 : index
        %get3A_517 = tpu.vector_load %arg11[%get3A_514, %get3A_515, %get3A_516] {strides = array<i32>} : memref<2x40x256xf32, #tpu.memory_space<vmem>>, vector<16xf32>,
        %get3A_518 = arith.constant 1 : i32
        %get3A_519 = arith.index_cast %get3A_518 : i32 to index
        %get3A_520 = arith.index_cast %scan3A_490 : i32 to index
        %get3A_521 = arith.constant 144 : index
        %get3A_522 = tpu.vector_load %arg11[%get3A_519, %get3A_520, %get3A_521] {strides = array<i32>} : memref<2x40x256xf32, #tpu.memory_space<vmem>>, vector<16xf32>,
        %get3A_523 = arith.constant 1 : i32
        %get3A_524 = arith.index_cast %get3A_523 : i32 to index
        %get3A_525 = arith.index_cast %scan3A_490 : i32 to index
        %get3A_526 = arith.constant 16 : index
        %get3A_527 = tpu.vector_load %arg12[%get3A_524, %get3A_525, %get3A_526] {strides = array<i32>} : memref<2x40x128xf32, #tpu.memory_space<vmem>>, vector<16xf32>,
        %add3A_528 = arith.addf %get3A_522, %get3A_527 : vector<16xf32>
        %neg3A_529 = arith.constant 0.000000e+00 : f32
        %neg3A_530 = vector.broadcast %neg3A_529 : f32 to vector<16xf32>
        %neg3A_531 = arith.subf %neg3A_530, %add3A_528 : vector<16xf32>
        %exp3A_532 = math.exp %neg3A_531 : vector<16xf32>
        %add3A_533 = arith.constant 1.000000e+00 : f32
        %add3A_534 = vector.broadcast %add3A_533 : f32 to vector<16xf32>
        %add3A_535 = arith.addf %add3A_534, %exp3A_532 : vector<16xf32>
        %div3A_536 = arith.divf %get3A_517, %add3A_535 : vector<16xf32>
        %get3A_537 = arith.constant 1 : i32
        %get3A_538 = arith.index_cast %get3A_537 : i32 to index
        %get3A_539 = arith.index_cast %scan3A_490 : i32 to index
        %get3A_540 = arith.constant 32 : index
        %get3A_541 = tpu.vector_load %arg11[%get3A_538, %get3A_539, %get3A_540] {strides = array<i32>} : memref<2x40x256xf32, #tpu.memory_space<vmem>>, vector<16xf32>,
        %get3A_542 = arith.constant 1 : i32
        %get3A_543 = arith.index_cast %get3A_542 : i32 to index
        %get3A_544 = arith.index_cast %scan3A_490 : i32 to index
        %get3A_545 = arith.constant 160 : index
        %get3A_546 = tpu.vector_load %arg11[%get3A_543, %get3A_544, %get3A_545] {strides = array<i32>} : memref<2x40x256xf32, #tpu.memory_space<vmem>>, vector<16xf32>,
        %get3A_547 = arith.constant 1 : i32
        %get3A_548 = arith.index_cast %get3A_547 : i32 to index
        %get3A_549 = arith.index_cast %scan3A_490 : i32 to index
        %get3A_550 = arith.constant 32 : index
        %get3A_551 = tpu.vector_load %arg12[%get3A_548, %get3A_549, %get3A_550] {strides = array<i32>} : memref<2x40x128xf32, #tpu.memory_space<vmem>>, vector<16xf32>,
        %add3A_552 = arith.addf %get3A_546, %get3A_551 : vector<16xf32>
        %neg3A_553 = arith.constant 0.000000e+00 : f32
        %neg3A_554 = vector.broadcast %neg3A_553 : f32 to vector<16xf32>
        %neg3A_555 = arith.subf %neg3A_554, %add3A_552 : vector<16xf32>
        %exp3A_556 = math.exp %neg3A_555 : vector<16xf32>
        %add3A_557 = arith.constant 1.000000e+00 : f32
        %add3A_558 = vector.broadcast %add3A_557 : f32 to vector<16xf32>
        %add3A_559 = arith.addf %add3A_558, %exp3A_556 : vector<16xf32>
        %div3A_560 = arith.divf %get3A_541, %add3A_559 : vector<16xf32>
        %get3A_561 = arith.constant 1 : i32
        %get3A_562 = arith.index_cast %get3A_561 : i32 to index
        %get3A_563 = arith.index_cast %scan3A_490 : i32 to index
        %get3A_564 = arith.constant 48 : index
        %get3A_565 = tpu.vector_load %arg11[%get3A_562, %get3A_563, %get3A_564] {strides = array<i32>} : memref<2x40x256xf32, #tpu.memory_space<vmem>>, vector<16xf32>,
        %get3A_566 = arith.constant 1 : i32
        %get3A_567 = arith.index_cast %get3A_566 : i32 to index
        %get3A_568 = arith.index_cast %scan3A_490 : i32 to index
        %get3A_569 = arith.constant 176 : index
        %get3A_570 = tpu.vector_load %arg11[%get3A_567, %get3A_568, %get3A_569] {strides = array<i32>} : memref<2x40x256xf32, #tpu.memory_space<vmem>>, vector<16xf32>,
        %get3A_571 = arith.constant 1 : i32
        %get3A_572 = arith.index_cast %get3A_571 : i32 to index
        %get3A_573 = arith.index_cast %scan3A_490 : i32 to index
        %get3A_574 = arith.constant 48 : index
        %get3A_575 = tpu.vector_load %arg12[%get3A_572, %get3A_573, %get3A_574] {strides = array<i32>} : memref<2x40x128xf32, #tpu.memory_space<vmem>>, vector<16xf32>,
        %add3A_576 = arith.addf %get3A_570, %get3A_575 : vector<16xf32>
        %neg3A_577 = arith.constant 0.000000e+00 : f32
        %neg3A_578 = vector.broadcast %neg3A_577 : f32 to vector<16xf32>
        %neg3A_579 = arith.subf %neg3A_578, %add3A_576 : vector<16xf32>
        %exp3A_580 = math.exp %neg3A_579 : vector<16xf32>
        %add3A_581 = arith.constant 1.000000e+00 : f32
        %add3A_582 = vector.broadcast %add3A_581 : f32 to vector<16xf32>
        %add3A_583 = arith.addf %add3A_582, %exp3A_580 : vector<16xf32>
        %div3A_584 = arith.divf %get3A_565, %add3A_583 : vector<16xf32>
        %get3A_585 = arith.constant 1 : i32
        %get3A_586 = arith.index_cast %get3A_585 : i32 to index
        %get3A_587 = arith.index_cast %scan3A_490 : i32 to index
        %get3A_588 = arith.constant 64 : index
        %get3A_589 = tpu.vector_load %arg11[%get3A_586, %get3A_587, %get3A_588] {strides = array<i32>} : memref<2x40x256xf32, #tpu.memory_space<vmem>>, vector<16xf32>,
        %get3A_590 = arith.constant 1 : i32
        %get3A_591 = arith.index_cast %get3A_590 : i32 to index
        %get3A_592 = arith.index_cast %scan3A_490 : i32 to index
        %get3A_593 = arith.constant 192 : index
        %get3A_594 = tpu.vector_load %arg11[%get3A_591, %get3A_592, %get3A_593] {strides = array<i32>} : memref<2x40x256xf32, #tpu.memory_space<vmem>>, vector<16xf32>,
        %get3A_595 = arith.constant 1 : i32
        %get3A_596 = arith.index_cast %get3A_595 : i32 to index
        %get3A_597 = arith.index_cast %scan3A_490 : i32 to index
        %get3A_598 = arith.constant 64 : index
        %get3A_599 = tpu.vector_load %arg12[%get3A_596, %get3A_597, %get3A_598] {strides = array<i32>} : memref<2x40x128xf32, #tpu.memory_space<vmem>>, vector<16xf32>,
        %add3A_600 = arith.addf %get3A_594, %get3A_599 : vector<16xf32>
        %neg3A_601 = arith.constant 0.000000e+00 : f32
        %neg3A_602 = vector.broadcast %neg3A_601 : f32 to vector<16xf32>
        %neg3A_603 = arith.subf %neg3A_602, %add3A_600 : vector<16xf32>
        %exp3A_604 = math.exp %neg3A_603 : vector<16xf32>
        %add3A_605 = arith.constant 1.000000e+00 : f32
        %add3A_606 = vector.broadcast %add3A_605 : f32 to vector<16xf32>
        %add3A_607 = arith.addf %add3A_606, %exp3A_604 : vector<16xf32>
        %div3A_608 = arith.divf %get3A_589, %add3A_607 : vector<16xf32>
        %get3A_609 = arith.constant 1 : i32
        %get3A_610 = arith.index_cast %get3A_609 : i32 to index
        %get3A_611 = arith.index_cast %scan3A_490 : i32 to index
        %get3A_612 = arith.constant 80 : index
        %get3A_613 = tpu.vector_load %arg11[%get3A_610, %get3A_611, %get3A_612] {strides = array<i32>} : memref<2x40x256xf32, #tpu.memory_space<vmem>>, vector<16xf32>,
        %get3A_614 = arith.constant 1 : i32
        %get3A_615 = arith.index_cast %get3A_614 : i32 to index
        %get3A_616 = arith.index_cast %scan3A_490 : i32 to index
        %get3A_617 = arith.constant 208 : index
        %get3A_618 = tpu.vector_load %arg11[%get3A_615, %get3A_616, %get3A_617] {strides = array<i32>} : memref<2x40x256xf32, #tpu.memory_space<vmem>>, vector<16xf32>,
        %get3A_619 = arith.constant 1 : i32
        %get3A_620 = arith.index_cast %get3A_619 : i32 to index
        %get3A_621 = arith.index_cast %scan3A_490 : i32 to index
        %get3A_622 = arith.constant 80 : index
        %get3A_623 = tpu.vector_load %arg12[%get3A_620, %get3A_621, %get3A_622] {strides = array<i32>} : memref<2x40x128xf32, #tpu.memory_space<vmem>>, vector<16xf32>,
        %add3A_624 = arith.addf %get3A_618, %get3A_623 : vector<16xf32>
        %neg3A_625 = arith.constant 0.000000e+00 : f32
        %neg3A_626 = vector.broadcast %neg3A_625 : f32 to vector<16xf32>
        %neg3A_627 = arith.subf %neg3A_626, %add3A_624 : vector<16xf32>
        %exp3A_628 = math.exp %neg3A_627 : vector<16xf32>
        %add3A_629 = arith.constant 1.000000e+00 : f32
        %add3A_630 = vector.broadcast %add3A_629 : f32 to vector<16xf32>
        %add3A_631 = arith.addf %add3A_630, %exp3A_628 : vector<16xf32>
        %div3A_632 = arith.divf %get3A_613, %add3A_631 : vector<16xf32>
        %get3A_633 = arith.constant 1 : i32
        %get3A_634 = arith.index_cast %get3A_633 : i32 to index
        %get3A_635 = arith.index_cast %scan3A_490 : i32 to index
        %get3A_636 = arith.constant 96 : index
        %get3A_637 = tpu.vector_load %arg11[%get3A_634, %get3A_635, %get3A_636] {strides = array<i32>} : memref<2x40x256xf32, #tpu.memory_space<vmem>>, vector<16xf32>,
        %get3A_638 = arith.constant 1 : i32
        %get3A_639 = arith.index_cast %get3A_638 : i32 to index
        %get3A_640 = arith.index_cast %scan3A_490 : i32 to index
        %get3A_641 = arith.constant 224 : index
        %get3A_642 = tpu.vector_load %arg11[%get3A_639, %get3A_640, %get3A_641] {strides = array<i32>} : memref<2x40x256xf32, #tpu.memory_space<vmem>>, vector<16xf32>,
        %get3A_643 = arith.constant 1 : i32
        %get3A_644 = arith.index_cast %get3A_643 : i32 to index
        %get3A_645 = arith.index_cast %scan3A_490 : i32 to index
        %get3A_646 = arith.constant 96 : index
        %get3A_647 = tpu.vector_load %arg12[%get3A_644, %get3A_645, %get3A_646] {strides = array<i32>} : memref<2x40x128xf32, #tpu.memory_space<vmem>>, vector<16xf32>,
        %add3A_648 = arith.addf %get3A_642, %get3A_647 : vector<16xf32>
        %neg3A_649 = arith.constant 0.000000e+00 : f32
        %neg3A_650 = vector.broadcast %neg3A_649 : f32 to vector<16xf32>
        %neg3A_651 = arith.subf %neg3A_650, %add3A_648 : vector<16xf32>
        %exp3A_652 = math.exp %neg3A_651 : vector<16xf32>
        %add3A_653 = arith.constant 1.000000e+00 : f32
        %add3A_654 = vector.broadcast %add3A_653 : f32 to vector<16xf32>
        %add3A_655 = arith.addf %add3A_654, %exp3A_652 : vector<16xf32>
        %div3A_656 = arith.divf %get3A_637, %add3A_655 : vector<16xf32>
        %get3A_657 = arith.constant 1 : i32
        %get3A_658 = arith.index_cast %get3A_657 : i32 to index
        %get3A_659 = arith.index_cast %scan3A_490 : i32 to index
        %get3A_660 = arith.constant 112 : index
        %get3A_661 = tpu.vector_load %arg11[%get3A_658, %get3A_659, %get3A_660] {strides = array<i32>} : memref<2x40x256xf32, #tpu.memory_space<vmem>>, vector<16xf32>,
        %get3A_662 = arith.constant 1 : i32
        %get3A_663 = arith.index_cast %get3A_662 : i32 to index
        %get3A_664 = arith.index_cast %scan3A_490 : i32 to index
        %get3A_665 = arith.constant 240 : index
        %get3A_666 = tpu.vector_load %arg11[%get3A_663, %get3A_664, %get3A_665] {strides = array<i32>} : memref<2x40x256xf32, #tpu.memory_space<vmem>>, vector<16xf32>,
        %get3A_667 = arith.constant 1 : i32
        %get3A_668 = arith.index_cast %get3A_667 : i32 to index
        %get3A_669 = arith.index_cast %scan3A_490 : i32 to index
        %get3A_670 = arith.constant 112 : index
        %get3A_671 = tpu.vector_load %arg12[%get3A_668, %get3A_669, %get3A_670] {strides = array<i32>} : memref<2x40x128xf32, #tpu.memory_space<vmem>>, vector<16xf32>,
        %add3A_672 = arith.addf %get3A_666, %get3A_671 : vector<16xf32>
        %neg3A_673 = arith.constant 0.000000e+00 : f32
        %neg3A_674 = vector.broadcast %neg3A_673 : f32 to vector<16xf32>
        %neg3A_675 = arith.subf %neg3A_674, %add3A_672 : vector<16xf32>
        %exp3A_676 = math.exp %neg3A_675 : vector<16xf32>
        %add3A_677 = arith.constant 1.000000e+00 : f32
        %add3A_678 = vector.broadcast %add3A_677 : f32 to vector<16xf32>
        %add3A_679 = arith.addf %add3A_678, %exp3A_676 : vector<16xf32>
        %div3A_680 = arith.divf %get3A_661, %add3A_679 : vector<16xf32>
        %swap3A_681 = arith.constant 1 : i32
        %swap3A_682 = arith.index_cast %swap3A_681 : i32 to index
        %swap3A_683 = arith.index_cast %scan3A_490 : i32 to index
        %swap3A_684 = arith.constant 0 : index
        %swap3A_685 = tpu.vector_load %arg12[%swap3A_682, %swap3A_683, %swap3A_684] {strides = array<i32>} : memref<2x40x128xf32, #tpu.memory_space<vmem>>, vector<16xf32>,
        tpu.vector_store %arg12[%swap3A_682, %swap3A_683, %swap3A_684], %div3A {strides = array<i32>} : memref<2x40x128xf32, #tpu.memory_space<vmem>>, vector<16xf32>,
        %swap3A_686 = arith.constant 1 : i32
        %swap3A_687 = arith.index_cast %swap3A_686 : i32 to index
        %swap3A_688 = arith.index_cast %scan3A_490 : i32 to index
        %swap3A_689 = arith.constant 16 : index
        %swap3A_690 = tpu.vector_load %arg12[%swap3A_687, %swap3A_688, %swap3A_689] {strides = array<i32>} : memref<2x40x128xf32, #tpu.memory_space<vmem>>, vector<16xf32>,
        tpu.vector_store %arg12[%swap3A_687, %swap3A_688, %swap3A_689], %div3A_536 {strides = array<i32>} : memref<2x40x128xf32, #tpu.memory_space<vmem>>, vector<16xf32>,
        %swap3A_691 = arith.constant 1 : i32
        %swap3A_692 = arith.index_cast %swap3A_691 : i32 to index
        %swap3A_693 = arith.index_cast %scan3A_490 : i32 to index
        %swap3A_694 = arith.constant 32 : index
        %swap3A_695 = tpu.vector_load %arg12[%swap3A_692, %swap3A_693, %swap3A_694] {strides = array<i32>} : memref<2x40x128xf32, #tpu.memory_space<vmem>>, vector<16xf32>,
        tpu.vector_store %arg12[%swap3A_692, %swap3A_693, %swap3A_694], %div3A_560 {strides = array<i32>} : memref<2x40x128xf32, #tpu.memory_space<vmem>>, vector<16xf32>,
        %swap3A_696 = arith.constant 1 : i32
        %swap3A_697 = arith.index_cast %swap3A_696 : i32 to index
        %swap3A_698 = arith.index_cast %scan3A_490 : i32 to index
        %swap3A_699 = arith.constant 48 : index
        %swap3A_700 = tpu.vector_load %arg12[%swap3A_697, %swap3A_698, %swap3A_699] {strides = array<i32>} : memref<2x40x128xf32, #tpu.memory_space<vmem>>, vector<16xf32>,
        tpu.vector_store %arg12[%swap3A_697, %swap3A_698, %swap3A_699], %div3A_584 {strides = array<i32>} : memref<2x40x128xf32, #tpu.memory_space<vmem>>, vector<16xf32>,
        %swap3A_701 = arith.constant 1 : i32
        %swap3A_702 = arith.index_cast %swap3A_701 : i32 to index
        %swap3A_703 = arith.index_cast %scan3A_490 : i32 to index
        %swap3A_704 = arith.constant 64 : index
        %swap3A_705 = tpu.vector_load %arg12[%swap3A_702, %swap3A_703, %swap3A_704] {strides = array<i32>} : memref<2x40x128xf32, #tpu.memory_space<vmem>>, vector<16xf32>,
        tpu.vector_store %arg12[%swap3A_702, %swap3A_703, %swap3A_704], %div3A_608 {strides = array<i32>} : memref<2x40x128xf32, #tpu.memory_space<vmem>>, vector<16xf32>,
        %swap3A_706 = arith.constant 1 : i32
        %swap3A_707 = arith.index_cast %swap3A_706 : i32 to index
        %swap3A_708 = arith.index_cast %scan3A_490 : i32 to index
        %swap3A_709 = arith.constant 80 : index
        %swap3A_710 = tpu.vector_load %arg12[%swap3A_707, %swap3A_708, %swap3A_709] {strides = array<i32>} : memref<2x40x128xf32, #tpu.memory_space<vmem>>, vector<16xf32>,
        tpu.vector_store %arg12[%swap3A_707, %swap3A_708, %swap3A_709], %div3A_632 {strides = array<i32>} : memref<2x40x128xf32, #tpu.memory_space<vmem>>, vector<16xf32>,
        %swap3A_711 = arith.constant 1 : i32
        %swap3A_712 = arith.index_cast %swap3A_711 : i32 to index
        %swap3A_713 = arith.index_cast %scan3A_490 : i32 to index
        %swap3A_714 = arith.constant 96 : index
        %swap3A_715 = tpu.vector_load %arg12[%swap3A_712, %swap3A_713, %swap3A_714] {strides = array<i32>} : memref<2x40x128xf32, #tpu.memory_space<vmem>>, vector<16xf32>,
        tpu.vector_store %arg12[%swap3A_712, %swap3A_713, %swap3A_714], %div3A_656 {strides = array<i32>} : memref<2x40x128xf32, #tpu.memory_space<vmem>>, vector<16xf32>,
        %swap3A_716 = arith.constant 1 : i32
        %swap3A_717 = arith.index_cast %swap3A_716 : i32 to index
        %swap3A_718 = arith.index_cast %scan3A_490 : i32 to index
        %swap3A_719 = arith.constant 112 : index
        %swap3A_720 = tpu.vector_load %arg12[%swap3A_717, %swap3A_718, %swap3A_719] {strides = array<i32>} : memref<2x40x128xf32, #tpu.memory_space<vmem>>, vector<16xf32>,
        tpu.vector_store %arg12[%swap3A_717, %swap3A_718, %swap3A_719], %div3A_680 {strides = array<i32>} : memref<2x40x128xf32, #tpu.memory_space<vmem>>, vector<16xf32>,
        %scan3A_721 = arith.constant 0 : i32
        %scan3A_722 = arith.constant 1 : i32
        %scan3A_723 = arith.addi %scan3A_490, %scan3A_722 : i32
        %get3A_724 = arith.constant 1 : i32
        %get3A_725 = arith.index_cast %get3A_724 : i32 to index
        %get3A_726 = arith.index_cast %scan3A_723 : i32 to index
        %get3A_727 = arith.constant 0 : index
        %get3A_728 = tpu.vector_load %arg11[%get3A_725, %get3A_726, %get3A_727] {strides = array<i32>} : memref<2x40x256xf32, #tpu.memory_space<vmem>>, vector<16xf32>,
        %get3A_729 = arith.constant 1 : i32
        %get3A_730 = arith.index_cast %get3A_729 : i32 to index
        %get3A_731 = arith.index_cast %scan3A_723 : i32 to index
        %get3A_732 = arith.constant 128 : index
        %get3A_733 = tpu.vector_load %arg11[%get3A_730, %get3A_731, %get3A_732] {strides = array<i32>} : memref<2x40x256xf32, #tpu.memory_space<vmem>>, vector<16xf32>,
        %get3A_734 = arith.constant 1 : i32
        %get3A_735 = arith.index_cast %get3A_734 : i32 to index
        %get3A_736 = arith.index_cast %scan3A_723 : i32 to index
        %get3A_737 = arith.constant 0 : index
        %get3A_738 = tpu.vector_load %arg12[%get3A_735, %get3A_736, %get3A_737] {strides = array<i32>} : memref<2x40x128xf32, #tpu.memory_space<vmem>>, vector<16xf32>,
        %add3A_739 = arith.addf %get3A_733, %get3A_738 : vector<16xf32>
        %neg3A_740 = arith.constant 0.000000e+00 : f32
        %neg3A_741 = vector.broadcast %neg3A_740 : f32 to vector<16xf32>
        %neg3A_742 = arith.subf %neg3A_741, %add3A_739 : vector<16xf32>
        %exp3A_743 = math.exp %neg3A_742 : vector<16xf32>
        %add3A_744 = arith.constant 1.000000e+00 : f32
        %add3A_745 = vector.broadcast %add3A_744 : f32 to vector<16xf32>
        %add3A_746 = arith.addf %add3A_745, %exp3A_743 : vector<16xf32>
        %div3A_747 = arith.divf %get3A_728, %add3A_746 : vector<16xf32>
        %get3A_748 = arith.constant 1 : i32
        %get3A_749 = arith.index_cast %get3A_748 : i32 to index
        %get3A_750 = arith.index_cast %scan3A_723 : i32 to index
        %get3A_751 = arith.constant 16 : index
        %get3A_752 = tpu.vector_load %arg11[%get3A_749, %get3A_750, %get3A_751] {strides = array<i32>} : memref<2x40x256xf32, #tpu.memory_space<vmem>>, vector<16xf32>,
        %get3A_753 = arith.constant 1 : i32
        %get3A_754 = arith.index_cast %get3A_753 : i32 to index
        %get3A_755 = arith.index_cast %scan3A_723 : i32 to index
        %get3A_756 = arith.constant 144 : index
        %get3A_757 = tpu.vector_load %arg11[%get3A_754, %get3A_755, %get3A_756] {strides = array<i32>} : memref<2x40x256xf32, #tpu.memory_space<vmem>>, vector<16xf32>,
        %get3A_758 = arith.constant 1 : i32
        %get3A_759 = arith.index_cast %get3A_758 : i32 to index
        %get3A_760 = arith.index_cast %scan3A_723 : i32 to index
        %get3A_761 = arith.constant 16 : index
        %get3A_762 = tpu.vector_load %arg12[%get3A_759, %get3A_760, %get3A_761] {strides = array<i32>} : memref<2x40x128xf32, #tpu.memory_space<vmem>>, vector<16xf32>,
        %add3A_763 = arith.addf %get3A_757, %get3A_762 : vector<16xf32>
        %neg3A_764 = arith.constant 0.000000e+00 : f32
        %neg3A_765 = vector.broadcast %neg3A_764 : f32 to vector<16xf32>
        %neg3A_766 = arith.subf %neg3A_765, %add3A_763 : vector<16xf32>
        %exp3A_767 = math.exp %neg3A_766 : vector<16xf32>
        %add3A_768 = arith.constant 1.000000e+00 : f32
        %add3A_769 = vector.broadcast %add3A_768 : f32 to vector<16xf32>
        %add3A_770 = arith.addf %add3A_769, %exp3A_767 : vector<16xf32>
        %div3A_771 = arith.divf %get3A_752, %add3A_770 : vector<16xf32>
        %get3A_772 = arith.constant 1 : i32
        %get3A_773 = arith.index_cast %get3A_772 : i32 to index
        %get3A_774 = arith.index_cast %scan3A_723 : i32 to index
        %get3A_775 = arith.constant 32 : index
        %get3A_776 = tpu.vector_load %arg11[%get3A_773, %get3A_774, %get3A_775] {strides = array<i32>} : memref<2x40x256xf32, #tpu.memory_space<vmem>>, vector<16xf32>,
        %get3A_777 = arith.constant 1 : i32
        %get3A_778 = arith.index_cast %get3A_777 : i32 to index
        %get3A_779 = arith.index_cast %scan3A_723 : i32 to index
        %get3A_780 = arith.constant 160 : index
        %get3A_781 = tpu.vector_load %arg11[%get3A_778, %get3A_779, %get3A_780] {strides = array<i32>} : memref<2x40x256xf32, #tpu.memory_space<vmem>>, vector<16xf32>,
        %get3A_782 = arith.constant 1 : i32
        %get3A_783 = arith.index_cast %get3A_782 : i32 to index
        %get3A_784 = arith.index_cast %scan3A_723 : i32 to index
        %get3A_785 = arith.constant 32 : index
        %get3A_786 = tpu.vector_load %arg12[%get3A_783, %get3A_784, %get3A_785] {strides = array<i32>} : memref<2x40x128xf32, #tpu.memory_space<vmem>>, vector<16xf32>,
        %add3A_787 = arith.addf %get3A_781, %get3A_786 : vector<16xf32>
        %neg3A_788 = arith.constant 0.000000e+00 : f32
        %neg3A_789 = vector.broadcast %neg3A_788 : f32 to vector<16xf32>
        %neg3A_790 = arith.subf %neg3A_789, %add3A_787 : vector<16xf32>
        %exp3A_791 = math.exp %neg3A_790 : vector<16xf32>
        %add3A_792 = arith.constant 1.000000e+00 : f32
        %add3A_793 = vector.broadcast %add3A_792 : f32 to vector<16xf32>
        %add3A_794 = arith.addf %add3A_793, %exp3A_791 : vector<16xf32>
        %div3A_795 = arith.divf %get3A_776, %add3A_794 : vector<16xf32>
        %get3A_796 = arith.constant 1 : i32
        %get3A_797 = arith.index_cast %get3A_796 : i32 to index
        %get3A_798 = arith.index_cast %scan3A_723 : i32 to index
        %get3A_799 = arith.constant 48 : index
        %get3A_800 = tpu.vector_load %arg11[%get3A_797, %get3A_798, %get3A_799] {strides = array<i32>} : memref<2x40x256xf32, #tpu.memory_space<vmem>>, vector<16xf32>,
        %get3A_801 = arith.constant 1 : i32
        %get3A_802 = arith.index_cast %get3A_801 : i32 to index
        %get3A_803 = arith.index_cast %scan3A_723 : i32 to index
        %get3A_804 = arith.constant 176 : index
        %get3A_805 = tpu.vector_load %arg11[%get3A_802, %get3A_803, %get3A_804] {strides = array<i32>} : memref<2x40x256xf32, #tpu.memory_space<vmem>>, vector<16xf32>,
        %get3A_806 = arith.constant 1 : i32
        %get3A_807 = arith.index_cast %get3A_806 : i32 to index
        %get3A_808 = arith.index_cast %scan3A_723 : i32 to index
        %get3A_809 = arith.constant 48 : index
        %get3A_810 = tpu.vector_load %arg12[%get3A_807, %get3A_808, %get3A_809] {strides = array<i32>} : memref<2x40x128xf32, #tpu.memory_space<vmem>>, vector<16xf32>,
        %add3A_811 = arith.addf %get3A_805, %get3A_810 : vector<16xf32>
        %neg3A_812 = arith.constant 0.000000e+00 : f32
        %neg3A_813 = vector.broadcast %neg3A_812 : f32 to vector<16xf32>
        %neg3A_814 = arith.subf %neg3A_813, %add3A_811 : vector<16xf32>
        %exp3A_815 = math.exp %neg3A_814 : vector<16xf32>
        %add3A_816 = arith.constant 1.000000e+00 : f32
        %add3A_817 = vector.broadcast %add3A_816 : f32 to vector<16xf32>
        %add3A_818 = arith.addf %add3A_817, %exp3A_815 : vector<16xf32>
        %div3A_819 = arith.divf %get3A_800, %add3A_818 : vector<16xf32>
        %get3A_820 = arith.constant 1 : i32
        %get3A_821 = arith.index_cast %get3A_820 : i32 to index
        %get3A_822 = arith.index_cast %scan3A_723 : i32 to index
        %get3A_823 = arith.constant 64 : index
        %get3A_824 = tpu.vector_load %arg11[%get3A_821, %get3A_822, %get3A_823] {strides = array<i32>} : memref<2x40x256xf32, #tpu.memory_space<vmem>>, vector<16xf32>,
        %get3A_825 = arith.constant 1 : i32
        %get3A_826 = arith.index_cast %get3A_825 : i32 to index
        %get3A_827 = arith.index_cast %scan3A_723 : i32 to index
        %get3A_828 = arith.constant 192 : index
        %get3A_829 = tpu.vector_load %arg11[%get3A_826, %get3A_827, %get3A_828] {strides = array<i32>} : memref<2x40x256xf32, #tpu.memory_space<vmem>>, vector<16xf32>,
        %get3A_830 = arith.constant 1 : i32
        %get3A_831 = arith.index_cast %get3A_830 : i32 to index
        %get3A_832 = arith.index_cast %scan3A_723 : i32 to index
        %get3A_833 = arith.constant 64 : index
        %get3A_834 = tpu.vector_load %arg12[%get3A_831, %get3A_832, %get3A_833] {strides = array<i32>} : memref<2x40x128xf32, #tpu.memory_space<vmem>>, vector<16xf32>,
        %add3A_835 = arith.addf %get3A_829, %get3A_834 : vector<16xf32>
        %neg3A_836 = arith.constant 0.000000e+00 : f32
        %neg3A_837 = vector.broadcast %neg3A_836 : f32 to vector<16xf32>
        %neg3A_838 = arith.subf %neg3A_837, %add3A_835 : vector<16xf32>
        %exp3A_839 = math.exp %neg3A_838 : vector<16xf32>
        %add3A_840 = arith.constant 1.000000e+00 : f32
        %add3A_841 = vector.broadcast %add3A_840 : f32 to vector<16xf32>
        %add3A_842 = arith.addf %add3A_841, %exp3A_839 : vector<16xf32>
        %div3A_843 = arith.divf %get3A_824, %add3A_842 : vector<16xf32>
        %get3A_844 = arith.constant 1 : i32
        %get3A_845 = arith.index_cast %get3A_844 : i32 to index
        %get3A_846 = arith.index_cast %scan3A_723 : i32 to index
        %get3A_847 = arith.constant 80 : index
        %get3A_848 = tpu.vector_load %arg11[%get3A_845, %get3A_846, %get3A_847] {strides = array<i32>} : memref<2x40x256xf32, #tpu.memory_space<vmem>>, vector<16xf32>,
        %get3A_849 = arith.constant 1 : i32
        %get3A_850 = arith.index_cast %get3A_849 : i32 to index
        %get3A_851 = arith.index_cast %scan3A_723 : i32 to index
        %get3A_852 = arith.constant 208 : index
        %get3A_853 = tpu.vector_load %arg11[%get3A_850, %get3A_851, %get3A_852] {strides = array<i32>} : memref<2x40x256xf32, #tpu.memory_space<vmem>>, vector<16xf32>,
        %get3A_854 = arith.constant 1 : i32
        %get3A_855 = arith.index_cast %get3A_854 : i32 to index
        %get3A_856 = arith.index_cast %scan3A_723 : i32 to index
        %get3A_857 = arith.constant 80 : index
        %get3A_858 = tpu.vector_load %arg12[%get3A_855, %get3A_856, %get3A_857] {strides = array<i32>} : memref<2x40x128xf32, #tpu.memory_space<vmem>>, vector<16xf32>,
        %add3A_859 = arith.addf %get3A_853, %get3A_858 : vector<16xf32>
        %neg3A_860 = arith.constant 0.000000e+00 : f32
        %neg3A_861 = vector.broadcast %neg3A_860 : f32 to vector<16xf32>
        %neg3A_862 = arith.subf %neg3A_861, %add3A_859 : vector<16xf32>
        %exp3A_863 = math.exp %neg3A_862 : vector<16xf32>
        %add3A_864 = arith.constant 1.000000e+00 : f32
        %add3A_865 = vector.broadcast %add3A_864 : f32 to vector<16xf32>
        %add3A_866 = arith.addf %add3A_865, %exp3A_863 : vector<16xf32>
        %div3A_867 = arith.divf %get3A_848, %add3A_866 : vector<16xf32>
        %get3A_868 = arith.constant 1 : i32
        %get3A_869 = arith.index_cast %get3A_868 : i32 to index
        %get3A_870 = arith.index_cast %scan3A_723 : i32 to index
        %get3A_871 = arith.constant 96 : index
        %get3A_872 = tpu.vector_load %arg11[%get3A_869, %get3A_870, %get3A_871] {strides = array<i32>} : memref<2x40x256xf32, #tpu.memory_space<vmem>>, vector<16xf32>,
        %get3A_873 = arith.constant 1 : i32
        %get3A_874 = arith.index_cast %get3A_873 : i32 to index
        %get3A_875 = arith.index_cast %scan3A_723 : i32 to index
        %get3A_876 = arith.constant 224 : index
        %get3A_877 = tpu.vector_load %arg11[%get3A_874, %get3A_875, %get3A_876] {strides = array<i32>} : memref<2x40x256xf32, #tpu.memory_space<vmem>>, vector<16xf32>,
        %get3A_878 = arith.constant 1 : i32
        %get3A_879 = arith.index_cast %get3A_878 : i32 to index
        %get3A_880 = arith.index_cast %scan3A_723 : i32 to index
        %get3A_881 = arith.constant 96 : index
        %get3A_882 = tpu.vector_load %arg12[%get3A_879, %get3A_880, %get3A_881] {strides = array<i32>} : memref<2x40x128xf32, #tpu.memory_space<vmem>>, vector<16xf32>,
        %add3A_883 = arith.addf %get3A_877, %get3A_882 : vector<16xf32>
        %neg3A_884 = arith.constant 0.000000e+00 : f32
        %neg3A_885 = vector.broadcast %neg3A_884 : f32 to vector<16xf32>
        %neg3A_886 = arith.subf %neg3A_885, %add3A_883 : vector<16xf32>
        %exp3A_887 = math.exp %neg3A_886 : vector<16xf32>
        %add3A_888 = arith.constant 1.000000e+00 : f32
        %add3A_889 = vector.broadcast %add3A_888 : f32 to vector<16xf32>
        %add3A_890 = arith.addf %add3A_889, %exp3A_887 : vector<16xf32>
        %div3A_891 = arith.divf %get3A_872, %add3A_890 : vector<16xf32>
        %get3A_892 = arith.constant 1 : i32
        %get3A_893 = arith.index_cast %get3A_892 : i32 to index
        %get3A_894 = arith.index_cast %scan3A_723 : i32 to index
        %get3A_895 = arith.constant 112 : index
        %get3A_896 = tpu.vector_load %arg11[%get3A_893, %get3A_894, %get3A_895] {strides = array<i32>} : memref<2x40x256xf32, #tpu.memory_space<vmem>>, vector<16xf32>,
        %get3A_897 = arith.constant 1 : i32
        %get3A_898 = arith.index_cast %get3A_897 : i32 to index
        %get3A_899 = arith.index_cast %scan3A_723 : i32 to index
        %get3A_900 = arith.constant 240 : index
        %get3A_901 = tpu.vector_load %arg11[%get3A_898, %get3A_899, %get3A_900] {strides = array<i32>} : memref<2x40x256xf32, #tpu.memory_space<vmem>>, vector<16xf32>,
        %get3A_902 = arith.constant 1 : i32
        %get3A_903 = arith.index_cast %get3A_902 : i32 to index
        %get3A_904 = arith.index_cast %scan3A_723 : i32 to index
        %get3A_905 = arith.constant 112 : index
        %get3A_906 = tpu.vector_load %arg12[%get3A_903, %get3A_904, %get3A_905] {strides = array<i32>} : memref<2x40x128xf32, #tpu.memory_space<vmem>>, vector<16xf32>,
        %add3A_907 = arith.addf %get3A_901, %get3A_906 : vector<16xf32>
        %neg3A_908 = arith.constant 0.000000e+00 : f32
        %neg3A_909 = vector.broadcast %neg3A_908 : f32 to vector<16xf32>
        %neg3A_910 = arith.subf %neg3A_909, %add3A_907 : vector<16xf32>
        %exp3A_911 = math.exp %neg3A_910 : vector<16xf32>
        %add3A_912 = arith.constant 1.000000e+00 : f32
        %add3A_913 = vector.broadcast %add3A_912 : f32 to vector<16xf32>
        %add3A_914 = arith.addf %add3A_913, %exp3A_911 : vector<16xf32>
        %div3A_915 = arith.divf %get3A_896, %add3A_914 : vector<16xf32>
        %swap3A_916 = arith.constant 1 : i32
        %swap3A_917 = arith.index_cast %swap3A_916 : i32 to index
        %swap3A_918 = arith.index_cast %scan3A_723 : i32 to index
        %swap3A_919 = arith.constant 0 : index
        %swap3A_920 = tpu.vector_load %arg12[%swap3A_917, %swap3A_918, %swap3A_919] {strides = array<i32>} : memref<2x40x128xf32, #tpu.memory_space<vmem>>, vector<16xf32>,
        tpu.vector_store %arg12[%swap3A_917, %swap3A_918, %swap3A_919], %div3A_747 {strides = array<i32>} : memref<2x40x128xf32, #tpu.memory_space<vmem>>, vector<16xf32>,
        %swap3A_921 = arith.constant 1 : i32
        %swap3A_922 = arith.index_cast %swap3A_921 : i32 to index
        %swap3A_923 = arith.index_cast %scan3A_723 : i32 to index
        %swap3A_924 = arith.constant 16 : index
        %swap3A_925 = tpu.vector_load %arg12[%swap3A_922, %swap3A_923, %swap3A_924] {strides = array<i32>} : memref<2x40x128xf32, #tpu.memory_space<vmem>>, vector<16xf32>,
        tpu.vector_store %arg12[%swap3A_922, %swap3A_923, %swap3A_924], %div3A_771 {strides = array<i32>} : memref<2x40x128xf32, #tpu.memory_space<vmem>>, vector<16xf32>,
        %swap3A_926 = arith.constant 1 : i32
        %swap3A_927 = arith.index_cast %swap3A_926 : i32 to index
        %swap3A_928 = arith.index_cast %scan3A_723 : i32 to index
        %swap3A_929 = arith.constant 32 : index
        %swap3A_930 = tpu.vector_load %arg12[%swap3A_927, %swap3A_928, %swap3A_929] {strides = array<i32>} : memref<2x40x128xf32, #tpu.memory_space<vmem>>, vector<16xf32>,
        tpu.vector_store %arg12[%swap3A_927, %swap3A_928, %swap3A_929], %div3A_795 {strides = array<i32>} : memref<2x40x128xf32, #tpu.memory_space<vmem>>, vector<16xf32>,
        %swap3A_931 = arith.constant 1 : i32
        %swap3A_932 = arith.index_cast %swap3A_931 : i32 to index
        %swap3A_933 = arith.index_cast %scan3A_723 : i32 to index
        %swap3A_934 = arith.constant 48 : index
        %swap3A_935 = tpu.vector_load %arg12[%swap3A_932, %swap3A_933, %swap3A_934] {strides = array<i32>} : memref<2x40x128xf32, #tpu.memory_space<vmem>>, vector<16xf32>,
        tpu.vector_store %arg12[%swap3A_932, %swap3A_933, %swap3A_934], %div3A_819 {strides = array<i32>} : memref<2x40x128xf32, #tpu.memory_space<vmem>>, vector<16xf32>,
        %swap3A_936 = arith.constant 1 : i32
        %swap3A_937 = arith.index_cast %swap3A_936 : i32 to index
        %swap3A_938 = arith.index_cast %scan3A_723 : i32 to index
        %swap3A_939 = arith.constant 64 : index
        %swap3A_940 = tpu.vector_load %arg12[%swap3A_937, %swap3A_938, %swap3A_939] {strides = array<i32>} : memref<2x40x128xf32, #tpu.memory_space<vmem>>, vector<16xf32>,
        tpu.vector_store %arg12[%swap3A_937, %swap3A_938, %swap3A_939], %div3A_843 {strides = array<i32>} : memref<2x40x128xf32, #tpu.memory_space<vmem>>, vector<16xf32>,
        %swap3A_941 = arith.constant 1 : i32
        %swap3A_942 = arith.index_cast %swap3A_941 : i32 to index
        %swap3A_943 = arith.index_cast %scan3A_723 : i32 to index
        %swap3A_944 = arith.constant 80 : index
        %swap3A_945 = tpu.vector_load %arg12[%swap3A_942, %swap3A_943, %swap3A_944] {strides = array<i32>} : memref<2x40x128xf32, #tpu.memory_space<vmem>>, vector<16xf32>,
        tpu.vector_store %arg12[%swap3A_942, %swap3A_943, %swap3A_944], %div3A_867 {strides = array<i32>} : memref<2x40x128xf32, #tpu.memory_space<vmem>>, vector<16xf32>,
        %swap3A_946 = arith.constant 1 : i32
        %swap3A_947 = arith.index_cast %swap3A_946 : i32 to index
        %swap3A_948 = arith.index_cast %scan3A_723 : i32 to index
        %swap3A_949 = arith.constant 96 : index
        %swap3A_950 = tpu.vector_load %arg12[%swap3A_947, %swap3A_948, %swap3A_949] {strides = array<i32>} : memref<2x40x128xf32, #tpu.memory_space<vmem>>, vector<16xf32>,
        tpu.vector_store %arg12[%swap3A_947, %swap3A_948, %swap3A_949], %div3A_891 {strides = array<i32>} : memref<2x40x128xf32, #tpu.memory_space<vmem>>, vector<16xf32>,
        %swap3A_951 = arith.constant 1 : i32
        %swap3A_952 = arith.index_cast %swap3A_951 : i32 to index
        %swap3A_953 = arith.index_cast %scan3A_723 : i32 to index
        %swap3A_954 = arith.constant 112 : index
        %swap3A_955 = tpu.vector_load %arg12[%swap3A_952, %swap3A_953, %swap3A_954] {strides = array<i32>} : memref<2x40x128xf32, #tpu.memory_space<vmem>>, vector<16xf32>,
        tpu.vector_store %arg12[%swap3A_952, %swap3A_953, %swap3A_954], %div3A_915 {strides = array<i32>} : memref<2x40x128xf32, #tpu.memory_space<vmem>>, vector<16xf32>,
        %scan3A_956 = arith.constant 0 : i32
        scf.yield %scan3A_956 : i32
      }
      %scan3A_469 = arith.constant 40 : i32
      %dma_start3A_470 = arith.constant 1 : i32
      %dma_start3A_471 = arith.constant 1 : i32
      %dma_start3A_472 = arith.constant 0 : i32
      %dma_start3A_473 = arith.constant 0 : i32
      %dma_start3A_474 = tpu.memref_slice %arg12[%dma_start3A_470, %dma_start3A_472, %dma_start3A_473] : memref<2x40x128xf32, #tpu.memory_space<vmem>> -> memref<1x40x128xf32, #tpu.memory_space<vmem>>
      %dma_start3A_475 = tpu.memref_squeeze %dma_start3A_474 : memref<1x40x128xf32, #tpu.memory_space<vmem>> -> memref<40x128xf32, #tpu.memory_space<vmem>>
      %dma_start3A_476 = arith.constant 0 : i32
      %dma_start3A_477 = tpu.memref_slice %arg10[%dma_start3A_471, %dma_start3A_476] : memref<2x40xi32, #tpu.memory_space<vmem>> -> memref<1x40xi32, #tpu.memory_space<vmem>>
      %dma_start3A_478 = tpu.memref_squeeze %dma_start3A_477 : memref<1x40xi32, #tpu.memory_space<vmem>> -> memref<40xi32, #tpu.memory_space<vmem>>
      %dma_start3A_479 = arith.constant 0 : i32
      %dma_start3A_480 = arith.constant 0 : i32
      %dma_start3A_481 = tpu.memref_slice %arg14[%dma_start3A_479, %dma_start3A_480] : memref<10240x128xf32, #tpu.memory_space<vmem_shared>> -> memref<10240x128xf32, #tpu.memory_space<vmem_shared>>
      tpu.enqueue_indirect_dma source(%dma_start3A_475 : memref<40x128xf32, #tpu.memory_space<vmem>>) target(%dma_start3A_481 : memref<10240x128xf32, #tpu.memory_space<vmem_shared>>) offsets(%dma_start3A_478 : memref<40xi32, #tpu.memory_space<vmem>>) semaphore(%arg24 : memref<!tpu.dma_semaphore, #tpu.memory_space<semaphore_mem>>) {add = true}
      %add3A_482 = arith.constant 2 : i32
      %add3A_483 = arith.addi %add3A_368, %add3A_482 : i32
      %lt3A_484 = arith.constant 250 : i32
      %lt3A_485 = arith.cmpi slt, %add3A_483, %lt3A_484 : i32
      %convert_element_type3A_486 = arith.extui %lt3A_485 : i1 to i32
      %cond3A_487 = arith.constant 0 : i32
      %cond3A_488 = arith.cmpi ne, %convert_element_type3A_486, %cond3A_487 : i32
      scf.if %cond3A_488 {
        %add3A_490 = arith.constant 2 : i32
        %add3A_491 = arith.addi %add3A_368, %add3A_490 : i32
        %mul3A_492 = arith.constant 4000 : i32
        %mul3A_493 = arith.muli %arg0, %mul3A_492 : i32
        %add3A_494 = arith.addi %mul3A_493, %arg1 : i32
        %mul3A_495 = arith.constant 16 : i32
        %mul3A_496 = arith.muli %add3A_491, %mul3A_495 : i32
        %add3A_497 = arith.addi %add3A_494, %mul3A_496 : i32
        %mul3A_498 = arith.constant 40 : i32
        %mul3A_499 = arith.muli %add3A_497, %mul3A_498 : i32
        %dma_start3A_500 = arith.constant 1 : i32
        %dma_start3A_501 = arith.constant 0 : i32
        %dma_start3A_502 = tpu.memref_slice %arg8[%dma_start3A_500, %dma_start3A_501] : memref<2x40xi32, #tpu.memory_space<vmem>> -> memref<1x40xi32, #tpu.memory_space<vmem>>
        %dma_start3A_503 = tpu.memref_squeeze %dma_start3A_502 : memref<1x40xi32, #tpu.memory_space<vmem>> -> memref<40xi32, #tpu.memory_space<vmem>>
        %dma_start3A_504 = tpu.memref_slice %arg4[%mul3A_499] : memref<320000xi32, #tpu.memory_space<hbm>> -> memref<40xi32, #tpu.memory_space<hbm>>
        %dma_start3A_505 = arith.constant 0 : i32
        %dma_start3A_506 = tpu.memref_slice %arg8[%dma_start3A_500, %dma_start3A_505] : memref<2x40xi32, #tpu.memory_space<vmem>> -> memref<1x40xi32, #tpu.memory_space<vmem>>
        %dma_start3A_507 = tpu.memref_squeeze %dma_start3A_506 : memref<1x40xi32, #tpu.memory_space<vmem>> -> memref<40xi32, #tpu.memory_space<vmem>>
        %dma_start3A_508 = tpu.memref_slice %arg4[%mul3A_499] : memref<320000xi32, #tpu.memory_space<hbm>> -> memref<40xi32, #tpu.memory_space<hbm>>
        tpu.enqueue_dma source(%dma_start3A_508 : memref<40xi32, #tpu.memory_space<hbm>>) target(%dma_start3A_507 : memref<40xi32, #tpu.memory_space<vmem>>) target_semaphore(%arg16 : memref<!tpu.dma_semaphore, #tpu.memory_space<semaphore_mem>>)
        %dma_start3A_509 = arith.constant 1 : i32
        %dma_start3A_510 = arith.constant 0 : i32
        %dma_start3A_511 = tpu.memref_slice %arg9[%dma_start3A_509, %dma_start3A_510] : memref<2x40xi32, #tpu.memory_space<vmem>> -> memref<1x40xi32, #tpu.memory_space<vmem>>
        %dma_start3A_512 = tpu.memref_squeeze %dma_start3A_511 : memref<1x40xi32, #tpu.memory_space<vmem>> -> memref<40xi32, #tpu.memory_space<vmem>>
        %dma_start3A_513 = tpu.memref_slice %arg5[%mul3A_499] : memref<320000xi32, #tpu.memory_space<hbm>> -> memref<40xi32, #tpu.memory_space<hbm>>
        %dma_start3A_514 = arith.constant 0 : i32
        %dma_start3A_515 = tpu.memref_slice %arg9[%dma_start3A_509, %dma_start3A_514] : memref<2x40xi32, #tpu.memory_space<vmem>> -> memref<1x40xi32, #tpu.memory_space<vmem>>
        %dma_start3A_516 = tpu.memref_squeeze %dma_start3A_515 : memref<1x40xi32, #tpu.memory_space<vmem>> -> memref<40xi32, #tpu.memory_space<vmem>>
        %dma_start3A_517 = tpu.memref_slice %arg5[%mul3A_499] : memref<320000xi32, #tpu.memory_space<hbm>> -> memref<40xi32, #tpu.memory_space<hbm>>
        tpu.enqueue_dma source(%dma_start3A_517 : memref<40xi32, #tpu.memory_space<hbm>>) target(%dma_start3A_516 : memref<40xi32, #tpu.memory_space<vmem>>) target_semaphore(%arg18 : memref<!tpu.dma_semaphore, #tpu.memory_space<semaphore_mem>>)
      } else {
      }
      %scan3A_489 = arith.constant 0 : i32
      scf.yield %scan3A_489 : i32
    }
    %scan3A_166 = arith.constant 125 : i32
    %dma_wait3A_167 = arith.constant 1 : i32
    %dma_wait3A_168 = arith.constant 1 : i32
    %dma_wait3A_169 = arith.constant 0 : i32
    %dma_wait3A_170 = arith.constant 0 : i32
    %dma_wait3A_171 = tpu.memref_slice %arg12[%dma_wait3A_167, %dma_wait3A_169, %dma_wait3A_170] : memref<2x40x128xf32, #tpu.memory_space<vmem>> -> memref<1x40x128xf32, #tpu.memory_space<vmem>>
    %dma_wait3A_172 = tpu.memref_squeeze %dma_wait3A_171 : memref<1x40x128xf32, #tpu.memory_space<vmem>> -> memref<40x128xf32, #tpu.memory_space<vmem>>
    %dma_wait3A_173 = arith.constant 0 : i32
    %dma_wait3A_174 = tpu.memref_slice %arg10[%dma_wait3A_168, %dma_wait3A_173] : memref<2x40xi32, #tpu.memory_space<vmem>> -> memref<1x40xi32, #tpu.memory_space<vmem>>
    %dma_wait3A_175 = tpu.memref_squeeze %dma_wait3A_174 : memref<1x40xi32, #tpu.memory_space<vmem>> -> memref<40xi32, #tpu.memory_space<vmem>>
    %dma_wait3A_176 = arith.constant 0 : i32
    %dma_wait3A_177 = arith.constant 0 : i32
    %dma_wait3A_178 = tpu.memref_slice %arg14[%dma_wait3A_176, %dma_wait3A_177] : memref<10240x128xf32, #tpu.memory_space<vmem_shared>> -> memref<10240x128xf32, #tpu.memory_space<vmem_shared>>
    tpu.wait_indirect_dma semaphore(%arg24 : memref<!tpu.dma_semaphore, #tpu.memory_space<semaphore_mem>>) src(%dma_wait3A_172 : memref<40x128xf32, #tpu.memory_space<vmem>>) dst(%dma_wait3A_178 : memref<10240x128xf32, #tpu.memory_space<vmem_shared>>)
    %barrier3A_179 = arith.constant 0 : index
    tpu.barrier barrier_id(%barrier3A_179)
    %add3A_180 = arith.constant 0 : i32
    %add3A_181 = arith.addi %multiple_of3A, %add3A_180 : i32
    %run_scoped3A_182 = arith.constant 0 : i32
    "tpu.region"() ({
      %run_scoped3A_246 = tpu.sem_alloc : memref<!tpu.dma_semaphore, #tpu.memory_space<semaphore_mem>>
      %dma_start3A_247 = arith.constant 0 : i32
      %dma_start3A_248 = arith.constant 0 : i32
      %dma_start3A_249 = tpu.memref_slice %arg12[%run_scoped3A_182, %dma_start3A_247, %dma_start3A_248] : memref<2x40x128xf32, #tpu.memory_space<vmem>> -> memref<1x40x128xf32, #tpu.memory_space<vmem>>
      %dma_start3A_250 = tpu.memref_squeeze %dma_start3A_249 : memref<1x40x128xf32, #tpu.memory_space<vmem>> -> memref<40x128xf32, #tpu.memory_space<vmem>>
      %dma_start3A_251 = arith.constant 0 : i32
      %dma_start3A_252 = tpu.memref_slice %arg14[%add3A_181, %dma_start3A_251] : memref<10240x128xf32, #tpu.memory_space<vmem_shared>> -> memref<40x128xf32, #tpu.memory_space<vmem_shared>>
      %dma_start3A_253 = arith.constant 0 : i32
      %dma_start3A_254 = arith.constant 0 : i32
      %dma_start3A_255 = tpu.memref_slice %arg12[%run_scoped3A_182, %dma_start3A_253, %dma_start3A_254] : memref<2x40x128xf32, #tpu.memory_space<vmem>> -> memref<1x40x128xf32, #tpu.memory_space<vmem>>
      %dma_start3A_256 = tpu.memref_squeeze %dma_start3A_255 : memref<1x40x128xf32, #tpu.memory_space<vmem>> -> memref<40x128xf32, #tpu.memory_space<vmem>>
      %dma_start3A_257 = arith.constant 0 : i32
      %dma_start3A_258 = tpu.memref_slice %arg14[%add3A_181, %dma_start3A_257] : memref<10240x128xf32, #tpu.memory_space<vmem_shared>> -> memref<40x128xf32, #tpu.memory_space<vmem_shared>>
      tpu.enqueue_dma source(%dma_start3A_258 : memref<40x128xf32, #tpu.memory_space<vmem_shared>>) target(%dma_start3A_256 : memref<40x128xf32, #tpu.memory_space<vmem>>) target_semaphore(%run_scoped3A_246 : memref<!tpu.dma_semaphore, #tpu.memory_space<semaphore_mem>>)
      %dma_wait3A_259 = arith.constant 0 : i32
      %dma_wait3A_260 = arith.constant 0 : i32
      %dma_wait3A_261 = tpu.memref_slice %arg12[%run_scoped3A_182, %dma_wait3A_259, %dma_wait3A_260] : memref<2x40x128xf32, #tpu.memory_space<vmem>> -> memref<1x40x128xf32, #tpu.memory_space<vmem>>
      %dma_wait3A_262 = tpu.memref_squeeze %dma_wait3A_261 : memref<1x40x128xf32, #tpu.memory_space<vmem>> -> memref<40x128xf32, #tpu.memory_space<vmem>>
      %dma_wait3A_263 = arith.constant 0 : i32
      %dma_wait3A_264 = tpu.memref_slice %arg14[%add3A_181, %dma_wait3A_263] : memref<10240x128xf32, #tpu.memory_space<vmem_shared>> -> memref<40x128xf32, #tpu.memory_space<vmem_shared>>
      %dma_wait3A_265 = arith.constant 0 : i32
      %dma_wait3A_266 = arith.constant 0 : i32
      %dma_wait3A_267 = tpu.memref_slice %arg12[%run_scoped3A_182, %dma_wait3A_265, %dma_wait3A_266] : memref<2x40x128xf32, #tpu.memory_space<vmem>> -> memref<1x40x128xf32, #tpu.memory_space<vmem>>
      %dma_wait3A_268 = tpu.memref_squeeze %dma_wait3A_267 : memref<1x40x128xf32, #tpu.memory_space<vmem>> -> memref<40x128xf32, #tpu.memory_space<vmem>>
      %dma_wait3A_269 = arith.constant 0 : i32
      %dma_wait3A_270 = tpu.memref_slice %arg14[%add3A_181, %dma_wait3A_269] : memref<10240x128xf32, #tpu.memory_space<vmem_shared>> -> memref<40x128xf32, #tpu.memory_space<vmem_shared>>
      tpu.wait_dma2 semaphore(%run_scoped3A_246 : memref<!tpu.dma_semaphore, #tpu.memory_space<semaphore_mem>>) src(%dma_wait3A_270 : memref<40x128xf32, #tpu.memory_space<vmem_shared>>) dst(%dma_wait3A_268 : memref<40x128xf32, #tpu.memory_space<vmem>>)
      tpu.yield
    }) : () -> ()
    %run_scoped3A_183 = arith.constant 0 : i32
    "tpu.region"() ({
      %run_scoped3A_246 = tpu.sem_alloc : memref<!tpu.dma_semaphore, #tpu.memory_space<semaphore_mem>>
      %dma_start3A_247 = arith.constant 0 : i32
      %dma_start3A_248 = arith.constant 0 : i32
      %dma_start3A_249 = tpu.memref_slice %arg12[%run_scoped3A_183, %dma_start3A_247, %dma_start3A_248] : memref<2x40x128xf32, #tpu.memory_space<vmem>> -> memref<1x40x128xf32, #tpu.memory_space<vmem>>
      %dma_start3A_250 = tpu.memref_squeeze %dma_start3A_249 : memref<1x40x128xf32, #tpu.memory_space<vmem>> -> memref<40x128xf32, #tpu.memory_space<vmem>>
      %dma_start3A_251 = arith.constant 0 : i32
      %dma_start3A_252 = tpu.memref_slice %arg6[%arg0, %add3A_181, %dma_start3A_251] : memref<2x10240x128xf32, #tpu.memory_space<hbm>> -> memref<1x40x128xf32, #tpu.memory_space<hbm>>
      %dma_start3A_253 = tpu.memref_squeeze %dma_start3A_252 : memref<1x40x128xf32, #tpu.memory_space<hbm>> -> memref<40x128xf32, #tpu.memory_space<hbm>>
      %dma_start3A_254 = arith.constant 0 : i32
      %dma_start3A_255 = tpu.memref_slice %arg6[%arg0, %add3A_181, %dma_start3A_254] : memref<2x10240x128xf32, #tpu.memory_space<hbm>> -> memref<1x40x128xf32, #tpu.memory_space<hbm>>
      %dma_start3A_256 = tpu.memref_squeeze %dma_start3A_255 : memref<1x40x128xf32, #tpu.memory_space<hbm>> -> memref<40x128xf32, #tpu.memory_space<hbm>>
      %dma_start3A_257 = arith.constant 0 : i32
      %dma_start3A_258 = arith.constant 0 : i32
      %dma_start3A_259 = tpu.memref_slice %arg12[%run_scoped3A_183, %dma_start3A_257, %dma_start3A_258] : memref<2x40x128xf32, #tpu.memory_space<vmem>> -> memref<1x40x128xf32, #tpu.memory_space<vmem>>
      %dma_start3A_260 = tpu.memref_squeeze %dma_start3A_259 : memref<1x40x128xf32, #tpu.memory_space<vmem>> -> memref<40x128xf32, #tpu.memory_space<vmem>>
      tpu.enqueue_dma source(%dma_start3A_260 : memref<40x128xf32, #tpu.memory_space<vmem>>) target(%dma_start3A_256 : memref<40x128xf32, #tpu.memory_space<hbm>>) target_semaphore(%run_scoped3A_246 : memref<!tpu.dma_semaphore, #tpu.memory_space<semaphore_mem>>)
      %dma_wait3A_261 = arith.constant 0 : i32
      %dma_wait3A_262 = arith.constant 0 : i32
      %dma_wait3A_263 = tpu.memref_slice %arg12[%run_scoped3A_183, %dma_wait3A_261, %dma_wait3A_262] : memref<2x40x128xf32, #tpu.memory_space<vmem>> -> memref<1x40x128xf32, #tpu.memory_space<vmem>>
      %dma_wait3A_264 = tpu.memref_squeeze %dma_wait3A_263 : memref<1x40x128xf32, #tpu.memory_space<vmem>> -> memref<40x128xf32, #tpu.memory_space<vmem>>
      %dma_wait3A_265 = arith.constant 0 : i32
      %dma_wait3A_266 = tpu.memref_slice %arg6[%arg0, %add3A_181, %dma_wait3A_265] : memref<2x10240x128xf32, #tpu.memory_space<hbm>> -> memref<1x40x128xf32, #tpu.memory_space<hbm>>
      %dma_wait3A_267 = tpu.memref_squeeze %dma_wait3A_266 : memref<1x40x128xf32, #tpu.memory_space<hbm>> -> memref<40x128xf32, #tpu.memory_space<hbm>>
      %dma_wait3A_268 = arith.constant 0 : i32
      %dma_wait3A_269 = tpu.memref_slice %arg6[%arg0, %add3A_181, %dma_wait3A_268] : memref<2x10240x128xf32, #tpu.memory_space<hbm>> -> memref<1x40x128xf32, #tpu.memory_space<hbm>>
      %dma_wait3A_270 = tpu.memref_squeeze %dma_wait3A_269 : memref<1x40x128xf32, #tpu.memory_space<hbm>> -> memref<40x128xf32, #tpu.memory_space<hbm>>
      %dma_wait3A_271 = arith.constant 0 : i32
      %dma_wait3A_272 = arith.constant 0 : i32
      %dma_wait3A_273 = tpu.memref_slice %arg12[%run_scoped3A_183, %dma_wait3A_271, %dma_wait3A_272] : memref<2x40x128xf32, #tpu.memory_space<vmem>> -> memref<1x40x128xf32, #tpu.memory_space<vmem>>
      %dma_wait3A_274 = tpu.memref_squeeze %dma_wait3A_273 : memref<1x40x128xf32, #tpu.memory_space<vmem>> -> memref<40x128xf32, #tpu.memory_space<vmem>>
      tpu.wait_dma2 semaphore(%run_scoped3A_246 : memref<!tpu.dma_semaphore, #tpu.memory_space<semaphore_mem>>) src(%dma_wait3A_274 : memref<40x128xf32, #tpu.memory_space<vmem>>) dst(%dma_wait3A_270 : memref<40x128xf32, #tpu.memory_space<hbm>>)
      tpu.yield
    }) : () -> ()
    %add3A_184 = arith.constant 40 : i32
    %add3A_185 = arith.addi %multiple_of3A, %add3A_184 : i32
    %run_scoped3A_186 = arith.constant 0 : i32
    "tpu.region"() ({
      %run_scoped3A_246 = tpu.sem_alloc : memref<!tpu.dma_semaphore, #tpu.memory_space<semaphore_mem>>
      %dma_start3A_247 = arith.constant 0 : i32
      %dma_start3A_248 = arith.constant 0 : i32
      %dma_start3A_249 = tpu.memref_slice %arg12[%run_scoped3A_186, %dma_start3A_247, %dma_start3A_248] : memref<2x40x128xf32, #tpu.memory_space<vmem>> -> memref<1x40x128xf32, #tpu.memory_space<vmem>>
      %dma_start3A_250 = tpu.memref_squeeze %dma_start3A_249 : memref<1x40x128xf32, #tpu.memory_space<vmem>> -> memref<40x128xf32, #tpu.memory_space<vmem>>
      %dma_start3A_251 = arith.constant 0 : i32
      %dma_start3A_252 = tpu.memref_slice %arg14[%add3A_185, %dma_start3A_251] : memref<10240x128xf32, #tpu.memory_space<vmem_shared>> -> memref<40x128xf32, #tpu.memory_space<vmem_shared>>
      %dma_start3A_253 = arith.constant 0 : i32
      %dma_start3A_254 = arith.constant 0 : i32
      %dma_start3A_255 = tpu.memref_slice %arg12[%run_scoped3A_186, %dma_start3A_253, %dma_start3A_254] : memref<2x40x128xf32, #tpu.memory_space<vmem>> -> memref<1x40x128xf32, #tpu.memory_space<vmem>>
      %dma_start3A_256 = tpu.memref_squeeze %dma_start3A_255 : memref<1x40x128xf32, #tpu.memory_space<vmem>> -> memref<40x128xf32, #tpu.memory_space<vmem>>
      %dma_start3A_257 = arith.constant 0 : i32
      %dma_start3A_258 = tpu.memref_slice %arg14[%add3A_185, %dma_start3A_257] : memref<10240x128xf32, #tpu.memory_space<vmem_shared>> -> memref<40x128xf32, #tpu.memory_space<vmem_shared>>
      tpu.enqueue_dma source(%dma_start3A_258 : memref<40x128xf32, #tpu.memory_space<vmem_shared>>) target(%dma_start3A_256 : memref<40x128xf32, #tpu.memory_space<vmem>>) target_semaphore(%run_scoped3A_246 : memref<!tpu.dma_semaphore, #tpu.memory_space<semaphore_mem>>)
      %dma_wait3A_259 = arith.constant 0 : i32
      %dma_wait3A_260 = arith.constant 0 : i32
      %dma_wait3A_261 = tpu.memref_slice %arg12[%run_scoped3A_186, %dma_wait3A_259, %dma_wait3A_260] : memref<2x40x128xf32, #tpu.memory_space<vmem>> -> memref<1x40x128xf32, #tpu.memory_space<vmem>>
      %dma_wait3A_262 = tpu.memref_squeeze %dma_wait3A_261 : memref<1x40x128xf32, #tpu.memory_space<vmem>> -> memref<40x128xf32, #tpu.memory_space<vmem>>
      %dma_wait3A_263 = arith.constant 0 : i32
      %dma_wait3A_264 = tpu.memref_slice %arg14[%add3A_185, %dma_wait3A_263] : memref<10240x128xf32, #tpu.memory_space<vmem_shared>> -> memref<40x128xf32, #tpu.memory_space<vmem_shared>>
      %dma_wait3A_265 = arith.constant 0 : i32
      %dma_wait3A_266 = arith.constant 0 : i32
      %dma_wait3A_267 = tpu.memref_slice %arg12[%run_scoped3A_186, %dma_wait3A_265, %dma_wait3A_266] : memref<2x40x128xf32, #tpu.memory_space<vmem>> -> memref<1x40x128xf32, #tpu.memory_space<vmem>>
      %dma_wait3A_268 = tpu.memref_squeeze %dma_wait3A_267 : memref<1x40x128xf32, #tpu.memory_space<vmem>> -> memref<40x128xf32, #tpu.memory_space<vmem>>
      %dma_wait3A_269 = arith.constant 0 : i32
      %dma_wait3A_270 = tpu.memref_slice %arg14[%add3A_185, %dma_wait3A_269] : memref<10240x128xf32, #tpu.memory_space<vmem_shared>> -> memref<40x128xf32, #tpu.memory_space<vmem_shared>>
      tpu.wait_dma2 semaphore(%run_scoped3A_246 : memref<!tpu.dma_semaphore, #tpu.memory_space<semaphore_mem>>) src(%dma_wait3A_270 : memref<40x128xf32, #tpu.memory_space<vmem_shared>>) dst(%dma_wait3A_268 : memref<40x128xf32, #tpu.memory_space<vmem>>)
      tpu.yield
    }) : () -> ()
    %run_scoped3A_187 = arith.constant 0 : i32
    "tpu.region"() ({
      %run_scoped3A_246 = tpu.sem_alloc : memref<!tpu.dma_semaphore, #tpu.memory_space<semaphore_mem>>
      %dma_start3A_247 = arith.constant 0 : i32
      %dma_start3A_248 = arith.constant 0 : i32
      %dma_start3A_249 = tpu.memref_slice %arg12[%run_scoped3A_187, %dma_start3A_247, %dma_start3A_248] : memref<2x40x128xf32, #tpu.memory_space<vmem>> -> memref<1x40x128xf32, #tpu.memory_space<vmem>>
      %dma_start3A_250 = tpu.memref_squeeze %dma_start3A_249 : memref<1x40x128xf32, #tpu.memory_space<vmem>> -> memref<40x128xf32, #tpu.memory_space<vmem>>
      %dma_start3A_251 = arith.constant 0 : i32
      %dma_start3A_252 = tpu.memref_slice %arg6[%arg0, %add3A_185, %dma_start3A_251] : memref<2x10240x128xf32, #tpu.memory_space<hbm>> -> memref<1x40x128xf32, #tpu.memory_space<hbm>>
      %dma_start3A_253 = tpu.memref_squeeze %dma_start3A_252 : memref<1x40x128xf32, #tpu.memory_space<hbm>> -> memref<40x128xf32, #tpu.memory_space<hbm>>
      %dma_start3A_254 = arith.constant 0 : i32
      %dma_start3A_255 = tpu.memref_slice %arg6[%arg0, %add3A_185, %dma_start3A_254] : memref<2x10240x128xf32, #tpu.memory_space<hbm>> -> memref<1x40x128xf32, #tpu.memory_space<hbm>>
      %dma_start3A_256 = tpu.memref_squeeze %dma_start3A_255 : memref<1x40x128xf32, #tpu.memory_space<hbm>> -> memref<40x128xf32, #tpu.memory_space<hbm>>
      %dma_start3A_257 = arith.constant 0 : i32
      %dma_start3A_258 = arith.constant 0 : i32
      %dma_start3A_259 = tpu.memref_slice %arg12[%run_scoped3A_187, %dma_start3A_257, %dma_start3A_258] : memref<2x40x128xf32, #tpu.memory_space<vmem>> -> memref<1x40x128xf32, #tpu.memory_space<vmem>>
      %dma_start3A_260 = tpu.memref_squeeze %dma_start3A_259 : memref<1x40x128xf32, #tpu.memory_space<vmem>> -> memref<40x128xf32, #tpu.memory_space<vmem>>
      tpu.enqueue_dma source(%dma_start3A_260 : memref<40x128xf32, #tpu.memory_space<vmem>>) target(%dma_start3A_256 : memref<40x128xf32, #tpu.memory_space<hbm>>) target_semaphore(%run_scoped3A_246 : memref<!tpu.dma_semaphore, #tpu.memory_space<semaphore_mem>>)
      %dma_wait3A_261 = arith.constant 0 : i32
      %dma_wait3A_262 = arith.constant 0 : i32
      %dma_wait3A_263 = tpu.memref_slice %arg12[%run_scoped3A_187, %dma_wait3A_261, %dma_wait3A_262] : memref<2x40x128xf32, #tpu.memory_space<vmem>> -> memref<1x40x128xf32, #tpu.memory_space<vmem>>
      %dma_wait3A_264 = tpu.memref_squeeze %dma_wait3A_263 : memref<1x40x128xf32, #tpu.memory_space<vmem>> -> memref<40x128xf32, #tpu.memory_space<vmem>>
      %dma_wait3A_265 = arith.constant 0 : i32
      %dma_wait3A_266 = tpu.memref_slice %arg6[%arg0, %add3A_185, %dma_wait3A_265] : memref<2x10240x128xf32, #tpu.memory_space<hbm>> -> memref<1x40x128xf32, #tpu.memory_space<hbm>>
      %dma_wait3A_267 = tpu.memref_squeeze %dma_wait3A_266 : memref<1x40x128xf32, #tpu.memory_space<hbm>> -> memref<40x128xf32, #tpu.memory_space<hbm>>
      %dma_wait3A_268 = arith.constant 0 : i32
      %dma_wait3A_269 = tpu.memref_slice %arg6[%arg0, %add3A_185, %dma_wait3A_268] : memref<2x10240x128xf32, #tpu.memory_space<hbm>> -> memref<1x40x128xf32, #tpu.memory_space<hbm>>
      %dma_wait3A_270 = tpu.memref_squeeze %dma_wait3A_269 : memref<1x40x128xf32, #tpu.memory_space<hbm>> -> memref<40x128xf32, #tpu.memory_space<hbm>>
      %dma_wait3A_271 = arith.constant 0 : i32
      %dma_wait3A_272 = arith.constant 0 : i32
      %dma_wait3A_273 = tpu.memref_slice %arg12[%run_scoped3A_187, %dma_wait3A_271, %dma_wait3A_272] : memref<2x40x128xf32, #tpu.memory_space<vmem>> -> memref<1x40x128xf32, #tpu.memory_space<vmem>>
      %dma_wait3A_274 = tpu.memref_squeeze %dma_wait3A_273 : memref<1x40x128xf32, #tpu.memory_space<vmem>> -> memref<40x128xf32, #tpu.memory_space<vmem>>
      tpu.wait_dma2 semaphore(%run_scoped3A_246 : memref<!tpu.dma_semaphore, #tpu.memory_space<semaphore_mem>>) src(%dma_wait3A_274 : memref<40x128xf32, #tpu.memory_space<vmem>>) dst(%dma_wait3A_270 : memref<40x128xf32, #tpu.memory_space<hbm>>)
      tpu.yield
    }) : () -> ()
    %add3A_188 = arith.constant 80 : i32
    %add3A_189 = arith.addi %multiple_of3A, %add3A_188 : i32
    %run_scoped3A_190 = arith.constant 0 : i32
    "tpu.region"() ({
      %run_scoped3A_246 = tpu.sem_alloc : memref<!tpu.dma_semaphore, #tpu.memory_space<semaphore_mem>>
      %dma_start3A_247 = arith.constant 0 : i32
      %dma_start3A_248 = arith.constant 0 : i32
      %dma_start3A_249 = tpu.memref_slice %arg12[%run_scoped3A_190, %dma_start3A_247, %dma_start3A_248] : memref<2x40x128xf32, #tpu.memory_space<vmem>> -> memref<1x40x128xf32, #tpu.memory_space<vmem>>
      %dma_start3A_250 = tpu.memref_squeeze %dma_start3A_249 : memref<1x40x128xf32, #tpu.memory_space<vmem>> -> memref<40x128xf32, #tpu.memory_space<vmem>>
      %dma_start3A_251 = arith.constant 0 : i32
      %dma_start3A_252 = tpu.memref_slice %arg14[%add3A_189, %dma_start3A_251] : memref<10240x128xf32, #tpu.memory_space<vmem_shared>> -> memref<40x128xf32, #tpu.memory_space<vmem_shared>>
      %dma_start3A_253 = arith.constant 0 : i32
      %dma_start3A_254 = arith.constant 0 : i32
      %dma_start3A_255 = tpu.memref_slice %arg12[%run_scoped3A_190, %dma_start3A_253, %dma_start3A_254] : memref<2x40x128xf32, #tpu.memory_space<vmem>> -> memref<1x40x128xf32, #tpu.memory_space<vmem>>
      %dma_start3A_256 = tpu.memref_squeeze %dma_start3A_255 : memref<1x40x128xf32, #tpu.memory_space<vmem>> -> memref<40x128xf32, #tpu.memory_space<vmem>>
      %dma_start3A_257 = arith.constant 0 : i32
      %dma_start3A_258 = tpu.memref_slice %arg14[%add3A_189, %dma_start3A_257] : memref<10240x128xf32, #tpu.memory_space<vmem_shared>> -> memref<40x128xf32, #tpu.memory_space<vmem_shared>>
      tpu.enqueue_dma source(%dma_start3A_258 : memref<40x128xf32, #tpu.memory_space<vmem_shared>>) target(%dma_start3A_256 : memref<40x128xf32, #tpu.memory_space<vmem>>) target_semaphore(%run_scoped3A_246 : memref<!tpu.dma_semaphore, #tpu.memory_space<semaphore_mem>>)
      %dma_wait3A_259 = arith.constant 0 : i32
      %dma_wait3A_260 = arith.constant 0 : i32
      %dma_wait3A_261 = tpu.memref_slice %arg12[%run_scoped3A_190, %dma_wait3A_259, %dma_wait3A_260] : memref<2x40x128xf32, #tpu.memory_space<vmem>> -> memref<1x40x128xf32, #tpu.memory_space<vmem>>
      %dma_wait3A_262 = tpu.memref_squeeze %dma_wait3A_261 : memref<1x40x128xf32, #tpu.memory_space<vmem>> -> memref<40x128xf32, #tpu.memory_space<vmem>>
      %dma_wait3A_263 = arith.constant 0 : i32
      %dma_wait3A_264 = tpu.memref_slice %arg14[%add3A_189, %dma_wait3A_263] : memref<10240x128xf32, #tpu.memory_space<vmem_shared>> -> memref<40x128xf32, #tpu.memory_space<vmem_shared>>
      %dma_wait3A_265 = arith.constant 0 : i32
      %dma_wait3A_266 = arith.constant 0 : i32
      %dma_wait3A_267 = tpu.memref_slice %arg12[%run_scoped3A_190, %dma_wait3A_265, %dma_wait3A_266] : memref<2x40x128xf32, #tpu.memory_space<vmem>> -> memref<1x40x128xf32, #tpu.memory_space<vmem>>
      %dma_wait3A_268 = tpu.memref_squeeze %dma_wait3A_267 : memref<1x40x128xf32, #tpu.memory_space<vmem>> -> memref<40x128xf32, #tpu.memory_space<vmem>>
      %dma_wait3A_269 = arith.constant 0 : i32
      %dma_wait3A_270 = tpu.memref_slice %arg14[%add3A_189, %dma_wait3A_269] : memref<10240x128xf32, #tpu.memory_space<vmem_shared>> -> memref<40x128xf32, #tpu.memory_space<vmem_shared>>
      tpu.wait_dma2 semaphore(%run_scoped3A_246 : memref<!tpu.dma_semaphore, #tpu.memory_space<semaphore_mem>>) src(%dma_wait3A_270 : memref<40x128xf32, #tpu.memory_space<vmem_shared>>) dst(%dma_wait3A_268 : memref<40x128xf32, #tpu.memory_space<vmem>>)
      tpu.yield
    }) : () -> ()
    %run_scoped3A_191 = arith.constant 0 : i32
    "tpu.region"() ({
      %run_scoped3A_246 = tpu.sem_alloc : memref<!tpu.dma_semaphore, #tpu.memory_space<semaphore_mem>>
      %dma_start3A_247 = arith.constant 0 : i32
      %dma_start3A_248 = arith.constant 0 : i32
      %dma_start3A_249 = tpu.memref_slice %arg12[%run_scoped3A_191, %dma_start3A_247, %dma_start3A_248] : memref<2x40x128xf32, #tpu.memory_space<vmem>> -> memref<1x40x128xf32, #tpu.memory_space<vmem>>
      %dma_start3A_250 = tpu.memref_squeeze %dma_start3A_249 : memref<1x40x128xf32, #tpu.memory_space<vmem>> -> memref<40x128xf32, #tpu.memory_space<vmem>>
      %dma_start3A_251 = arith.constant 0 : i32
      %dma_start3A_252 = tpu.memref_slice %arg6[%arg0, %add3A_189, %dma_start3A_251] : memref<2x10240x128xf32, #tpu.memory_space<hbm>> -> memref<1x40x128xf32, #tpu.memory_space<hbm>>
      %dma_start3A_253 = tpu.memref_squeeze %dma_start3A_252 : memref<1x40x128xf32, #tpu.memory_space<hbm>> -> memref<40x128xf32, #tpu.memory_space<hbm>>
      %dma_start3A_254 = arith.constant 0 : i32
      %dma_start3A_255 = tpu.memref_slice %arg6[%arg0, %add3A_189, %dma_start3A_254] : memref<2x10240x128xf32, #tpu.memory_space<hbm>> -> memref<1x40x128xf32, #tpu.memory_space<hbm>>
      %dma_start3A_256 = tpu.memref_squeeze %dma_start3A_255 : memref<1x40x128xf32, #tpu.memory_space<hbm>> -> memref<40x128xf32, #tpu.memory_space<hbm>>
      %dma_start3A_257 = arith.constant 0 : i32
      %dma_start3A_258 = arith.constant 0 : i32
      %dma_start3A_259 = tpu.memref_slice %arg12[%run_scoped3A_191, %dma_start3A_257, %dma_start3A_258] : memref<2x40x128xf32, #tpu.memory_space<vmem>> -> memref<1x40x128xf32, #tpu.memory_space<vmem>>
      %dma_start3A_260 = tpu.memref_squeeze %dma_start3A_259 : memref<1x40x128xf32, #tpu.memory_space<vmem>> -> memref<40x128xf32, #tpu.memory_space<vmem>>
      tpu.enqueue_dma source(%dma_start3A_260 : memref<40x128xf32, #tpu.memory_space<vmem>>) target(%dma_start3A_256 : memref<40x128xf32, #tpu.memory_space<hbm>>) target_semaphore(%run_scoped3A_246 : memref<!tpu.dma_semaphore, #tpu.memory_space<semaphore_mem>>)
      %dma_wait3A_261 = arith.constant 0 : i32
      %dma_wait3A_262 = arith.constant 0 : i32
      %dma_wait3A_263 = tpu.memref_slice %arg12[%run_scoped3A_191, %dma_wait3A_261, %dma_wait3A_262] : memref<2x40x128xf32, #tpu.memory_space<vmem>> -> memref<1x40x128xf32, #tpu.memory_space<vmem>>
      %dma_wait3A_264 = tpu.memref_squeeze %dma_wait3A_263 : memref<1x40x128xf32, #tpu.memory_space<vmem>> -> memref<40x128xf32, #tpu.memory_space<vmem>>
      %dma_wait3A_265 = arith.constant 0 : i32
      %dma_wait3A_266 = tpu.memref_slice %arg6[%arg0, %add3A_189, %dma_wait3A_265] : memref<2x10240x128xf32, #tpu.memory_space<hbm>> -> memref<1x40x128xf32, #tpu.memory_space<hbm>>
      %dma_wait3A_267 = tpu.memref_squeeze %dma_wait3A_266 : memref<1x40x128xf32, #tpu.memory_space<hbm>> -> memref<40x128xf32, #tpu.memory_space<hbm>>
      %dma_wait3A_268 = arith.constant 0 : i32
      %dma_wait3A_269 = tpu.memref_slice %arg6[%arg0, %add3A_189, %dma_wait3A_268] : memref<2x10240x128xf32, #tpu.memory_space<hbm>> -> memref<1x40x128xf32, #tpu.memory_space<hbm>>
      %dma_wait3A_270 = tpu.memref_squeeze %dma_wait3A_269 : memref<1x40x128xf32, #tpu.memory_space<hbm>> -> memref<40x128xf32, #tpu.memory_space<hbm>>
      %dma_wait3A_271 = arith.constant 0 : i32
      %dma_wait3A_272 = arith.constant 0 : i32
      %dma_wait3A_273 = tpu.memref_slice %arg12[%run_scoped3A_191, %dma_wait3A_271, %dma_wait3A_272] : memref<2x40x128xf32, #tpu.memory_space<vmem>> -> memref<1x40x128xf32, #tpu.memory_space<vmem>>
      %dma_wait3A_274 = tpu.memref_squeeze %dma_wait3A_273 : memref<1x40x128xf32, #tpu.memory_space<vmem>> -> memref<40x128xf32, #tpu.memory_space<vmem>>
      tpu.wait_dma2 semaphore(%run_scoped3A_246 : memref<!tpu.dma_semaphore, #tpu.memory_space<semaphore_mem>>) src(%dma_wait3A_274 : memref<40x128xf32, #tpu.memory_space<vmem>>) dst(%dma_wait3A_270 : memref<40x128xf32, #tpu.memory_space<hbm>>)
      tpu.yield
    }) : () -> ()
    %add3A_192 = arith.constant 120 : i32
    %add3A_193 = arith.addi %multiple_of3A, %add3A_192 : i32
    %run_scoped3A_194 = arith.constant 0 : i32
    "tpu.region"() ({
      %run_scoped3A_246 = tpu.sem_alloc : memref<!tpu.dma_semaphore, #tpu.memory_space<semaphore_mem>>
      %dma_start3A_247 = arith.constant 0 : i32
      %dma_start3A_248 = arith.constant 0 : i32
      %dma_start3A_249 = tpu.memref_slice %arg12[%run_scoped3A_194, %dma_start3A_247, %dma_start3A_248] : memref<2x40x128xf32, #tpu.memory_space<vmem>> -> memref<1x40x128xf32, #tpu.memory_space<vmem>>
      %dma_start3A_250 = tpu.memref_squeeze %dma_start3A_249 : memref<1x40x128xf32, #tpu.memory_space<vmem>> -> memref<40x128xf32, #tpu.memory_space<vmem>>
      %dma_start3A_251 = arith.constant 0 : i32
      %dma_start3A_252 = tpu.memref_slice %arg14[%add3A_193, %dma_start3A_251] : memref<10240x128xf32, #tpu.memory_space<vmem_shared>> -> memref<40x128xf32, #tpu.memory_space<vmem_shared>>
      %dma_start3A_253 = arith.constant 0 : i32
      %dma_start3A_254 = arith.constant 0 : i32
      %dma_start3A_255 = tpu.memref_slice %arg12[%run_scoped3A_194, %dma_start3A_253, %dma_start3A_254] : memref<2x40x128xf32, #tpu.memory_space<vmem>> -> memref<1x40x128xf32, #tpu.memory_space<vmem>>
      %dma_start3A_256 = tpu.memref_squeeze %dma_start3A_255 : memref<1x40x128xf32, #tpu.memory_space<vmem>> -> memref<40x128xf32, #tpu.memory_space<vmem>>
      %dma_start3A_257 = arith.constant 0 : i32
      %dma_start3A_258 = tpu.memref_slice %arg14[%add3A_193, %dma_start3A_257] : memref<10240x128xf32, #tpu.memory_space<vmem_shared>> -> memref<40x128xf32, #tpu.memory_space<vmem_shared>>
      tpu.enqueue_dma source(%dma_start3A_258 : memref<40x128xf32, #tpu.memory_space<vmem_shared>>) target(%dma_start3A_256 : memref<40x128xf32, #tpu.memory_space<vmem>>) target_semaphore(%run_scoped3A_246 : memref<!tpu.dma_semaphore, #tpu.memory_space<semaphore_mem>>)
      %dma_wait3A_259 = arith.constant 0 : i32
      %dma_wait3A_260 = arith.constant 0 : i32
      %dma_wait3A_261 = tpu.memref_slice %arg12[%run_scoped3A_194, %dma_wait3A_259, %dma_wait3A_260] : memref<2x40x128xf32, #tpu.memory_space<vmem>> -> memref<1x40x128xf32, #tpu.memory_space<vmem>>
      %dma_wait3A_262 = tpu.memref_squeeze %dma_wait3A_261 : memref<1x40x128xf32, #tpu.memory_space<vmem>> -> memref<40x128xf32, #tpu.memory_space<vmem>>
      %dma_wait3A_263 = arith.constant 0 : i32
      %dma_wait3A_264 = tpu.memref_slice %arg14[%add3A_193, %dma_wait3A_263] : memref<10240x128xf32, #tpu.memory_space<vmem_shared>> -> memref<40x128xf32, #tpu.memory_space<vmem_shared>>
      %dma_wait3A_265 = arith.constant 0 : i32
      %dma_wait3A_266 = arith.constant 0 : i32
      %dma_wait3A_267 = tpu.memref_slice %arg12[%run_scoped3A_194, %dma_wait3A_265, %dma_wait3A_266] : memref<2x40x128xf32, #tpu.memory_space<vmem>> -> memref<1x40x128xf32, #tpu.memory_space<vmem>>
      %dma_wait3A_268 = tpu.memref_squeeze %dma_wait3A_267 : memref<1x40x128xf32, #tpu.memory_space<vmem>> -> memref<40x128xf32, #tpu.memory_space<vmem>>
      %dma_wait3A_269 = arith.constant 0 : i32
      %dma_wait3A_270 = tpu.memref_slice %arg14[%add3A_193, %dma_wait3A_269] : memref<10240x128xf32, #tpu.memory_space<vmem_shared>> -> memref<40x128xf32, #tpu.memory_space<vmem_shared>>
      tpu.wait_dma2 semaphore(%run_scoped3A_246 : memref<!tpu.dma_semaphore, #tpu.memory_space<semaphore_mem>>) src(%dma_wait3A_270 : memref<40x128xf32, #tpu.memory_space<vmem_shared>>) dst(%dma_wait3A_268 : memref<40x128xf32, #tpu.memory_space<vmem>>)
      tpu.yield
    }) : () -> ()
    %run_scoped3A_195 = arith.constant 0 : i32
    "tpu.region"() ({
      %run_scoped3A_246 = tpu.sem_alloc : memref<!tpu.dma_semaphore, #tpu.memory_space<semaphore_mem>>
      %dma_start3A_247 = arith.constant 0 : i32
      %dma_start3A_248 = arith.constant 0 : i32
      %dma_start3A_249 = tpu.memref_slice %arg12[%run_scoped3A_195, %dma_start3A_247, %dma_start3A_248] : memref<2x40x128xf32, #tpu.memory_space<vmem>> -> memref<1x40x128xf32, #tpu.memory_space<vmem>>
      %dma_start3A_250 = tpu.memref_squeeze %dma_start3A_249 : memref<1x40x128xf32, #tpu.memory_space<vmem>> -> memref<40x128xf32, #tpu.memory_space<vmem>>
      %dma_start3A_251 = arith.constant 0 : i32
      %dma_start3A_252 = tpu.memref_slice %arg6[%arg0, %add3A_193, %dma_start3A_251] : memref<2x10240x128xf32, #tpu.memory_space<hbm>> -> memref<1x40x128xf32, #tpu.memory_space<hbm>>
      %dma_start3A_253 = tpu.memref_squeeze %dma_start3A_252 : memref<1x40x128xf32, #tpu.memory_space<hbm>> -> memref<40x128xf32, #tpu.memory_space<hbm>>
      %dma_start3A_254 = arith.constant 0 : i32
      %dma_start3A_255 = tpu.memref_slice %arg6[%arg0, %add3A_193, %dma_start3A_254] : memref<2x10240x128xf32, #tpu.memory_space<hbm>> -> memref<1x40x128xf32, #tpu.memory_space<hbm>>
      %dma_start3A_256 = tpu.memref_squeeze %dma_start3A_255 : memref<1x40x128xf32, #tpu.memory_space<hbm>> -> memref<40x128xf32, #tpu.memory_space<hbm>>
      %dma_start3A_257 = arith.constant 0 : i32
      %dma_start3A_258 = arith.constant 0 : i32
      %dma_start3A_259 = tpu.memref_slice %arg12[%run_scoped3A_195, %dma_start3A_257, %dma_start3A_258] : memref<2x40x128xf32, #tpu.memory_space<vmem>> -> memref<1x40x128xf32, #tpu.memory_space<vmem>>
      %dma_start3A_260 = tpu.memref_squeeze %dma_start3A_259 : memref<1x40x128xf32, #tpu.memory_space<vmem>> -> memref<40x128xf32, #tpu.memory_space<vmem>>
      tpu.enqueue_dma source(%dma_start3A_260 : memref<40x128xf32, #tpu.memory_space<vmem>>) target(%dma_start3A_256 : memref<40x128xf32, #tpu.memory_space<hbm>>) target_semaphore(%run_scoped3A_246 : memref<!tpu.dma_semaphore, #tpu.memory_space<semaphore_mem>>)
      %dma_wait3A_261 = arith.constant 0 : i32
      %dma_wait3A_262 = arith.constant 0 : i32
      %dma_wait3A_263 = tpu.memref_slice %arg12[%run_scoped3A_195, %dma_wait3A_261, %dma_wait3A_262] : memref<2x40x128xf32, #tpu.memory_space<vmem>> -> memref<1x40x128xf32, #tpu.memory_space<vmem>>
      %dma_wait3A_264 = tpu.memref_squeeze %dma_wait3A_263 : memref<1x40x128xf32, #tpu.memory_space<vmem>> -> memref<40x128xf32, #tpu.memory_space<vmem>>
      %dma_wait3A_265 = arith.constant 0 : i32
      %dma_wait3A_266 = tpu.memref_slice %arg6[%arg0, %add3A_193, %dma_wait3A_265] : memref<2x10240x128xf32, #tpu.memory_space<hbm>> -> memref<1x40x128xf32, #tpu.memory_space<hbm>>
      %dma_wait3A_267 = tpu.memref_squeeze %dma_wait3A_266 : memref<1x40x128xf32, #tpu.memory_space<hbm>> -> memref<40x128xf32, #tpu.memory_space<hbm>>
      %dma_wait3A_268 = arith.constant 0 : i32
      %dma_wait3A_269 = tpu.memref_slice %arg6[%arg0, %add3A_193, %dma_wait3A_268] : memref<2x10240x128xf32, #tpu.memory_space<hbm>> -> memref<1x40x128xf32, #tpu.memory_space<hbm>>
      %dma_wait3A_270 = tpu.memref_squeeze %dma_wait3A_269 : memref<1x40x128xf32, #tpu.memory_space<hbm>> -> memref<40x128xf32, #tpu.memory_space<hbm>>
      %dma_wait3A_271 = arith.constant 0 : i32
      %dma_wait3A_272 = arith.constant 0 : i32
      %dma_wait3A_273 = tpu.memref_slice %arg12[%run_scoped3A_195, %dma_wait3A_271, %dma_wait3A_272] : memref<2x40x128xf32, #tpu.memory_space<vmem>> -> memref<1x40x128xf32, #tpu.memory_space<vmem>>
      %dma_wait3A_274 = tpu.memref_squeeze %dma_wait3A_273 : memref<1x40x128xf32, #tpu.memory_space<vmem>> -> memref<40x128xf32, #tpu.memory_space<vmem>>
      tpu.wait_dma2 semaphore(%run_scoped3A_246 : memref<!tpu.dma_semaphore, #tpu.memory_space<semaphore_mem>>) src(%dma_wait3A_274 : memref<40x128xf32, #tpu.memory_space<vmem>>) dst(%dma_wait3A_270 : memref<40x128xf32, #tpu.memory_space<hbm>>)
      tpu.yield
    }) : () -> ()
    %add3A_196 = arith.constant 160 : i32
    %add3A_197 = arith.addi %multiple_of3A, %add3A_196 : i32
    %run_scoped3A_198 = arith.constant 0 : i32
    "tpu.region"() ({
      %run_scoped3A_246 = tpu.sem_alloc : memref<!tpu.dma_semaphore, #tpu.memory_space<semaphore_mem>>
      %dma_start3A_247 = arith.constant 0 : i32
      %dma_start3A_248 = arith.constant 0 : i32
      %dma_start3A_249 = tpu.memref_slice %arg12[%run_scoped3A_198, %dma_start3A_247, %dma_start3A_248] : memref<2x40x128xf32, #tpu.memory_space<vmem>> -> memref<1x40x128xf32, #tpu.memory_space<vmem>>
      %dma_start3A_250 = tpu.memref_squeeze %dma_start3A_249 : memref<1x40x128xf32, #tpu.memory_space<vmem>> -> memref<40x128xf32, #tpu.memory_space<vmem>>
      %dma_start3A_251 = arith.constant 0 : i32
      %dma_start3A_252 = tpu.memref_slice %arg14[%add3A_197, %dma_start3A_251] : memref<10240x128xf32, #tpu.memory_space<vmem_shared>> -> memref<40x128xf32, #tpu.memory_space<vmem_shared>>
      %dma_start3A_253 = arith.constant 0 : i32
      %dma_start3A_254 = arith.constant 0 : i32
      %dma_start3A_255 = tpu.memref_slice %arg12[%run_scoped3A_198, %dma_start3A_253, %dma_start3A_254] : memref<2x40x128xf32, #tpu.memory_space<vmem>> -> memref<1x40x128xf32, #tpu.memory_space<vmem>>
      %dma_start3A_256 = tpu.memref_squeeze %dma_start3A_255 : memref<1x40x128xf32, #tpu.memory_space<vmem>> -> memref<40x128xf32, #tpu.memory_space<vmem>>
      %dma_start3A_257 = arith.constant 0 : i32
      %dma_start3A_258 = tpu.memref_slice %arg14[%add3A_197, %dma_start3A_257] : memref<10240x128xf32, #tpu.memory_space<vmem_shared>> -> memref<40x128xf32, #tpu.memory_space<vmem_shared>>
      tpu.enqueue_dma source(%dma_start3A_258 : memref<40x128xf32, #tpu.memory_space<vmem_shared>>) target(%dma_start3A_256 : memref<40x128xf32, #tpu.memory_space<vmem>>) target_semaphore(%run_scoped3A_246 : memref<!tpu.dma_semaphore, #tpu.memory_space<semaphore_mem>>)
      %dma_wait3A_259 = arith.constant 0 : i32
      %dma_wait3A_260 = arith.constant 0 : i32
      %dma_wait3A_261 = tpu.memref_slice %arg12[%run_scoped3A_198, %dma_wait3A_259, %dma_wait3A_260] : memref<2x40x128xf32, #tpu.memory_space<vmem>> -> memref<1x40x128xf32, #tpu.memory_space<vmem>>
      %dma_wait3A_262 = tpu.memref_squeeze %dma_wait3A_261 : memref<1x40x128xf32, #tpu.memory_space<vmem>> -> memref<40x128xf32, #tpu.memory_space<vmem>>
      %dma_wait3A_263 = arith.constant 0 : i32
      %dma_wait3A_264 = tpu.memref_slice %arg14[%add3A_197, %dma_wait3A_263] : memref<10240x128xf32, #tpu.memory_space<vmem_shared>> -> memref<40x128xf32, #tpu.memory_space<vmem_shared>>
      %dma_wait3A_265 = arith.constant 0 : i32
      %dma_wait3A_266 = arith.constant 0 : i32
      %dma_wait3A_267 = tpu.memref_slice %arg12[%run_scoped3A_198, %dma_wait3A_265, %dma_wait3A_266] : memref<2x40x128xf32, #tpu.memory_space<vmem>> -> memref<1x40x128xf32, #tpu.memory_space<vmem>>
      %dma_wait3A_268 = tpu.memref_squeeze %dma_wait3A_267 : memref<1x40x128xf32, #tpu.memory_space<vmem>> -> memref<40x128xf32, #tpu.memory_space<vmem>>
      %dma_wait3A_269 = arith.constant 0 : i32
      %dma_wait3A_270 = tpu.memref_slice %arg14[%add3A_197, %dma_wait3A_269] : memref<10240x128xf32, #tpu.memory_space<vmem_shared>> -> memref<40x128xf32, #tpu.memory_space<vmem_shared>>
      tpu.wait_dma2 semaphore(%run_scoped3A_246 : memref<!tpu.dma_semaphore, #tpu.memory_space<semaphore_mem>>) src(%dma_wait3A_270 : memref<40x128xf32, #tpu.memory_space<vmem_shared>>) dst(%dma_wait3A_268 : memref<40x128xf32, #tpu.memory_space<vmem>>)
      tpu.yield
    }) : () -> ()
    %run_scoped3A_199 = arith.constant 0 : i32
    "tpu.region"() ({
      %run_scoped3A_246 = tpu.sem_alloc : memref<!tpu.dma_semaphore, #tpu.memory_space<semaphore_mem>>
      %dma_start3A_247 = arith.constant 0 : i32
      %dma_start3A_248 = arith.constant 0 : i32
      %dma_start3A_249 = tpu.memref_slice %arg12[%run_scoped3A_199, %dma_start3A_247, %dma_start3A_248] : memref<2x40x128xf32, #tpu.memory_space<vmem>> -> memref<1x40x128xf32, #tpu.memory_space<vmem>>
      %dma_start3A_250 = tpu.memref_squeeze %dma_start3A_249 : memref<1x40x128xf32, #tpu.memory_space<vmem>> -> memref<40x128xf32, #tpu.memory_space<vmem>>
      %dma_start3A_251 = arith.constant 0 : i32
      %dma_start3A_252 = tpu.memref_slice %arg6[%arg0, %add3A_197, %dma_start3A_251] : memref<2x10240x128xf32, #tpu.memory_space<hbm>> -> memref<1x40x128xf32, #tpu.memory_space<hbm>>
      %dma_start3A_253 = tpu.memref_squeeze %dma_start3A_252 : memref<1x40x128xf32, #tpu.memory_space<hbm>> -> memref<40x128xf32, #tpu.memory_space<hbm>>
      %dma_start3A_254 = arith.constant 0 : i32
      %dma_start3A_255 = tpu.memref_slice %arg6[%arg0, %add3A_197, %dma_start3A_254] : memref<2x10240x128xf32, #tpu.memory_space<hbm>> -> memref<1x40x128xf32, #tpu.memory_space<hbm>>
      %dma_start3A_256 = tpu.memref_squeeze %dma_start3A_255 : memref<1x40x128xf32, #tpu.memory_space<hbm>> -> memref<40x128xf32, #tpu.memory_space<hbm>>
      %dma_start3A_257 = arith.constant 0 : i32
      %dma_start3A_258 = arith.constant 0 : i32
      %dma_start3A_259 = tpu.memref_slice %arg12[%run_scoped3A_199, %dma_start3A_257, %dma_start3A_258] : memref<2x40x128xf32, #tpu.memory_space<vmem>> -> memref<1x40x128xf32, #tpu.memory_space<vmem>>
      %dma_start3A_260 = tpu.memref_squeeze %dma_start3A_259 : memref<1x40x128xf32, #tpu.memory_space<vmem>> -> memref<40x128xf32, #tpu.memory_space<vmem>>
      tpu.enqueue_dma source(%dma_start3A_260 : memref<40x128xf32, #tpu.memory_space<vmem>>) target(%dma_start3A_256 : memref<40x128xf32, #tpu.memory_space<hbm>>) target_semaphore(%run_scoped3A_246 : memref<!tpu.dma_semaphore, #tpu.memory_space<semaphore_mem>>)
      %dma_wait3A_261 = arith.constant 0 : i32
      %dma_wait3A_262 = arith.constant 0 : i32
      %dma_wait3A_263 = tpu.memref_slice %arg12[%run_scoped3A_199, %dma_wait3A_261, %dma_wait3A_262] : memref<2x40x128xf32, #tpu.memory_space<vmem>> -> memref<1x40x128xf32, #tpu.memory_space<vmem>>
      %dma_wait3A_264 = tpu.memref_squeeze %dma_wait3A_263 : memref<1x40x128xf32, #tpu.memory_space<vmem>> -> memref<40x128xf32, #tpu.memory_space<vmem>>
      %dma_wait3A_265 = arith.constant 0 : i32
      %dma_wait3A_266 = tpu.memref_slice %arg6[%arg0, %add3A_197, %dma_wait3A_265] : memref<2x10240x128xf32, #tpu.memory_space<hbm>> -> memref<1x40x128xf32, #tpu.memory_space<hbm>>
      %dma_wait3A_267 = tpu.memref_squeeze %dma_wait3A_266 : memref<1x40x128xf32, #tpu.memory_space<hbm>> -> memref<40x128xf32, #tpu.memory_space<hbm>>
      %dma_wait3A_268 = arith.constant 0 : i32
      %dma_wait3A_269 = tpu.memref_slice %arg6[%arg0, %add3A_197, %dma_wait3A_268] : memref<2x10240x128xf32, #tpu.memory_space<hbm>> -> memref<1x40x128xf32, #tpu.memory_space<hbm>>
      %dma_wait3A_270 = tpu.memref_squeeze %dma_wait3A_269 : memref<1x40x128xf32, #tpu.memory_space<hbm>> -> memref<40x128xf32, #tpu.memory_space<hbm>>
      %dma_wait3A_271 = arith.constant 0 : i32
      %dma_wait3A_272 = arith.constant 0 : i32
      %dma_wait3A_273 = tpu.memref_slice %arg12[%run_scoped3A_199, %dma_wait3A_271, %dma_wait3A_272] : memref<2x40x128xf32, #tpu.memory_space<vmem>> -> memref<1x40x128xf32, #tpu.memory_space<vmem>>
      %dma_wait3A_274 = tpu.memref_squeeze %dma_wait3A_273 : memref<1x40x128xf32, #tpu.memory_space<vmem>> -> memref<40x128xf32, #tpu.memory_space<vmem>>
      tpu.wait_dma2 semaphore(%run_scoped3A_246 : memref<!tpu.dma_semaphore, #tpu.memory_space<semaphore_mem>>) src(%dma_wait3A_274 : memref<40x128xf32, #tpu.memory_space<vmem>>) dst(%dma_wait3A_270 : memref<40x128xf32, #tpu.memory_space<hbm>>)
      tpu.yield
    }) : () -> ()
    %add3A_200 = arith.constant 200 : i32
    %add3A_201 = arith.addi %multiple_of3A, %add3A_200 : i32
    %run_scoped3A_202 = arith.constant 0 : i32
    "tpu.region"() ({
      %run_scoped3A_246 = tpu.sem_alloc : memref<!tpu.dma_semaphore, #tpu.memory_space<semaphore_mem>>
      %dma_start3A_247 = arith.constant 0 : i32
      %dma_start3A_248 = arith.constant 0 : i32
      %dma_start3A_249 = tpu.memref_slice %arg12[%run_scoped3A_202, %dma_start3A_247, %dma_start3A_248] : memref<2x40x128xf32, #tpu.memory_space<vmem>> -> memref<1x40x128xf32, #tpu.memory_space<vmem>>
      %dma_start3A_250 = tpu.memref_squeeze %dma_start3A_249 : memref<1x40x128xf32, #tpu.memory_space<vmem>> -> memref<40x128xf32, #tpu.memory_space<vmem>>
      %dma_start3A_251 = arith.constant 0 : i32
      %dma_start3A_252 = tpu.memref_slice %arg14[%add3A_201, %dma_start3A_251] : memref<10240x128xf32, #tpu.memory_space<vmem_shared>> -> memref<40x128xf32, #tpu.memory_space<vmem_shared>>
      %dma_start3A_253 = arith.constant 0 : i32
      %dma_start3A_254 = arith.constant 0 : i32
      %dma_start3A_255 = tpu.memref_slice %arg12[%run_scoped3A_202, %dma_start3A_253, %dma_start3A_254] : memref<2x40x128xf32, #tpu.memory_space<vmem>> -> memref<1x40x128xf32, #tpu.memory_space<vmem>>
      %dma_start3A_256 = tpu.memref_squeeze %dma_start3A_255 : memref<1x40x128xf32, #tpu.memory_space<vmem>> -> memref<40x128xf32, #tpu.memory_space<vmem>>
      %dma_start3A_257 = arith.constant 0 : i32
      %dma_start3A_258 = tpu.memref_slice %arg14[%add3A_201, %dma_start3A_257] : memref<10240x128xf32, #tpu.memory_space<vmem_shared>> -> memref<40x128xf32, #tpu.memory_space<vmem_shared>>
      tpu.enqueue_dma source(%dma_start3A_258 : memref<40x128xf32, #tpu.memory_space<vmem_shared>>) target(%dma_start3A_256 : memref<40x128xf32, #tpu.memory_space<vmem>>) target_semaphore(%run_scoped3A_246 : memref<!tpu.dma_semaphore, #tpu.memory_space<semaphore_mem>>)
      %dma_wait3A_259 = arith.constant 0 : i32
      %dma_wait3A_260 = arith.constant 0 : i32
      %dma_wait3A_261 = tpu.memref_slice %arg12[%run_scoped3A_202, %dma_wait3A_259, %dma_wait3A_260] : memref<2x40x128xf32, #tpu.memory_space<vmem>> -> memref<1x40x128xf32, #tpu.memory_space<vmem>>
      %dma_wait3A_262 = tpu.memref_squeeze %dma_wait3A_261 : memref<1x40x128xf32, #tpu.memory_space<vmem>> -> memref<40x128xf32, #tpu.memory_space<vmem>>
      %dma_wait3A_263 = arith.constant 0 : i32
      %dma_wait3A_264 = tpu.memref_slice %arg14[%add3A_201, %dma_wait3A_263] : memref<10240x128xf32, #tpu.memory_space<vmem_shared>> -> memref<40x128xf32, #tpu.memory_space<vmem_shared>>
      %dma_wait3A_265 = arith.constant 0 : i32
      %dma_wait3A_266 = arith.constant 0 : i32
      %dma_wait3A_267 = tpu.memref_slice %arg12[%run_scoped3A_202, %dma_wait3A_265, %dma_wait3A_266] : memref<2x40x128xf32, #tpu.memory_space<vmem>> -> memref<1x40x128xf32, #tpu.memory_space<vmem>>
      %dma_wait3A_268 = tpu.memref_squeeze %dma_wait3A_267 : memref<1x40x128xf32, #tpu.memory_space<vmem>> -> memref<40x128xf32, #tpu.memory_space<vmem>>
      %dma_wait3A_269 = arith.constant 0 : i32
      %dma_wait3A_270 = tpu.memref_slice %arg14[%add3A_201, %dma_wait3A_269] : memref<10240x128xf32, #tpu.memory_space<vmem_shared>> -> memref<40x128xf32, #tpu.memory_space<vmem_shared>>
      tpu.wait_dma2 semaphore(%run_scoped3A_246 : memref<!tpu.dma_semaphore, #tpu.memory_space<semaphore_mem>>) src(%dma_wait3A_270 : memref<40x128xf32, #tpu.memory_space<vmem_shared>>) dst(%dma_wait3A_268 : memref<40x128xf32, #tpu.memory_space<vmem>>)
      tpu.yield
    }) : () -> ()
    %run_scoped3A_203 = arith.constant 0 : i32
    "tpu.region"() ({
      %run_scoped3A_246 = tpu.sem_alloc : memref<!tpu.dma_semaphore, #tpu.memory_space<semaphore_mem>>
      %dma_start3A_247 = arith.constant 0 : i32
      %dma_start3A_248 = arith.constant 0 : i32
      %dma_start3A_249 = tpu.memref_slice %arg12[%run_scoped3A_203, %dma_start3A_247, %dma_start3A_248] : memref<2x40x128xf32, #tpu.memory_space<vmem>> -> memref<1x40x128xf32, #tpu.memory_space<vmem>>
      %dma_start3A_250 = tpu.memref_squeeze %dma_start3A_249 : memref<1x40x128xf32, #tpu.memory_space<vmem>> -> memref<40x128xf32, #tpu.memory_space<vmem>>
      %dma_start3A_251 = arith.constant 0 : i32
      %dma_start3A_252 = tpu.memref_slice %arg6[%arg0, %add3A_201, %dma_start3A_251] : memref<2x10240x128xf32, #tpu.memory_space<hbm>> -> memref<1x40x128xf32, #tpu.memory_space<hbm>>
      %dma_start3A_253 = tpu.memref_squeeze %dma_start3A_252 : memref<1x40x128xf32, #tpu.memory_space<hbm>> -> memref<40x128xf32, #tpu.memory_space<hbm>>
      %dma_start3A_254 = arith.constant 0 : i32
      %dma_start3A_255 = tpu.memref_slice %arg6[%arg0, %add3A_201, %dma_start3A_254] : memref<2x10240x128xf32, #tpu.memory_space<hbm>> -> memref<1x40x128xf32, #tpu.memory_space<hbm>>
      %dma_start3A_256 = tpu.memref_squeeze %dma_start3A_255 : memref<1x40x128xf32, #tpu.memory_space<hbm>> -> memref<40x128xf32, #tpu.memory_space<hbm>>
      %dma_start3A_257 = arith.constant 0 : i32
      %dma_start3A_258 = arith.constant 0 : i32
      %dma_start3A_259 = tpu.memref_slice %arg12[%run_scoped3A_203, %dma_start3A_257, %dma_start3A_258] : memref<2x40x128xf32, #tpu.memory_space<vmem>> -> memref<1x40x128xf32, #tpu.memory_space<vmem>>
      %dma_start3A_260 = tpu.memref_squeeze %dma_start3A_259 : memref<1x40x128xf32, #tpu.memory_space<vmem>> -> memref<40x128xf32, #tpu.memory_space<vmem>>
      tpu.enqueue_dma source(%dma_start3A_260 : memref<40x128xf32, #tpu.memory_space<vmem>>) target(%dma_start3A_256 : memref<40x128xf32, #tpu.memory_space<hbm>>) target_semaphore(%run_scoped3A_246 : memref<!tpu.dma_semaphore, #tpu.memory_space<semaphore_mem>>)
      %dma_wait3A_261 = arith.constant 0 : i32
      %dma_wait3A_262 = arith.constant 0 : i32
      %dma_wait3A_263 = tpu.memref_slice %arg12[%run_scoped3A_203, %dma_wait3A_261, %dma_wait3A_262] : memref<2x40x128xf32, #tpu.memory_space<vmem>> -> memref<1x40x128xf32, #tpu.memory_space<vmem>>
      %dma_wait3A_264 = tpu.memref_squeeze %dma_wait3A_263 : memref<1x40x128xf32, #tpu.memory_space<vmem>> -> memref<40x128xf32, #tpu.memory_space<vmem>>
      %dma_wait3A_265 = arith.constant 0 : i32
      %dma_wait3A_266 = tpu.memref_slice %arg6[%arg0, %add3A_201, %dma_wait3A_265] : memref<2x10240x128xf32, #tpu.memory_space<hbm>> -> memref<1x40x128xf32, #tpu.memory_space<hbm>>
      %dma_wait3A_267 = tpu.memref_squeeze %dma_wait3A_266 : memref<1x40x128xf32, #tpu.memory_space<hbm>> -> memref<40x128xf32, #tpu.memory_space<hbm>>
      %dma_wait3A_268 = arith.constant 0 : i32
      %dma_wait3A_269 = tpu.memref_slice %arg6[%arg0, %add3A_201, %dma_wait3A_268] : memref<2x10240x128xf32, #tpu.memory_space<hbm>> -> memref<1x40x128xf32, #tpu.memory_space<hbm>>
      %dma_wait3A_270 = tpu.memref_squeeze %dma_wait3A_269 : memref<1x40x128xf32, #tpu.memory_space<hbm>> -> memref<40x128xf32, #tpu.memory_space<hbm>>
      %dma_wait3A_271 = arith.constant 0 : i32
      %dma_wait3A_272 = arith.constant 0 : i32
      %dma_wait3A_273 = tpu.memref_slice %arg12[%run_scoped3A_203, %dma_wait3A_271, %dma_wait3A_272] : memref<2x40x128xf32, #tpu.memory_space<vmem>> -> memref<1x40x128xf32, #tpu.memory_space<vmem>>
      %dma_wait3A_274 = tpu.memref_squeeze %dma_wait3A_273 : memref<1x40x128xf32, #tpu.memory_space<vmem>> -> memref<40x128xf32, #tpu.memory_space<vmem>>
      tpu.wait_dma2 semaphore(%run_scoped3A_246 : memref<!tpu.dma_semaphore, #tpu.memory_space<semaphore_mem>>) src(%dma_wait3A_274 : memref<40x128xf32, #tpu.memory_space<vmem>>) dst(%dma_wait3A_270 : memref<40x128xf32, #tpu.memory_space<hbm>>)
      tpu.yield
    }) : () -> ()
    %add3A_204 = arith.constant 240 : i32
    %add3A_205 = arith.addi %multiple_of3A, %add3A_204 : i32
    %run_scoped3A_206 = arith.constant 0 : i32
    "tpu.region"() ({
      %run_scoped3A_246 = tpu.sem_alloc : memref<!tpu.dma_semaphore, #tpu.memory_space<semaphore_mem>>
      %dma_start3A_247 = arith.constant 0 : i32
      %dma_start3A_248 = arith.constant 0 : i32
      %dma_start3A_249 = tpu.memref_slice %arg12[%run_scoped3A_206, %dma_start3A_247, %dma_start3A_248] : memref<2x40x128xf32, #tpu.memory_space<vmem>> -> memref<1x40x128xf32, #tpu.memory_space<vmem>>
      %dma_start3A_250 = tpu.memref_squeeze %dma_start3A_249 : memref<1x40x128xf32, #tpu.memory_space<vmem>> -> memref<40x128xf32, #tpu.memory_space<vmem>>
      %dma_start3A_251 = arith.constant 0 : i32
      %dma_start3A_252 = tpu.memref_slice %arg14[%add3A_205, %dma_start3A_251] : memref<10240x128xf32, #tpu.memory_space<vmem_shared>> -> memref<40x128xf32, #tpu.memory_space<vmem_shared>>
      %dma_start3A_253 = arith.constant 0 : i32
      %dma_start3A_254 = arith.constant 0 : i32
      %dma_start3A_255 = tpu.memref_slice %arg12[%run_scoped3A_206, %dma_start3A_253, %dma_start3A_254] : memref<2x40x128xf32, #tpu.memory_space<vmem>> -> memref<1x40x128xf32, #tpu.memory_space<vmem>>
      %dma_start3A_256 = tpu.memref_squeeze %dma_start3A_255 : memref<1x40x128xf32, #tpu.memory_space<vmem>> -> memref<40x128xf32, #tpu.memory_space<vmem>>
      %dma_start3A_257 = arith.constant 0 : i32
      %dma_start3A_258 = tpu.memref_slice %arg14[%add3A_205, %dma_start3A_257] : memref<10240x128xf32, #tpu.memory_space<vmem_shared>> -> memref<40x128xf32, #tpu.memory_space<vmem_shared>>
      tpu.enqueue_dma source(%dma_start3A_258 : memref<40x128xf32, #tpu.memory_space<vmem_shared>>) target(%dma_start3A_256 : memref<40x128xf32, #tpu.memory_space<vmem>>) target_semaphore(%run_scoped3A_246 : memref<!tpu.dma_semaphore, #tpu.memory_space<semaphore_mem>>)
      %dma_wait3A_259 = arith.constant 0 : i32
      %dma_wait3A_260 = arith.constant 0 : i32
      %dma_wait3A_261 = tpu.memref_slice %arg12[%run_scoped3A_206, %dma_wait3A_259, %dma_wait3A_260] : memref<2x40x128xf32, #tpu.memory_space<vmem>> -> memref<1x40x128xf32, #tpu.memory_space<vmem>>
      %dma_wait3A_262 = tpu.memref_squeeze %dma_wait3A_261 : memref<1x40x128xf32, #tpu.memory_space<vmem>> -> memref<40x128xf32, #tpu.memory_space<vmem>>
      %dma_wait3A_263 = arith.constant 0 : i32
      %dma_wait3A_264 = tpu.memref_slice %arg14[%add3A_205, %dma_wait3A_263] : memref<10240x128xf32, #tpu.memory_space<vmem_shared>> -> memref<40x128xf32, #tpu.memory_space<vmem_shared>>
      %dma_wait3A_265 = arith.constant 0 : i32
      %dma_wait3A_266 = arith.constant 0 : i32
      %dma_wait3A_267 = tpu.memref_slice %arg12[%run_scoped3A_206, %dma_wait3A_265, %dma_wait3A_266] : memref<2x40x128xf32, #tpu.memory_space<vmem>> -> memref<1x40x128xf32, #tpu.memory_space<vmem>>
      %dma_wait3A_268 = tpu.memref_squeeze %dma_wait3A_267 : memref<1x40x128xf32, #tpu.memory_space<vmem>> -> memref<40x128xf32, #tpu.memory_space<vmem>>
      %dma_wait3A_269 = arith.constant 0 : i32
      %dma_wait3A_270 = tpu.memref_slice %arg14[%add3A_205, %dma_wait3A_269] : memref<10240x128xf32, #tpu.memory_space<vmem_shared>> -> memref<40x128xf32, #tpu.memory_space<vmem_shared>>
      tpu.wait_dma2 semaphore(%run_scoped3A_246 : memref<!tpu.dma_semaphore, #tpu.memory_space<semaphore_mem>>) src(%dma_wait3A_270 : memref<40x128xf32, #tpu.memory_space<vmem_shared>>) dst(%dma_wait3A_268 : memref<40x128xf32, #tpu.memory_space<vmem>>)
      tpu.yield
    }) : () -> ()
    %run_scoped3A_207 = arith.constant 0 : i32
    "tpu.region"() ({
      %run_scoped3A_246 = tpu.sem_alloc : memref<!tpu.dma_semaphore, #tpu.memory_space<semaphore_mem>>
      %dma_start3A_247 = arith.constant 0 : i32
      %dma_start3A_248 = arith.constant 0 : i32
      %dma_start3A_249 = tpu.memref_slice %arg12[%run_scoped3A_207, %dma_start3A_247, %dma_start3A_248] : memref<2x40x128xf32, #tpu.memory_space<vmem>> -> memref<1x40x128xf32, #tpu.memory_space<vmem>>
      %dma_start3A_250 = tpu.memref_squeeze %dma_start3A_249 : memref<1x40x128xf32, #tpu.memory_space<vmem>> -> memref<40x128xf32, #tpu.memory_space<vmem>>
      %dma_start3A_251 = arith.constant 0 : i32
      %dma_start3A_252 = tpu.memref_slice %arg6[%arg0, %add3A_205, %dma_start3A_251] : memref<2x10240x128xf32, #tpu.memory_space<hbm>> -> memref<1x40x128xf32, #tpu.memory_space<hbm>>
      %dma_start3A_253 = tpu.memref_squeeze %dma_start3A_252 : memref<1x40x128xf32, #tpu.memory_space<hbm>> -> memref<40x128xf32, #tpu.memory_space<hbm>>
      %dma_start3A_254 = arith.constant 0 : i32
      %dma_start3A_255 = tpu.memref_slice %arg6[%arg0, %add3A_205, %dma_start3A_254] : memref<2x10240x128xf32, #tpu.memory_space<hbm>> -> memref<1x40x128xf32, #tpu.memory_space<hbm>>
      %dma_start3A_256 = tpu.memref_squeeze %dma_start3A_255 : memref<1x40x128xf32, #tpu.memory_space<hbm>> -> memref<40x128xf32, #tpu.memory_space<hbm>>
      %dma_start3A_257 = arith.constant 0 : i32
      %dma_start3A_258 = arith.constant 0 : i32
      %dma_start3A_259 = tpu.memref_slice %arg12[%run_scoped3A_207, %dma_start3A_257, %dma_start3A_258] : memref<2x40x128xf32, #tpu.memory_space<vmem>> -> memref<1x40x128xf32, #tpu.memory_space<vmem>>
      %dma_start3A_260 = tpu.memref_squeeze %dma_start3A_259 : memref<1x40x128xf32, #tpu.memory_space<vmem>> -> memref<40x128xf32, #tpu.memory_space<vmem>>
      tpu.enqueue_dma source(%dma_start3A_260 : memref<40x128xf32, #tpu.memory_space<vmem>>) target(%dma_start3A_256 : memref<40x128xf32, #tpu.memory_space<hbm>>) target_semaphore(%run_scoped3A_246 : memref<!tpu.dma_semaphore, #tpu.memory_space<semaphore_mem>>)
      %dma_wait3A_261 = arith.constant 0 : i32
      %dma_wait3A_262 = arith.constant 0 : i32
      %dma_wait3A_263 = tpu.memref_slice %arg12[%run_scoped3A_207, %dma_wait3A_261, %dma_wait3A_262] : memref<2x40x128xf32, #tpu.memory_space<vmem>> -> memref<1x40x128xf32, #tpu.memory_space<vmem>>
      %dma_wait3A_264 = tpu.memref_squeeze %dma_wait3A_263 : memref<1x40x128xf32, #tpu.memory_space<vmem>> -> memref<40x128xf32, #tpu.memory_space<vmem>>
      %dma_wait3A_265 = arith.constant 0 : i32
      %dma_wait3A_266 = tpu.memref_slice %arg6[%arg0, %add3A_205, %dma_wait3A_265] : memref<2x10240x128xf32, #tpu.memory_space<hbm>> -> memref<1x40x128xf32, #tpu.memory_space<hbm>>
      %dma_wait3A_267 = tpu.memref_squeeze %dma_wait3A_266 : memref<1x40x128xf32, #tpu.memory_space<hbm>> -> memref<40x128xf32, #tpu.memory_space<hbm>>
      %dma_wait3A_268 = arith.constant 0 : i32
      %dma_wait3A_269 = tpu.memref_slice %arg6[%arg0, %add3A_205, %dma_wait3A_268] : memref<2x10240x128xf32, #tpu.memory_space<hbm>> -> memref<1x40x128xf32, #tpu.memory_space<hbm>>
      %dma_wait3A_270 = tpu.memref_squeeze %dma_wait3A_269 : memref<1x40x128xf32, #tpu.memory_space<hbm>> -> memref<40x128xf32, #tpu.memory_space<hbm>>
      %dma_wait3A_271 = arith.constant 0 : i32
      %dma_wait3A_272 = arith.constant 0 : i32
      %dma_wait3A_273 = tpu.memref_slice %arg12[%run_scoped3A_207, %dma_wait3A_271, %dma_wait3A_272] : memref<2x40x128xf32, #tpu.memory_space<vmem>> -> memref<1x40x128xf32, #tpu.memory_space<vmem>>
      %dma_wait3A_274 = tpu.memref_squeeze %dma_wait3A_273 : memref<1x40x128xf32, #tpu.memory_space<vmem>> -> memref<40x128xf32, #tpu.memory_space<vmem>>
      tpu.wait_dma2 semaphore(%run_scoped3A_246 : memref<!tpu.dma_semaphore, #tpu.memory_space<semaphore_mem>>) src(%dma_wait3A_274 : memref<40x128xf32, #tpu.memory_space<vmem>>) dst(%dma_wait3A_270 : memref<40x128xf32, #tpu.memory_space<hbm>>)
      tpu.yield
    }) : () -> ()
    %add3A_208 = arith.constant 280 : i32
    %add3A_209 = arith.addi %multiple_of3A, %add3A_208 : i32
    %run_scoped3A_210 = arith.constant 0 : i32
    "tpu.region"() ({
      %run_scoped3A_246 = tpu.sem_alloc : memref<!tpu.dma_semaphore, #tpu.memory_space<semaphore_mem>>
      %dma_start3A_247 = arith.constant 0 : i32
      %dma_start3A_248 = arith.constant 0 : i32
      %dma_start3A_249 = tpu.memref_slice %arg12[%run_scoped3A_210, %dma_start3A_247, %dma_start3A_248] : memref<2x40x128xf32, #tpu.memory_space<vmem>> -> memref<1x40x128xf32, #tpu.memory_space<vmem>>
      %dma_start3A_250 = tpu.memref_squeeze %dma_start3A_249 : memref<1x40x128xf32, #tpu.memory_space<vmem>> -> memref<40x128xf32, #tpu.memory_space<vmem>>
      %dma_start3A_251 = arith.constant 0 : i32
      %dma_start3A_252 = tpu.memref_slice %arg14[%add3A_209, %dma_start3A_251] : memref<10240x128xf32, #tpu.memory_space<vmem_shared>> -> memref<40x128xf32, #tpu.memory_space<vmem_shared>>
      %dma_start3A_253 = arith.constant 0 : i32
      %dma_start3A_254 = arith.constant 0 : i32
      %dma_start3A_255 = tpu.memref_slice %arg12[%run_scoped3A_210, %dma_start3A_253, %dma_start3A_254] : memref<2x40x128xf32, #tpu.memory_space<vmem>> -> memref<1x40x128xf32, #tpu.memory_space<vmem>>
      %dma_start3A_256 = tpu.memref_squeeze %dma_start3A_255 : memref<1x40x128xf32, #tpu.memory_space<vmem>> -> memref<40x128xf32, #tpu.memory_space<vmem>>
      %dma_start3A_257 = arith.constant 0 : i32
      %dma_start3A_258 = tpu.memref_slice %arg14[%add3A_209, %dma_start3A_257] : memref<10240x128xf32, #tpu.memory_space<vmem_shared>> -> memref<40x128xf32, #tpu.memory_space<vmem_shared>>
      tpu.enqueue_dma source(%dma_start3A_258 : memref<40x128xf32, #tpu.memory_space<vmem_shared>>) target(%dma_start3A_256 : memref<40x128xf32, #tpu.memory_space<vmem>>) target_semaphore(%run_scoped3A_246 : memref<!tpu.dma_semaphore, #tpu.memory_space<semaphore_mem>>)
      %dma_wait3A_259 = arith.constant 0 : i32
      %dma_wait3A_260 = arith.constant 0 : i32
      %dma_wait3A_261 = tpu.memref_slice %arg12[%run_scoped3A_210, %dma_wait3A_259, %dma_wait3A_260] : memref<2x40x128xf32, #tpu.memory_space<vmem>> -> memref<1x40x128xf32, #tpu.memory_space<vmem>>
      %dma_wait3A_262 = tpu.memref_squeeze %dma_wait3A_261 : memref<1x40x128xf32, #tpu.memory_space<vmem>> -> memref<40x128xf32, #tpu.memory_space<vmem>>
      %dma_wait3A_263 = arith.constant 0 : i32
      %dma_wait3A_264 = tpu.memref_slice %arg14[%add3A_209, %dma_wait3A_263] : memref<10240x128xf32, #tpu.memory_space<vmem_shared>> -> memref<40x128xf32, #tpu.memory_space<vmem_shared>>
      %dma_wait3A_265 = arith.constant 0 : i32
      %dma_wait3A_266 = arith.constant 0 : i32
      %dma_wait3A_267 = tpu.memref_slice %arg12[%run_scoped3A_210, %dma_wait3A_265, %dma_wait3A_266] : memref<2x40x128xf32, #tpu.memory_space<vmem>> -> memref<1x40x128xf32, #tpu.memory_space<vmem>>
      %dma_wait3A_268 = tpu.memref_squeeze %dma_wait3A_267 : memref<1x40x128xf32, #tpu.memory_space<vmem>> -> memref<40x128xf32, #tpu.memory_space<vmem>>
      %dma_wait3A_269 = arith.constant 0 : i32
      %dma_wait3A_270 = tpu.memref_slice %arg14[%add3A_209, %dma_wait3A_269] : memref<10240x128xf32, #tpu.memory_space<vmem_shared>> -> memref<40x128xf32, #tpu.memory_space<vmem_shared>>
      tpu.wait_dma2 semaphore(%run_scoped3A_246 : memref<!tpu.dma_semaphore, #tpu.memory_space<semaphore_mem>>) src(%dma_wait3A_270 : memref<40x128xf32, #tpu.memory_space<vmem_shared>>) dst(%dma_wait3A_268 : memref<40x128xf32, #tpu.memory_space<vmem>>)
      tpu.yield
    }) : () -> ()
    %run_scoped3A_211 = arith.constant 0 : i32
    "tpu.region"() ({
      %run_scoped3A_246 = tpu.sem_alloc : memref<!tpu.dma_semaphore, #tpu.memory_space<semaphore_mem>>
      %dma_start3A_247 = arith.constant 0 : i32
      %dma_start3A_248 = arith.constant 0 : i32
      %dma_start3A_249 = tpu.memref_slice %arg12[%run_scoped3A_211, %dma_start3A_247, %dma_start3A_248] : memref<2x40x128xf32, #tpu.memory_space<vmem>> -> memref<1x40x128xf32, #tpu.memory_space<vmem>>
      %dma_start3A_250 = tpu.memref_squeeze %dma_start3A_249 : memref<1x40x128xf32, #tpu.memory_space<vmem>> -> memref<40x128xf32, #tpu.memory_space<vmem>>
      %dma_start3A_251 = arith.constant 0 : i32
      %dma_start3A_252 = tpu.memref_slice %arg6[%arg0, %add3A_209, %dma_start3A_251] : memref<2x10240x128xf32, #tpu.memory_space<hbm>> -> memref<1x40x128xf32, #tpu.memory_space<hbm>>
      %dma_start3A_253 = tpu.memref_squeeze %dma_start3A_252 : memref<1x40x128xf32, #tpu.memory_space<hbm>> -> memref<40x128xf32, #tpu.memory_space<hbm>>
      %dma_start3A_254 = arith.constant 0 : i32
      %dma_start3A_255 = tpu.memref_slice %arg6[%arg0, %add3A_209, %dma_start3A_254] : memref<2x10240x128xf32, #tpu.memory_space<hbm>> -> memref<1x40x128xf32, #tpu.memory_space<hbm>>
      %dma_start3A_256 = tpu.memref_squeeze %dma_start3A_255 : memref<1x40x128xf32, #tpu.memory_space<hbm>> -> memref<40x128xf32, #tpu.memory_space<hbm>>
      %dma_start3A_257 = arith.constant 0 : i32
      %dma_start3A_258 = arith.constant 0 : i32
      %dma_start3A_259 = tpu.memref_slice %arg12[%run_scoped3A_211, %dma_start3A_257, %dma_start3A_258] : memref<2x40x128xf32, #tpu.memory_space<vmem>> -> memref<1x40x128xf32, #tpu.memory_space<vmem>>
      %dma_start3A_260 = tpu.memref_squeeze %dma_start3A_259 : memref<1x40x128xf32, #tpu.memory_space<vmem>> -> memref<40x128xf32, #tpu.memory_space<vmem>>
      tpu.enqueue_dma source(%dma_start3A_260 : memref<40x128xf32, #tpu.memory_space<vmem>>) target(%dma_start3A_256 : memref<40x128xf32, #tpu.memory_space<hbm>>) target_semaphore(%run_scoped3A_246 : memref<!tpu.dma_semaphore, #tpu.memory_space<semaphore_mem>>)
      %dma_wait3A_261 = arith.constant 0 : i32
      %dma_wait3A_262 = arith.constant 0 : i32
      %dma_wait3A_263 = tpu.memref_slice %arg12[%run_scoped3A_211, %dma_wait3A_261, %dma_wait3A_262] : memref<2x40x128xf32, #tpu.memory_space<vmem>> -> memref<1x40x128xf32, #tpu.memory_space<vmem>>
      %dma_wait3A_264 = tpu.memref_squeeze %dma_wait3A_263 : memref<1x40x128xf32, #tpu.memory_space<vmem>> -> memref<40x128xf32, #tpu.memory_space<vmem>>
      %dma_wait3A_265 = arith.constant 0 : i32
      %dma_wait3A_266 = tpu.memref_slice %arg6[%arg0, %add3A_209, %dma_wait3A_265] : memref<2x10240x128xf32, #tpu.memory_space<hbm>> -> memref<1x40x128xf32, #tpu.memory_space<hbm>>
      %dma_wait3A_267 = tpu.memref_squeeze %dma_wait3A_266 : memref<1x40x128xf32, #tpu.memory_space<hbm>> -> memref<40x128xf32, #tpu.memory_space<hbm>>
      %dma_wait3A_268 = arith.constant 0 : i32
      %dma_wait3A_269 = tpu.memref_slice %arg6[%arg0, %add3A_209, %dma_wait3A_268] : memref<2x10240x128xf32, #tpu.memory_space<hbm>> -> memref<1x40x128xf32, #tpu.memory_space<hbm>>
      %dma_wait3A_270 = tpu.memref_squeeze %dma_wait3A_269 : memref<1x40x128xf32, #tpu.memory_space<hbm>> -> memref<40x128xf32, #tpu.memory_space<hbm>>
      %dma_wait3A_271 = arith.constant 0 : i32
      %dma_wait3A_272 = arith.constant 0 : i32
      %dma_wait3A_273 = tpu.memref_slice %arg12[%run_scoped3A_211, %dma_wait3A_271, %dma_wait3A_272] : memref<2x40x128xf32, #tpu.memory_space<vmem>> -> memref<1x40x128xf32, #tpu.memory_space<vmem>>
      %dma_wait3A_274 = tpu.memref_squeeze %dma_wait3A_273 : memref<1x40x128xf32, #tpu.memory_space<vmem>> -> memref<40x128xf32, #tpu.memory_space<vmem>>
      tpu.wait_dma2 semaphore(%run_scoped3A_246 : memref<!tpu.dma_semaphore, #tpu.memory_space<semaphore_mem>>) src(%dma_wait3A_274 : memref<40x128xf32, #tpu.memory_space<vmem>>) dst(%dma_wait3A_270 : memref<40x128xf32, #tpu.memory_space<hbm>>)
      tpu.yield
    }) : () -> ()
    %add3A_212 = arith.constant 320 : i32
    %add3A_213 = arith.addi %multiple_of3A, %add3A_212 : i32
    %run_scoped3A_214 = arith.constant 0 : i32
    "tpu.region"() ({
      %run_scoped3A_246 = tpu.sem_alloc : memref<!tpu.dma_semaphore, #tpu.memory_space<semaphore_mem>>
      %dma_start3A_247 = arith.constant 0 : i32
      %dma_start3A_248 = arith.constant 0 : i32
      %dma_start3A_249 = tpu.memref_slice %arg12[%run_scoped3A_214, %dma_start3A_247, %dma_start3A_248] : memref<2x40x128xf32, #tpu.memory_space<vmem>> -> memref<1x40x128xf32, #tpu.memory_space<vmem>>
      %dma_start3A_250 = tpu.memref_squeeze %dma_start3A_249 : memref<1x40x128xf32, #tpu.memory_space<vmem>> -> memref<40x128xf32, #tpu.memory_space<vmem>>
      %dma_start3A_251 = arith.constant 0 : i32
      %dma_start3A_252 = tpu.memref_slice %arg14[%add3A_213, %dma_start3A_251] : memref<10240x128xf32, #tpu.memory_space<vmem_shared>> -> memref<40x128xf32, #tpu.memory_space<vmem_shared>>
      %dma_start3A_253 = arith.constant 0 : i32
      %dma_start3A_254 = arith.constant 0 : i32
      %dma_start3A_255 = tpu.memref_slice %arg12[%run_scoped3A_214, %dma_start3A_253, %dma_start3A_254] : memref<2x40x128xf32, #tpu.memory_space<vmem>> -> memref<1x40x128xf32, #tpu.memory_space<vmem>>
      %dma_start3A_256 = tpu.memref_squeeze %dma_start3A_255 : memref<1x40x128xf32, #tpu.memory_space<vmem>> -> memref<40x128xf32, #tpu.memory_space<vmem>>
      %dma_start3A_257 = arith.constant 0 : i32
      %dma_start3A_258 = tpu.memref_slice %arg14[%add3A_213, %dma_start3A_257] : memref<10240x128xf32, #tpu.memory_space<vmem_shared>> -> memref<40x128xf32, #tpu.memory_space<vmem_shared>>
      tpu.enqueue_dma source(%dma_start3A_258 : memref<40x128xf32, #tpu.memory_space<vmem_shared>>) target(%dma_start3A_256 : memref<40x128xf32, #tpu.memory_space<vmem>>) target_semaphore(%run_scoped3A_246 : memref<!tpu.dma_semaphore, #tpu.memory_space<semaphore_mem>>)
      %dma_wait3A_259 = arith.constant 0 : i32
      %dma_wait3A_260 = arith.constant 0 : i32
      %dma_wait3A_261 = tpu.memref_slice %arg12[%run_scoped3A_214, %dma_wait3A_259, %dma_wait3A_260] : memref<2x40x128xf32, #tpu.memory_space<vmem>> -> memref<1x40x128xf32, #tpu.memory_space<vmem>>
      %dma_wait3A_262 = tpu.memref_squeeze %dma_wait3A_261 : memref<1x40x128xf32, #tpu.memory_space<vmem>> -> memref<40x128xf32, #tpu.memory_space<vmem>>
      %dma_wait3A_263 = arith.constant 0 : i32
      %dma_wait3A_264 = tpu.memref_slice %arg14[%add3A_213, %dma_wait3A_263] : memref<10240x128xf32, #tpu.memory_space<vmem_shared>> -> memref<40x128xf32, #tpu.memory_space<vmem_shared>>
      %dma_wait3A_265 = arith.constant 0 : i32
      %dma_wait3A_266 = arith.constant 0 : i32
      %dma_wait3A_267 = tpu.memref_slice %arg12[%run_scoped3A_214, %dma_wait3A_265, %dma_wait3A_266] : memref<2x40x128xf32, #tpu.memory_space<vmem>> -> memref<1x40x128xf32, #tpu.memory_space<vmem>>
      %dma_wait3A_268 = tpu.memref_squeeze %dma_wait3A_267 : memref<1x40x128xf32, #tpu.memory_space<vmem>> -> memref<40x128xf32, #tpu.memory_space<vmem>>
      %dma_wait3A_269 = arith.constant 0 : i32
      %dma_wait3A_270 = tpu.memref_slice %arg14[%add3A_213, %dma_wait3A_269] : memref<10240x128xf32, #tpu.memory_space<vmem_shared>> -> memref<40x128xf32, #tpu.memory_space<vmem_shared>>
      tpu.wait_dma2 semaphore(%run_scoped3A_246 : memref<!tpu.dma_semaphore, #tpu.memory_space<semaphore_mem>>) src(%dma_wait3A_270 : memref<40x128xf32, #tpu.memory_space<vmem_shared>>) dst(%dma_wait3A_268 : memref<40x128xf32, #tpu.memory_space<vmem>>)
      tpu.yield
    }) : () -> ()
    %run_scoped3A_215 = arith.constant 0 : i32
    "tpu.region"() ({
      %run_scoped3A_246 = tpu.sem_alloc : memref<!tpu.dma_semaphore, #tpu.memory_space<semaphore_mem>>
      %dma_start3A_247 = arith.constant 0 : i32
      %dma_start3A_248 = arith.constant 0 : i32
      %dma_start3A_249 = tpu.memref_slice %arg12[%run_scoped3A_215, %dma_start3A_247, %dma_start3A_248] : memref<2x40x128xf32, #tpu.memory_space<vmem>> -> memref<1x40x128xf32, #tpu.memory_space<vmem>>
      %dma_start3A_250 = tpu.memref_squeeze %dma_start3A_249 : memref<1x40x128xf32, #tpu.memory_space<vmem>> -> memref<40x128xf32, #tpu.memory_space<vmem>>
      %dma_start3A_251 = arith.constant 0 : i32
      %dma_start3A_252 = tpu.memref_slice %arg6[%arg0, %add3A_213, %dma_start3A_251] : memref<2x10240x128xf32, #tpu.memory_space<hbm>> -> memref<1x40x128xf32, #tpu.memory_space<hbm>>
      %dma_start3A_253 = tpu.memref_squeeze %dma_start3A_252 : memref<1x40x128xf32, #tpu.memory_space<hbm>> -> memref<40x128xf32, #tpu.memory_space<hbm>>
      %dma_start3A_254 = arith.constant 0 : i32
      %dma_start3A_255 = tpu.memref_slice %arg6[%arg0, %add3A_213, %dma_start3A_254] : memref<2x10240x128xf32, #tpu.memory_space<hbm>> -> memref<1x40x128xf32, #tpu.memory_space<hbm>>
      %dma_start3A_256 = tpu.memref_squeeze %dma_start3A_255 : memref<1x40x128xf32, #tpu.memory_space<hbm>> -> memref<40x128xf32, #tpu.memory_space<hbm>>
      %dma_start3A_257 = arith.constant 0 : i32
      %dma_start3A_258 = arith.constant 0 : i32
      %dma_start3A_259 = tpu.memref_slice %arg12[%run_scoped3A_215, %dma_start3A_257, %dma_start3A_258] : memref<2x40x128xf32, #tpu.memory_space<vmem>> -> memref<1x40x128xf32, #tpu.memory_space<vmem>>
      %dma_start3A_260 = tpu.memref_squeeze %dma_start3A_259 : memref<1x40x128xf32, #tpu.memory_space<vmem>> -> memref<40x128xf32, #tpu.memory_space<vmem>>
      tpu.enqueue_dma source(%dma_start3A_260 : memref<40x128xf32, #tpu.memory_space<vmem>>) target(%dma_start3A_256 : memref<40x128xf32, #tpu.memory_space<hbm>>) target_semaphore(%run_scoped3A_246 : memref<!tpu.dma_semaphore, #tpu.memory_space<semaphore_mem>>)
      %dma_wait3A_261 = arith.constant 0 : i32
      %dma_wait3A_262 = arith.constant 0 : i32
      %dma_wait3A_263 = tpu.memref_slice %arg12[%run_scoped3A_215, %dma_wait3A_261, %dma_wait3A_262] : memref<2x40x128xf32, #tpu.memory_space<vmem>> -> memref<1x40x128xf32, #tpu.memory_space<vmem>>
      %dma_wait3A_264 = tpu.memref_squeeze %dma_wait3A_263 : memref<1x40x128xf32, #tpu.memory_space<vmem>> -> memref<40x128xf32, #tpu.memory_space<vmem>>
      %dma_wait3A_265 = arith.constant 0 : i32
      %dma_wait3A_266 = tpu.memref_slice %arg6[%arg0, %add3A_213, %dma_wait3A_265] : memref<2x10240x128xf32, #tpu.memory_space<hbm>> -> memref<1x40x128xf32, #tpu.memory_space<hbm>>
      %dma_wait3A_267 = tpu.memref_squeeze %dma_wait3A_266 : memref<1x40x128xf32, #tpu.memory_space<hbm>> -> memref<40x128xf32, #tpu.memory_space<hbm>>
      %dma_wait3A_268 = arith.constant 0 : i32
      %dma_wait3A_269 = tpu.memref_slice %arg6[%arg0, %add3A_213, %dma_wait3A_268] : memref<2x10240x128xf32, #tpu.memory_space<hbm>> -> memref<1x40x128xf32, #tpu.memory_space<hbm>>
      %dma_wait3A_270 = tpu.memref_squeeze %dma_wait3A_269 : memref<1x40x128xf32, #tpu.memory_space<hbm>> -> memref<40x128xf32, #tpu.memory_space<hbm>>
      %dma_wait3A_271 = arith.constant 0 : i32
      %dma_wait3A_272 = arith.constant 0 : i32
      %dma_wait3A_273 = tpu.memref_slice %arg12[%run_scoped3A_215, %dma_wait3A_271, %dma_wait3A_272] : memref<2x40x128xf32, #tpu.memory_space<vmem>> -> memref<1x40x128xf32, #tpu.memory_space<vmem>>
      %dma_wait3A_274 = tpu.memref_squeeze %dma_wait3A_273 : memref<1x40x128xf32, #tpu.memory_space<vmem>> -> memref<40x128xf32, #tpu.memory_space<vmem>>
      tpu.wait_dma2 semaphore(%run_scoped3A_246 : memref<!tpu.dma_semaphore, #tpu.memory_space<semaphore_mem>>) src(%dma_wait3A_274 : memref<40x128xf32, #tpu.memory_space<vmem>>) dst(%dma_wait3A_270 : memref<40x128xf32, #tpu.memory_space<hbm>>)
      tpu.yield
    }) : () -> ()
    %add3A_216 = arith.constant 360 : i32
    %add3A_217 = arith.addi %multiple_of3A, %add3A_216 : i32
    %run_scoped3A_218 = arith.constant 0 : i32
    "tpu.region"() ({
      %run_scoped3A_246 = tpu.sem_alloc : memref<!tpu.dma_semaphore, #tpu.memory_space<semaphore_mem>>
      %dma_start3A_247 = arith.constant 0 : i32
      %dma_start3A_248 = arith.constant 0 : i32
      %dma_start3A_249 = tpu.memref_slice %arg12[%run_scoped3A_218, %dma_start3A_247, %dma_start3A_248] : memref<2x40x128xf32, #tpu.memory_space<vmem>> -> memref<1x40x128xf32, #tpu.memory_space<vmem>>
      %dma_start3A_250 = tpu.memref_squeeze %dma_start3A_249 : memref<1x40x128xf32, #tpu.memory_space<vmem>> -> memref<40x128xf32, #tpu.memory_space<vmem>>
      %dma_start3A_251 = arith.constant 0 : i32
      %dma_start3A_252 = tpu.memref_slice %arg14[%add3A_217, %dma_start3A_251] : memref<10240x128xf32, #tpu.memory_space<vmem_shared>> -> memref<40x128xf32, #tpu.memory_space<vmem_shared>>
      %dma_start3A_253 = arith.constant 0 : i32
      %dma_start3A_254 = arith.constant 0 : i32
      %dma_start3A_255 = tpu.memref_slice %arg12[%run_scoped3A_218, %dma_start3A_253, %dma_start3A_254] : memref<2x40x128xf32, #tpu.memory_space<vmem>> -> memref<1x40x128xf32, #tpu.memory_space<vmem>>
      %dma_start3A_256 = tpu.memref_squeeze %dma_start3A_255 : memref<1x40x128xf32, #tpu.memory_space<vmem>> -> memref<40x128xf32, #tpu.memory_space<vmem>>
      %dma_start3A_257 = arith.constant 0 : i32
      %dma_start3A_258 = tpu.memref_slice %arg14[%add3A_217, %dma_start3A_257] : memref<10240x128xf32, #tpu.memory_space<vmem_shared>> -> memref<40x128xf32, #tpu.memory_space<vmem_shared>>
      tpu.enqueue_dma source(%dma_start3A_258 : memref<40x128xf32, #tpu.memory_space<vmem_shared>>) target(%dma_start3A_256 : memref<40x128xf32, #tpu.memory_space<vmem>>) target_semaphore(%run_scoped3A_246 : memref<!tpu.dma_semaphore, #tpu.memory_space<semaphore_mem>>)
      %dma_wait3A_259 = arith.constant 0 : i32
      %dma_wait3A_260 = arith.constant 0 : i32
      %dma_wait3A_261 = tpu.memref_slice %arg12[%run_scoped3A_218, %dma_wait3A_259, %dma_wait3A_260] : memref<2x40x128xf32, #tpu.memory_space<vmem>> -> memref<1x40x128xf32, #tpu.memory_space<vmem>>
      %dma_wait3A_262 = tpu.memref_squeeze %dma_wait3A_261 : memref<1x40x128xf32, #tpu.memory_space<vmem>> -> memref<40x128xf32, #tpu.memory_space<vmem>>
      %dma_wait3A_263 = arith.constant 0 : i32
      %dma_wait3A_264 = tpu.memref_slice %arg14[%add3A_217, %dma_wait3A_263] : memref<10240x128xf32, #tpu.memory_space<vmem_shared>> -> memref<40x128xf32, #tpu.memory_space<vmem_shared>>
      %dma_wait3A_265 = arith.constant 0 : i32
      %dma_wait3A_266 = arith.constant 0 : i32
      %dma_wait3A_267 = tpu.memref_slice %arg12[%run_scoped3A_218, %dma_wait3A_265, %dma_wait3A_266] : memref<2x40x128xf32, #tpu.memory_space<vmem>> -> memref<1x40x128xf32, #tpu.memory_space<vmem>>
      %dma_wait3A_268 = tpu.memref_squeeze %dma_wait3A_267 : memref<1x40x128xf32, #tpu.memory_space<vmem>> -> memref<40x128xf32, #tpu.memory_space<vmem>>
      %dma_wait3A_269 = arith.constant 0 : i32
      %dma_wait3A_270 = tpu.memref_slice %arg14[%add3A_217, %dma_wait3A_269] : memref<10240x128xf32, #tpu.memory_space<vmem_shared>> -> memref<40x128xf32, #tpu.memory_space<vmem_shared>>
      tpu.wait_dma2 semaphore(%run_scoped3A_246 : memref<!tpu.dma_semaphore, #tpu.memory_space<semaphore_mem>>) src(%dma_wait3A_270 : memref<40x128xf32, #tpu.memory_space<vmem_shared>>) dst(%dma_wait3A_268 : memref<40x128xf32, #tpu.memory_space<vmem>>)
      tpu.yield
    }) : () -> ()
    %run_scoped3A_219 = arith.constant 0 : i32
    "tpu.region"() ({
      %run_scoped3A_246 = tpu.sem_alloc : memref<!tpu.dma_semaphore, #tpu.memory_space<semaphore_mem>>
      %dma_start3A_247 = arith.constant 0 : i32
      %dma_start3A_248 = arith.constant 0 : i32
      %dma_start3A_249 = tpu.memref_slice %arg12[%run_scoped3A_219, %dma_start3A_247, %dma_start3A_248] : memref<2x40x128xf32, #tpu.memory_space<vmem>> -> memref<1x40x128xf32, #tpu.memory_space<vmem>>
      %dma_start3A_250 = tpu.memref_squeeze %dma_start3A_249 : memref<1x40x128xf32, #tpu.memory_space<vmem>> -> memref<40x128xf32, #tpu.memory_space<vmem>>
      %dma_start3A_251 = arith.constant 0 : i32
      %dma_start3A_252 = tpu.memref_slice %arg6[%arg0, %add3A_217, %dma_start3A_251] : memref<2x10240x128xf32, #tpu.memory_space<hbm>> -> memref<1x40x128xf32, #tpu.memory_space<hbm>>
      %dma_start3A_253 = tpu.memref_squeeze %dma_start3A_252 : memref<1x40x128xf32, #tpu.memory_space<hbm>> -> memref<40x128xf32, #tpu.memory_space<hbm>>
      %dma_start3A_254 = arith.constant 0 : i32
      %dma_start3A_255 = tpu.memref_slice %arg6[%arg0, %add3A_217, %dma_start3A_254] : memref<2x10240x128xf32, #tpu.memory_space<hbm>> -> memref<1x40x128xf32, #tpu.memory_space<hbm>>
      %dma_start3A_256 = tpu.memref_squeeze %dma_start3A_255 : memref<1x40x128xf32, #tpu.memory_space<hbm>> -> memref<40x128xf32, #tpu.memory_space<hbm>>
      %dma_start3A_257 = arith.constant 0 : i32
      %dma_start3A_258 = arith.constant 0 : i32
      %dma_start3A_259 = tpu.memref_slice %arg12[%run_scoped3A_219, %dma_start3A_257, %dma_start3A_258] : memref<2x40x128xf32, #tpu.memory_space<vmem>> -> memref<1x40x128xf32, #tpu.memory_space<vmem>>
      %dma_start3A_260 = tpu.memref_squeeze %dma_start3A_259 : memref<1x40x128xf32, #tpu.memory_space<vmem>> -> memref<40x128xf32, #tpu.memory_space<vmem>>
      tpu.enqueue_dma source(%dma_start3A_260 : memref<40x128xf32, #tpu.memory_space<vmem>>) target(%dma_start3A_256 : memref<40x128xf32, #tpu.memory_space<hbm>>) target_semaphore(%run_scoped3A_246 : memref<!tpu.dma_semaphore, #tpu.memory_space<semaphore_mem>>)
      %dma_wait3A_261 = arith.constant 0 : i32
      %dma_wait3A_262 = arith.constant 0 : i32
      %dma_wait3A_263 = tpu.memref_slice %arg12[%run_scoped3A_219, %dma_wait3A_261, %dma_wait3A_262] : memref<2x40x128xf32, #tpu.memory_space<vmem>> -> memref<1x40x128xf32, #tpu.memory_space<vmem>>
      %dma_wait3A_264 = tpu.memref_squeeze %dma_wait3A_263 : memref<1x40x128xf32, #tpu.memory_space<vmem>> -> memref<40x128xf32, #tpu.memory_space<vmem>>
      %dma_wait3A_265 = arith.constant 0 : i32
      %dma_wait3A_266 = tpu.memref_slice %arg6[%arg0, %add3A_217, %dma_wait3A_265] : memref<2x10240x128xf32, #tpu.memory_space<hbm>> -> memref<1x40x128xf32, #tpu.memory_space<hbm>>
      %dma_wait3A_267 = tpu.memref_squeeze %dma_wait3A_266 : memref<1x40x128xf32, #tpu.memory_space<hbm>> -> memref<40x128xf32, #tpu.memory_space<hbm>>
      %dma_wait3A_268 = arith.constant 0 : i32
      %dma_wait3A_269 = tpu.memref_slice %arg6[%arg0, %add3A_217, %dma_wait3A_268] : memref<2x10240x128xf32, #tpu.memory_space<hbm>> -> memref<1x40x128xf32, #tpu.memory_space<hbm>>
      %dma_wait3A_270 = tpu.memref_squeeze %dma_wait3A_269 : memref<1x40x128xf32, #tpu.memory_space<hbm>> -> memref<40x128xf32, #tpu.memory_space<hbm>>
      %dma_wait3A_271 = arith.constant 0 : i32
      %dma_wait3A_272 = arith.constant 0 : i32
      %dma_wait3A_273 = tpu.memref_slice %arg12[%run_scoped3A_219, %dma_wait3A_271, %dma_wait3A_272] : memref<2x40x128xf32, #tpu.memory_space<vmem>> -> memref<1x40x128xf32, #tpu.memory_space<vmem>>
      %dma_wait3A_274 = tpu.memref_squeeze %dma_wait3A_273 : memref<1x40x128xf32, #tpu.memory_space<vmem>> -> memref<40x128xf32, #tpu.memory_space<vmem>>
      tpu.wait_dma2 semaphore(%run_scoped3A_246 : memref<!tpu.dma_semaphore, #tpu.memory_space<semaphore_mem>>) src(%dma_wait3A_274 : memref<40x128xf32, #tpu.memory_space<vmem>>) dst(%dma_wait3A_270 : memref<40x128xf32, #tpu.memory_space<hbm>>)
      tpu.yield
    }) : () -> ()
    %add3A_220 = arith.constant 400 : i32
    %add3A_221 = arith.addi %multiple_of3A, %add3A_220 : i32
    %run_scoped3A_222 = arith.constant 0 : i32
    "tpu.region"() ({
      %run_scoped3A_246 = tpu.sem_alloc : memref<!tpu.dma_semaphore, #tpu.memory_space<semaphore_mem>>
      %dma_start3A_247 = arith.constant 0 : i32
      %dma_start3A_248 = arith.constant 0 : i32
      %dma_start3A_249 = tpu.memref_slice %arg12[%run_scoped3A_222, %dma_start3A_247, %dma_start3A_248] : memref<2x40x128xf32, #tpu.memory_space<vmem>> -> memref<1x40x128xf32, #tpu.memory_space<vmem>>
      %dma_start3A_250 = tpu.memref_squeeze %dma_start3A_249 : memref<1x40x128xf32, #tpu.memory_space<vmem>> -> memref<40x128xf32, #tpu.memory_space<vmem>>
      %dma_start3A_251 = arith.constant 0 : i32
      %dma_start3A_252 = tpu.memref_slice %arg14[%add3A_221, %dma_start3A_251] : memref<10240x128xf32, #tpu.memory_space<vmem_shared>> -> memref<40x128xf32, #tpu.memory_space<vmem_shared>>
      %dma_start3A_253 = arith.constant 0 : i32
      %dma_start3A_254 = arith.constant 0 : i32
      %dma_start3A_255 = tpu.memref_slice %arg12[%run_scoped3A_222, %dma_start3A_253, %dma_start3A_254] : memref<2x40x128xf32, #tpu.memory_space<vmem>> -> memref<1x40x128xf32, #tpu.memory_space<vmem>>
      %dma_start3A_256 = tpu.memref_squeeze %dma_start3A_255 : memref<1x40x128xf32, #tpu.memory_space<vmem>> -> memref<40x128xf32, #tpu.memory_space<vmem>>
      %dma_start3A_257 = arith.constant 0 : i32
      %dma_start3A_258 = tpu.memref_slice %arg14[%add3A_221, %dma_start3A_257] : memref<10240x128xf32, #tpu.memory_space<vmem_shared>> -> memref<40x128xf32, #tpu.memory_space<vmem_shared>>
      tpu.enqueue_dma source(%dma_start3A_258 : memref<40x128xf32, #tpu.memory_space<vmem_shared>>) target(%dma_start3A_256 : memref<40x128xf32, #tpu.memory_space<vmem>>) target_semaphore(%run_scoped3A_246 : memref<!tpu.dma_semaphore, #tpu.memory_space<semaphore_mem>>)
      %dma_wait3A_259 = arith.constant 0 : i32
      %dma_wait3A_260 = arith.constant 0 : i32
      %dma_wait3A_261 = tpu.memref_slice %arg12[%run_scoped3A_222, %dma_wait3A_259, %dma_wait3A_260] : memref<2x40x128xf32, #tpu.memory_space<vmem>> -> memref<1x40x128xf32, #tpu.memory_space<vmem>>
      %dma_wait3A_262 = tpu.memref_squeeze %dma_wait3A_261 : memref<1x40x128xf32, #tpu.memory_space<vmem>> -> memref<40x128xf32, #tpu.memory_space<vmem>>
      %dma_wait3A_263 = arith.constant 0 : i32
      %dma_wait3A_264 = tpu.memref_slice %arg14[%add3A_221, %dma_wait3A_263] : memref<10240x128xf32, #tpu.memory_space<vmem_shared>> -> memref<40x128xf32, #tpu.memory_space<vmem_shared>>
      %dma_wait3A_265 = arith.constant 0 : i32
      %dma_wait3A_266 = arith.constant 0 : i32
      %dma_wait3A_267 = tpu.memref_slice %arg12[%run_scoped3A_222, %dma_wait3A_265, %dma_wait3A_266] : memref<2x40x128xf32, #tpu.memory_space<vmem>> -> memref<1x40x128xf32, #tpu.memory_space<vmem>>
      %dma_wait3A_268 = tpu.memref_squeeze %dma_wait3A_267 : memref<1x40x128xf32, #tpu.memory_space<vmem>> -> memref<40x128xf32, #tpu.memory_space<vmem>>
      %dma_wait3A_269 = arith.constant 0 : i32
      %dma_wait3A_270 = tpu.memref_slice %arg14[%add3A_221, %dma_wait3A_269] : memref<10240x128xf32, #tpu.memory_space<vmem_shared>> -> memref<40x128xf32, #tpu.memory_space<vmem_shared>>
      tpu.wait_dma2 semaphore(%run_scoped3A_246 : memref<!tpu.dma_semaphore, #tpu.memory_space<semaphore_mem>>) src(%dma_wait3A_270 : memref<40x128xf32, #tpu.memory_space<vmem_shared>>) dst(%dma_wait3A_268 : memref<40x128xf32, #tpu.memory_space<vmem>>)
      tpu.yield
    }) : () -> ()
    %run_scoped3A_223 = arith.constant 0 : i32
    "tpu.region"() ({
      %run_scoped3A_246 = tpu.sem_alloc : memref<!tpu.dma_semaphore, #tpu.memory_space<semaphore_mem>>
      %dma_start3A_247 = arith.constant 0 : i32
      %dma_start3A_248 = arith.constant 0 : i32
      %dma_start3A_249 = tpu.memref_slice %arg12[%run_scoped3A_223, %dma_start3A_247, %dma_start3A_248] : memref<2x40x128xf32, #tpu.memory_space<vmem>> -> memref<1x40x128xf32, #tpu.memory_space<vmem>>
      %dma_start3A_250 = tpu.memref_squeeze %dma_start3A_249 : memref<1x40x128xf32, #tpu.memory_space<vmem>> -> memref<40x128xf32, #tpu.memory_space<vmem>>
      %dma_start3A_251 = arith.constant 0 : i32
      %dma_start3A_252 = tpu.memref_slice %arg6[%arg0, %add3A_221, %dma_start3A_251] : memref<2x10240x128xf32, #tpu.memory_space<hbm>> -> memref<1x40x128xf32, #tpu.memory_space<hbm>>
      %dma_start3A_253 = tpu.memref_squeeze %dma_start3A_252 : memref<1x40x128xf32, #tpu.memory_space<hbm>> -> memref<40x128xf32, #tpu.memory_space<hbm>>
      %dma_start3A_254 = arith.constant 0 : i32
      %dma_start3A_255 = tpu.memref_slice %arg6[%arg0, %add3A_221, %dma_start3A_254] : memref<2x10240x128xf32, #tpu.memory_space<hbm>> -> memref<1x40x128xf32, #tpu.memory_space<hbm>>
      %dma_start3A_256 = tpu.memref_squeeze %dma_start3A_255 : memref<1x40x128xf32, #tpu.memory_space<hbm>> -> memref<40x128xf32, #tpu.memory_space<hbm>>
      %dma_start3A_257 = arith.constant 0 : i32
      %dma_start3A_258 = arith.constant 0 : i32
      %dma_start3A_259 = tpu.memref_slice %arg12[%run_scoped3A_223, %dma_start3A_257, %dma_start3A_258] : memref<2x40x128xf32, #tpu.memory_space<vmem>> -> memref<1x40x128xf32, #tpu.memory_space<vmem>>
      %dma_start3A_260 = tpu.memref_squeeze %dma_start3A_259 : memref<1x40x128xf32, #tpu.memory_space<vmem>> -> memref<40x128xf32, #tpu.memory_space<vmem>>
      tpu.enqueue_dma source(%dma_start3A_260 : memref<40x128xf32, #tpu.memory_space<vmem>>) target(%dma_start3A_256 : memref<40x128xf32, #tpu.memory_space<hbm>>) target_semaphore(%run_scoped3A_246 : memref<!tpu.dma_semaphore, #tpu.memory_space<semaphore_mem>>)
      %dma_wait3A_261 = arith.constant 0 : i32
      %dma_wait3A_262 = arith.constant 0 : i32
      %dma_wait3A_263 = tpu.memref_slice %arg12[%run_scoped3A_223, %dma_wait3A_261, %dma_wait3A_262] : memref<2x40x128xf32, #tpu.memory_space<vmem>> -> memref<1x40x128xf32, #tpu.memory_space<vmem>>
      %dma_wait3A_264 = tpu.memref_squeeze %dma_wait3A_263 : memref<1x40x128xf32, #tpu.memory_space<vmem>> -> memref<40x128xf32, #tpu.memory_space<vmem>>
      %dma_wait3A_265 = arith.constant 0 : i32
      %dma_wait3A_266 = tpu.memref_slice %arg6[%arg0, %add3A_221, %dma_wait3A_265] : memref<2x10240x128xf32, #tpu.memory_space<hbm>> -> memref<1x40x128xf32, #tpu.memory_space<hbm>>
      %dma_wait3A_267 = tpu.memref_squeeze %dma_wait3A_266 : memref<1x40x128xf32, #tpu.memory_space<hbm>> -> memref<40x128xf32, #tpu.memory_space<hbm>>
      %dma_wait3A_268 = arith.constant 0 : i32
      %dma_wait3A_269 = tpu.memref_slice %arg6[%arg0, %add3A_221, %dma_wait3A_268] : memref<2x10240x128xf32, #tpu.memory_space<hbm>> -> memref<1x40x128xf32, #tpu.memory_space<hbm>>
      %dma_wait3A_270 = tpu.memref_squeeze %dma_wait3A_269 : memref<1x40x128xf32, #tpu.memory_space<hbm>> -> memref<40x128xf32, #tpu.memory_space<hbm>>
      %dma_wait3A_271 = arith.constant 0 : i32
      %dma_wait3A_272 = arith.constant 0 : i32
      %dma_wait3A_273 = tpu.memref_slice %arg12[%run_scoped3A_223, %dma_wait3A_271, %dma_wait3A_272] : memref<2x40x128xf32, #tpu.memory_space<vmem>> -> memref<1x40x128xf32, #tpu.memory_space<vmem>>
      %dma_wait3A_274 = tpu.memref_squeeze %dma_wait3A_273 : memref<1x40x128xf32, #tpu.memory_space<vmem>> -> memref<40x128xf32, #tpu.memory_space<vmem>>
      tpu.wait_dma2 semaphore(%run_scoped3A_246 : memref<!tpu.dma_semaphore, #tpu.memory_space<semaphore_mem>>) src(%dma_wait3A_274 : memref<40x128xf32, #tpu.memory_space<vmem>>) dst(%dma_wait3A_270 : memref<40x128xf32, #tpu.memory_space<hbm>>)
      tpu.yield
    }) : () -> ()
    %add3A_224 = arith.constant 440 : i32
    %add3A_225 = arith.addi %multiple_of3A, %add3A_224 : i32
    %run_scoped3A_226 = arith.constant 0 : i32
    "tpu.region"() ({
      %run_scoped3A_246 = tpu.sem_alloc : memref<!tpu.dma_semaphore, #tpu.memory_space<semaphore_mem>>
      %dma_start3A_247 = arith.constant 0 : i32
      %dma_start3A_248 = arith.constant 0 : i32
      %dma_start3A_249 = tpu.memref_slice %arg12[%run_scoped3A_226, %dma_start3A_247, %dma_start3A_248] : memref<2x40x128xf32, #tpu.memory_space<vmem>> -> memref<1x40x128xf32, #tpu.memory_space<vmem>>
      %dma_start3A_250 = tpu.memref_squeeze %dma_start3A_249 : memref<1x40x128xf32, #tpu.memory_space<vmem>> -> memref<40x128xf32, #tpu.memory_space<vmem>>
      %dma_start3A_251 = arith.constant 0 : i32
      %dma_start3A_252 = tpu.memref_slice %arg14[%add3A_225, %dma_start3A_251] : memref<10240x128xf32, #tpu.memory_space<vmem_shared>> -> memref<40x128xf32, #tpu.memory_space<vmem_shared>>
      %dma_start3A_253 = arith.constant 0 : i32
      %dma_start3A_254 = arith.constant 0 : i32
      %dma_start3A_255 = tpu.memref_slice %arg12[%run_scoped3A_226, %dma_start3A_253, %dma_start3A_254] : memref<2x40x128xf32, #tpu.memory_space<vmem>> -> memref<1x40x128xf32, #tpu.memory_space<vmem>>
      %dma_start3A_256 = tpu.memref_squeeze %dma_start3A_255 : memref<1x40x128xf32, #tpu.memory_space<vmem>> -> memref<40x128xf32, #tpu.memory_space<vmem>>
      %dma_start3A_257 = arith.constant 0 : i32
      %dma_start3A_258 = tpu.memref_slice %arg14[%add3A_225, %dma_start3A_257] : memref<10240x128xf32, #tpu.memory_space<vmem_shared>> -> memref<40x128xf32, #tpu.memory_space<vmem_shared>>
      tpu.enqueue_dma source(%dma_start3A_258 : memref<40x128xf32, #tpu.memory_space<vmem_shared>>) target(%dma_start3A_256 : memref<40x128xf32, #tpu.memory_space<vmem>>) target_semaphore(%run_scoped3A_246 : memref<!tpu.dma_semaphore, #tpu.memory_space<semaphore_mem>>)
      %dma_wait3A_259 = arith.constant 0 : i32
      %dma_wait3A_260 = arith.constant 0 : i32
      %dma_wait3A_261 = tpu.memref_slice %arg12[%run_scoped3A_226, %dma_wait3A_259, %dma_wait3A_260] : memref<2x40x128xf32, #tpu.memory_space<vmem>> -> memref<1x40x128xf32, #tpu.memory_space<vmem>>
      %dma_wait3A_262 = tpu.memref_squeeze %dma_wait3A_261 : memref<1x40x128xf32, #tpu.memory_space<vmem>> -> memref<40x128xf32, #tpu.memory_space<vmem>>
      %dma_wait3A_263 = arith.constant 0 : i32
      %dma_wait3A_264 = tpu.memref_slice %arg14[%add3A_225, %dma_wait3A_263] : memref<10240x128xf32, #tpu.memory_space<vmem_shared>> -> memref<40x128xf32, #tpu.memory_space<vmem_shared>>
      %dma_wait3A_265 = arith.constant 0 : i32
      %dma_wait3A_266 = arith.constant 0 : i32
      %dma_wait3A_267 = tpu.memref_slice %arg12[%run_scoped3A_226, %dma_wait3A_265, %dma_wait3A_266] : memref<2x40x128xf32, #tpu.memory_space<vmem>> -> memref<1x40x128xf32, #tpu.memory_space<vmem>>
      %dma_wait3A_268 = tpu.memref_squeeze %dma_wait3A_267 : memref<1x40x128xf32, #tpu.memory_space<vmem>> -> memref<40x128xf32, #tpu.memory_space<vmem>>
      %dma_wait3A_269 = arith.constant 0 : i32
      %dma_wait3A_270 = tpu.memref_slice %arg14[%add3A_225, %dma_wait3A_269] : memref<10240x128xf32, #tpu.memory_space<vmem_shared>> -> memref<40x128xf32, #tpu.memory_space<vmem_shared>>
      tpu.wait_dma2 semaphore(%run_scoped3A_246 : memref<!tpu.dma_semaphore, #tpu.memory_space<semaphore_mem>>) src(%dma_wait3A_270 : memref<40x128xf32, #tpu.memory_space<vmem_shared>>) dst(%dma_wait3A_268 : memref<40x128xf32, #tpu.memory_space<vmem>>)
      tpu.yield
    }) : () -> ()
    %run_scoped3A_227 = arith.constant 0 : i32
    "tpu.region"() ({
      %run_scoped3A_246 = tpu.sem_alloc : memref<!tpu.dma_semaphore, #tpu.memory_space<semaphore_mem>>
      %dma_start3A_247 = arith.constant 0 : i32
      %dma_start3A_248 = arith.constant 0 : i32
      %dma_start3A_249 = tpu.memref_slice %arg12[%run_scoped3A_227, %dma_start3A_247, %dma_start3A_248] : memref<2x40x128xf32, #tpu.memory_space<vmem>> -> memref<1x40x128xf32, #tpu.memory_space<vmem>>
      %dma_start3A_250 = tpu.memref_squeeze %dma_start3A_249 : memref<1x40x128xf32, #tpu.memory_space<vmem>> -> memref<40x128xf32, #tpu.memory_space<vmem>>
      %dma_start3A_251 = arith.constant 0 : i32
      %dma_start3A_252 = tpu.memref_slice %arg6[%arg0, %add3A_225, %dma_start3A_251] : memref<2x10240x128xf32, #tpu.memory_space<hbm>> -> memref<1x40x128xf32, #tpu.memory_space<hbm>>
      %dma_start3A_253 = tpu.memref_squeeze %dma_start3A_252 : memref<1x40x128xf32, #tpu.memory_space<hbm>> -> memref<40x128xf32, #tpu.memory_space<hbm>>
      %dma_start3A_254 = arith.constant 0 : i32
      %dma_start3A_255 = tpu.memref_slice %arg6[%arg0, %add3A_225, %dma_start3A_254] : memref<2x10240x128xf32, #tpu.memory_space<hbm>> -> memref<1x40x128xf32, #tpu.memory_space<hbm>>
      %dma_start3A_256 = tpu.memref_squeeze %dma_start3A_255 : memref<1x40x128xf32, #tpu.memory_space<hbm>> -> memref<40x128xf32, #tpu.memory_space<hbm>>
      %dma_start3A_257 = arith.constant 0 : i32
      %dma_start3A_258 = arith.constant 0 : i32
      %dma_start3A_259 = tpu.memref_slice %arg12[%run_scoped3A_227, %dma_start3A_257, %dma_start3A_258] : memref<2x40x128xf32, #tpu.memory_space<vmem>> -> memref<1x40x128xf32, #tpu.memory_space<vmem>>
      %dma_start3A_260 = tpu.memref_squeeze %dma_start3A_259 : memref<1x40x128xf32, #tpu.memory_space<vmem>> -> memref<40x128xf32, #tpu.memory_space<vmem>>
      tpu.enqueue_dma source(%dma_start3A_260 : memref<40x128xf32, #tpu.memory_space<vmem>>) target(%dma_start3A_256 : memref<40x128xf32, #tpu.memory_space<hbm>>) target_semaphore(%run_scoped3A_246 : memref<!tpu.dma_semaphore, #tpu.memory_space<semaphore_mem>>)
      %dma_wait3A_261 = arith.constant 0 : i32
      %dma_wait3A_262 = arith.constant 0 : i32
      %dma_wait3A_263 = tpu.memref_slice %arg12[%run_scoped3A_227, %dma_wait3A_261, %dma_wait3A_262] : memref<2x40x128xf32, #tpu.memory_space<vmem>> -> memref<1x40x128xf32, #tpu.memory_space<vmem>>
      %dma_wait3A_264 = tpu.memref_squeeze %dma_wait3A_263 : memref<1x40x128xf32, #tpu.memory_space<vmem>> -> memref<40x128xf32, #tpu.memory_space<vmem>>
      %dma_wait3A_265 = arith.constant 0 : i32
      %dma_wait3A_266 = tpu.memref_slice %arg6[%arg0, %add3A_225, %dma_wait3A_265] : memref<2x10240x128xf32, #tpu.memory_space<hbm>> -> memref<1x40x128xf32, #tpu.memory_space<hbm>>
      %dma_wait3A_267 = tpu.memref_squeeze %dma_wait3A_266 : memref<1x40x128xf32, #tpu.memory_space<hbm>> -> memref<40x128xf32, #tpu.memory_space<hbm>>
      %dma_wait3A_268 = arith.constant 0 : i32
      %dma_wait3A_269 = tpu.memref_slice %arg6[%arg0, %add3A_225, %dma_wait3A_268] : memref<2x10240x128xf32, #tpu.memory_space<hbm>> -> memref<1x40x128xf32, #tpu.memory_space<hbm>>
      %dma_wait3A_270 = tpu.memref_squeeze %dma_wait3A_269 : memref<1x40x128xf32, #tpu.memory_space<hbm>> -> memref<40x128xf32, #tpu.memory_space<hbm>>
      %dma_wait3A_271 = arith.constant 0 : i32
      %dma_wait3A_272 = arith.constant 0 : i32
      %dma_wait3A_273 = tpu.memref_slice %arg12[%run_scoped3A_227, %dma_wait3A_271, %dma_wait3A_272] : memref<2x40x128xf32, #tpu.memory_space<vmem>> -> memref<1x40x128xf32, #tpu.memory_space<vmem>>
      %dma_wait3A_274 = tpu.memref_squeeze %dma_wait3A_273 : memref<1x40x128xf32, #tpu.memory_space<vmem>> -> memref<40x128xf32, #tpu.memory_space<vmem>>
      tpu.wait_dma2 semaphore(%run_scoped3A_246 : memref<!tpu.dma_semaphore, #tpu.memory_space<semaphore_mem>>) src(%dma_wait3A_274 : memref<40x128xf32, #tpu.memory_space<vmem>>) dst(%dma_wait3A_270 : memref<40x128xf32, #tpu.memory_space<hbm>>)
      tpu.yield
    }) : () -> ()
    %add3A_228 = arith.constant 480 : i32
    %add3A_229 = arith.addi %multiple_of3A, %add3A_228 : i32
    %run_scoped3A_230 = arith.constant 0 : i32
    "tpu.region"() ({
      %run_scoped3A_246 = tpu.sem_alloc : memref<!tpu.dma_semaphore, #tpu.memory_space<semaphore_mem>>
      %dma_start3A_247 = arith.constant 0 : i32
      %dma_start3A_248 = arith.constant 0 : i32
      %dma_start3A_249 = tpu.memref_slice %arg12[%run_scoped3A_230, %dma_start3A_247, %dma_start3A_248] : memref<2x40x128xf32, #tpu.memory_space<vmem>> -> memref<1x40x128xf32, #tpu.memory_space<vmem>>
      %dma_start3A_250 = tpu.memref_squeeze %dma_start3A_249 : memref<1x40x128xf32, #tpu.memory_space<vmem>> -> memref<40x128xf32, #tpu.memory_space<vmem>>
      %dma_start3A_251 = arith.constant 0 : i32
      %dma_start3A_252 = tpu.memref_slice %arg14[%add3A_229, %dma_start3A_251] : memref<10240x128xf32, #tpu.memory_space<vmem_shared>> -> memref<40x128xf32, #tpu.memory_space<vmem_shared>>
      %dma_start3A_253 = arith.constant 0 : i32
      %dma_start3A_254 = arith.constant 0 : i32
      %dma_start3A_255 = tpu.memref_slice %arg12[%run_scoped3A_230, %dma_start3A_253, %dma_start3A_254] : memref<2x40x128xf32, #tpu.memory_space<vmem>> -> memref<1x40x128xf32, #tpu.memory_space<vmem>>
      %dma_start3A_256 = tpu.memref_squeeze %dma_start3A_255 : memref<1x40x128xf32, #tpu.memory_space<vmem>> -> memref<40x128xf32, #tpu.memory_space<vmem>>
      %dma_start3A_257 = arith.constant 0 : i32
      %dma_start3A_258 = tpu.memref_slice %arg14[%add3A_229, %dma_start3A_257] : memref<10240x128xf32, #tpu.memory_space<vmem_shared>> -> memref<40x128xf32, #tpu.memory_space<vmem_shared>>
      tpu.enqueue_dma source(%dma_start3A_258 : memref<40x128xf32, #tpu.memory_space<vmem_shared>>) target(%dma_start3A_256 : memref<40x128xf32, #tpu.memory_space<vmem>>) target_semaphore(%run_scoped3A_246 : memref<!tpu.dma_semaphore, #tpu.memory_space<semaphore_mem>>)
      %dma_wait3A_259 = arith.constant 0 : i32
      %dma_wait3A_260 = arith.constant 0 : i32
      %dma_wait3A_261 = tpu.memref_slice %arg12[%run_scoped3A_230, %dma_wait3A_259, %dma_wait3A_260] : memref<2x40x128xf32, #tpu.memory_space<vmem>> -> memref<1x40x128xf32, #tpu.memory_space<vmem>>
      %dma_wait3A_262 = tpu.memref_squeeze %dma_wait3A_261 : memref<1x40x128xf32, #tpu.memory_space<vmem>> -> memref<40x128xf32, #tpu.memory_space<vmem>>
      %dma_wait3A_263 = arith.constant 0 : i32
      %dma_wait3A_264 = tpu.memref_slice %arg14[%add3A_229, %dma_wait3A_263] : memref<10240x128xf32, #tpu.memory_space<vmem_shared>> -> memref<40x128xf32, #tpu.memory_space<vmem_shared>>
      %dma_wait3A_265 = arith.constant 0 : i32
      %dma_wait3A_266 = arith.constant 0 : i32
      %dma_wait3A_267 = tpu.memref_slice %arg12[%run_scoped3A_230, %dma_wait3A_265, %dma_wait3A_266] : memref<2x40x128xf32, #tpu.memory_space<vmem>> -> memref<1x40x128xf32, #tpu.memory_space<vmem>>
      %dma_wait3A_268 = tpu.memref_squeeze %dma_wait3A_267 : memref<1x40x128xf32, #tpu.memory_space<vmem>> -> memref<40x128xf32, #tpu.memory_space<vmem>>
      %dma_wait3A_269 = arith.constant 0 : i32
      %dma_wait3A_270 = tpu.memref_slice %arg14[%add3A_229, %dma_wait3A_269] : memref<10240x128xf32, #tpu.memory_space<vmem_shared>> -> memref<40x128xf32, #tpu.memory_space<vmem_shared>>
      tpu.wait_dma2 semaphore(%run_scoped3A_246 : memref<!tpu.dma_semaphore, #tpu.memory_space<semaphore_mem>>) src(%dma_wait3A_270 : memref<40x128xf32, #tpu.memory_space<vmem_shared>>) dst(%dma_wait3A_268 : memref<40x128xf32, #tpu.memory_space<vmem>>)
      tpu.yield
    }) : () -> ()
    %run_scoped3A_231 = arith.constant 0 : i32
    "tpu.region"() ({
      %run_scoped3A_246 = tpu.sem_alloc : memref<!tpu.dma_semaphore, #tpu.memory_space<semaphore_mem>>
      %dma_start3A_247 = arith.constant 0 : i32
      %dma_start3A_248 = arith.constant 0 : i32
      %dma_start3A_249 = tpu.memref_slice %arg12[%run_scoped3A_231, %dma_start3A_247, %dma_start3A_248] : memref<2x40x128xf32, #tpu.memory_space<vmem>> -> memref<1x40x128xf32, #tpu.memory_space<vmem>>
      %dma_start3A_250 = tpu.memref_squeeze %dma_start3A_249 : memref<1x40x128xf32, #tpu.memory_space<vmem>> -> memref<40x128xf32, #tpu.memory_space<vmem>>
      %dma_start3A_251 = arith.constant 0 : i32
      %dma_start3A_252 = tpu.memref_slice %arg6[%arg0, %add3A_229, %dma_start3A_251] : memref<2x10240x128xf32, #tpu.memory_space<hbm>> -> memref<1x40x128xf32, #tpu.memory_space<hbm>>
      %dma_start3A_253 = tpu.memref_squeeze %dma_start3A_252 : memref<1x40x128xf32, #tpu.memory_space<hbm>> -> memref<40x128xf32, #tpu.memory_space<hbm>>
      %dma_start3A_254 = arith.constant 0 : i32
      %dma_start3A_255 = tpu.memref_slice %arg6[%arg0, %add3A_229, %dma_start3A_254] : memref<2x10240x128xf32, #tpu.memory_space<hbm>> -> memref<1x40x128xf32, #tpu.memory_space<hbm>>
      %dma_start3A_256 = tpu.memref_squeeze %dma_start3A_255 : memref<1x40x128xf32, #tpu.memory_space<hbm>> -> memref<40x128xf32, #tpu.memory_space<hbm>>
      %dma_start3A_257 = arith.constant 0 : i32
      %dma_start3A_258 = arith.constant 0 : i32
      %dma_start3A_259 = tpu.memref_slice %arg12[%run_scoped3A_231, %dma_start3A_257, %dma_start3A_258] : memref<2x40x128xf32, #tpu.memory_space<vmem>> -> memref<1x40x128xf32, #tpu.memory_space<vmem>>
      %dma_start3A_260 = tpu.memref_squeeze %dma_start3A_259 : memref<1x40x128xf32, #tpu.memory_space<vmem>> -> memref<40x128xf32, #tpu.memory_space<vmem>>
      tpu.enqueue_dma source(%dma_start3A_260 : memref<40x128xf32, #tpu.memory_space<vmem>>) target(%dma_start3A_256 : memref<40x128xf32, #tpu.memory_space<hbm>>) target_semaphore(%run_scoped3A_246 : memref<!tpu.dma_semaphore, #tpu.memory_space<semaphore_mem>>)
      %dma_wait3A_261 = arith.constant 0 : i32
      %dma_wait3A_262 = arith.constant 0 : i32
      %dma_wait3A_263 = tpu.memref_slice %arg12[%run_scoped3A_231, %dma_wait3A_261, %dma_wait3A_262] : memref<2x40x128xf32, #tpu.memory_space<vmem>> -> memref<1x40x128xf32, #tpu.memory_space<vmem>>
      %dma_wait3A_264 = tpu.memref_squeeze %dma_wait3A_263 : memref<1x40x128xf32, #tpu.memory_space<vmem>> -> memref<40x128xf32, #tpu.memory_space<vmem>>
      %dma_wait3A_265 = arith.constant 0 : i32
      %dma_wait3A_266 = tpu.memref_slice %arg6[%arg0, %add3A_229, %dma_wait3A_265] : memref<2x10240x128xf32, #tpu.memory_space<hbm>> -> memref<1x40x128xf32, #tpu.memory_space<hbm>>
      %dma_wait3A_267 = tpu.memref_squeeze %dma_wait3A_266 : memref<1x40x128xf32, #tpu.memory_space<hbm>> -> memref<40x128xf32, #tpu.memory_space<hbm>>
      %dma_wait3A_268 = arith.constant 0 : i32
      %dma_wait3A_269 = tpu.memref_slice %arg6[%arg0, %add3A_229, %dma_wait3A_268] : memref<2x10240x128xf32, #tpu.memory_space<hbm>> -> memref<1x40x128xf32, #tpu.memory_space<hbm>>
      %dma_wait3A_270 = tpu.memref_squeeze %dma_wait3A_269 : memref<1x40x128xf32, #tpu.memory_space<hbm>> -> memref<40x128xf32, #tpu.memory_space<hbm>>
      %dma_wait3A_271 = arith.constant 0 : i32
      %dma_wait3A_272 = arith.constant 0 : i32
      %dma_wait3A_273 = tpu.memref_slice %arg12[%run_scoped3A_231, %dma_wait3A_271, %dma_wait3A_272] : memref<2x40x128xf32, #tpu.memory_space<vmem>> -> memref<1x40x128xf32, #tpu.memory_space<vmem>>
      %dma_wait3A_274 = tpu.memref_squeeze %dma_wait3A_273 : memref<1x40x128xf32, #tpu.memory_space<vmem>> -> memref<40x128xf32, #tpu.memory_space<vmem>>
      tpu.wait_dma2 semaphore(%run_scoped3A_246 : memref<!tpu.dma_semaphore, #tpu.memory_space<semaphore_mem>>) src(%dma_wait3A_274 : memref<40x128xf32, #tpu.memory_space<vmem>>) dst(%dma_wait3A_270 : memref<40x128xf32, #tpu.memory_space<hbm>>)
      tpu.yield
    }) : () -> ()
    %add3A_232 = arith.constant 520 : i32
    %add3A_233 = arith.addi %multiple_of3A, %add3A_232 : i32
    %run_scoped3A_234 = arith.constant 0 : i32
    "tpu.region"() ({
      %run_scoped3A_246 = tpu.sem_alloc : memref<!tpu.dma_semaphore, #tpu.memory_space<semaphore_mem>>
      %dma_start3A_247 = arith.constant 0 : i32
      %dma_start3A_248 = arith.constant 0 : i32
      %dma_start3A_249 = tpu.memref_slice %arg12[%run_scoped3A_234, %dma_start3A_247, %dma_start3A_248] : memref<2x40x128xf32, #tpu.memory_space<vmem>> -> memref<1x40x128xf32, #tpu.memory_space<vmem>>
      %dma_start3A_250 = tpu.memref_squeeze %dma_start3A_249 : memref<1x40x128xf32, #tpu.memory_space<vmem>> -> memref<40x128xf32, #tpu.memory_space<vmem>>
      %dma_start3A_251 = arith.constant 0 : i32
      %dma_start3A_252 = tpu.memref_slice %arg14[%add3A_233, %dma_start3A_251] : memref<10240x128xf32, #tpu.memory_space<vmem_shared>> -> memref<40x128xf32, #tpu.memory_space<vmem_shared>>
      %dma_start3A_253 = arith.constant 0 : i32
      %dma_start3A_254 = arith.constant 0 : i32
      %dma_start3A_255 = tpu.memref_slice %arg12[%run_scoped3A_234, %dma_start3A_253, %dma_start3A_254] : memref<2x40x128xf32, #tpu.memory_space<vmem>> -> memref<1x40x128xf32, #tpu.memory_space<vmem>>
      %dma_start3A_256 = tpu.memref_squeeze %dma_start3A_255 : memref<1x40x128xf32, #tpu.memory_space<vmem>> -> memref<40x128xf32, #tpu.memory_space<vmem>>
      %dma_start3A_257 = arith.constant 0 : i32
      %dma_start3A_258 = tpu.memref_slice %arg14[%add3A_233, %dma_start3A_257] : memref<10240x128xf32, #tpu.memory_space<vmem_shared>> -> memref<40x128xf32, #tpu.memory_space<vmem_shared>>
      tpu.enqueue_dma source(%dma_start3A_258 : memref<40x128xf32, #tpu.memory_space<vmem_shared>>) target(%dma_start3A_256 : memref<40x128xf32, #tpu.memory_space<vmem>>) target_semaphore(%run_scoped3A_246 : memref<!tpu.dma_semaphore, #tpu.memory_space<semaphore_mem>>)
      %dma_wait3A_259 = arith.constant 0 : i32
      %dma_wait3A_260 = arith.constant 0 : i32
      %dma_wait3A_261 = tpu.memref_slice %arg12[%run_scoped3A_234, %dma_wait3A_259, %dma_wait3A_260] : memref<2x40x128xf32, #tpu.memory_space<vmem>> -> memref<1x40x128xf32, #tpu.memory_space<vmem>>
      %dma_wait3A_262 = tpu.memref_squeeze %dma_wait3A_261 : memref<1x40x128xf32, #tpu.memory_space<vmem>> -> memref<40x128xf32, #tpu.memory_space<vmem>>
      %dma_wait3A_263 = arith.constant 0 : i32
      %dma_wait3A_264 = tpu.memref_slice %arg14[%add3A_233, %dma_wait3A_263] : memref<10240x128xf32, #tpu.memory_space<vmem_shared>> -> memref<40x128xf32, #tpu.memory_space<vmem_shared>>
      %dma_wait3A_265 = arith.constant 0 : i32
      %dma_wait3A_266 = arith.constant 0 : i32
      %dma_wait3A_267 = tpu.memref_slice %arg12[%run_scoped3A_234, %dma_wait3A_265, %dma_wait3A_266] : memref<2x40x128xf32, #tpu.memory_space<vmem>> -> memref<1x40x128xf32, #tpu.memory_space<vmem>>
      %dma_wait3A_268 = tpu.memref_squeeze %dma_wait3A_267 : memref<1x40x128xf32, #tpu.memory_space<vmem>> -> memref<40x128xf32, #tpu.memory_space<vmem>>
      %dma_wait3A_269 = arith.constant 0 : i32
      %dma_wait3A_270 = tpu.memref_slice %arg14[%add3A_233, %dma_wait3A_269] : memref<10240x128xf32, #tpu.memory_space<vmem_shared>> -> memref<40x128xf32, #tpu.memory_space<vmem_shared>>
      tpu.wait_dma2 semaphore(%run_scoped3A_246 : memref<!tpu.dma_semaphore, #tpu.memory_space<semaphore_mem>>) src(%dma_wait3A_270 : memref<40x128xf32, #tpu.memory_space<vmem_shared>>) dst(%dma_wait3A_268 : memref<40x128xf32, #tpu.memory_space<vmem>>)
      tpu.yield
    }) : () -> ()
    %run_scoped3A_235 = arith.constant 0 : i32
    "tpu.region"() ({
      %run_scoped3A_246 = tpu.sem_alloc : memref<!tpu.dma_semaphore, #tpu.memory_space<semaphore_mem>>
      %dma_start3A_247 = arith.constant 0 : i32
      %dma_start3A_248 = arith.constant 0 : i32
      %dma_start3A_249 = tpu.memref_slice %arg12[%run_scoped3A_235, %dma_start3A_247, %dma_start3A_248] : memref<2x40x128xf32, #tpu.memory_space<vmem>> -> memref<1x40x128xf32, #tpu.memory_space<vmem>>
      %dma_start3A_250 = tpu.memref_squeeze %dma_start3A_249 : memref<1x40x128xf32, #tpu.memory_space<vmem>> -> memref<40x128xf32, #tpu.memory_space<vmem>>
      %dma_start3A_251 = arith.constant 0 : i32
      %dma_start3A_252 = tpu.memref_slice %arg6[%arg0, %add3A_233, %dma_start3A_251] : memref<2x10240x128xf32, #tpu.memory_space<hbm>> -> memref<1x40x128xf32, #tpu.memory_space<hbm>>
      %dma_start3A_253 = tpu.memref_squeeze %dma_start3A_252 : memref<1x40x128xf32, #tpu.memory_space<hbm>> -> memref<40x128xf32, #tpu.memory_space<hbm>>
      %dma_start3A_254 = arith.constant 0 : i32
      %dma_start3A_255 = tpu.memref_slice %arg6[%arg0, %add3A_233, %dma_start3A_254] : memref<2x10240x128xf32, #tpu.memory_space<hbm>> -> memref<1x40x128xf32, #tpu.memory_space<hbm>>
      %dma_start3A_256 = tpu.memref_squeeze %dma_start3A_255 : memref<1x40x128xf32, #tpu.memory_space<hbm>> -> memref<40x128xf32, #tpu.memory_space<hbm>>
      %dma_start3A_257 = arith.constant 0 : i32
      %dma_start3A_258 = arith.constant 0 : i32
      %dma_start3A_259 = tpu.memref_slice %arg12[%run_scoped3A_235, %dma_start3A_257, %dma_start3A_258] : memref<2x40x128xf32, #tpu.memory_space<vmem>> -> memref<1x40x128xf32, #tpu.memory_space<vmem>>
      %dma_start3A_260 = tpu.memref_squeeze %dma_start3A_259 : memref<1x40x128xf32, #tpu.memory_space<vmem>> -> memref<40x128xf32, #tpu.memory_space<vmem>>
      tpu.enqueue_dma source(%dma_start3A_260 : memref<40x128xf32, #tpu.memory_space<vmem>>) target(%dma_start3A_256 : memref<40x128xf32, #tpu.memory_space<hbm>>) target_semaphore(%run_scoped3A_246 : memref<!tpu.dma_semaphore, #tpu.memory_space<semaphore_mem>>)
      %dma_wait3A_261 = arith.constant 0 : i32
      %dma_wait3A_262 = arith.constant 0 : i32
      %dma_wait3A_263 = tpu.memref_slice %arg12[%run_scoped3A_235, %dma_wait3A_261, %dma_wait3A_262] : memref<2x40x128xf32, #tpu.memory_space<vmem>> -> memref<1x40x128xf32, #tpu.memory_space<vmem>>
      %dma_wait3A_264 = tpu.memref_squeeze %dma_wait3A_263 : memref<1x40x128xf32, #tpu.memory_space<vmem>> -> memref<40x128xf32, #tpu.memory_space<vmem>>
      %dma_wait3A_265 = arith.constant 0 : i32
      %dma_wait3A_266 = tpu.memref_slice %arg6[%arg0, %add3A_233, %dma_wait3A_265] : memref<2x10240x128xf32, #tpu.memory_space<hbm>> -> memref<1x40x128xf32, #tpu.memory_space<hbm>>
      %dma_wait3A_267 = tpu.memref_squeeze %dma_wait3A_266 : memref<1x40x128xf32, #tpu.memory_space<hbm>> -> memref<40x128xf32, #tpu.memory_space<hbm>>
      %dma_wait3A_268 = arith.constant 0 : i32
      %dma_wait3A_269 = tpu.memref_slice %arg6[%arg0, %add3A_233, %dma_wait3A_268] : memref<2x10240x128xf32, #tpu.memory_space<hbm>> -> memref<1x40x128xf32, #tpu.memory_space<hbm>>
      %dma_wait3A_270 = tpu.memref_squeeze %dma_wait3A_269 : memref<1x40x128xf32, #tpu.memory_space<hbm>> -> memref<40x128xf32, #tpu.memory_space<hbm>>
      %dma_wait3A_271 = arith.constant 0 : i32
      %dma_wait3A_272 = arith.constant 0 : i32
      %dma_wait3A_273 = tpu.memref_slice %arg12[%run_scoped3A_235, %dma_wait3A_271, %dma_wait3A_272] : memref<2x40x128xf32, #tpu.memory_space<vmem>> -> memref<1x40x128xf32, #tpu.memory_space<vmem>>
      %dma_wait3A_274 = tpu.memref_squeeze %dma_wait3A_273 : memref<1x40x128xf32, #tpu.memory_space<vmem>> -> memref<40x128xf32, #tpu.memory_space<vmem>>
      tpu.wait_dma2 semaphore(%run_scoped3A_246 : memref<!tpu.dma_semaphore, #tpu.memory_space<semaphore_mem>>) src(%dma_wait3A_274 : memref<40x128xf32, #tpu.memory_space<vmem>>) dst(%dma_wait3A_270 : memref<40x128xf32, #tpu.memory_space<hbm>>)
      tpu.yield
    }) : () -> ()
    %add3A_236 = arith.constant 560 : i32
    %add3A_237 = arith.addi %multiple_of3A, %add3A_236 : i32
    %run_scoped3A_238 = arith.constant 0 : i32
    "tpu.region"() ({
      %run_scoped3A_246 = tpu.sem_alloc : memref<!tpu.dma_semaphore, #tpu.memory_space<semaphore_mem>>
      %dma_start3A_247 = arith.constant 0 : i32
      %dma_start3A_248 = arith.constant 0 : i32
      %dma_start3A_249 = tpu.memref_slice %arg12[%run_scoped3A_238, %dma_start3A_247, %dma_start3A_248] : memref<2x40x128xf32, #tpu.memory_space<vmem>> -> memref<1x40x128xf32, #tpu.memory_space<vmem>>
      %dma_start3A_250 = tpu.memref_squeeze %dma_start3A_249 : memref<1x40x128xf32, #tpu.memory_space<vmem>> -> memref<40x128xf32, #tpu.memory_space<vmem>>
      %dma_start3A_251 = arith.constant 0 : i32
      %dma_start3A_252 = tpu.memref_slice %arg14[%add3A_237, %dma_start3A_251] : memref<10240x128xf32, #tpu.memory_space<vmem_shared>> -> memref<40x128xf32, #tpu.memory_space<vmem_shared>>
      %dma_start3A_253 = arith.constant 0 : i32
      %dma_start3A_254 = arith.constant 0 : i32
      %dma_start3A_255 = tpu.memref_slice %arg12[%run_scoped3A_238, %dma_start3A_253, %dma_start3A_254] : memref<2x40x128xf32, #tpu.memory_space<vmem>> -> memref<1x40x128xf32, #tpu.memory_space<vmem>>
      %dma_start3A_256 = tpu.memref_squeeze %dma_start3A_255 : memref<1x40x128xf32, #tpu.memory_space<vmem>> -> memref<40x128xf32, #tpu.memory_space<vmem>>
      %dma_start3A_257 = arith.constant 0 : i32
      %dma_start3A_258 = tpu.memref_slice %arg14[%add3A_237, %dma_start3A_257] : memref<10240x128xf32, #tpu.memory_space<vmem_shared>> -> memref<40x128xf32, #tpu.memory_space<vmem_shared>>
      tpu.enqueue_dma source(%dma_start3A_258 : memref<40x128xf32, #tpu.memory_space<vmem_shared>>) target(%dma_start3A_256 : memref<40x128xf32, #tpu.memory_space<vmem>>) target_semaphore(%run_scoped3A_246 : memref<!tpu.dma_semaphore, #tpu.memory_space<semaphore_mem>>)
      %dma_wait3A_259 = arith.constant 0 : i32
      %dma_wait3A_260 = arith.constant 0 : i32
      %dma_wait3A_261 = tpu.memref_slice %arg12[%run_scoped3A_238, %dma_wait3A_259, %dma_wait3A_260] : memref<2x40x128xf32, #tpu.memory_space<vmem>> -> memref<1x40x128xf32, #tpu.memory_space<vmem>>
      %dma_wait3A_262 = tpu.memref_squeeze %dma_wait3A_261 : memref<1x40x128xf32, #tpu.memory_space<vmem>> -> memref<40x128xf32, #tpu.memory_space<vmem>>
      %dma_wait3A_263 = arith.constant 0 : i32
      %dma_wait3A_264 = tpu.memref_slice %arg14[%add3A_237, %dma_wait3A_263] : memref<10240x128xf32, #tpu.memory_space<vmem_shared>> -> memref<40x128xf32, #tpu.memory_space<vmem_shared>>
      %dma_wait3A_265 = arith.constant 0 : i32
      %dma_wait3A_266 = arith.constant 0 : i32
      %dma_wait3A_267 = tpu.memref_slice %arg12[%run_scoped3A_238, %dma_wait3A_265, %dma_wait3A_266] : memref<2x40x128xf32, #tpu.memory_space<vmem>> -> memref<1x40x128xf32, #tpu.memory_space<vmem>>
      %dma_wait3A_268 = tpu.memref_squeeze %dma_wait3A_267 : memref<1x40x128xf32, #tpu.memory_space<vmem>> -> memref<40x128xf32, #tpu.memory_space<vmem>>
      %dma_wait3A_269 = arith.constant 0 : i32
      %dma_wait3A_270 = tpu.memref_slice %arg14[%add3A_237, %dma_wait3A_269] : memref<10240x128xf32, #tpu.memory_space<vmem_shared>> -> memref<40x128xf32, #tpu.memory_space<vmem_shared>>
      tpu.wait_dma2 semaphore(%run_scoped3A_246 : memref<!tpu.dma_semaphore, #tpu.memory_space<semaphore_mem>>) src(%dma_wait3A_270 : memref<40x128xf32, #tpu.memory_space<vmem_shared>>) dst(%dma_wait3A_268 : memref<40x128xf32, #tpu.memory_space<vmem>>)
      tpu.yield
    }) : () -> ()
    %run_scoped3A_239 = arith.constant 0 : i32
    "tpu.region"() ({
      %run_scoped3A_246 = tpu.sem_alloc : memref<!tpu.dma_semaphore, #tpu.memory_space<semaphore_mem>>
      %dma_start3A_247 = arith.constant 0 : i32
      %dma_start3A_248 = arith.constant 0 : i32
      %dma_start3A_249 = tpu.memref_slice %arg12[%run_scoped3A_239, %dma_start3A_247, %dma_start3A_248] : memref<2x40x128xf32, #tpu.memory_space<vmem>> -> memref<1x40x128xf32, #tpu.memory_space<vmem>>
      %dma_start3A_250 = tpu.memref_squeeze %dma_start3A_249 : memref<1x40x128xf32, #tpu.memory_space<vmem>> -> memref<40x128xf32, #tpu.memory_space<vmem>>
      %dma_start3A_251 = arith.constant 0 : i32
      %dma_start3A_252 = tpu.memref_slice %arg6[%arg0, %add3A_237, %dma_start3A_251] : memref<2x10240x128xf32, #tpu.memory_space<hbm>> -> memref<1x40x128xf32, #tpu.memory_space<hbm>>
      %dma_start3A_253 = tpu.memref_squeeze %dma_start3A_252 : memref<1x40x128xf32, #tpu.memory_space<hbm>> -> memref<40x128xf32, #tpu.memory_space<hbm>>
      %dma_start3A_254 = arith.constant 0 : i32
      %dma_start3A_255 = tpu.memref_slice %arg6[%arg0, %add3A_237, %dma_start3A_254] : memref<2x10240x128xf32, #tpu.memory_space<hbm>> -> memref<1x40x128xf32, #tpu.memory_space<hbm>>
      %dma_start3A_256 = tpu.memref_squeeze %dma_start3A_255 : memref<1x40x128xf32, #tpu.memory_space<hbm>> -> memref<40x128xf32, #tpu.memory_space<hbm>>
      %dma_start3A_257 = arith.constant 0 : i32
      %dma_start3A_258 = arith.constant 0 : i32
      %dma_start3A_259 = tpu.memref_slice %arg12[%run_scoped3A_239, %dma_start3A_257, %dma_start3A_258] : memref<2x40x128xf32, #tpu.memory_space<vmem>> -> memref<1x40x128xf32, #tpu.memory_space<vmem>>
      %dma_start3A_260 = tpu.memref_squeeze %dma_start3A_259 : memref<1x40x128xf32, #tpu.memory_space<vmem>> -> memref<40x128xf32, #tpu.memory_space<vmem>>
      tpu.enqueue_dma source(%dma_start3A_260 : memref<40x128xf32, #tpu.memory_space<vmem>>) target(%dma_start3A_256 : memref<40x128xf32, #tpu.memory_space<hbm>>) target_semaphore(%run_scoped3A_246 : memref<!tpu.dma_semaphore, #tpu.memory_space<semaphore_mem>>)
      %dma_wait3A_261 = arith.constant 0 : i32
      %dma_wait3A_262 = arith.constant 0 : i32
      %dma_wait3A_263 = tpu.memref_slice %arg12[%run_scoped3A_239, %dma_wait3A_261, %dma_wait3A_262] : memref<2x40x128xf32, #tpu.memory_space<vmem>> -> memref<1x40x128xf32, #tpu.memory_space<vmem>>
      %dma_wait3A_264 = tpu.memref_squeeze %dma_wait3A_263 : memref<1x40x128xf32, #tpu.memory_space<vmem>> -> memref<40x128xf32, #tpu.memory_space<vmem>>
      %dma_wait3A_265 = arith.constant 0 : i32
      %dma_wait3A_266 = tpu.memref_slice %arg6[%arg0, %add3A_237, %dma_wait3A_265] : memref<2x10240x128xf32, #tpu.memory_space<hbm>> -> memref<1x40x128xf32, #tpu.memory_space<hbm>>
      %dma_wait3A_267 = tpu.memref_squeeze %dma_wait3A_266 : memref<1x40x128xf32, #tpu.memory_space<hbm>> -> memref<40x128xf32, #tpu.memory_space<hbm>>
      %dma_wait3A_268 = arith.constant 0 : i32
      %dma_wait3A_269 = tpu.memref_slice %arg6[%arg0, %add3A_237, %dma_wait3A_268] : memref<2x10240x128xf32, #tpu.memory_space<hbm>> -> memref<1x40x128xf32, #tpu.memory_space<hbm>>
      %dma_wait3A_270 = tpu.memref_squeeze %dma_wait3A_269 : memref<1x40x128xf32, #tpu.memory_space<hbm>> -> memref<40x128xf32, #tpu.memory_space<hbm>>
      %dma_wait3A_271 = arith.constant 0 : i32
      %dma_wait3A_272 = arith.constant 0 : i32
      %dma_wait3A_273 = tpu.memref_slice %arg12[%run_scoped3A_239, %dma_wait3A_271, %dma_wait3A_272] : memref<2x40x128xf32, #tpu.memory_space<vmem>> -> memref<1x40x128xf32, #tpu.memory_space<vmem>>
      %dma_wait3A_274 = tpu.memref_squeeze %dma_wait3A_273 : memref<1x40x128xf32, #tpu.memory_space<vmem>> -> memref<40x128xf32, #tpu.memory_space<vmem>>
      tpu.wait_dma2 semaphore(%run_scoped3A_246 : memref<!tpu.dma_semaphore, #tpu.memory_space<semaphore_mem>>) src(%dma_wait3A_274 : memref<40x128xf32, #tpu.memory_space<vmem>>) dst(%dma_wait3A_270 : memref<40x128xf32, #tpu.memory_space<hbm>>)
      tpu.yield
    }) : () -> ()
    %add3A_240 = arith.constant 600 : i32
    %add3A_241 = arith.addi %multiple_of3A, %add3A_240 : i32
    %run_scoped3A_242 = arith.constant 0 : i32
    "tpu.region"() ({
      %run_scoped3A_246 = tpu.sem_alloc : memref<!tpu.dma_semaphore, #tpu.memory_space<semaphore_mem>>
      %dma_start3A_247 = arith.constant 0 : i32
      %dma_start3A_248 = arith.constant 0 : i32
      %dma_start3A_249 = tpu.memref_slice %arg12[%run_scoped3A_242, %dma_start3A_247, %dma_start3A_248] : memref<2x40x128xf32, #tpu.memory_space<vmem>> -> memref<1x40x128xf32, #tpu.memory_space<vmem>>
      %dma_start3A_250 = tpu.memref_squeeze %dma_start3A_249 : memref<1x40x128xf32, #tpu.memory_space<vmem>> -> memref<40x128xf32, #tpu.memory_space<vmem>>
      %dma_start3A_251 = arith.constant 0 : i32
      %dma_start3A_252 = tpu.memref_slice %arg14[%add3A_241, %dma_start3A_251] : memref<10240x128xf32, #tpu.memory_space<vmem_shared>> -> memref<40x128xf32, #tpu.memory_space<vmem_shared>>
      %dma_start3A_253 = arith.constant 0 : i32
      %dma_start3A_254 = arith.constant 0 : i32
      %dma_start3A_255 = tpu.memref_slice %arg12[%run_scoped3A_242, %dma_start3A_253, %dma_start3A_254] : memref<2x40x128xf32, #tpu.memory_space<vmem>> -> memref<1x40x128xf32, #tpu.memory_space<vmem>>
      %dma_start3A_256 = tpu.memref_squeeze %dma_start3A_255 : memref<1x40x128xf32, #tpu.memory_space<vmem>> -> memref<40x128xf32, #tpu.memory_space<vmem>>
      %dma_start3A_257 = arith.constant 0 : i32
      %dma_start3A_258 = tpu.memref_slice %arg14[%add3A_241, %dma_start3A_257] : memref<10240x128xf32, #tpu.memory_space<vmem_shared>> -> memref<40x128xf32, #tpu.memory_space<vmem_shared>>
      tpu.enqueue_dma source(%dma_start3A_258 : memref<40x128xf32, #tpu.memory_space<vmem_shared>>) target(%dma_start3A_256 : memref<40x128xf32, #tpu.memory_space<vmem>>) target_semaphore(%run_scoped3A_246 : memref<!tpu.dma_semaphore, #tpu.memory_space<semaphore_mem>>)
      %dma_wait3A_259 = arith.constant 0 : i32
      %dma_wait3A_260 = arith.constant 0 : i32
      %dma_wait3A_261 = tpu.memref_slice %arg12[%run_scoped3A_242, %dma_wait3A_259, %dma_wait3A_260] : memref<2x40x128xf32, #tpu.memory_space<vmem>> -> memref<1x40x128xf32, #tpu.memory_space<vmem>>
      %dma_wait3A_262 = tpu.memref_squeeze %dma_wait3A_261 : memref<1x40x128xf32, #tpu.memory_space<vmem>> -> memref<40x128xf32, #tpu.memory_space<vmem>>
      %dma_wait3A_263 = arith.constant 0 : i32
      %dma_wait3A_264 = tpu.memref_slice %arg14[%add3A_241, %dma_wait3A_263] : memref<10240x128xf32, #tpu.memory_space<vmem_shared>> -> memref<40x128xf32, #tpu.memory_space<vmem_shared>>
      %dma_wait3A_265 = arith.constant 0 : i32
      %dma_wait3A_266 = arith.constant 0 : i32
      %dma_wait3A_267 = tpu.memref_slice %arg12[%run_scoped3A_242, %dma_wait3A_265, %dma_wait3A_266] : memref<2x40x128xf32, #tpu.memory_space<vmem>> -> memref<1x40x128xf32, #tpu.memory_space<vmem>>
      %dma_wait3A_268 = tpu.memref_squeeze %dma_wait3A_267 : memref<1x40x128xf32, #tpu.memory_space<vmem>> -> memref<40x128xf32, #tpu.memory_space<vmem>>
      %dma_wait3A_269 = arith.constant 0 : i32
      %dma_wait3A_270 = tpu.memref_slice %arg14[%add3A_241, %dma_wait3A_269] : memref<10240x128xf32, #tpu.memory_space<vmem_shared>> -> memref<40x128xf32, #tpu.memory_space<vmem_shared>>
      tpu.wait_dma2 semaphore(%run_scoped3A_246 : memref<!tpu.dma_semaphore, #tpu.memory_space<semaphore_mem>>) src(%dma_wait3A_270 : memref<40x128xf32, #tpu.memory_space<vmem_shared>>) dst(%dma_wait3A_268 : memref<40x128xf32, #tpu.memory_space<vmem>>)
      tpu.yield
    }) : () -> ()
    %run_scoped3A_243 = arith.constant 0 : i32
    "tpu.region"() ({
      %run_scoped3A_246 = tpu.sem_alloc : memref<!tpu.dma_semaphore, #tpu.memory_space<semaphore_mem>>
      %dma_start3A_247 = arith.constant 0 : i32
      %dma_start3A_248 = arith.constant 0 : i32
      %dma_start3A_249 = tpu.memref_slice %arg12[%run_scoped3A_243, %dma_start3A_247, %dma_start3A_248] : memref<2x40x128xf32, #tpu.memory_space<vmem>> -> memref<1x40x128xf32, #tpu.memory_space<vmem>>
      %dma_start3A_250 = tpu.memref_squeeze %dma_start3A_249 : memref<1x40x128xf32, #tpu.memory_space<vmem>> -> memref<40x128xf32, #tpu.memory_space<vmem>>
      %dma_start3A_251 = arith.constant 0 : i32
      %dma_start3A_252 = tpu.memref_slice %arg6[%arg0, %add3A_241, %dma_start3A_251] : memref<2x10240x128xf32, #tpu.memory_space<hbm>> -> memref<1x40x128xf32, #tpu.memory_space<hbm>>
      %dma_start3A_253 = tpu.memref_squeeze %dma_start3A_252 : memref<1x40x128xf32, #tpu.memory_space<hbm>> -> memref<40x128xf32, #tpu.memory_space<hbm>>
      %dma_start3A_254 = arith.constant 0 : i32
      %dma_start3A_255 = tpu.memref_slice %arg6[%arg0, %add3A_241, %dma_start3A_254] : memref<2x10240x128xf32, #tpu.memory_space<hbm>> -> memref<1x40x128xf32, #tpu.memory_space<hbm>>
      %dma_start3A_256 = tpu.memref_squeeze %dma_start3A_255 : memref<1x40x128xf32, #tpu.memory_space<hbm>> -> memref<40x128xf32, #tpu.memory_space<hbm>>
      %dma_start3A_257 = arith.constant 0 : i32
      %dma_start3A_258 = arith.constant 0 : i32
      %dma_start3A_259 = tpu.memref_slice %arg12[%run_scoped3A_243, %dma_start3A_257, %dma_start3A_258] : memref<2x40x128xf32, #tpu.memory_space<vmem>> -> memref<1x40x128xf32, #tpu.memory_space<vmem>>
      %dma_start3A_260 = tpu.memref_squeeze %dma_start3A_259 : memref<1x40x128xf32, #tpu.memory_space<vmem>> -> memref<40x128xf32, #tpu.memory_space<vmem>>
      tpu.enqueue_dma source(%dma_start3A_260 : memref<40x128xf32, #tpu.memory_space<vmem>>) target(%dma_start3A_256 : memref<40x128xf32, #tpu.memory_space<hbm>>) target_semaphore(%run_scoped3A_246 : memref<!tpu.dma_semaphore, #tpu.memory_space<semaphore_mem>>)
      %dma_wait3A_261 = arith.constant 0 : i32
      %dma_wait3A_262 = arith.constant 0 : i32
      %dma_wait3A_263 = tpu.memref_slice %arg12[%run_scoped3A_243, %dma_wait3A_261, %dma_wait3A_262] : memref<2x40x128xf32, #tpu.memory_space<vmem>> -> memref<1x40x128xf32, #tpu.memory_space<vmem>>
      %dma_wait3A_264 = tpu.memref_squeeze %dma_wait3A_263 : memref<1x40x128xf32, #tpu.memory_space<vmem>> -> memref<40x128xf32, #tpu.memory_space<vmem>>
      %dma_wait3A_265 = arith.constant 0 : i32
      %dma_wait3A_266 = tpu.memref_slice %arg6[%arg0, %add3A_241, %dma_wait3A_265] : memref<2x10240x128xf32, #tpu.memory_space<hbm>> -> memref<1x40x128xf32, #tpu.memory_space<hbm>>
      %dma_wait3A_267 = tpu.memref_squeeze %dma_wait3A_266 : memref<1x40x128xf32, #tpu.memory_space<hbm>> -> memref<40x128xf32, #tpu.memory_space<hbm>>
      %dma_wait3A_268 = arith.constant 0 : i32
      %dma_wait3A_269 = tpu.memref_slice %arg6[%arg0, %add3A_241, %dma_wait3A_268] : memref<2x10240x128xf32, #tpu.memory_space<hbm>> -> memref<1x40x128xf32, #tpu.memory_space<hbm>>
      %dma_wait3A_270 = tpu.memref_squeeze %dma_wait3A_269 : memref<1x40x128xf32, #tpu.memory_space<hbm>> -> memref<40x128xf32, #tpu.memory_space<hbm>>
      %dma_wait3A_271 = arith.constant 0 : i32
      %dma_wait3A_272 = arith.constant 0 : i32
      %dma_wait3A_273 = tpu.memref_slice %arg12[%run_scoped3A_243, %dma_wait3A_271, %dma_wait3A_272] : memref<2x40x128xf32, #tpu.memory_space<vmem>> -> memref<1x40x128xf32, #tpu.memory_space<vmem>>
      %dma_wait3A_274 = tpu.memref_squeeze %dma_wait3A_273 : memref<1x40x128xf32, #tpu.memory_space<vmem>> -> memref<40x128xf32, #tpu.memory_space<vmem>>
      tpu.wait_dma2 semaphore(%run_scoped3A_246 : memref<!tpu.dma_semaphore, #tpu.memory_space<semaphore_mem>>) src(%dma_wait3A_274 : memref<40x128xf32, #tpu.memory_space<vmem>>) dst(%dma_wait3A_270 : memref<40x128xf32, #tpu.memory_space<hbm>>)
      tpu.yield
    }) : () -> ()
    %mul3A_244 = arith.constant 10240 : i32
    %mul3A_245 = arith.muli %add3A, %mul3A_244 : i32
    "tpu.region"() ({
      %run_scoped3A_246 = tpu.sem_alloc : memref<!tpu.dma_semaphore, #tpu.memory_space<semaphore_mem>>
      %dma_start3A_247 = tpu.memref_slice %arg7[%mul3A_245] : memref<327680xf32, #tpu.memory_space<hbm>> -> memref<10240xf32, #tpu.memory_space<hbm>>
      %dma_start3A_248 = tpu.memref_slice %arg7[%mul3A_245] : memref<327680xf32, #tpu.memory_space<hbm>> -> memref<10240xf32, #tpu.memory_space<hbm>>
      tpu.enqueue_dma source(%arg13 : memref<10240xf32, #tpu.memory_space<vmem>>) target(%dma_start3A_248 : memref<10240xf32, #tpu.memory_space<hbm>>) target_semaphore(%run_scoped3A_246 : memref<!tpu.dma_semaphore, #tpu.memory_space<semaphore_mem>>)
      %dma_wait3A_249 = tpu.memref_slice %arg7[%mul3A_245] : memref<327680xf32, #tpu.memory_space<hbm>> -> memref<10240xf32, #tpu.memory_space<hbm>>
      %dma_wait3A_250 = tpu.memref_slice %arg7[%mul3A_245] : memref<327680xf32, #tpu.memory_space<hbm>> -> memref<10240xf32, #tpu.memory_space<hbm>>
      tpu.wait_dma2 semaphore(%run_scoped3A_246 : memref<!tpu.dma_semaphore, #tpu.memory_space<semaphore_mem>>) src(%arg13 : memref<10240xf32, #tpu.memory_space<vmem>>) dst(%dma_wait3A_250 : memref<10240xf32, #tpu.memory_space<hbm>>)
      tpu.yield
    }) : () -> ()
    return
  }
}

module attributes {stable_mosaic.version = 14 : i64} {
  func.func @_mm_body(%arg0: i32, %arg1: memref<1024x128xf32, #tpu.memory_space<vmem>>, %arg2: memref<128x640xf32, #tpu.memory_space<vmem>>, %arg3: memref<1x640xf32, #tpu.memory_space<vmem>>, %arg4: memref<1024x128xf32, #tpu.memory_space<vmem>>, %arg5: memref<1024x256xf32, #tpu.memory_space<vmem>>, %arg6: memref<1024x128xf32, #tpu.memory_space<vmem>>, %arg7: memref<1024x128xf32, #tpu.memory_space<vmem>>) attributes {dimension_semantics = [#tpu.dimension_semantics<arbitrary>], iteration_bounds = array<i64: 10>, scalar_prefetch = 0 : i64, scratch_operands = 0 : i64, tpu.core_type = #tpu.core_type<tc>, window_params = [{transform_indices = @transform_0, window_bounds = array<i64: 1024, 128>}, {pipeline_mode = #tpu.pipeline_mode<synchronous>, transform_indices = @transform_1, window_bounds = array<i64: 128, 640>}, {pipeline_mode = #tpu.pipeline_mode<synchronous>, transform_indices = @transform_2, window_bounds = array<i64: 1, 640>}, {transform_indices = @transform_3, window_bounds = array<i64: 1024, 128>}, {transform_indices = @transform_4, window_bounds = array<i64: 1024, 256>}, {transform_indices = @transform_5, window_bounds = array<i64: 1024, 128>}, {transform_indices = @transform_6, window_bounds = array<i64: 1024, 128>}]} {
    %get3A = arith.constant 0 : index
    %get3A_0 = arith.constant 0 : index
    %get3A_1 = vector.load %arg1[%get3A, %get3A_0] : memref<1024x128xf32, #tpu.memory_space<vmem>>, vector<1024x128xf32>
    %get3A_2 = arith.constant 0 : index
    %get3A_3 = arith.constant 0 : index
    %get3A_4 = vector.load %arg2[%get3A_2, %get3A_3] : memref<128x640xf32, #tpu.memory_space<vmem>>, vector<128x640xf32>
    %dot_general3A = arith.constant dense<0.000000e+00> : vector<1024x640xf32>
    %dot_general3A_5 = tpu.matmul %get3A_1, %get3A_4, %dot_general3A {dimension_numbers = #tpu.dot_dimension_numbers<[1], [0], [0], [1], [0, 0, 1, 1], [], []>, transpose_lhs_hint = false} : vector<1024x128xf32>, vector<128x640xf32>, vector<1024x640xf32> -> vector<1024x640xf32>
    %get3A_6 = arith.constant 0 : index
    %get3A_7 = arith.constant 0 : index
    %get3A_8 = vector.load %arg3[%get3A_6, %get3A_7] : memref<1x640xf32, #tpu.memory_space<vmem>>, vector<1x640xf32>
    %add3A = vector.broadcast %get3A_8 : vector<1x640xf32> to vector<1024x640xf32>
    %add3A_9 = arith.addf %dot_general3A_5, %add3A : vector<1024x640xf32>
    %slice3A = vector.extract_strided_slice %add3A_9 {offsets = [0, 0], sizes = [1024, 128], strides = [1, 1]} : vector<1024x640xf32> to vector<1024x128xf32>
    %swap3A = arith.constant 0 : index
    %swap3A_10 = arith.constant 0 : index
    %swap3A_11 = vector.load %arg4[%swap3A, %swap3A_10] : memref<1024x128xf32, #tpu.memory_space<vmem>>, vector<1024x128xf32>
    tpu.vector_store %arg4[%swap3A, %swap3A_10], %slice3A {strides = array<i32>} : memref<1024x128xf32, #tpu.memory_space<vmem>>, vector<1024x128xf32>,
    %slice3A_12 = vector.extract_strided_slice %add3A_9 {offsets = [0, 128], sizes = [1024, 256], strides = [1, 1]} : vector<1024x640xf32> to vector<1024x256xf32>
    %swap3A_13 = arith.constant 0 : index
    %swap3A_14 = arith.constant 0 : index
    %swap3A_15 = vector.load %arg5[%swap3A_13, %swap3A_14] : memref<1024x256xf32, #tpu.memory_space<vmem>>, vector<1024x256xf32>
    tpu.vector_store %arg5[%swap3A_13, %swap3A_14], %slice3A_12 {strides = array<i32>} : memref<1024x256xf32, #tpu.memory_space<vmem>>, vector<1024x256xf32>,
    %slice3A_16 = vector.extract_strided_slice %add3A_9 {offsets = [0, 384], sizes = [1024, 128], strides = [1, 1]} : vector<1024x640xf32> to vector<1024x128xf32>
    %swap3A_17 = arith.constant 0 : index
    %swap3A_18 = arith.constant 0 : index
    %swap3A_19 = vector.load %arg6[%swap3A_17, %swap3A_18] : memref<1024x128xf32, #tpu.memory_space<vmem>>, vector<1024x128xf32>
    tpu.vector_store %arg6[%swap3A_17, %swap3A_18], %slice3A_16 {strides = array<i32>} : memref<1024x128xf32, #tpu.memory_space<vmem>>, vector<1024x128xf32>,
    %slice3A_20 = vector.extract_strided_slice %add3A_9 {offsets = [0, 512], sizes = [1024, 128], strides = [1, 1]} : vector<1024x640xf32> to vector<1024x128xf32>
    %swap3A_21 = arith.constant 0 : index
    %swap3A_22 = arith.constant 0 : index
    %swap3A_23 = vector.load %arg7[%swap3A_21, %swap3A_22] : memref<1024x128xf32, #tpu.memory_space<vmem>>, vector<1024x128xf32>
    tpu.vector_store %arg7[%swap3A_21, %swap3A_22], %slice3A_20 {strides = array<i32>} : memref<1024x128xf32, #tpu.memory_space<vmem>>, vector<1024x128xf32>,
    return
  }
  func.func @transform_0(%arg0: i32) -> (i32, i32) {
    %c0_i32 = arith.constant 0 : i32
    %c0_i32_0 = arith.constant 0 : i32
    return %arg0, %c0_i32 : i32, i32
  }
  func.func @transform_1(%arg0: i32) -> (i32, i32) {
    %c0_i32 = arith.constant 0 : i32
    %c0_i32_0 = arith.constant 0 : i32
    %c0_i32_1 = arith.constant 0 : i32
    return %c0_i32, %c0_i32_0 : i32, i32
  }
  func.func @transform_2(%arg0: i32) -> (i32, i32) {
    %c0_i32 = arith.constant 0 : i32
    %c0_i32_0 = arith.constant 0 : i32
    %c0_i32_1 = arith.constant 0 : i32
    return %c0_i32, %c0_i32_0 : i32, i32
  }
  func.func @transform_3(%arg0: i32) -> (i32, i32) {
    %c0_i32 = arith.constant 0 : i32
    %c0_i32_0 = arith.constant 0 : i32
    return %arg0, %c0_i32 : i32, i32
  }
  func.func @transform_4(%arg0: i32) -> (i32, i32) {
    %c0_i32 = arith.constant 0 : i32
    %c0_i32_0 = arith.constant 0 : i32
    return %arg0, %c0_i32 : i32, i32
  }
  func.func @transform_5(%arg0: i32) -> (i32, i32) {
    %c0_i32 = arith.constant 0 : i32
    %c0_i32_0 = arith.constant 0 : i32
    return %arg0, %c0_i32 : i32, i32
  }
  func.func @transform_6(%arg0: i32) -> (i32, i32) {
    %c0_i32 = arith.constant 0 : i32
    %c0_i32_0 = arith.constant 0 : i32
    return %arg0, %c0_i32 : i32, i32
  }
}

module attributes {stable_mosaic.version = 14 : i64} {
  func.func @_comb_body(%arg0: i32, %arg1: memref<1024x128xf32, #tpu.memory_space<vmem>>, %arg2: memref<1024x128xf32, #tpu.memory_space<vmem>>, %arg3: memref<2x1024x128xf32, #tpu.memory_space<vmem>>, %arg4: memref<32x1024xf32, #tpu.memory_space<vmem>>, %arg5: memref<1024x128xf32, #tpu.memory_space<vmem>>) attributes {dimension_semantics = [#tpu.dimension_semantics<arbitrary>], iteration_bounds = array<i64: 10>, scalar_prefetch = 0 : i64, scratch_operands = 0 : i64, tpu.core_type = #tpu.core_type<tc>, window_params = [{transform_indices = @transform_0, window_bounds = array<i64: 1024, 128>}, {transform_indices = @transform_1, window_bounds = array<i64: 1024, 128>}, {transform_indices = @transform_2, window_bounds = array<i64: 2, 1024, 128>}, {transform_indices = @transform_3, window_bounds = array<i64: 32, 1024>}, {transform_indices = @transform_4, window_bounds = array<i64: 1024, 128>}]} {
    %get3A = arith.constant 0 : index
    %get3A_0 = arith.constant 0 : index
    %get3A_1 = arith.constant 0 : index
    %get3A_2 = vector.load %arg3[%get3A, %get3A_0, %get3A_1] : memref<2x1024x128xf32, #tpu.memory_space<vmem>>, vector<1x1024x128xf32>
    %get3A_3 = vector.shape_cast %get3A_2 : vector<1x1024x128xf32> to vector<1024x128xf32>
    %get3A_4 = arith.constant 1 : index
    %get3A_5 = arith.constant 0 : index
    %get3A_6 = arith.constant 0 : index
    %get3A_7 = vector.load %arg3[%get3A_4, %get3A_5, %get3A_6] : memref<2x1024x128xf32, #tpu.memory_space<vmem>>, vector<1x1024x128xf32>
    %get3A_8 = vector.shape_cast %get3A_7 : vector<1x1024x128xf32> to vector<1024x128xf32>
    %add3A = arith.addf %get3A_3, %get3A_8 : vector<1024x128xf32>
    %get3A_9 = arith.constant 0 : index
    %get3A_10 = arith.constant 0 : index
    %get3A_11 = vector.load %arg4[%get3A_9, %get3A_10] : memref<32x1024xf32, #tpu.memory_space<vmem>>, vector<32x1024xf32>
    %reduce_sum3A = arith.constant dense<0.000000e+00> : vector<1024xf32>
    %reduce_sum3A_12 = vector.multi_reduction <add>, %get3A_11, %reduce_sum3A [0] : vector<32x1024xf32> to vector<1024xf32>
    %broadcast_in_dim3A = vector.shape_cast %reduce_sum3A_12 : vector<1024xf32> to vector<1024x1xf32>
    %get3A_13 = arith.constant 0 : index
    %get3A_14 = arith.constant 0 : index
    %get3A_15 = vector.load %arg1[%get3A_13, %get3A_14] : memref<1024x128xf32, #tpu.memory_space<vmem>>, vector<1024x128xf32>
    %add3A_16 = arith.addf %get3A_15, %add3A : vector<1024x128xf32>
    %max3A = arith.constant 1.000000e+00 : f32
    %max3A_17 = vector.broadcast %max3A : f32 to vector<1024x1xf32>
    %max3A_18 = arith.maximumf %broadcast_in_dim3A, %max3A_17 : vector<1024x1xf32>
    %div3A = vector.broadcast %max3A_18 : vector<1024x1xf32> to vector<1024x128xf32>
    %div3A_19 = arith.divf %add3A_16, %div3A : vector<1024x128xf32>
    %get3A_20 = arith.constant 0 : index
    %get3A_21 = arith.constant 0 : index
    %get3A_22 = vector.load %arg2[%get3A_20, %get3A_21] : memref<1024x128xf32, #tpu.memory_space<vmem>>, vector<1024x128xf32>
    %add3A_23 = arith.addf %div3A_19, %get3A_22 : vector<1024x128xf32>
    %swap3A = arith.constant 0 : index
    %swap3A_24 = arith.constant 0 : index
    %swap3A_25 = vector.load %arg5[%swap3A, %swap3A_24] : memref<1024x128xf32, #tpu.memory_space<vmem>>, vector<1024x128xf32>
    tpu.vector_store %arg5[%swap3A, %swap3A_24], %add3A_23 {strides = array<i32>} : memref<1024x128xf32, #tpu.memory_space<vmem>>, vector<1024x128xf32>,
    return
  }
  func.func @transform_0(%arg0: i32) -> (i32, i32) {
    %c0_i32 = arith.constant 0 : i32
    %c0_i32_0 = arith.constant 0 : i32
    return %arg0, %c0_i32 : i32, i32
  }
  func.func @transform_1(%arg0: i32) -> (i32, i32) {
    %c0_i32 = arith.constant 0 : i32
    %c0_i32_0 = arith.constant 0 : i32
    return %arg0, %c0_i32 : i32, i32
  }
  func.func @transform_2(%arg0: i32) -> (i32, i32, i32) {
    %c0_i32 = arith.constant 0 : i32
    %c0_i32_0 = arith.constant 0 : i32
    %c0_i32_1 = arith.constant 0 : i32
    return %c0_i32, %arg0, %c0_i32_0 : i32, i32, i32
  }
  func.func @transform_3(%arg0: i32) -> (i32, i32) {
    %c0_i32 = arith.constant 0 : i32
    %c0_i32_0 = arith.constant 0 : i32
    return %c0_i32, %arg0 : i32, i32
  }
  func.func @transform_4(%arg0: i32) -> (i32, i32) {
    %c0_i32 = arith.constant 0 : i32
    %c0_i32_0 = arith.constant 0 : i32
    return %arg0, %c0_i32 : i32, i32
  }
}

</mosaic_0001>

<sc_bundles>
// kernel: kernel.5.cloned.1.call-start
scs
__scs_entry_jumppad:
0x0: {  	(pc) =	sbr.rel $0x88, $3  }
0x1: {  	(tag) =	ssettag $0x0;
	lr =	simm.s32 $0x1  }
0x2: {  	[smem:$0x3F95] =	sst lr;
	_ =	strace $0xD0000000  }
0x3: {  	_ = 	snop  }
0x4: {  	_ = 	snop  }
0x5: {  	_ = 	snop  }
0x6: {  	_ = 	snop  }
0x7: {  	_ = 	snop  }
__scs_overlays_trampoline_lowered:
0x8: {  	[smem:$0x3FA4] =	sst s0  }
0x9: {  	[smem:$0x3FA5] =	sst s1  }
0xa: {  	[smem:$0x3FA6] =	sst s2  }
0xb: {  	[smem:$0x3FA7] =	sst s3  }
0xc: {  	[smem:$0x3FA8] =	sst s4  }
0xd: {  	[smem:$0x3FA9] =	sst s5  }
0xe: {  	[smem:$0x3FAA] =	sst s6  }
0xf: {  	[smem:$0x3FAB] =	sst s7  }
0x10: {  	[smem:$0x3FAC] =	sst s8  }
0x11: {  	[smem:$0x3FAD] =	sst s9;
	s0 =	simm.s32 @!p0 $0x0  }
0x12: {  	s1 =	sld [smem:$0x3F93];
	s0 =	simm.s32 @p0 $0x1  }
0x13: {  	[smem:$0x3FAE] =	sst s0;
	s0 =	simm.s32 @!p1 $0x0  }
0x14: {  	s2 =	sld [smem:$0x3F92];
	s0 =	simm.s32 @p1 $0x1  }
0x15: {  	[smem:$0x3FAF] =	sst s0;
	s0 =	simm.s32 @!p2 $0x0  }
0x16: {  	s3 =	sld [smem:$0x3FDB];
	s0 =	simm.s32 @p2 $0x1  }
0x17: {  	s4 =	simm.s32 $0x1BF5;
	[smem:$0x3FB1] =	sst s0  }
0x18: {  	s0 =	sld [smem:$0x3F94];
	_ =	swait.ge [sflag:s4], $0x0  }
0x19: {  	s7 =	sld [smem:$0x3F95]  }
0x1a: {  	s8 =	sadd.s32 $0xFFFFE003, lr  }
0x1b: {  	s9 =	sadd.s32 $0xFFFFFEF7, lr;
	s5 =	simm.s32 $0xFFFFFFFF;
	p2 =	slt.u32 s8, $0xFFFFF086  }
0x1c: {  	p1 =	slt.u32 s9, $0xF7A;
	s5 =	simm.s32 @!p2 $0x0  }
0x1d: {  	s5 =	simm.s32 @p1 $0x1;
	p0 =	seq.s32 s7, s2  }
0x1e: {  	s7 =	smul.u32 @!p0 $0xF7A, s2;
	p2 =	seq.s32 @!p0 s5, $0x0  }
0x1f: {  	s9 =	smul.u32 $0xF7A, s1;
	s8 =	simm.s32 @!p0 $0x1BF5;
	p2 =	por !p2, p0  }
0x20: {  	[sflag:s8] =	ssyncset.s32 @!p0 $0xFFFFF086;
	s6 =	sadd.s32 @!p0 s3, s7;
	s7 =	simm.s32 @!p0 $0x108  }
0x21: {  	s3 =	sadd.s32 s3, s9;
	s6 =	sadd.s32 @!p0 $0x88, s6;
	s7 =	simm.s32 @p2 $0x1082  }
0x22: {  	[simem:s7], [sflag:s8] =	dma.local @!p0 [hbm:s6], $0xF7A  }
0x23: {  	s9 =	sor.u32 $0xD0000000, s2;
	s6 =	simm.s32 $0x108;
	_ =	swait.ge @!p0 [sflag:s8], $0x0  }
0x24: {  	s3 =	sadd.s32 $0x88, s3;
	s6 =	simm.s32 @!p1 $0x1082;
	[sflag:s4] =	ssyncset.s32 $0xFFFFF086  }
0x25: {  	[simem:s6], [sflag:s4] =	dma.local [hbm:s3], $0xF7A  }
0x26: {  	[smem:$0x3F95] =	sst s1;
	(tag) =	ssettag s2;
	_ =	strace s9  }
0x27: {  	s1 =	sld [smem:$0x3FA5]  }
0x28: {  	s2 =	sld [smem:$0x3FA6]  }
0x29: {  	s4 =	sld [smem:$0x3FA8]  }
0x2a: {  	p0 =	seq.s32 s5, $0x0;
	s5 =	sld [smem:$0x3FA9]  }
0x2b: {  	s6 =	sld [smem:$0x3FAA]  }
0x2c: {  	s7 =	sld [smem:$0x3FAB]  }
0x2d: {  	s3 =	simm.s32 $0x108;
	s8 =	sld [smem:$0x3FAC]  }
0x2e: {  	s3 =	simm.s32 @!p0 $0x1082;
	s9 =	sld [smem:$0x3FAD]  }
0x2f: {  	lr =	sadd.s32 s0, s3;
	s0 =	sld [smem:$0x3FA4]  }
0x30: {  	s3 =	sld [smem:$0x3FA7]  }
0x31: {  	[smem:$0x3FB0] =	sst s10  }
0x32: {  	s10 =	sld [smem:$0x3FAE];
	_ =	sdelay $0x3  }
0x33: {  	p0 =	seq.s32 s10, $0x1;
	s10 =	sld [smem:$0x3FB0];
	_ =	sdelay $0x3  }
0x34: {  	[smem:$0x3FB0] =	sst s10  }
0x35: {  	s10 =	sld [smem:$0x3FAF];
	_ =	sdelay $0x3  }
0x36: {  	p1 =	seq.s32 s10, $0x1;
	s10 =	sld [smem:$0x3FB0];
	_ =	sdelay $0x3  }
0x37: {  	[smem:$0x3FB0] =	sst s10  }
0x38: {  	s10 =	sld [smem:$0x3FB1]  }
0x39: {  	_ = 	snop;
	(pc) =	sbr.ind lr, $3  }
0x3a: {  	_ = 	snop  }
0x3b: {  	_ = 	snop  }
0x3c: {  	p2 =	seq.s32 s10, $0x1;
	s10 =	sld [smem:$0x3FB0]  }
0x3d: {  	_ =	shalt  }
0x3e: {  	_ =	shalt  }
0x3f: {  	_ =	shalt  }
0x40: {  	_ =	shalt  }
0x41: {  	_ =	shalt  }
0x42: {  	_ =	shalt  }
0x43: {  	_ =	shalt  }
0x44: {  	_ =	shalt  }
0x45: {  	_ =	shalt  }
0x46: {  	_ =	shalt  }
0x47: {  	_ =	shalt  }
0x48: {  	_ =	shalt  }
0x49: {  	_ =	shalt  }
0x4a: {  	_ =	shalt  }
0x4b: {  	_ =	shalt  }
0x4c: {  	_ =	shalt  }
0x4d: {  	_ =	shalt  }
0x4e: {  	_ =	shalt  }
0x4f: {  	_ =	shalt  }
0x50: {  	_ =	shalt  }
0x51: {  	_ =	shalt  }
0x52: {  	_ =	shalt  }
0x53: {  	_ =	shalt  }
0x54: {  	_ =	shalt  }
0x55: {  	_ =	shalt  }
0x56: {  	_ =	shalt  }
0x57: {  	_ =	shalt  }
0x58: {  	_ =	shalt  }
0x59: {  	_ =	shalt  }
0x5a: {  	_ =	shalt  }
0x5b: {  	_ =	shalt  }
0x5c: {  	_ =	shalt  }
0x5d: {  	_ =	shalt  }
0x5e: {  	_ =	shalt  }
0x5f: {  	_ =	shalt  }
0x60: {  	_ =	shalt  }
0x61: {  	_ =	shalt  }
0x62: {  	_ =	shalt  }
0x63: {  	_ =	shalt  }
0x64: {  	_ =	shalt  }
0x65: {  	_ =	shalt  }
0x66: {  	_ =	shalt  }
0x67: {  	_ =	shalt  }
0x68: {  	_ =	shalt  }
0x69: {  	_ =	shalt  }
0x6a: {  	_ =	shalt  }
0x6b: {  	_ =	shalt  }
0x6c: {  	_ =	shalt  }
0x6d: {  	_ =	shalt  }
0x6e: {  	_ =	shalt  }
0x6f: {  	_ =	shalt  }
0x70: {  	_ =	shalt  }
0x71: {  	_ =	shalt  }
0x72: {  	_ =	shalt  }
0x73: {  	_ =	shalt  }
0x74: {  	_ =	shalt  }
0x75: {  	_ =	shalt  }
0x76: {  	_ =	shalt  }
0x77: {  	_ =	shalt  }
0x78: {  	_ =	shalt  }
0x79: {  	_ =	shalt  }
0x7a: {  	_ =	shalt  }
0x7b: {  	_ =	shalt  }
0x7c: {  	_ =	shalt  }
0x7d: {  	_ =	shalt  }
0x7e: {  	_ =	shalt  }
0x7f: {  	_ =	shalt  }
0x80: {  	_ =	shalt  }
0x81: {  	_ =	shalt  }
0x82: {  	_ =	shalt  }
0x83: {  	_ =	shalt  }
0x84: {  	_ =	shalt  }
0x85: {  	_ =	shalt  }
0x86: {  	_ =	shalt  }
0x87: {  	_ =	shalt  }
.Lfunc_end0:
.L_simem_size_0:
called_computation_lowered:
.L_overlay_start_0:
0x88: {  	s2 =	sld [smem:$0x3FD9]  }
0x89: {  	s3 =	sld [smem:$0x3FFE];
	_ =	sdelay $0x1  }
0x8a: {  	s1 =	srdreg.scid  }
0x8b: {  	s0 =	sand.u32 $0x1, s1  }
0x8c: {  	s17 =	sshll.u32 s0, $0xA;
	s2 =	sadd.s32 s3, s2  }
0x8d: {  	s2 =	sadd.s32 s2, s17  }
0x8e: {  	[smem:$0x3FBC] =	sst s2  }
0x8f: {  	_ = 	snop  }
0x90: {  	s2 =	sld [smem:$0x3FD0];
	(tm) =	ssettm $0x1  }
0x91: {  	s18 =	sld [smem:$0x3FFB];
	_ =	sdelay $0x3  }
0x92: {  	_ =	strace s18  }
0x93: {  	s3 =	sld [smem:$0x3FFC];
	_ =	sdelay $0x3  }
0x94: {  	_ =	strace s3  }
0x95: {  	s3 =	sld [smem:$0x3FFD];
	_ =	sdelay $0x3  }
0x96: {  	_ =	strace s3  }
0x97: {  	_ =	strace $0x8FFFFFFF  }
0x98: {  	s19 =	sld [smem:$0x3FDB];
	_ =	sdelay $0x1  }
0x99: {  	s4 =	simm.s32 $_scs_section_size  }
0x9a: {  	s5 =	simm.s32 $_size__tile_overlayer_lowered;
	s6 =	simm.s32 $_tile_overlayer_lowered  }
0x9b: {  	s22 =	simm.s32 $0x1BFF;
	s21 =	sshll.u32 s6, $0x1;
	s3 =	sadd.s32 s4, s19  }
0x9c: {  	s7 =	simm.s32 $0x0;
	s20 =	sshll.u32 s5, $0x1;
	s5 =	sadd.s32 s21, s3  }
0x9d: {  	[timem:s7], [sflag:s22] =	dma.local [hbm:s5], s20  }
0x9e: {  	_ =	swait.ge [sflag:s22], s20  }
0x9f: {  	s4 =	ssub.s32 $0x0, s20;
	[sflag:s22] =	ssyncset.done $0x0  }
0xa0: {  	[sflag:s22] =	ssyncadd.s32 s4;
	_ =	sdelay $0x1  }
0xa1: {  	s23 =	simm.s32 $0x1B8B  }
0xa2: {  	_ =	swait.ge [sflag:s23], $0x1  }
0xa3: {  	[sflag:s23] =	ssyncset.done $0x0  }
0xa4: {  	s25 =	simm.s32 $0x1B8E;
	s24 =	sld [smem:$0x3FFE];
	[sflag:s23] =	ssyncadd.s32 $0xFFFFFFFF  }
0xa5: {  	s26 =	simm.s32 $execute0_lowered;
	[smem:$0x3FD2] =	sst s25  }
0xa6: {  	s5 =	sshll.u32 s26, $0x1;
	_ =	strace $0x80000046;
	[dreg:$0x1] =	wrdreg $0xFFFFFFFF  }
0xa7: {  	s28 =	simm.s32 $_size_execute0_lowered;
	s3 =	sadd.s32 s3, s5;
	[dreg:$0x0] =	wrdreg $0x0  }
0xa8: {  	s5 =	sshll.u32 s28, $0x1;
	[dreg:$0x2] =	wrdreg s3  }
0xa9: {  	[dreg:$0x3] =	wrdreg s5  }
0xaa: {  	[dreg:$0x4] =	wrdreg $0xC0  }
0xab: {  	_ =	task [dreg:s7], $0x5FFFF  }
0xac: {  	[dreg:$0x1] =	wrdreg $0xFFFFFFFF  }
0xad: {  	[dreg:$0x0] =	wrdreg $0x60  }
0xae: {  	[dreg:$0x2] =	wrdreg s24  }
0xaf: {  	[dreg:$0x3] =	wrdreg s2  }
0xb0: {  	[dreg:$0x4] =	wrdreg $0xA3000  }
0xb1: {  	[dreg:$0x5] =	wrdreg $0x9  }
0xb2: {  	_ =	task.clear_ibuf [dreg:s7], $0x6FFFF;
	_ =	strace $0x90000046  }
0xb3: {  	s29 =	simm.s32 $0x9;
	_ =	strace $0x80000048  }
0xb4: {  	_ =	swait.ge [sflag:s29], $0x1  }
0xb5: {  	[sflag:s29] =	ssyncadd.s32 $0xFFFFFFFF  }
0xb6: {  	_ =	strace $0x90000048  }
0xb7: {  	_ =	sfence  }
0xb8: {  	s30 =	sld [smem:$0x0];
	_ =	sdelay $0x2  }
0xb9: {  	s31 =	sshll.u32 s1, $0xD;
	s1 =	sshrl.u32 s1, $0x2  }
0xba: {  	s3 =	sand.u32 $0x4000, s31;
	s1 =	sadd.s32 s1, s30  }
0xbb: {  	s0 =	sor.u32 s3, s0;
	s1 =	sshll.u32 s1, $0x11  }
0xbc: {  	s0 =	sor.u32 s1, s0  }
0xbd: {  	s0 =	sadd.s32 $0x8F2B, s0  }
0xbe: {  	[sflag:s0] =	ssyncadd.remote.s32 $0x1  }
0xbf: {  	_ =	sfence.sel $0xFFFF  }
0xc0: {  	[dreg:$0x0] =	wrdreg $0xFFFFFFFF;
	(pc) =	sbr.abs _section_cstart, $3  }
0xc1: {  	[dreg:$0x1] =	wrdreg $0xFFFFFFFF  }
0xc2: {  	_ =	task.clear_ibuf [dreg:s7], $0x2FFFF;
	_ =	strace $0x9FFFFFFF  }
0xc3: {  	(tm) =	ssettm $0x7FFFFFFF  }
tec
execute0_lowered:
.L_overlay_start_1:
0x0: {  	(tag) =	ssettag $0x1  }
0x1: {  	s3 =	rddreg [dreg:$0x0];
	s0 =	srdreg.scid;
	s1 =	simm.s32 $0x0  }
0x2: {  	s25 =	stileid.u32;
	s2 =	sand.u32 $0x1, s0;
	[smem:$0x7FF] =	sst s1  }
0x3: {  	s7 =	smul.u32 $0x14000, s25;
	s19 =	sadd.s32 $0x8C200, s3;
	s5 =	sshll.u32 s25, $0x1  }
0x4: {  	s0 =	ssub.s32 $0x2, s2;
	s20 =	sor.u32 s2, s5;
	s21 =	smul.u32 $0x140000, s2  }
0x5: {  	s4 =	sshrl.u32 s0, $0x1;
	s15 =	sor.u32 $0x1400, s7;
	s16 =	sor.u32 $0x2800, s7  }
0x6: {  	s17 =	sor.u32 $0x3C00, s7;
	s18 =	sadd.s32 $0x5000, s7;
	s8 =	sadd.s32 $0x6400, s7  }
0x7: {  	s9 =	sadd.s32 $0x7800, s7;
	s10 =	sadd.s32 $0x8C00, s7;
	s11 =	sadd.s32 $0xA000, s7  }
0x8: {  	s12 =	sadd.s32 $0xB400, s7;
	s13 =	sadd.s32 $0xC800, s7;
	s14 =	sadd.s32 $0xDC00, s7  }
0x9: {  	s5 =	sadd.s32 $0xF000, s7;
	s6 =	sadd.s32 $0x10400, s7;
	s20 =	smul.u32 $0x500, s20  }
0xa: {  	s0 =	ssub.s32 s0, s4;
	s4 =	sadd.s32 $0x11800, s7;
	s22 =	sadd.s32 s7, s21  }
0xb: {  	s7 =	sadd.s32 $0x12C00, s7;
	s23 =	sadd.s32 s21, s15;
	s22 =	sshrl.u32 s22, $0x3  }
0xc: {  	s26 =	sadd.s32 s21, s16;
	s24 =	sshrl.u32 s23, $0x3;
	s22 =	sadd.s32 s19, s22  }
0xd: {  	s0 =	smax.u32 s0, $0x1;
	[dreg:$0x4] =	wrdreg s22;
	s22 =	sadd.s32 s19, s24  }
0xe: {  	s24 =	sshrl.u32 s26, $0x3;
	s26 =	sadd.s32 s21, s17;
	[dreg:$0x5] =	wrdreg s22  }
0xf: {  	s22 =	sadd.s32 s19, s24;
	s24 =	sshrl.u32 s26, $0x3;
	s26 =	sadd.s32 s21, s18  }
0x10: {  	[dreg:$0x6] =	wrdreg s22;
	s22 =	sadd.s32 s19, s24;
	s24 =	sshrl.u32 s26, $0x3  }
0x11: {  	s26 =	sadd.s32 s21, s8;
	[dreg:$0x7] =	wrdreg s22;
	s22 =	sadd.s32 s19, s24  }
0x12: {  	s24 =	sshrl.u32 s26, $0x3;
	s26 =	sadd.s32 s21, s9;
	[dreg:$0x8] =	wrdreg s22  }
0x13: {  	s22 =	sadd.s32 s19, s24;
	s24 =	sshrl.u32 s26, $0x3;
	s26 =	sadd.s32 s21, s10  }
0x14: {  	[dreg:$0x9] =	wrdreg s22;
	s22 =	sadd.s32 s19, s24;
	s24 =	sshrl.u32 s26, $0x3  }
0x15: {  	s26 =	sadd.s32 s21, s11;
	[dreg:$0xa] =	wrdreg s22;
	s22 =	sadd.s32 s19, s24  }
0x16: {  	s24 =	sshrl.u32 s26, $0x3;
	s26 =	sadd.s32 s21, s12;
	[dreg:$0xb] =	wrdreg s22  }
0x17: {  	s22 =	sadd.s32 s19, s24;
	s24 =	sshrl.u32 s26, $0x3;
	s26 =	sadd.s32 s21, s13  }
0x18: {  	[dreg:$0xc] =	wrdreg s22;
	s22 =	sadd.s32 s19, s24;
	s24 =	sshrl.u32 s26, $0x3  }
0x19: {  	s26 =	sadd.s32 s21, s14;
	[dreg:$0xd] =	wrdreg s22;
	s22 =	sadd.s32 s19, s24  }
0x1a: {  	s24 =	sshrl.u32 s26, $0x3;
	s26 =	sadd.s32 s21, s5;
	[dreg:$0xe] =	wrdreg s22  }
0x1b: {  	s22 =	sadd.s32 s19, s24;
	s24 =	sshrl.u32 s26, $0x3;
	s26 =	sadd.s32 s21, s6  }
0x1c: {  	[dreg:$0xf] =	wrdreg s22;
	s22 =	sadd.s32 s19, s24;
	s24 =	sshrl.u32 s26, $0x3  }
0x1d: {  	s26 =	sadd.s32 s21, s4;
	s21 =	sadd.s32 s21, s7;
	[dreg:$0x10] =	wrdreg s22  }
0x1e: {  	s22 =	sadd.s32 s19, s24;
	s23 =	sshrl.u32 s26, $0x3;
	s24 =	rddreg [dreg:$0x1]  }
0x1f: {  	s21 =	sshrl.u32 s21, $0x3;
	[dreg:$0x11] =	wrdreg s22;
	s22 =	sadd.s32 s19, s23  }
0x20: {  	s26 =	smul.u32 $0x50000, s25;
	s19 =	sadd.s32 s19, s21;
	[dreg:$0x12] =	wrdreg s22  }
0x21: {  	s20 =	sadd.s32 s24, s20;
	s21 =	sadd.s32 $0x14200, s3;
	[dreg:$0x13] =	wrdreg s19  }
0x22: {  	s23 =	sadd.s32 $0xA400, s3;
	s24 =	sadd.s32 $0x600, s3;
	s19 =	rddreg [dreg:$0x2]  }
0x23: {  	[dreg:$0x14] =	wrdreg s20;
	s22 =	sadd.s32 $0x64200, s3;
	s26 =	sshrl.u32 s26, $0x2  }
0x24: {  	_ =	strace $0x80000047;
	s3 =	sadd.s32 s26, s19;
	[smem:$0x7FA] =	sst s0  }
0x25: {  	s15 =	sadd.s32 s15, s19;
	[dreg:$0x15] =	wrdreg s3  }
0x26: {  	s16 =	sadd.s32 s16, s19;
	[dreg:$0x16] =	wrdreg s15  }
0x27: {  	s31 =	simm.s32 $0x28;
	s20 =	sadd.s32 s17, s19;
	[dreg:$0x17] =	wrdreg s16  }
0x28: {  	s28 =	simm.s32 $0x9;
	s26 =	sadd.s32 s18, s19;
	[dreg:$0x18] =	wrdreg s20  }
0x29: {  	s29 =	simm.s32 $0x6;
	s8 =	sadd.s32 s8, s19;
	[dreg:$0x19] =	wrdreg s26  }
0x2a: {  	s2 =	smul.u32 $0xFA0, s2;
	s5 =	sadd.s32 s5, s19;
	[dreg:$0x1a] =	wrdreg s8  }
0x2b: {  	s30 =	simm.s32 $0x8;
	s7 =	sadd.s32 s7, s19;
	[smem:$0x7F2] =	sst s5  }
0x2c: {  	s2 =	sor.u32 s25, s2;
	s10 =	sadd.s32 s10, s19;
	[smem:$0x7F3] =	sst s7  }
0x2d: {  	s11 =	sadd.s32 s11, s19;
	s13 =	sadd.s32 s13, s19;
	[dreg:$0x1c] =	wrdreg s10  }
0x2e: {  	s14 =	sadd.s32 s14, s19;
	s17 =	smul.u32 $0x28, s2;
	[dreg:$0x1d] =	wrdreg s11  }
0x2f: {  	s6 =	sadd.s32 s6, s19;
	s18 =	smul.u32 $0x5, s2;
	[dreg:$0x1f] =	wrdreg s13  }
0x30: {  	s4 =	sadd.s32 s4, s19;
	s0 =	simm.s32 $0x4;
	[smem:$0x7FB] =	sst s14  }
0x31: {  	s15 =	sadd.s32 s9, s19;
	s16 =	sadd.s32 s12, s19;
	[smem:$0x7FC] =	sst s6  }
0x32: {  	s26 =	sadd.s32 $0x20, s2;
	s2 =	sadd.s32 $0x30, s2;
	[smem:$0x7FD] =	sst s4  }
0x33: {  	s12 =	simm.s32 $0x180;
	s7 =	simm.s32 $0x6700;
	[dreg:$0x1b] =	wrdreg s15  }
0x34: {  	s8 =	simm.s32 $0x7B00;
	s9 =	simm.s32 $0x5;
	[dreg:$0x1e] =	wrdreg s16  }
0x35: {  	s3 =	sshrl.u32 s17, $0x3;
	s20 =	sadd.s32 s23, s18;
	[smem:$0x7F8] =	sst s26  }
.Ltmp0:
0x36: {  	s5 =	sadd.s32 s24, s18;
	[smem:$0x7F9] =	sst s2;
	(pc) =	sbr.rel .LBB2_1-.Ltmp0, $4  }
0x37: {  	s18 =	simm.s32 $0x5300;
	[smem:$0x7F4] =	sst s20;
	s3 =	sadd.s32 $0x50, s3  }
0x38: {  	v3 =	vlaneseq.u32;
	v0 =	vimm.f32 $0.0e+00;
	s16 =	simm.s32 $0x2;
	[smem:$0x7F5] =	sst s5;
	s25 =	sadd.s32 s23, s3  }
0x39: {  	vm0 =	vmmov $0xffff;
	vm1 =	vcmask $0x3F20;
	v2 =	vshrl.u32 v3, $0x3;
	s20 =	simm.s32 $0xB;
	s3 =	sadd.s32 s24, s3;
	[smem:$0x7F6] =	sst s25  }
0x3a: {  	v1 =	vand.u32 $0x7, v3;
	v3 =	vor.u32 $0x8, v3;
	v2 =	vmul.u32 $0x8, v2;
	[smem:$0x7F7] =	sst s3;
	s25 =	simm.s32 $0x7;
	s3 =	simm.s32 $0x0  }
.LBB2_15:
0x3b: {  	s2 =	simm.s32 $0xA  }
0x3c: {  	_ =	swait.ge [sflag:s2], $0x1400  }
0x3d: {  	[sflag:s2] =	ssyncset.done $0x0  }
0x3e: {  	[sflag:s2] =	ssyncadd.s32 $0xFFFFEC00  }
0x3f: {  	[bflag:$0x0] =	sbarrier.arrive $0xFFFF  }
0x40: {  	s13 =	rddreg [dreg:$0x15]  }
0x41: {  	[tilespmem:s18], [sflag:$0xB] =	stream.linear.gather [spmem:s13], $0x1400, $0x38;
	[tilespmem:$0x1E300] =	vst v63  }
0x42: {  	_ =	swait.ge [sflag:s20], $0x1400  }
0x43: {  	[sflag:s20] =	ssyncset.done $0x0  }
0x44: {  	s14 =	rddreg [dreg:$0x4];
	[sflag:s20] =	ssyncadd.s32 $0xFFFFEC00  }
0x45: {  	[hbm4b:s14+s1] =	stream.linear.scatter [tilespmem:s18], [sflag:$0xB], $0x1400, $0x38;
	[tilespmem:$0x1E300] =	vst v63  }
0x46: {  	_ =	swait.ge [sflag:s20], $0x1400  }
0x47: {  	[sflag:s20] =	ssyncset.done $0x0  }
0x48: {  	s15 =	rddreg [dreg:$0x16];
	[sflag:s20] =	ssyncadd.s32 $0xFFFFEC00  }
0x49: {  	[tilespmem:s18], [sflag:$0xB] =	stream.linear.gather [spmem:s15], $0x1400, $0x38;
	[tilespmem:$0x1E300] =	vst v63  }
0x4a: {  	_ =	swait.ge [sflag:s20], $0x1400  }
0x4b: {  	[sflag:s20] =	ssyncset.done $0x0  }
0x4c: {  	s17 =	rddreg [dreg:$0x5];
	[sflag:s20] =	ssyncadd.s32 $0xFFFFEC00  }
0x4d: {  	[hbm4b:s17+s1] =	stream.linear.scatter [tilespmem:s18], [sflag:$0xB], $0x1400, $0x38;
	[tilespmem:$0x1E300] =	vst v63  }
0x4e: {  	_ =	swait.ge [sflag:s20], $0x1400  }
0x4f: {  	[sflag:s20] =	ssyncset.done $0x0  }
0x50: {  	s26 =	rddreg [dreg:$0x17];
	[sflag:s20] =	ssyncadd.s32 $0xFFFFEC00  }
0x51: {  	[tilespmem:s18], [sflag:$0xB] =	stream.linear.gather [spmem:s26], $0x1400, $0x38;
	[tilespmem:$0x1E300] =	vst v63  }
0x52: {  	_ =	swait.ge [sflag:s20], $0x1400  }
0x53: {  	[sflag:s20] =	ssyncset.done $0x0  }
0x54: {  	s3 =	rddreg [dreg:$0x6];
	[sflag:s20] =	ssyncadd.s32 $0xFFFFEC00  }
0x55: {  	[hbm4b:s3+s1] =	stream.linear.scatter [tilespmem:s18], [sflag:$0xB], $0x1400, $0x38;
	[tilespmem:$0x1E300] =	vst v63  }
0x56: {  	_ =	swait.ge [sflag:s20], $0x1400  }
0x57: {  	[sflag:s20] =	ssyncset.done $0x0  }
0x58: {  	s4 =	rddreg [dreg:$0x18];
	[sflag:s20] =	ssyncadd.s32 $0xFFFFEC00  }
0x59: {  	[tilespmem:s18], [sflag:$0xB] =	stream.linear.gather [spmem:s4], $0x1400, $0x38;
	[tilespmem:$0x1E300] =	vst v63  }
0x5a: {  	_ =	swait.ge [sflag:s20], $0x1400  }
0x5b: {  	[sflag:s20] =	ssyncset.done $0x0  }
0x5c: {  	s5 =	rddreg [dreg:$0x7];
	[sflag:s20] =	ssyncadd.s32 $0xFFFFEC00  }
0x5d: {  	[hbm4b:s5+s1] =	stream.linear.scatter [tilespmem:s18], [sflag:$0xB], $0x1400, $0x38;
	[tilespmem:$0x1E300] =	vst v63  }
0x5e: {  	_ =	swait.ge [sflag:s20], $0x1400  }
0x5f: {  	[sflag:s20] =	ssyncset.done $0x0  }
0x60: {  	s6 =	rddreg [dreg:$0x19];
	[sflag:s20] =	ssyncadd.s32 $0xFFFFEC00  }
0x61: {  	[tilespmem:s18], [sflag:$0xB] =	stream.linear.gather [spmem:s6], $0x1400, $0x38;
	[tilespmem:$0x1E300] =	vst v63  }
0x62: {  	_ =	swait.ge [sflag:s20], $0x1400  }
0x63: {  	[sflag:s20] =	ssyncset.done $0x0  }
0x64: {  	s10 =	rddreg [dreg:$0x8];
	[sflag:s20] =	ssyncadd.s32 $0xFFFFEC00  }
0x65: {  	[hbm4b:s10+s1] =	stream.linear.scatter [tilespmem:s18], [sflag:$0xB], $0x1400, $0x38;
	[tilespmem:$0x1E300] =	vst v63  }
0x66: {  	_ =	swait.ge [sflag:s20], $0x1400  }
0x67: {  	[sflag:s20] =	ssyncset.done $0x0  }
0x68: {  	s11 =	rddreg [dreg:$0x1a];
	[sflag:s20] =	ssyncadd.s32 $0xFFFFEC00  }
0x69: {  	[tilespmem:s18], [sflag:$0xB] =	stream.linear.gather [spmem:s11], $0x1400, $0x38;
	[tilespmem:$0x1E300] =	vst v63  }
0x6a: {  	_ =	swait.ge [sflag:s20], $0x1400  }
0x6b: {  	[sflag:s20] =	ssyncset.done $0x0  }
0x6c: {  	s13 =	rddreg [dreg:$0x9];
	[sflag:s20] =	ssyncadd.s32 $0xFFFFEC00  }
0x6d: {  	[hbm4b:s13+s1] =	stream.linear.scatter [tilespmem:s18], [sflag:$0xB], $0x1400, $0x38;
	[tilespmem:$0x1E300] =	vst v63  }
0x6e: {  	_ =	swait.ge [sflag:s20], $0x1400  }
0x6f: {  	[sflag:s20] =	ssyncset.done $0x0  }
0x70: {  	s14 =	rddreg [dreg:$0x1b];
	[sflag:s20] =	ssyncadd.s32 $0xFFFFEC00  }
0x71: {  	[tilespmem:s18], [sflag:$0xB] =	stream.linear.gather [spmem:s14], $0x1400, $0x38;
	[tilespmem:$0x1E300] =	vst v63  }
0x72: {  	_ =	swait.ge [sflag:s20], $0x1400  }
0x73: {  	[sflag:s20] =	ssyncset.done $0x0  }
0x74: {  	s15 =	rddreg [dreg:$0xa];
	[sflag:s20] =	ssyncadd.s32 $0xFFFFEC00  }
0x75: {  	[hbm4b:s15+s1] =	stream.linear.scatter [tilespmem:s18], [sflag:$0xB], $0x1400, $0x38;
	[tilespmem:$0x1E300] =	vst v63  }
0x76: {  	_ =	swait.ge [sflag:s20], $0x1400  }
0x77: {  	[sflag:s20] =	ssyncset.done $0x0  }
0x78: {  	s10 =	rddreg [dreg:$0x1c];
	[sflag:s20] =	ssyncadd.s32 $0xFFFFEC00  }
0x79: {  	[tilespmem:s18], [sflag:$0xB] =	stream.linear.gather [spmem:s10], $0x1400, $0x38;
	[tilespmem:$0x1E300] =	vst v63  }
0x7a: {  	_ =	swait.ge [sflag:s20], $0x1400  }
0x7b: {  	[sflag:s20] =	ssyncset.done $0x0  }
0x7c: {  	s17 =	rddreg [dreg:$0xb];
	[sflag:s20] =	ssyncadd.s32 $0xFFFFEC00  }
0x7d: {  	[hbm4b:s17+s1] =	stream.linear.scatter [tilespmem:s18], [sflag:$0xB], $0x1400, $0x38;
	[tilespmem:$0x1E300] =	vst v63  }
0x7e: {  	_ =	swait.ge [sflag:s20], $0x1400  }
0x7f: {  	[sflag:s20] =	ssyncset.done $0x0  }
0x80: {  	s11 =	rddreg [dreg:$0x1d];
	[sflag:s20] =	ssyncadd.s32 $0xFFFFEC00  }
0x81: {  	[tilespmem:s18], [sflag:$0xB] =	stream.linear.gather [spmem:s11], $0x1400, $0x38;
	[tilespmem:$0x1E300] =	vst v63  }
0x82: {  	_ =	swait.ge [sflag:s20], $0x1400  }
0x83: {  	[sflag:s20] =	ssyncset.done $0x0  }
0x84: {  	s26 =	rddreg [dreg:$0xc];
	[sflag:s20] =	ssyncadd.s32 $0xFFFFEC00  }
0x85: {  	[hbm4b:s26+s1] =	stream.linear.scatter [tilespmem:s18], [sflag:$0xB], $0x1400, $0x38;
	[tilespmem:$0x1E300] =	vst v63  }
0x86: {  	_ =	swait.ge [sflag:s20], $0x1400  }
0x87: {  	[sflag:s20] =	ssyncset.done $0x0  }
0x88: {  	s3 =	rddreg [dreg:$0x1e];
	[sflag:s20] =	ssyncadd.s32 $0xFFFFEC00  }
0x89: {  	[tilespmem:s18], [sflag:$0xB] =	stream.linear.gather [spmem:s3], $0x1400, $0x38;
	[tilespmem:$0x1E300] =	vst v63  }
0x8a: {  	_ =	swait.ge [sflag:s20], $0x1400  }
0x8b: {  	[sflag:s20] =	ssyncset.done $0x0  }
0x8c: {  	s4 =	rddreg [dreg:$0xd];
	[sflag:s20] =	ssyncadd.s32 $0xFFFFEC00  }
0x8d: {  	[hbm4b:s4+s1] =	stream.linear.scatter [tilespmem:s18], [sflag:$0xB], $0x1400, $0x38;
	[tilespmem:$0x1E300] =	vst v63  }
0x8e: {  	_ =	swait.ge [sflag:s20], $0x1400  }
0x8f: {  	[sflag:s20] =	ssyncset.done $0x0  }
0x90: {  	s13 =	rddreg [dreg:$0x1f];
	[sflag:s20] =	ssyncadd.s32 $0xFFFFEC00  }
0x91: {  	[tilespmem:s18], [sflag:$0xB] =	stream.linear.gather [spmem:s13], $0x1400, $0x38;
	[tilespmem:$0x1E300] =	vst v63  }
0x92: {  	_ =	swait.ge [sflag:s20], $0x1400  }
0x93: {  	[sflag:s20] =	ssyncset.done $0x0  }
0x94: {  	s5 =	rddreg [dreg:$0xe];
	[sflag:s20] =	ssyncadd.s32 $0xFFFFEC00  }
0x95: {  	[hbm4b:s5+s1] =	stream.linear.scatter [tilespmem:s18], [sflag:$0xB], $0x1400, $0x38;
	[tilespmem:$0x1E300] =	vst v63  }
0x96: {  	_ =	swait.ge [sflag:s20], $0x1400  }
0x97: {  	s14 =	sld [smem:$0x7FB]  }
0x98: {  	[sflag:s20] =	ssyncset.done $0x0  }
0x99: {  	[sflag:s20] =	ssyncadd.s32 $0xFFFFEC00  }
0x9a: {  	[tilespmem:s18], [sflag:$0xB] =	stream.linear.gather [spmem:s14], $0x1400, $0x38;
	[tilespmem:$0x1E300] =	vst v63  }
0x9b: {  	_ =	swait.ge [sflag:s20], $0x1400  }
0x9c: {  	[sflag:s20] =	ssyncset.done $0x0  }
0x9d: {  	s6 =	rddreg [dreg:$0xf];
	[sflag:s20] =	ssyncadd.s32 $0xFFFFEC00  }
0x9e: {  	[hbm4b:s6+s1] =	stream.linear.scatter [tilespmem:s18], [sflag:$0xB], $0x1400, $0x38;
	[tilespmem:$0x1E300] =	vst v63  }
0x9f: {  	_ =	swait.ge [sflag:s20], $0x1400  }
0xa0: {  	s15 =	sld [smem:$0x7F2]  }
0xa1: {  	[sflag:s20] =	ssyncset.done $0x0  }
0xa2: {  	[sflag:s20] =	ssyncadd.s32 $0xFFFFEC00  }
0xa3: {  	[tilespmem:s18], [sflag:$0xB] =	stream.linear.gather [spmem:s15], $0x1400, $0x38;
	[tilespmem:$0x1E300] =	vst v63  }
0xa4: {  	_ =	swait.ge [sflag:s20], $0x1400  }
0xa5: {  	[sflag:s20] =	ssyncset.done $0x0  }
0xa6: {  	s17 =	rddreg [dreg:$0x10];
	[sflag:s20] =	ssyncadd.s32 $0xFFFFEC00  }
0xa7: {  	[hbm4b:s17+s1] =	stream.linear.scatter [tilespmem:s18], [sflag:$0xB], $0x1400, $0x38;
	[tilespmem:$0x1E300] =	vst v63  }
0xa8: {  	_ =	swait.ge [sflag:s20], $0x1400  }
0xa9: {  	s6 =	sld [smem:$0x7FC]  }
0xaa: {  	[sflag:s20] =	ssyncset.done $0x0  }
0xab: {  	[sflag:s20] =	ssyncadd.s32 $0xFFFFEC00  }
0xac: {  	[tilespmem:s18], [sflag:$0xB] =	stream.linear.gather [spmem:s6], $0x1400, $0x38;
	[tilespmem:$0x1E300] =	vst v63  }
0xad: {  	_ =	swait.ge [sflag:s20], $0x1400  }
0xae: {  	[sflag:s20] =	ssyncset.done $0x0  }
0xaf: {  	s26 =	rddreg [dreg:$0x11];
	[sflag:s20] =	ssyncadd.s32 $0xFFFFEC00  }
0xb0: {  	[hbm4b:s26+s1] =	stream.linear.scatter [tilespmem:s18], [sflag:$0xB], $0x1400, $0x38;
	[tilespmem:$0x1E300] =	vst v63  }
0xb1: {  	_ =	swait.ge [sflag:s20], $0x1400  }
0xb2: {  	s4 =	sld [smem:$0x7FD]  }
0xb3: {  	[sflag:s20] =	ssyncset.done $0x0  }
0xb4: {  	[sflag:s20] =	ssyncadd.s32 $0xFFFFEC00  }
0xb5: {  	[tilespmem:s18], [sflag:$0xB] =	stream.linear.gather [spmem:s4], $0x1400, $0x38;
	[tilespmem:$0x1E300] =	vst v63  }
0xb6: {  	_ =	swait.ge [sflag:s20], $0x1400  }
0xb7: {  	[sflag:s20] =	ssyncset.done $0x0  }
0xb8: {  	s3 =	rddreg [dreg:$0x12];
	[sflag:s20] =	ssyncadd.s32 $0xFFFFEC00  }
0xb9: {  	[hbm4b:s3+s1] =	stream.linear.scatter [tilespmem:s18], [sflag:$0xB], $0x1400, $0x38;
	[tilespmem:$0x1E300] =	vst v63  }
0xba: {  	_ =	swait.ge [sflag:s20], $0x1400  }
0xbb: {  	s5 =	sld [smem:$0x7F3]  }
0xbc: {  	[sflag:s20] =	ssyncset.done $0x0  }
0xbd: {  	[sflag:s20] =	ssyncadd.s32 $0xFFFFEC00  }
0xbe: {  	[tilespmem:s18], [sflag:$0xB] =	stream.linear.gather [spmem:s5], $0x1400, $0x38;
	[tilespmem:$0x1E300] =	vst v63  }
0xbf: {  	_ =	swait.ge [sflag:s20], $0x1400  }
0xc0: {  	[sflag:s20] =	ssyncset.done $0x0  }
0xc1: {  	s15 =	rddreg [dreg:$0x13];
	[sflag:s20] =	ssyncadd.s32 $0xFFFFEC00  }
0xc2: {  	[hbm4b:s15+s1] =	stream.linear.scatter [tilespmem:s18], [sflag:$0xB], $0x1400, $0x38;
	[tilespmem:$0x1E300] =	vst v63  }
0xc3: {  	_ =	swait.ge [sflag:s20], $0x1400  }
0xc4: {  	[sflag:s20] =	ssyncset.done $0x0  }
0xc5: {  	s17 =	rddreg [dreg:$0x14];
	[sflag:s20] =	ssyncadd.s32 $0xFFFFEC00  }
0xc6: {  	[hbm4b:s17+s1] =	stream.linear.scatter [tilespmem:s8], [sflag:$0xB], $0x2800, $0x38;
	[tilespmem:$0x1E300] =	vst v63  }
0xc7: {  	_ =	swait.ge [sflag:s20], $0x2800  }
0xc8: {  	s3 =	sld [smem:$0x7F1]  }
0xc9: {  	s26 =	sld [smem:$0x7FA];
	_ =	sdelay $0x1  }
0xca: {  	s3 =	sadd.s32 $0x1, s3  }
0xcb: {  	p0 =	sne.s32 s3, s26  }
.Ltmp1:
0xcc: {  	_ = 	snop;
	(pc) =	sbr.rel @!p0 .LBB2_16-.Ltmp1, $3  }
0xcd: {  	_ =	sdelay $0x1  }
0xce: {  	[sflag:s20] =	ssyncset.done $0x0  }
0xcf: {  	[sflag:s20] =	ssyncadd.s32 $0xFFFFD800  }
.LBB2_1:
0xd0: {  	[smem:$0x7F1] =	sst s3;
	s2 =	simm.s32 $0x0;
	s3 =	simm.s32 $0x200  }
.LBB2_2:
0xd1: {  	p0 =	sne.s32 s3, $0x4E00;
	[tilespmem:s2+$0x5370] =	vst v0  }
0xd2: {  	[tilespmem:s2+$0x5300] =	vst v0  }
0xd3: {  	[tilespmem:s2+$0x5310] =	vst v0  }
.Ltmp2:
0xd4: {  	[tilespmem:s2+$0x5320] =	vst v0;
	(pc) =	sbr.rel @p0 .LBB2_2-.Ltmp2, $4  }
0xd5: {  	[tilespmem:s2+$0x5330] =	vst v0  }
0xd6: {  	[tilespmem:s2+$0x5340] =	vst v0  }
0xd7: {  	[tilespmem:s2+$0x5350] =	vst v0  }
0xd8: {  	[tilespmem:s2+$0x5360] =	vst v0;
	s2 =	sshra.s32 s3, $0x2;
	s3 =	sadd.s32 $0x200, s3  }
0xd9: {  	[tilespmem:s2+$0x5370] =	vst v0  }
0xda: {  	[tilespmem:s2+$0x5300] =	vst v0  }
0xdb: {  	[tilespmem:s2+$0x5310] =	vst v0  }
0xdc: {  	[tilespmem:s2+$0x5320] =	vst v0  }
0xdd: {  	[tilespmem:s2+$0x5330] =	vst v0  }
0xde: {  	[tilespmem:s2+$0x5340] =	vst v0  }
0xdf: {  	[tilespmem:s2+$0x5350] =	vst v0  }
0xe0: {  	[tilespmem:s2+$0x5360] =	vst v0;
	s2 =	simm.s32 $0x40;
	s3 =	simm.s32 $0x0  }
.LBB2_4:
0xe1: {  	p0 =	sne.s32 s2, $0x9FC0;
	[tilespmem:s3+$0x7B00] =	vst v0;
	s3 =	smov.u32 s2;
	s2 =	sadd.s32 $0x40, s2  }
.Ltmp3:
0xe2: {  	(pc) =	sbr.rel @p0 .LBB2_4-.Ltmp3, $2  }
0xe3: {  	_ =	sdelay $0x2  }
0xe4: {  	s3 =	sshra.s32 s3, $0x2  }
0xe5: {  	[tilespmem:s3+$0x7B00] =	vst v0;
	s2 =	rddreg [dreg:$0x15]  }
0xe6: {  	[spmem:s2] =	stream.linear.scatter [tilespmem:s18], [sflag:$0xB], $0x1400, $0x38;
	[tilespmem:$0x1E300] =	vst v63  }
0xe7: {  	_ =	swait.ge [sflag:s20], $0x1400  }
0xe8: {  	[sflag:s20] =	ssyncset.done $0x0  }
0xe9: {  	s5 =	rddreg [dreg:$0x16];
	[sflag:s20] =	ssyncadd.s32 $0xFFFFEC00  }
0xea: {  	[spmem:s5] =	stream.linear.scatter [tilespmem:s18], [sflag:$0xB], $0x1400, $0x38;
	[tilespmem:$0x1E300] =	vst v63  }
0xeb: {  	_ =	swait.ge [sflag:s20], $0x1400  }
0xec: {  	[sflag:s20] =	ssyncset.done $0x0  }
0xed: {  	s15 =	rddreg [dreg:$0x17];
	[sflag:s20] =	ssyncadd.s32 $0xFFFFEC00  }
0xee: {  	[spmem:s15] =	stream.linear.scatter [tilespmem:s18], [sflag:$0xB], $0x1400, $0x38;
	[tilespmem:$0x1E300] =	vst v63  }
0xef: {  	_ =	swait.ge [sflag:s20], $0x1400  }
0xf0: {  	[sflag:s20] =	ssyncset.done $0x0  }
0xf1: {  	s17 =	rddreg [dreg:$0x18];
	[sflag:s20] =	ssyncadd.s32 $0xFFFFEC00  }
0xf2: {  	[spmem:s17] =	stream.linear.scatter [tilespmem:s18], [sflag:$0xB], $0x1400, $0x38;
	[tilespmem:$0x1E300] =	vst v63  }
0xf3: {  	_ =	swait.ge [sflag:s20], $0x1400  }
0xf4: {  	[sflag:s20] =	ssyncset.done $0x0  }
0xf5: {  	s26 =	rddreg [dreg:$0x19];
	[sflag:s20] =	ssyncadd.s32 $0xFFFFEC00  }
0xf6: {  	[spmem:s26] =	stream.linear.scatter [tilespmem:s18], [sflag:$0xB], $0x1400, $0x38;
	[tilespmem:$0x1E300] =	vst v63  }
0xf7: {  	_ =	swait.ge [sflag:s20], $0x1400  }
0xf8: {  	[sflag:s20] =	ssyncset.done $0x0  }
0xf9: {  	s3 =	rddreg [dreg:$0x1a];
	[sflag:s20] =	ssyncadd.s32 $0xFFFFEC00  }
0xfa: {  	[spmem:s3] =	stream.linear.scatter [tilespmem:s18], [sflag:$0xB], $0x1400, $0x38;
	[tilespmem:$0x1E300] =	vst v63  }
0xfb: {  	_ =	swait.ge [sflag:s20], $0x1400  }
0xfc: {  	[sflag:s20] =	ssyncset.done $0x0  }
0xfd: {  	s5 =	rddreg [dreg:$0x1b];
	[sflag:s20] =	ssyncadd.s32 $0xFFFFEC00  }
0xfe: {  	[spmem:s5] =	stream.linear.scatter [tilespmem:s18], [sflag:$0xB], $0x1400, $0x38;
	[tilespmem:$0x1E300] =	vst v63  }
0xff: {  	_ =	swait.ge [sflag:s20], $0x1400  }
0x100: {  	[sflag:s20] =	ssyncset.done $0x0  }
0x101: {  	[sflag:s20] =	ssyncadd.s32 $0xFFFFEC00  }
0x102: {  	[spmem:s10] =	stream.linear.scatter [tilespmem:s18], [sflag:$0xB], $0x1400, $0x38;
	[tilespmem:$0x1E300] =	vst v63  }
0x103: {  	_ =	swait.ge [sflag:s20], $0x1400  }
0x104: {  	[sflag:s20] =	ssyncset.done $0x0  }
0x105: {  	[sflag:s20] =	ssyncadd.s32 $0xFFFFEC00  }
0x106: {  	[spmem:s11] =	stream.linear.scatter [tilespmem:s18], [sflag:$0xB], $0x1400, $0x38;
	[tilespmem:$0x1E300] =	vst v63  }
0x107: {  	_ =	swait.ge [sflag:s20], $0x1400  }
0x108: {  	[sflag:s20] =	ssyncset.done $0x0  }
0x109: {  	s10 =	rddreg [dreg:$0x1e];
	[sflag:s20] =	ssyncadd.s32 $0xFFFFEC00  }
0x10a: {  	[spmem:s10] =	stream.linear.scatter [tilespmem:s18], [sflag:$0xB], $0x1400, $0x38;
	[tilespmem:$0x1E300] =	vst v63  }
0x10b: {  	_ =	swait.ge [sflag:s20], $0x1400  }
0x10c: {  	[sflag:s20] =	ssyncset.done $0x0  }
0x10d: {  	[sflag:s20] =	ssyncadd.s32 $0xFFFFEC00  }
0x10e: {  	[spmem:s13] =	stream.linear.scatter [tilespmem:s18], [sflag:$0xB], $0x1400, $0x38;
	[tilespmem:$0x1E300] =	vst v63  }
0x10f: {  	_ =	swait.ge [sflag:s20], $0x1400  }
0x110: {  	[sflag:s20] =	ssyncset.done $0x0  }
0x111: {  	[sflag:s20] =	ssyncadd.s32 $0xFFFFEC00  }
0x112: {  	[spmem:s14] =	stream.linear.scatter [tilespmem:s18], [sflag:$0xB], $0x1400, $0x38;
	[tilespmem:$0x1E300] =	vst v63  }
0x113: {  	_ =	swait.ge [sflag:s20], $0x1400  }
0x114: {  	s11 =	sld [smem:$0x7F2]  }
0x115: {  	[sflag:s20] =	ssyncset.done $0x0  }
0x116: {  	[sflag:s20] =	ssyncadd.s32 $0xFFFFEC00  }
0x117: {  	[spmem:s11] =	stream.linear.scatter [tilespmem:s18], [sflag:$0xB], $0x1400, $0x38;
	[tilespmem:$0x1E300] =	vst v63  }
0x118: {  	_ =	swait.ge [sflag:s20], $0x1400  }
0x119: {  	[sflag:s20] =	ssyncset.done $0x0  }
0x11a: {  	[sflag:s20] =	ssyncadd.s32 $0xFFFFEC00  }
0x11b: {  	[spmem:s6] =	stream.linear.scatter [tilespmem:s18], [sflag:$0xB], $0x1400, $0x38;
	[tilespmem:$0x1E300] =	vst v63  }
0x11c: {  	_ =	swait.ge [sflag:s20], $0x1400  }
0x11d: {  	[sflag:s20] =	ssyncset.done $0x0  }
0x11e: {  	[sflag:s20] =	ssyncadd.s32 $0xFFFFEC00  }
0x11f: {  	[spmem:s4] =	stream.linear.scatter [tilespmem:s18], [sflag:$0xB], $0x1400, $0x38;
	[tilespmem:$0x1E300] =	vst v63  }
0x120: {  	_ =	swait.ge [sflag:s20], $0x1400  }
0x121: {  	s13 =	sld [smem:$0x7F3]  }
0x122: {  	[sflag:s20] =	ssyncset.done $0x0  }
0x123: {  	[sflag:s20] =	ssyncadd.s32 $0xFFFFEC00  }
0x124: {  	[spmem:s13] =	stream.linear.scatter [tilespmem:s18], [sflag:$0xB], $0x1400, $0x38;
	[tilespmem:$0x1E300] =	vst v63  }
0x125: {  	_ =	swait.ge [sflag:s20], $0x1400  }
0x126: {  	[sflag:s20] =	ssyncset.done $0x0  }
0x127: {  	[sflag:s20] =	ssyncadd.s32 $0xFFFFEC00  }
0x128: {  	[bflag:$0x0] =	sbarrier.arrive $0xFFFF  }
0x129: {  	s14 =	sld [smem:$0x7F4];
	_ =	sdelay $0x1  }
0x12a: {  	s11 =	simm.s32 $0x0;
	s15 =	sld [smem:$0x7F5]  }
0x12b: {  	[tilespmem:s11], [sflag:$0x1] =	stream.linear.gather [hbm4b:s14+s11], $0x28, $0x38;
	[tilespmem:$0x1E300] =	vst v63  }
0x12c: {  	s3 =	simm.s32 $0x100;
	s17 =	sld [smem:$0x7F6]  }
0x12d: {  	[tilespmem:s3], [sflag:$0x3] =	stream.linear.gather [hbm4b:s15+s11], $0x28, $0x38;
	[tilespmem:$0x1E300] =	vst v63  }
0x12e: {  	s26 =	simm.s32 $0x80;
	s5 =	sld [smem:$0x7F7]  }
0x12f: {  	[tilespmem:s26], [sflag:$0x2] =	stream.linear.gather [hbm4b:s17+s11], $0x28, $0x38;
	[tilespmem:$0x1E300] =	vst v63  }
0x130: {  	s6 =	simm.s32 $0x1  }
0x131: {  	[tilespmem:s12], [sflag:$0x4] =	stream.linear.gather [hbm4b:s5+s11], $0x28, $0x38;
	[tilespmem:$0x1E300] =	vst v63  }
0x132: {  	_ =	swait.ge [sflag:s6], $0x28  }
0x133: {  	[sflag:s6] =	ssyncset.done $0x0  }
0x134: {  	s10 =	simm.s32 $0x3;
	[sflag:s6] =	ssyncadd.s32 $0xFFFFFFD8  }
0x135: {  	_ =	swait.ge [sflag:s10], $0x28  }
0x136: {  	[sflag:s10] =	ssyncset.done $0x0  }
0x137: {  	[sflag:s10] =	ssyncadd.s32 $0xFFFFFFD8  }
0x138: {  	v4 =	vld [tilespmem:$0x0];
	_ =	sdelay $0x4  }
0x139: {  	v5 =	vshll.u32 v4, $0x1  }
0x13a: {  	v4 =	vand.u32 $0x7, v4;
	v5 =	vand.u32 $0xFFFFFFF0, v5  }
0x13b: {  	v4 =	vor.u32 v4, v5  }
0x13c: {  	v5 =	vperm.xlane v4, v1;
	_ =	sdelay $0x1  }
0x13d: {  	v4 =	vperm.xlane v4, v3;
	v5 =	vadd.s32 v2, v5;
	_ =	sdelay $0x1  }
0x13e: {  	v4 =	vadd.s32 v2, v4;
	_ =	sdelay $0x1  }
0x13f: {  	s13 =	simm.s32 $0x300  }
0x140: {  	[tilespmem:s13], [sflag:$0x5] =	stream.indirect_vreg.gather [hbm4b:s21+s11], $0x80, v5, vm0, $0xb8;
	[tilespmem:$0x1E300] =	vst v63  }
0x141: {  	s14 =	simm.s32 $0xB00  }
0x142: {  	[tilespmem:s14], [sflag:$0x5] =	stream.indirect_vreg.gather [hbm4b:s21+s11], $0x80, v4, vm0, $0xb8;
	[tilespmem:$0x1E300] =	vst v63  }
0x143: {  	v4 =	vld [tilespmem:$0x10];
	_ =	sdelay $0x4  }
0x144: {  	v5 =	vshll.u32 v4, $0x1  }
0x145: {  	v4 =	vand.u32 $0x7, v4;
	v5 =	vand.u32 $0xFFFFFFF0, v5  }
0x146: {  	v4 =	vor.u32 v4, v5  }
0x147: {  	v5 =	vperm.xlane v4, v1;
	_ =	sdelay $0x1  }
0x148: {  	v4 =	vperm.xlane v4, v3;
	v5 =	vadd.s32 v2, v5;
	_ =	sdelay $0x1  }
0x149: {  	v4 =	vadd.s32 v2, v4;
	_ =	sdelay $0x1  }
0x14a: {  	s15 =	simm.s32 $0x1300  }
0x14b: {  	[tilespmem:s15], [sflag:$0x5] =	stream.indirect_vreg.gather [hbm4b:s21+s11], $0x80, v5, vm0, $0xb8;
	[tilespmem:$0x1E300] =	vst v63  }
0x14c: {  	s17 =	simm.s32 $0x1B00  }
0x14d: {  	[tilespmem:s17], [sflag:$0x5] =	stream.indirect_vreg.gather [hbm4b:s21+s11], $0x80, v4, vm0, $0xb8;
	[tilespmem:$0x1E300] =	vst v63  }
0x14e: {  	v4 =	vld.msk [tilespmem:$0x20], $0xff;
	_ =	sdelay $0x4  }
0x14f: {  	v5 =	vshll.u32 v4, $0x1  }
0x150: {  	v4 =	vand.u32 $0x7, v4;
	v5 =	vand.u32 $0xFFFFFFF0, v5  }
0x151: {  	v4 =	vor.u32 v4, v5  }
0x152: {  	v4 =	vperm.xlane v4, v1;
	_ =	sdelay $0x1  }
0x153: {  	v4 =	vadd.s32 v2, v4;
	_ =	sdelay $0x3  }
0x154: {  	s26 =	simm.s32 $0x2300  }
0x155: {  	[tilespmem:s26], [sflag:$0x5] =	stream.indirect_vreg.gather [hbm4b:s21+s11], $0x80, v4, vm0, $0xb8;
	[tilespmem:$0x1E300] =	vst v63  }
0x156: {  	s2 =	simm.s32 $0x0  }
0x157: {  	[tilespmem:s18], [sflag:$0x7] =	stream.indirect.gather [hbm4b:s22+s31], $0x80, s3, s31, $0xb8;
	[tilespmem:$0x1E300] =	vst v63  }
.LBB2_6:
0x158: {  	_ =	swait.ge [sflag:s16], $0x28  }
0x159: {  	[sflag:s16] =	ssyncset.done $0x0  }
0x15a: {  	[sflag:s16] =	ssyncadd.s32 $0xFFFFFFD8  }
0x15b: {  	_ =	swait.ge [sflag:s0], $0x28  }
0x15c: {  	p0 =	seq.s32 s2, $0x0;
	[sflag:s0] =	ssyncset.done $0x0  }
0x15d: {  	s3 =	simm.s32 @!p0 $0xA;
	[sflag:s0] =	ssyncadd.s32 $0xFFFFFFD8  }
0x15e: {  	_ =	swait.ge @!p0 [sflag:s3], $0x1400  }
0x15f: {  	[sflag:s3] =	ssyncset.done @!p0 $0x0  }
0x160: {  	[sflag:s3] =	ssyncadd.s32 @!p0 $0xFFFFEC00  }
0x161: {  	v4 =	vld [tilespmem:$0x80];
	_ =	sdelay $0x4  }
0x162: {  	v5 =	vshll.u32 v4, $0x1  }
0x163: {  	v4 =	vand.u32 $0x7, v4;
	v5 =	vand.u32 $0xFFFFFFF0, v5  }
0x164: {  	v4 =	vor.u32 v4, v5  }
0x165: {  	v5 =	vperm.xlane v4, v1;
	_ =	sdelay $0x1  }
0x166: {  	v4 =	vperm.xlane v4, v3;
	v5 =	vadd.s32 v2, v5;
	_ =	sdelay $0x1  }
0x167: {  	v4 =	vadd.s32 v2, v4;
	_ =	sdelay $0x1  }
0x168: {  	s6 =	simm.s32 $0x2B00  }
0x169: {  	[tilespmem:s6], [sflag:$0x6] =	stream.indirect_vreg.gather [hbm4b:s21+s11], $0x80, v5, vm0, $0xb8;
	[tilespmem:$0x1E300] =	vst v63  }
0x16a: {  	s10 =	simm.s32 $0x3300  }
0x16b: {  	[tilespmem:s10], [sflag:$0x6] =	stream.indirect_vreg.gather [hbm4b:s21+s11], $0x80, v4, vm0, $0xb8;
	[tilespmem:$0x1E300] =	vst v63  }
0x16c: {  	v4 =	vld [tilespmem:$0x90];
	_ =	sdelay $0x4  }
0x16d: {  	v5 =	vshll.u32 v4, $0x1  }
0x16e: {  	v4 =	vand.u32 $0x7, v4;
	v5 =	vand.u32 $0xFFFFFFF0, v5  }
0x16f: {  	v4 =	vor.u32 v4, v5  }
0x170: {  	v5 =	vperm.xlane v4, v1;
	_ =	sdelay $0x1  }
0x171: {  	v4 =	vperm.xlane v4, v3;
	v5 =	vadd.s32 v2, v5;
	_ =	sdelay $0x1  }
0x172: {  	v4 =	vadd.s32 v2, v4;
	_ =	sdelay $0x1  }
0x173: {  	s13 =	simm.s32 $0x3B00  }
0x174: {  	[tilespmem:s13], [sflag:$0x6] =	stream.indirect_vreg.gather [hbm4b:s21+s11], $0x80, v5, vm0, $0xb8;
	[tilespmem:$0x1E300] =	vst v63  }
0x175: {  	s14 =	simm.s32 $0x4300  }
0x176: {  	[tilespmem:s14], [sflag:$0x6] =	stream.indirect_vreg.gather [hbm4b:s21+s11], $0x80, v4, vm0, $0xb8;
	[tilespmem:$0x1E300] =	vst v63  }
0x177: {  	v4 =	vld.msk [tilespmem:$0xA0], $0xff;
	_ =	sdelay $0x4  }
0x178: {  	v5 =	vshll.u32 v4, $0x1  }
0x179: {  	v4 =	vand.u32 $0x7, v4;
	v5 =	vand.u32 $0xFFFFFFF0, v5  }
0x17a: {  	v4 =	vor.u32 v4, v5  }
0x17b: {  	v4 =	vperm.xlane v4, v1;
	_ =	sdelay $0x1  }
0x17c: {  	v4 =	vadd.s32 v2, v4;
	_ =	sdelay $0x3  }
0x17d: {  	s15 =	simm.s32 $0x4B00  }
0x17e: {  	[tilespmem:s15], [sflag:$0x6] =	stream.indirect_vreg.gather [hbm4b:s21+s11], $0x80, v4, vm0, $0xb8;
	[tilespmem:$0x1E300] =	vst v63  }
0x17f: {  	_ = 	snop  }
0x180: {  	[tilespmem:s7], [sflag:$0x8] =	stream.indirect.gather [hbm4b:s22+s31], $0x80, s12, s31, $0xb8;
	[tilespmem:$0x1E300] =	vst v63  }
0x181: {  	v4 =	vld [tilespmem:$0x100];
	_ =	sdelay $0x4  }
0x182: {  	(xrf1) =	vunique.msk.u32 $0xffff, v4;
	_ =	sdelay $0xd  }
0x183: {  	_, v5, vm2 =	vpop (xrf1);
	_ =	sdelay $0x5  }
0x184: {  	v6 =	vld.idx.msk [tilespmem:v4+s8+$0x0], vm2;
	_ =	sdelay $0x2  }
0x185: {  	v5 =	vcvt.s32.f32 v5;
	_ =	sdelay $0x1  }
0x186: {  	v5 =	vadd.f32 v5, v6;
	_ =	sdelay $0x1  }
0x187: {  	[tilespmem:v4+s8+$0x0] =	vst.idx.msk vm2, v5  }
0x188: {  	v4 =	vld [tilespmem:$0x110];
	_ =	sdelay $0x4  }
0x189: {  	(xrf1) =	vunique.msk.u32 $0xffff, v4;
	_ =	sdelay $0xd  }
0x18a: {  	_, v5, vm2 =	vpop (xrf1);
	_ =	sdelay $0x5  }
0x18b: {  	v6 =	vld.idx.msk [tilespmem:v4+s8+$0x0], vm2;
	_ =	sdelay $0x2  }
0x18c: {  	v5 =	vcvt.s32.f32 v5;
	_ =	sdelay $0x1  }
0x18d: {  	v5 =	vadd.f32 v5, v6;
	_ =	sdelay $0x1  }
0x18e: {  	[tilespmem:v4+s8+$0x0] =	vst.idx.msk vm2, v5  }
0x18f: {  	v4 =	vld [tilespmem:$0x118];
	_ =	sdelay $0x4  }
0x190: {  	(xrf1) =	vunique.msk.u32 vm1, v4;
	_ =	sdelay $0xd  }
0x191: {  	_, v5, vm2 =	vpop (xrf1);
	_ =	sdelay $0x5  }
0x192: {  	v6 =	vld.idx.msk [tilespmem:v4+s8+$0x0], vm2;
	_ =	sdelay $0x2  }
0x193: {  	v5 =	vcvt.s32.f32 v5;
	_ =	sdelay $0x1  }
0x194: {  	v5 =	vadd.f32 v5, v6;
	_ =	sdelay $0x1  }
0x195: {  	[tilespmem:v4+s8+$0x0] =	vst.idx.msk vm2, v5  }
0x196: {  	_ =	swait.ge [sflag:s9], $0x2800  }
0x197: {  	[sflag:s9] =	ssyncset.done $0x0  }
0x198: {  	[sflag:s9] =	ssyncadd.s32 $0xFFFFD800  }
0x199: {  	_ =	swait.ge [sflag:s25], $0x1400  }
0x19a: {  	[sflag:s25] =	ssyncset.done $0x0  }
0x19b: {  	[sflag:s25] =	ssyncadd.s32 $0xFFFFEC00  }
0x19c: {  	v4 =	vld [tilespmem:$0x100]  }
0x19d: {  	v5 =	vld [tilespmem:$0x110]  }
0x19e: {  	v6 =	vld [tilespmem:$0x118];
	_ =	sdelay $0x2  }
0x19f: {  	[tilespmem:$0x200] =	vst v4  }
0x1a0: {  	[tilespmem:$0x210] =	vst v5  }
0x1a1: {  	s3 =	simm.s32 $0x5380;
	[tilespmem:$0x218] =	vst v6  }
0x1a2: {  	v4 =	vld [tilespmem:s3+$0xFFFFFFF0]  }
0x1a3: {  	v5 =	vld [tilespmem:s3+$0xFFFFFFD0]  }
0x1a4: {  	v7 =	vld [tilespmem:s3+$0xFFFFFF90]  }
0x1a5: {  	v8 =	vld [tilespmem:s3+$0xFFFFFFA0]  }
0x1a6: {  	s4 =	sand.u32 $0x3800, s11;
	s5 =	simm.s32 $0x0;
	v9 =	vld [tilespmem:s3+$0xFFFFFFC0]  }
0x1a7: {  	s17 =	sor.u32 $0x300, s4;
	s6 =	sand.u32 $0x300, s5;
	v10 =	vld [tilespmem:s3+$0xFFFFFFB0]  }
0x1a8: {  	s4 =	sadd.s32 s6, s17;
	v11 =	vld [tilespmem:s3+$0xFFFFFFE0]  }
0x1a9: {  	v12 =	vld [tilespmem:s4+$0x430]  }
0x1aa: {  	v15 =	vld [tilespmem:s4+$0x420]  }
0x1ab: {  	v16 =	vld [tilespmem:s4+$0x410]  }
0x1ac: {  	v13 =	vld [tilespmem:s4+$0x460]  }
0x1ad: {  	v14 =	vld [tilespmem:s4+$0x440]  }
0x1ae: {  	v18 =	vld [tilespmem:s4+$0x450];
	v10 =	vadd.f32 v10, v12  }
0x1af: {  	v6 =	vld [tilespmem:s3+$0xFFFFFF80];
	v8 =	vadd.f32 v8, v15  }
0x1b0: {  	v46 =	vld [tilespmem:s4+$0x470];
	v7 =	vadd.f32 v7, v16;
	v10 =	vsub.f32 $0.0e+00, v10  }
0x1b1: {  	v17 =	vld [tilespmem:s4+$0x400];
	v8 =	vsub.f32 $0.0e+00, v8  }
0x1b2: {  	v11 =	vadd.f32 v11, v13;
	v7 =	vsub.f32 $0.0e+00, v7;
	v10 =	vmul.f32 $1.442695020e+00, v10  }
0x1b3: {  	v9 =	vadd.f32 v9, v14;
	v5 =	vadd.f32 v5, v18;
	v8 =	vmul.f32 $1.442695020e+00, v8  }
0x1b4: {  	v11 =	vsub.f32 $0.0e+00, v11;
	v7 =	vmul.f32 $1.442695020e+00, v7;
	(erf) = vpow2.f32 v10  }
0x1b5: {  	v4 =	vadd.f32 v4, v46;
	v5 =	vsub.f32 $0.0e+00, v5;
	(erf) = vpow2.f32 v8  }
0x1b6: {  	v6 =	vadd.f32 v6, v17;
	v47 =	vmul.f32 $1.442695020e+00, v11;
	(erf) = vpow2.f32 v7  }
0x1b7: {  	v4 =	vsub.f32 $0.0e+00, v4;
	v5 =	vmul.f32 $1.442695020e+00, v5  }
0x1b8: {  	v6 =	vsub.f32 $0.0e+00, v6;
	v7 =	vsub.f32 $0.0e+00, v9;
	(erf) = vpow2.f32 v47  }
0x1b9: {  	v4 =	vmul.f32 $1.442695020e+00, v4;
	(erf) = vpow2.f32 v5  }
0x1ba: {  	v6 =	vmul.f32 $1.442695020e+00, v6;
	v5 =	vmul.f32 $1.442695020e+00, v7  }
0x1bb: {  	(erf) = vpow2.f32 v4  }
0x1bc: {  	(erf) = vpow2.f32 v6  }
0x1bd: {  	(erf) = vpow2.f32 v5;
	v4 =	vpop (erf)  }
0x1be: {  	v4 =	vadd.f32 $1.000000000e+00, v4;
	v5 =	vpop (erf)  }
0x1bf: {  	v6 =	vpop (erf)  }
0x1c0: {  	v5 =	vadd.f32 $1.000000000e+00, v5;
	(erf) = vrcp.f32 v4;
	v4 =	vadd.f32 $1.000000000e+00, v6  }
0x1c1: {  	v6 =	vpop (erf)  }
0x1c2: {  	(erf) = vrcp.f32 v5;
	v5 =	vadd.f32 $1.000000000e+00, v6;
	v6 =	vpop (erf)  }
0x1c3: {  	v6 =	vadd.f32 $1.000000000e+00, v6;
	(erf) = vrcp.f32 v4  }
0x1c4: {  	(erf) = vrcp.f32 v5;
	v4 =	vpop (erf)  }
0x1c5: {  	(erf) = vrcp.f32 v6;
	v4 =	vadd.f32 $1.000000000e+00, v4;
	v7 =	vpop (erf)  }
0x1c6: {  	v6 =	vld [tilespmem:s4+$0x30];
	v7 =	vadd.f32 $1.000000000e+00, v7;
	v8 =	vpop (erf)  }
0x1c7: {  	v8 =	vadd.f32 $1.000000000e+00, v8;
	(erf) = vrcp.f32 v4;
	v4 =	vld [tilespmem:s4+$0x20]  }
0x1c8: {  	(erf) = vrcp.f32 v7;
	v7 =	vld [tilespmem:s4+$0x10]  }
0x1c9: {  	(erf) = vrcp.f32 v8;
	v8 =	vld [tilespmem:s4+$0x60]  }
0x1ca: {  	v49 =	vld [tilespmem:s4+$0x50];
	v48 =	vpop (erf)  }
0x1cb: {  	v50 =	vld [tilespmem:s4+$0x40];
	v6 =	vmul.f32 v48, v6;
	v51 =	vpop (erf)  }
0x1cc: {  	v52 =	vld [tilespmem:s4+$0x0];
	v53 =	vpop (erf);
	v4 =	vmul.f32 v51, v4  }
0x1cd: {  	v5 =	vld [tilespmem:s4+$0x70];
	[tilespmem:s3+$0xFFFFFFB0] =	vst v6;
	v6 =	vmul.f32 v53, v7;
	v7 =	vpop (erf)  }
0x1ce: {  	[tilespmem:s3+$0xFFFFFFA0] =	vst v4;
	v4 =	vmul.f32 v7, v8;
	v7 =	vpop (erf)  }
0x1cf: {  	v7 =	vmul.f32 v7, v49;
	_ =	sdelay $0x1  }
0x1d0: {  	[tilespmem:s3+$0xFFFFFF90] =	vst v6;
	v6 =	vpop (erf)  }
0x1d1: {  	v56 =	vld [tilespmem:s3+$0x60];
	[tilespmem:s3+$0xFFFFFFE0] =	vst v4;
	v5 =	vmul.f32 v6, v5;
	v4 =	vpop (erf)  }
0x1d2: {  	v57 =	vld [tilespmem:s3+$0x40];
	[tilespmem:s3+$0xFFFFFFD0] =	vst v7;
	v4 =	vmul.f32 v4, v52;
	v7 =	vpop (erf)  }
0x1d3: {  	v58 =	vld [tilespmem:s3+$0x50];
	s4 =	simm.s32 $0x80;
	v7 =	vmul.f32 v7, v50;
	[tilespmem:s3+$0xFFFFFFF0] =	vst v5  }
0x1d4: {  	s26 =	sand.u32 $0x380, s4;
	v5 =	vld [tilespmem:s3+$0x0];
	[tilespmem:s3+$0xFFFFFF80] =	vst v4  }
0x1d5: {  	s10 =	sadd.s32 s26, s17;
	v4 =	vld [tilespmem:s3+$0x10];
	[tilespmem:s3+$0xFFFFFFC0] =	vst v7  }
0x1d6: {  	v7 =	vld [tilespmem:s10+$0x400]  }
0x1d7: {  	v54 =	vld [tilespmem:s10+$0x410]  }
0x1d8: {  	v8 =	vld [tilespmem:s3+$0x30]  }
0x1d9: {  	v55 =	vld [tilespmem:s10+$0x430]  }
0x1da: {  	v6 =	vld [tilespmem:s3+$0x70]  }
0x1db: {  	v59 =	vld [tilespmem:s10+$0x440];
	v5 =	vadd.f32 v5, v7  }
0x1dc: {  	v60 =	vld [tilespmem:s10+$0x420];
	v4 =	vadd.f32 v4, v54  }
0x1dd: {  	v7 =	vld [tilespmem:s3+$0x20];
	v5 =	vsub.f32 $0.0e+00, v5  }
0x1de: {  	v61 =	vld [tilespmem:s10+$0x460];
	v8 =	vadd.f32 v8, v55;
	v4 =	vsub.f32 $0.0e+00, v4  }
0x1df: {  	v62 =	vld [tilespmem:s10+$0x470];
	v5 =	vmul.f32 $1.442695020e+00, v5  }
0x1e0: {  	v63 =	vld [tilespmem:s10+$0x450];
	v8 =	vsub.f32 $0.0e+00, v8;
	v4 =	vmul.f32 $1.442695020e+00, v4  }
0x1e1: {  	(erf) = vpow2.f32 v5;
	v5 =	vadd.f32 v57, v59  }
0x1e2: {  	v8 =	vmul.f32 $1.442695020e+00, v8;
	(erf) = vpow2.f32 v4;
	v4 =	vadd.f32 v7, v60  }
0x1e3: {  	v7 =	vadd.f32 v56, v61;
	v5 =	vsub.f32 $0.0e+00, v5  }
0x1e4: {  	v6 =	vadd.f32 v6, v62;
	(erf) = vpow2.f32 v8;
	v4 =	vsub.f32 $0.0e+00, v4  }
0x1e5: {  	v8 =	vadd.f32 v58, v63;
	v7 =	vsub.f32 $0.0e+00, v7;
	v5 =	vmul.f32 $1.442695020e+00, v5  }
0x1e6: {  	v6 =	vsub.f32 $0.0e+00, v6;
	v4 =	vmul.f32 $1.442695020e+00, v4  }
0x1e7: {  	v8 =	vsub.f32 $0.0e+00, v8;
	v7 =	vmul.f32 $1.442695020e+00, v7;
	(erf) = vpow2.f32 v5  }
0x1e8: {  	v5 =	vmul.f32 $1.442695020e+00, v6;
	(erf) = vpow2.f32 v4  }
0x1e9: {  	v4 =	vmul.f32 $1.442695020e+00, v8;
	(erf) = vpow2.f32 v7  }
0x1ea: {  	v6 =	vpop (erf);
	(erf) = vpow2.f32 v5  }
0x1eb: {  	(erf) = vpow2.f32 v4;
	_ =	sdelay $0x2  }
0x1ec: {  	v7 =	vpop (erf);
	v5 =	vadd.f32 $1.000000000e+00, v6  }
0x1ed: {  	s5 =	simm.s32 $0x0;
	s6 =	simm.s32 $0x5480;
	s14 =	simm.s32 $0x0;
	v4 =	vadd.f32 $1.000000000e+00, v7;
	v6 =	vpop (erf)  }
.LBB2_7:
0x1ee: {  	s5 =	sadd.s32 $0x2, s5;
	v7 =	vadd.f32 $1.000000000e+00, v6;
	s4 =	sadd.s32 $0x100, s4;
	s14 =	sadd.s32 $0x200, s14;
	(erf) = vrcp.f32 v5;
	v5 =	vpop (erf)  }
0x1ef: {  	p0 =	slt.u32 s5, $0x26;
	v8 =	vadd.f32 $1.000000000e+00, v5;
	(erf) = vrcp.f32 v4;
	v4 =	vpop (erf)  }
0x1f0: {  	v9 =	vadd.f32 $1.000000000e+00, v4;
	(erf) = vrcp.f32 v7;
	v6 =	vpop (erf)  }
0x1f1: {  	v6 =	vadd.f32 $1.000000000e+00, v6;
	(erf) = vrcp.f32 v8;
	v5 =	vpop (erf)  }
0x1f2: {  	v7 =	vld [tilespmem:s10+$0x70];
	v5 =	vadd.f32 $1.000000000e+00, v5;
	(erf) = vrcp.f32 v9;
	v4 =	vpop (erf)  }
0x1f3: {  	v8 =	vld [tilespmem:s10+$0x0];
	v4 =	vadd.f32 $1.000000000e+00, v4;
	(erf) = vrcp.f32 v6  }
0x1f4: {  	v6 =	vld [tilespmem:s10+$0x10];
	(erf) = vrcp.f32 v5  }
0x1f5: {  	v5 =	vld [tilespmem:s10+$0x30];
	(erf) = vrcp.f32 v4  }
0x1f6: {  	v4 =	vld [tilespmem:s10+$0x40]  }
0x1f7: {  	v9 =	vld [tilespmem:s10+$0x20];
	v10 =	vpop (erf)  }
0x1f8: {  	v14 =	vmul.f32 v10, v8;
	v10 =	vld [tilespmem:s10+$0x60];
	v11 =	vpop (erf)  }
0x1f9: {  	v15 =	vmul.f32 v11, v6;
	v11 =	vld [tilespmem:s10+$0x50];
	v12 =	vpop (erf)  }
0x1fa: {  	v13 =	vld [tilespmem:s6+$0xFFFFFFF0];
	v16 =	vmul.f32 v12, v5;
	[tilespmem:s3+$0x0] =	vst v14;
	v8 =	vpop (erf)  }
0x1fb: {  	v12 =	vld [tilespmem:s6+$0xFFFFFFD0];
	v14 =	vmul.f32 v8, v4;
	[tilespmem:s3+$0x10] =	vst v15;
	v6 =	vpop (erf)  }
0x1fc: {  	v8 =	vld [tilespmem:s6+$0xFFFFFF80];
	v15 =	vmul.f32 v6, v9;
	[tilespmem:s3+$0x30] =	vst v16;
	v5 =	vpop (erf)  }
0x1fd: {  	v9 =	vld [tilespmem:s6+$0xFFFFFF90];
	v5 =	vmul.f32 v5, v10;
	[tilespmem:s3+$0x40] =	vst v14;
	v4 =	vpop (erf)  }
0x1fe: {  	s13 =	sadd.s32 $0xFFFFFF80, s4;
	s10 =	sand.u32 $0x3800, s14;
	v10 =	vld [tilespmem:s6+$0xFFFFFFA0];
	v4 =	vmul.f32 v4, v7;
	[tilespmem:s3+$0x20] =	vst v15;
	v6 =	vpop (erf)  }
0x1ff: {  	s13 =	sand.u32 $0x300, s13;
	s10 =	sor.u32 $0x300, s10;
	v7 =	vld [tilespmem:s6+$0xFFFFFFC0];
	v6 =	vmul.f32 v6, v11;
	[tilespmem:s3+$0x60] =	vst v5  }
0x200: {  	s13 =	sadd.s32 s13, s10;
	v5 =	vld [tilespmem:s6+$0xFFFFFFB0];
	[tilespmem:s3+$0x70] =	vst v4  }
0x201: {  	v4 =	vld [tilespmem:s6+$0xFFFFFFE0];
	[tilespmem:s3+$0x50] =	vst v6;
	s3 =	smov.u32 s6  }
0x202: {  	v6 =	vld [tilespmem:s13+$0x430]  }
0x203: {  	v11 =	vld [tilespmem:s13+$0x460]  }
0x204: {  	v14 =	vld [tilespmem:s13+$0x440]  }
0x205: {  	v15 =	vld [tilespmem:s13+$0x420]  }
0x206: {  	v16 =	vld [tilespmem:s13+$0x410]  }
0x207: {  	v17 =	vld [tilespmem:s13+$0x400]  }
0x208: {  	v18 =	vld [tilespmem:s13+$0x450];
	v4 =	vadd.f32 v4, v11  }
0x209: {  	v5 =	vadd.f32 v5, v6;
	v6 =	vadd.f32 v7, v14;
	v7 =	vld [tilespmem:s13+$0x470]  }
0x20a: {  	v10 =	vadd.f32 v10, v15;
	v4 =	vsub.f32 $0.0e+00, v4  }
0x20b: {  	v5 =	vsub.f32 $0.0e+00, v5;
	v9 =	vadd.f32 v9, v16  }
0x20c: {  	v6 =	vsub.f32 $0.0e+00, v6;
	v10 =	vsub.f32 $0.0e+00, v10;
	v4 =	vmul.f32 $1.442695020e+00, v4  }
0x20d: {  	v5 =	vmul.f32 $1.442695020e+00, v5;
	v8 =	vadd.f32 v8, v17;
	v11 =	vadd.f32 v12, v18  }
0x20e: {  	v9 =	vsub.f32 $0.0e+00, v9;
	v10 =	vmul.f32 $1.442695020e+00, v10;
	v7 =	vadd.f32 v13, v7  }
0x20f: {  	v8 =	vsub.f32 $0.0e+00, v8;
	v11 =	vsub.f32 $0.0e+00, v11;
	(erf) = vpow2.f32 v5  }
0x210: {  	v5 =	vmul.f32 $1.442695020e+00, v9;
	v7 =	vsub.f32 $0.0e+00, v7;
	(erf) = vpow2.f32 v10  }
0x211: {  	v8 =	vmul.f32 $1.442695020e+00, v8;
	v9 =	vmul.f32 $1.442695020e+00, v11  }
0x212: {  	v7 =	vmul.f32 $1.442695020e+00, v7;
	(erf) = vpow2.f32 v5  }
0x213: {  	v5 =	vmul.f32 $1.442695020e+00, v6;
	(erf) = vpow2.f32 v4  }
0x214: {  	(erf) = vpow2.f32 v9  }
0x215: {  	(erf) = vpow2.f32 v7  }
0x216: {  	(erf) = vpow2.f32 v8  }
0x217: {  	(erf) = vpow2.f32 v5  }
0x218: {  	v4 =	vpop (erf)  }
0x219: {  	v4 =	vadd.f32 $1.000000000e+00, v4;
	v5 =	vpop (erf)  }
0x21a: {  	v7 =	vadd.f32 $1.000000000e+00, v5  }
0x21b: {  	v6 =	vpop (erf);
	(erf) = vrcp.f32 v4  }
0x21c: {  	v9 =	vadd.f32 $1.000000000e+00, v6;
	(erf) = vrcp.f32 v7;
	v5 =	vpop (erf)  }
0x21d: {  	v5 =	vadd.f32 $1.000000000e+00, v5;
	v6 =	vpop (erf)  }
0x21e: {  	v6 =	vadd.f32 $1.000000000e+00, v6;
	(erf) = vrcp.f32 v9;
	v4 =	vpop (erf)  }
0x21f: {  	v7 =	vld [tilespmem:s13+$0x70];
	v4 =	vadd.f32 $1.000000000e+00, v4;
	v8 =	vpop (erf);
	(erf) = vrcp.f32 v5  }
0x220: {  	v5 =	vadd.f32 $1.000000000e+00, v8;
	v8 =	vld [tilespmem:s13+$0x30];
	v9 =	vpop (erf);
	(erf) = vrcp.f32 v6  }
0x221: {  	v6 =	vld [tilespmem:s13+$0x20];
	v9 =	vadd.f32 $1.000000000e+00, v9;
	(erf) = vrcp.f32 v4  }
0x222: {  	v4 =	vld [tilespmem:s13+$0x40];
	(erf) = vrcp.f32 v5  }
0x223: {  	v5 =	vld [tilespmem:s13+$0x10];
	(erf) = vrcp.f32 v9  }
0x224: {  	v9 =	vld [tilespmem:s13+$0x60];
	v10 =	vpop (erf)  }
0x225: {  	v13 =	vmul.f32 v10, v8;
	v10 =	vld [tilespmem:s13+$0x50];
	v11 =	vpop (erf)  }
0x226: {  	v12 =	vld [tilespmem:s13+$0x0];
	v6 =	vmul.f32 v11, v6  }
0x227: {  	[tilespmem:s6+$0xFFFFFFB0] =	vst v13;
	v8 =	vpop (erf)  }
0x228: {  	v5 =	vmul.f32 v8, v5;
	[tilespmem:s6+$0xFFFFFFA0] =	vst v6;
	v6 =	vld [tilespmem:s6+$0x70];
	v8 =	vpop (erf)  }
0x229: {  	v8 =	vmul.f32 v8, v9;
	v9 =	vld [tilespmem:s6+$0x60];
	v11 =	vpop (erf)  }
0x22a: {  	v10 =	vmul.f32 v11, v10;
	[tilespmem:s6+$0xFFFFFF90] =	vst v5;
	v5 =	vld [tilespmem:s6+$0x40];
	v11 =	vpop (erf)  }
0x22b: {  	v7 =	vmul.f32 v11, v7;
	[tilespmem:s6+$0xFFFFFFE0] =	vst v8;
	v8 =	vld [tilespmem:s6+$0x30];
	v11 =	vpop (erf)  }
0x22c: {  	v11 =	vmul.f32 v11, v12;
	[tilespmem:s6+$0xFFFFFFD0] =	vst v10;
	v10 =	vld [tilespmem:s6+$0x50];
	v12 =	vpop (erf)  }
0x22d: {  	v4 =	vmul.f32 v12, v4;
	[tilespmem:s6+$0xFFFFFFF0] =	vst v7;
	v7 =	vld [tilespmem:s6+$0x20]  }
0x22e: {  	s13 =	sand.u32 $0x380, s4;
	[tilespmem:s6+$0xFFFFFF80] =	vst v11;
	v11 =	vld [tilespmem:s6+$0x10]  }
0x22f: {  	s10 =	sadd.s32 s13, s10;
	[tilespmem:s6+$0xFFFFFFC0] =	vst v4;
	v4 =	vld [tilespmem:s6+$0x0]  }
0x230: {  	v12 =	vld [tilespmem:s10+$0x400]  }
0x231: {  	v13 =	vld [tilespmem:s10+$0x410]  }
0x232: {  	v14 =	vld [tilespmem:s10+$0x420]  }
0x233: {  	v15 =	vld [tilespmem:s10+$0x430]  }
0x234: {  	v16 =	vld [tilespmem:s10+$0x440]  }
0x235: {  	v4 =	vadd.f32 v4, v12;
	v12 =	vld [tilespmem:s10+$0x450]  }
0x236: {  	v11 =	vadd.f32 v11, v13;
	v13 =	vld [tilespmem:s10+$0x460]  }
0x237: {  	v4 =	vsub.f32 $0.0e+00, v4;
	v7 =	vadd.f32 v7, v14;
	v14 =	vld [tilespmem:s10+$0x470]  }
0x238: {  	v11 =	vsub.f32 $0.0e+00, v11;
	v8 =	vadd.f32 v8, v15  }
0x239: {  	v4 =	vmul.f32 $1.442695020e+00, v4;
	v7 =	vsub.f32 $0.0e+00, v7;
	v5 =	vadd.f32 v5, v16  }
0x23a: {  	v11 =	vmul.f32 $1.442695020e+00, v11;
	v8 =	vsub.f32 $0.0e+00, v8;
	v10 =	vadd.f32 v10, v12  }
0x23b: {  	v7 =	vmul.f32 $1.442695020e+00, v7;
	v5 =	vsub.f32 $0.0e+00, v5;
	v9 =	vadd.f32 v9, v13  }
0x23c: {  	v8 =	vmul.f32 $1.442695020e+00, v8;
	v6 =	vadd.f32 v6, v14;
	(erf) = vpow2.f32 v4  }
0x23d: {  	v4 =	vmul.f32 $1.442695020e+00, v5;
	v5 =	vsub.f32 $0.0e+00, v9;
	(erf) = vpow2.f32 v11  }
0x23e: {  	v9 =	vsub.f32 $0.0e+00, v10;
	v6 =	vsub.f32 $0.0e+00, v6;
	(erf) = vpow2.f32 v8  }
0x23f: {  	v5 =	vmul.f32 $1.442695020e+00, v5;
	(erf) = vpow2.f32 v4  }
0x240: {  	v4 =	vmul.f32 $1.442695020e+00, v6;
	(erf) = vpow2.f32 v7  }
0x241: {  	v6 =	vmul.f32 $1.442695020e+00, v9;
	(erf) = vpow2.f32 v5  }
0x242: {  	(erf) = vpow2.f32 v4  }
.Ltmp4:
0x243: {  	(erf) = vpow2.f32 v6;
	(pc) =	sbr.rel @p0 .LBB2_7-.Ltmp4, $4  }
0x244: {  	_ = 	snop  }
0x245: {  	v4 =	vpop (erf)  }
0x246: {  	v5 =	vadd.f32 $1.000000000e+00, v4;
	v4 =	vpop (erf)  }
0x247: {  	s6 =	sadd.s32 $0x100, s6;
	v4 =	vadd.f32 $1.000000000e+00, v4;
	v6 =	vpop (erf)  }
0x248: {  	(erf) = vrcp.f32 v5;
	v5 =	vpop (erf)  }
0x249: {  	v6 =	vadd.f32 $1.000000000e+00, v6;
	v5 =	vadd.f32 $1.000000000e+00, v5;
	(erf) = vrcp.f32 v4;
	v4 =	vpop (erf)  }
0x24a: {  	v4 =	vadd.f32 $1.000000000e+00, v4  }
0x24b: {  	(erf) = vrcp.f32 v6  }
0x24c: {  	v57 =	vpop (erf);
	(erf) = vrcp.f32 v5  }
0x24d: {  	v6 =	vadd.f32 $1.000000000e+00, v57;
	v5 =	vpop (erf)  }
0x24e: {  	v8 =	vld [tilespmem:s10+$0x0];
	(erf) = vrcp.f32 v4;
	v5 =	vadd.f32 $1.000000000e+00, v5;
	v4 =	vpop (erf)  }
0x24f: {  	v58 =	vld [tilespmem:s10+$0x10];
	(erf) = vrcp.f32 v6;
	v4 =	vadd.f32 $1.000000000e+00, v4  }
0x250: {  	(erf) = vrcp.f32 v5;
	v5 =	vld [tilespmem:s10+$0x30]  }
0x251: {  	(erf) = vrcp.f32 v4;
	v4 =	vld [tilespmem:s10+$0x40]  }
0x252: {  	v10 =	vpop (erf)  }
0x253: {  	v11 =	vpop (erf)  }
0x254: {  	v9 =	vld [tilespmem:s10+$0x20];
	v12 =	vpop (erf)  }
0x255: {  	v59 =	vld [tilespmem:s10+$0x60];
	v8 =	vmul.f32 v10, v8;
	v61 =	vpop (erf);
	v5 =	vmul.f32 v12, v5  }
0x256: {  	v7 =	vld [tilespmem:s10+$0x70];
	v6 =	vmul.f32 v11, v58;
	v4 =	vmul.f32 v61, v4  }
0x257: {  	v60 =	vld [tilespmem:s10+$0x50];
	[tilespmem:s3+$0x0] =	vst v8  }
0x258: {  	[tilespmem:s3+$0x10] =	vst v6;
	v62 =	vpop (erf)  }
0x259: {  	v6 =	vmul.f32 v62, v9;
	[tilespmem:s3+$0x30] =	vst v5;
	v5 =	vpop (erf)  }
0x25a: {  	p0 =	seq.s32 s2, $0x7C;
	[tilespmem:s3+$0x40] =	vst v4;
	v5 =	vmul.f32 v5, v59;
	v4 =	vpop (erf)  }
.Ltmp5:
0x25b: {  	[tilespmem:s3+$0x20] =	vst v6;
	v4 =	vmul.f32 v4, v7;
	v63 =	vpop (erf);
	(pc) =	sbr.rel @!p0 .LBB2_9-.Ltmp5, $4  }
0x25c: {  	v6 =	vmul.f32 v63, v60;
	[tilespmem:s3+$0x60] =	vst v5  }
0x25d: {  	[tilespmem:s3+$0x70] =	vst v4  }
0x25e: {  	s26 =	simm.s32 $0x200;
	[tilespmem:s3+$0x50] =	vst v6  }
0x25f: {  	[spmem:s19] =	stream.indirect.scatter.add.f32 [tilespmem:s18], [sflag:$0x9], $0x80, s26, s31, $0xb8;
	[tilespmem:$0x1E300] =	vst v63  }
.Ltmp6:
0x260: {  	(pc) =	sbr.rel .LBB2_11-.Ltmp6, $4  }
0x261: {  	_ = 	snop  }
0x262: {  	_ =	swait.ge [sflag:s28], $0x1400  }
0x263: {  	[sflag:s28] =	ssyncset.done $0x0  }
0x264: {  	[sflag:s28] =	ssyncadd.s32 $0xFFFFEC00  }
.LBB2_9:
0x265: {  	s4 =	sld [smem:$0x7F8];
	_ =	sdelay $0x1  }
0x266: {  	s3 =	sshll.u32 s2, $0x5  }
0x267: {  	s3 =	sadd.s32 s3, s4  }
0x268: {  	s3 =	smul.u32 $0x5, s3;
	_ =	sdelay $0x1  }
0x269: {  	s26 =	sadd.s32 s23, s3  }
0x26a: {  	[tilespmem:s1], [sflag:$0x1] =	stream.linear.gather [hbm4b:s26+s1], $0x28, $0x38;
	[tilespmem:$0x1E300] =	vst v63  }
0x26b: {  	s5 =	simm.s32 $0x100;
	s6 =	simm.s32 $0x1;
	s3 =	sadd.s32 s24, s3  }
0x26c: {  	[tilespmem:s5], [sflag:$0x3] =	stream.linear.gather [hbm4b:s3+s1], $0x28, $0x38;
	[tilespmem:$0x1E300] =	vst v63  }
0x26d: {  	_ =	swait.ge [sflag:s6], $0x28  }
0x26e: {  	[sflag:s6] =	ssyncset.done $0x0  }
0x26f: {  	s10 =	simm.s32 $0x3;
	[sflag:s6] =	ssyncadd.s32 $0xFFFFFFD8  }
0x270: {  	_ =	swait.ge [sflag:s10], $0x28  }
0x271: {  	[sflag:s10] =	ssyncset.done $0x0  }
0x272: {  	[sflag:s10] =	ssyncadd.s32 $0xFFFFFFD8  }
0x273: {  	_ =	swait.ge [sflag:s28], $0x1400  }
0x274: {  	[sflag:s28] =	ssyncset.done $0x0  }
0x275: {  	[sflag:s28] =	ssyncadd.s32 $0xFFFFEC00  }
0x276: {  	v4 =	vld [tilespmem:$0x0];
	_ =	sdelay $0x4  }
0x277: {  	v5 =	vshll.u32 v4, $0x1  }
0x278: {  	v4 =	vand.u32 $0x7, v4;
	v5 =	vand.u32 $0xFFFFFFF0, v5  }
0x279: {  	v4 =	vor.u32 v4, v5  }
0x27a: {  	v5 =	vperm.xlane v4, v1;
	_ =	sdelay $0x1  }
0x27b: {  	v4 =	vperm.xlane v4, v3;
	v5 =	vadd.s32 v2, v5;
	_ =	sdelay $0x1  }
0x27c: {  	v4 =	vadd.s32 v2, v4;
	_ =	sdelay $0x1  }
0x27d: {  	s13 =	simm.s32 $0x300  }
0x27e: {  	[tilespmem:s13], [sflag:$0x5] =	stream.indirect_vreg.gather [hbm4b:s21+s1], $0x80, v5, vm0, $0xb8;
	[tilespmem:$0x1E300] =	vst v63  }
0x27f: {  	s14 =	simm.s32 $0xB00  }
0x280: {  	[tilespmem:s14], [sflag:$0x5] =	stream.indirect_vreg.gather [hbm4b:s21+s1], $0x80, v4, vm0, $0xb8;
	[tilespmem:$0x1E300] =	vst v63  }
0x281: {  	v4 =	vld [tilespmem:$0x10];
	_ =	sdelay $0x4  }
0x282: {  	v5 =	vshll.u32 v4, $0x1  }
0x283: {  	v4 =	vand.u32 $0x7, v4;
	v5 =	vand.u32 $0xFFFFFFF0, v5  }
0x284: {  	v4 =	vor.u32 v4, v5  }
0x285: {  	v5 =	vperm.xlane v4, v1;
	_ =	sdelay $0x1  }
0x286: {  	v4 =	vperm.xlane v4, v3;
	v5 =	vadd.s32 v2, v5;
	_ =	sdelay $0x1  }
0x287: {  	v4 =	vadd.s32 v2, v4;
	_ =	sdelay $0x1  }
0x288: {  	s15 =	simm.s32 $0x1300  }
0x289: {  	[tilespmem:s15], [sflag:$0x5] =	stream.indirect_vreg.gather [hbm4b:s21+s1], $0x80, v5, vm0, $0xb8;
	[tilespmem:$0x1E300] =	vst v63  }
0x28a: {  	s17 =	simm.s32 $0x1B00  }
0x28b: {  	[tilespmem:s17], [sflag:$0x5] =	stream.indirect_vreg.gather [hbm4b:s21+s1], $0x80, v4, vm0, $0xb8;
	[tilespmem:$0x1E300] =	vst v63  }
0x28c: {  	v4 =	vld.msk [tilespmem:$0x20], $0xff;
	_ =	sdelay $0x4  }
0x28d: {  	v5 =	vshll.u32 v4, $0x1  }
0x28e: {  	v4 =	vand.u32 $0x7, v4;
	v5 =	vand.u32 $0xFFFFFFF0, v5  }
0x28f: {  	v4 =	vor.u32 v4, v5  }
0x290: {  	v4 =	vperm.xlane v4, v1;
	_ =	sdelay $0x1  }
0x291: {  	v4 =	vadd.s32 v2, v4;
	_ =	sdelay $0x3  }
0x292: {  	s26 =	simm.s32 $0x2300  }
0x293: {  	[tilespmem:s26], [sflag:$0x5] =	stream.indirect_vreg.gather [hbm4b:s21+s1], $0x80, v4, vm0, $0xb8;
	[tilespmem:$0x1E300] =	vst v63  }
0x294: {  	_ = 	snop  }
0x295: {  	[tilespmem:s18], [sflag:$0x7] =	stream.indirect.gather [hbm4b:s22+s31], $0x80, s5, s31, $0xb8;
	[tilespmem:$0x1E300] =	vst v63  }
.LBB2_11:
0x296: {  	v4 =	vld [tilespmem:$0x180];
	_ =	sdelay $0x4  }
0x297: {  	(xrf1) =	vunique.msk.u32 $0xffff, v4;
	_ =	sdelay $0xd  }
0x298: {  	_, v5, vm2 =	vpop (xrf1);
	_ =	sdelay $0x5  }
0x299: {  	v6 =	vld.idx.msk [tilespmem:v4+s8+$0x0], vm2;
	_ =	sdelay $0x2  }
0x29a: {  	v5 =	vcvt.s32.f32 v5;
	_ =	sdelay $0x1  }
0x29b: {  	v5 =	vadd.f32 v5, v6;
	_ =	sdelay $0x1  }
0x29c: {  	[tilespmem:v4+s8+$0x0] =	vst.idx.msk vm2, v5  }
0x29d: {  	v4 =	vld [tilespmem:$0x190];
	_ =	sdelay $0x4  }
0x29e: {  	(xrf1) =	vunique.msk.u32 $0xffff, v4;
	_ =	sdelay $0xd  }
0x29f: {  	_, v5, vm2 =	vpop (xrf1);
	_ =	sdelay $0x5  }
0x2a0: {  	v6 =	vld.idx.msk [tilespmem:v4+s8+$0x0], vm2;
	_ =	sdelay $0x2  }
0x2a1: {  	v5 =	vcvt.s32.f32 v5;
	_ =	sdelay $0x1  }
0x2a2: {  	v5 =	vadd.f32 v5, v6;
	_ =	sdelay $0x1  }
0x2a3: {  	[tilespmem:v4+s8+$0x0] =	vst.idx.msk vm2, v5  }
0x2a4: {  	v4 =	vld [tilespmem:$0x198];
	_ =	sdelay $0x4  }
0x2a5: {  	(xrf1) =	vunique.msk.u32 vm1, v4;
	_ =	sdelay $0xd  }
0x2a6: {  	_, v5, vm2 =	vpop (xrf1);
	_ =	sdelay $0x5  }
0x2a7: {  	v6 =	vld.idx.msk [tilespmem:v4+s8+$0x0], vm2;
	_ =	sdelay $0x2  }
0x2a8: {  	v5 =	vcvt.s32.f32 v5;
	_ =	sdelay $0x1  }
0x2a9: {  	v5 =	vadd.f32 v5, v6;
	_ =	sdelay $0x1  }
0x2aa: {  	[tilespmem:v4+s8+$0x0] =	vst.idx.msk vm2, v5  }
0x2ab: {  	_ =	swait.ge [sflag:s29], $0x2800  }
0x2ac: {  	[sflag:s29] =	ssyncset.done $0x0  }
0x2ad: {  	[sflag:s29] =	ssyncadd.s32 $0xFFFFD800  }
0x2ae: {  	_ =	swait.ge [sflag:s30], $0x1400  }
0x2af: {  	[sflag:s30] =	ssyncset.done $0x0  }
0x2b0: {  	[sflag:s30] =	ssyncadd.s32 $0xFFFFEC00  }
0x2b1: {  	v4 =	vld [tilespmem:$0x180]  }
0x2b2: {  	v5 =	vld [tilespmem:$0x190]  }
0x2b3: {  	v6 =	vld [tilespmem:$0x198];
	_ =	sdelay $0x2  }
0x2b4: {  	[tilespmem:$0x280] =	vst v4  }
0x2b5: {  	[tilespmem:$0x290] =	vst v5  }
0x2b6: {  	s3 =	simm.s32 $0x67F0;
	[tilespmem:$0x298] =	vst v6  }
0x2b7: {  	v4 =	vld [tilespmem:s3+$0xFFFFFF20]  }
0x2b8: {  	s4 =	simm.s32 $0x0;
	v5 =	vld [tilespmem:s3+$0xFFFFFF60]  }
0x2b9: {  	s6 =	simm.s32 $0x0;
	s5 =	sand.u32 $0x3800, s4;
	v6 =	vld [tilespmem:s3+$0xFFFFFF30]  }
0x2ba: {  	s6 =	sand.u32 $0x300, s6;
	s10 =	sadd.s32 $0x2F00, s5;
	v7 =	vld [tilespmem:s3+$0xFFFFFF40]  }
0x2bb: {  	s13 =	sadd.s32 s6, s10;
	v8 =	vld [tilespmem:s3+$0xFFFFFF70]  }
0x2bc: {  	v9 =	vld [tilespmem:s13+$0x30]  }
0x2bd: {  	v10 =	vld [tilespmem:s13+$0x20]  }
0x2be: {  	v11 =	vld [tilespmem:s13+$0x60]  }
0x2bf: {  	v12 =	vld [tilespmem:s13+$0x50]  }
0x2c0: {  	v13 =	vld [tilespmem:s3+$0xFFFFFF50]  }
0x2c1: {  	v14 =	vld [tilespmem:s13+$0x10]  }
0x2c2: {  	v15 =	vld [tilespmem:s3+$0xFFFFFF80]  }
0x2c3: {  	v16 =	vld [tilespmem:s13+$0x40];
	v8 =	vadd.f32 v8, v11  }
0x2c4: {  	v6 =	vadd.f32 v6, v10;
	v7 =	vadd.f32 v7, v9;
	v9 =	vld [tilespmem:s3+$0xFFFFFF10]  }
0x2c5: {  	v11 =	vld [tilespmem:s13+$0x0];
	v8 =	vsub.f32 $0.0e+00, v8  }
0x2c6: {  	v10 =	vld [tilespmem:s13+$0x70];
	v4 =	vadd.f32 v4, v14;
	v6 =	vsub.f32 $0.0e+00, v6  }
0x2c7: {  	v7 =	vsub.f32 $0.0e+00, v7;
	v8 =	vmul.f32 $1.442695020e+00, v8  }
0x2c8: {  	v5 =	vadd.f32 v5, v12;
	v4 =	vsub.f32 $0.0e+00, v4;
	v6 =	vmul.f32 $1.442695020e+00, v6  }
0x2c9: {  	v12 =	vadd.f32 v13, v16;
	v7 =	vmul.f32 $1.442695020e+00, v7;
	(erf) = vpow2.f32 v8  }
0x2ca: {  	v4 =	vmul.f32 $1.442695020e+00, v4;
	v9 =	vadd.f32 v9, v11;
	(erf) = vpow2.f32 v6  }
0x2cb: {  	v5 =	vsub.f32 $0.0e+00, v5;
	v10 =	vadd.f32 v15, v10;
	(erf) = vpow2.f32 v7  }
0x2cc: {  	v8 =	vsub.f32 $0.0e+00, v12;
	(erf) = vpow2.f32 v4;
	v4 =	vsub.f32 $0.0e+00, v9  }
0x2cd: {  	v5 =	vmul.f32 $1.442695020e+00, v5;
	v6 =	vsub.f32 $0.0e+00, v10  }
0x2ce: {  	v7 =	vmul.f32 $1.442695020e+00, v8;
	v4 =	vmul.f32 $1.442695020e+00, v4  }
0x2cf: {  	v6 =	vmul.f32 $1.442695020e+00, v6;
	(erf) = vpow2.f32 v5  }
0x2d0: {  	(erf) = vpow2.f32 v7  }
0x2d1: {  	(erf) = vpow2.f32 v6  }
0x2d2: {  	(erf) = vpow2.f32 v4;
	v4 =	vpop (erf)  }
0x2d3: {  	v5 =	vpop (erf)  }
0x2d4: {  	v4 =	vadd.f32 $1.000000000e+00, v4;
	v5 =	vadd.f32 $1.000000000e+00, v5;
	_ =	sdelay $0x1  }
0x2d5: {  	v6 =	vpop (erf);
	(erf) = vrcp.f32 v4  }
0x2d6: {  	v6 =	vadd.f32 $1.000000000e+00, v6;
	v7 =	vpop (erf)  }
0x2d7: {  	v4 =	vadd.f32 $1.000000000e+00, v7;
	(erf) = vrcp.f32 v5;
	v5 =	vpop (erf)  }
0x2d8: {  	s5 =	sadd.s32 $0x2B00, s5;
	(erf) = vrcp.f32 v6;
	v5 =	vadd.f32 $1.000000000e+00, v5  }
0x2d9: {  	s6 =	sadd.s32 s6, s5;
	(erf) = vrcp.f32 v4  }
0x2da: {  	(erf) = vrcp.f32 v5;
	v5 =	vld [tilespmem:s6+$0x60]  }
0x2db: {  	v6 =	vpop (erf)  }
0x2dc: {  	v6 =	vadd.f32 $1.000000000e+00, v6;
	v4 =	vpop (erf)  }
0x2dd: {  	v7 =	vld [tilespmem:s6+$0x20];
	v4 =	vadd.f32 $1.000000000e+00, v4;
	v8 =	vpop (erf)  }
0x2de: {  	v11 =	vld [tilespmem:s6+$0x0];
	(erf) = vrcp.f32 v6;
	v6 =	vadd.f32 $1.000000000e+00, v8;
	v10 =	vpop (erf)  }
0x2df: {  	v8 =	vld [tilespmem:s6+$0x10];
	(erf) = vrcp.f32 v4;
	v5 =	vmul.f32 v10, v5  }
0x2e0: {  	v4 =	vld [tilespmem:s6+$0x30];
	(erf) = vrcp.f32 v6  }
0x2e1: {  	v12 =	vld [tilespmem:s6+$0x70];
	v10 =	vpop (erf)  }
0x2e2: {  	v6 =	vld [tilespmem:s6+$0x50];
	v7 =	vmul.f32 v10, v7;
	v10 =	vpop (erf)  }
0x2e3: {  	v9 =	vld [tilespmem:s6+$0x40];
	[tilespmem:s3+$0xFFFFFF70] =	vst v5;
	v5 =	vpop (erf)  }
0x2e4: {  	v8 =	vmul.f32 v5, v8  }
0x2e5: {  	v10 =	vmul.f32 v10, v4;
	v4 =	vld [tilespmem:s3+$0xFFFFFFF0]  }
0x2e6: {  	[tilespmem:s3+$0xFFFFFF30] =	vst v7;
	v7 =	vpop (erf);
	v5 =	vld [tilespmem:s3+$0x0]  }
0x2e7: {  	[tilespmem:s3+$0xFFFFFF40] =	vst v10;
	v13 =	vmul.f32 v7, v6;
	v7 =	vpop (erf);
	v6 =	vld [tilespmem:s3+$0xFFFFFFE0]  }
0x2e8: {  	v9 =	vmul.f32 v7, v9;
	[tilespmem:s3+$0xFFFFFF20] =	vst v8;
	v7 =	vld [tilespmem:s3+$0xFFFFFFB0];
	v8 =	vpop (erf)  }
0x2e9: {  	[tilespmem:s3+$0xFFFFFF60] =	vst v13;
	v10 =	vmul.f32 v8, v12;
	v8 =	vld [tilespmem:s3+$0xFFFFFFA0];
	v12 =	vpop (erf)  }
0x2ea: {  	s6 =	simm.s32 $0x80;
	[tilespmem:s3+$0xFFFFFF50] =	vst v9;
	v9 =	vmul.f32 v12, v11;
	v11 =	vld [tilespmem:s3+$0xFFFFFFC0]  }
0x2eb: {  	s13 =	sand.u32 $0x380, s6;
	[tilespmem:s3+$0xFFFFFF80] =	vst v10;
	v10 =	vld [tilespmem:s3+$0xFFFFFF90]  }
0x2ec: {  	s10 =	sadd.s32 s13, s10;
	[tilespmem:s3+$0xFFFFFF10] =	vst v9;
	v9 =	vld [tilespmem:s3+$0xFFFFFFD0]  }
0x2ed: {  	v14 =	vld [tilespmem:s10+$0x0]  }
0x2ee: {  	v15 =	vld [tilespmem:s10+$0x40]  }
0x2ef: {  	v17 =	vld [tilespmem:s10+$0x30]  }
0x2f0: {  	v13 =	vld [tilespmem:s10+$0x10]  }
0x2f1: {  	v12 =	vld [tilespmem:s10+$0x20]  }
0x2f2: {  	v14 =	vadd.f32 v10, v14;
	v10 =	vld [tilespmem:s10+$0x50]  }
0x2f3: {  	v16 =	vadd.f32 v9, v15;
	v9 =	vld [tilespmem:s10+$0x60]  }
0x2f4: {  	s26 =	simm.s32 $0x0;
	s14 =	simm.s32 $0x68F0;
	v15 =	vadd.f32 v11, v17;
	v11 =	vld [tilespmem:s10+$0x70];
	v14 =	vsub.f32 $0.0e+00, v14  }
.LBB2_12:
0x2f5: {  	v17 =	vld [tilespmem:s14+$0xFFFFFFF0];
	s26 =	sadd.s32 $0x2, s26;
	v8 =	vadd.f32 v8, v13;
	v13 =	vsub.f32 $0.0e+00, v16;
	s6 =	sadd.s32 $0x100, s6;
	s4 =	sadd.s32 $0x200, s4  }
0x2f6: {  	p1 =	slt.u32 s26, $0x26;
	v14 =	vmul.f32 $1.442695020e+00, v14;
	v7 =	vadd.f32 v7, v12;
	v12 =	vsub.f32 $0.0e+00, v15  }
0x2f7: {  	v8 =	vsub.f32 $0.0e+00, v8;
	v13 =	vmul.f32 $1.442695020e+00, v13;
	v6 =	vadd.f32 v6, v10  }
0x2f8: {  	v7 =	vsub.f32 $0.0e+00, v7;
	v10 =	vmul.f32 $1.442695020e+00, v12;
	(erf) = vpow2.f32 v14  }
0x2f9: {  	v6 =	vsub.f32 $0.0e+00, v6;
	v5 =	vadd.f32 v5, v11;
	(erf) = vpow2.f32 v13  }
0x2fa: {  	v9 =	vadd.f32 v4, v9;
	v8 =	vmul.f32 $1.442695020e+00, v8;
	(erf) = vpow2.f32 v10;
	v4 =	vmovc v17  }
0x2fb: {  	v6 =	vmul.f32 $1.442695020e+00, v6;
	v5 =	vsub.f32 $0.0e+00, v5  }
0x2fc: {  	v7 =	vmul.f32 $1.442695020e+00, v7;
	v9 =	vsub.f32 $0.0e+00, v9;
	(erf) = vpow2.f32 v8  }
0x2fd: {  	v5 =	vmul.f32 $1.442695020e+00, v5;
	(erf) = vpow2.f32 v6  }
0x2fe: {  	v8 =	vmul.f32 $1.442695020e+00, v9;
	(erf) = vpow2.f32 v7  }
0x2ff: {  	(erf) = vpow2.f32 v5  }
0x300: {  	s15 =	sadd.s32 s13, s5;
	(erf) = vpow2.f32 v8  }
0x301: {  	v5 =	vld [tilespmem:s15+$0x70];
	v6 =	vpop (erf)  }
0x302: {  	v6 =	vadd.f32 $1.000000000e+00, v6;
	v7 =	vld [tilespmem:s15+$0x60];
	v8 =	vpop (erf)  }
0x303: {  	v9 =	vld [tilespmem:s15+$0x40];
	v8 =	vadd.f32 $1.000000000e+00, v8;
	v10 =	vpop (erf)  }
0x304: {  	v11 =	vld [tilespmem:s15+$0x0];
	(erf) = vrcp.f32 v6  }
0x305: {  	v6 =	vld [tilespmem:s14+$0xFFFFFF20];
	v12 =	vpop (erf);
	(erf) = vrcp.f32 v8  }
0x306: {  	s10 =	sand.u32 $0x3800, s4;
	s5 =	sadd.s32 $0xFFFFFF80, s6;
	v8 =	vld [tilespmem:s14+$0xFFFFFF60];
	v17 =	vadd.f32 $1.000000000e+00, v12;
	v13 =	vpop (erf)  }
0x307: {  	s13 =	sand.u32 $0x300, s5;
	s5 =	sadd.s32 $0x2B00, s10;
	s10 =	sadd.s32 $0x2F00, s10;
	v14 =	vld [tilespmem:s14+$0xFFFFFF30];
	v18 =	vadd.f32 $1.000000000e+00, v13;
	v15 =	vpop (erf)  }
0x308: {  	s17 =	sadd.s32 s13, s10;
	v16 =	vld [tilespmem:s14+$0xFFFFFF10];
	v15 =	vadd.f32 $1.000000000e+00, v15;
	(erf) = vrcp.f32 v17;
	v12 =	vpop (erf)  }
0x309: {  	v10 =	vadd.f32 $1.000000000e+00, v10;
	v17 =	vld [tilespmem:s14+$0xFFFFFF50];
	v12 =	vadd.f32 $1.000000000e+00, v12;
	(erf) = vrcp.f32 v18;
	v13 =	vpop (erf)  }
0x30a: {  	v18 =	vld [tilespmem:s14+$0xFFFFFF40];
	v13 =	vadd.f32 $1.000000000e+00, v13;
	(erf) = vrcp.f32 v15  }
0x30b: {  	v15 =	vld [tilespmem:s14+$0xFFFFFF70];
	(erf) = vrcp.f32 v10  }
0x30c: {  	v10 =	vld [tilespmem:s15+$0x30];
	(erf) = vrcp.f32 v13  }
0x30d: {  	v13 =	vld [tilespmem:s15+$0x10];
	v19 =	vpop (erf);
	(erf) = vrcp.f32 v12  }
0x30e: {  	v11 =	vmul.f32 v19, v11;
	v12 =	vld [tilespmem:s15+$0x50];
	v19 =	vpop (erf)  }
0x30f: {  	v20 =	vld [tilespmem:s15+$0x20];
	v19 =	vmul.f32 v19, v9  }
0x310: {  	[tilespmem:s3+$0xFFFFFF90] =	vst v11  }
0x311: {  	[tilespmem:s3+$0xFFFFFFD0] =	vst v19;
	v9 =	vpop (erf)  }
0x312: {  	v13 =	vmul.f32 v9, v13;
	v11 =	vpop (erf)  }
0x313: {  	v11 =	vmul.f32 v11, v12;
	v12 =	vpop (erf)  }
0x314: {  	v12 =	vmul.f32 v12, v20;
	[tilespmem:s3+$0xFFFFFFA0] =	vst v13;
	v9 =	vpop (erf)  }
0x315: {  	v9 =	vmul.f32 v9, v10;
	[tilespmem:s3+$0xFFFFFFE0] =	vst v11;
	v10 =	vpop (erf)  }
0x316: {  	v7 =	vmul.f32 v10, v7;
	[tilespmem:s3+$0xFFFFFFB0] =	vst v12;
	v10 =	vpop (erf)  }
0x317: {  	v5 =	vmul.f32 v10, v5;
	[tilespmem:s3+$0xFFFFFFC0] =	vst v9  }
0x318: {  	[tilespmem:s3+$0xFFFFFFF0] =	vst v7  }
0x319: {  	v7 =	vld [tilespmem:s14+$0xFFFFFF80];
	[tilespmem:s3+$0x0] =	vst v5;
	s3 =	smov.u32 s14  }
0x31a: {  	v5 =	vld [tilespmem:s17+$0x30]  }
0x31b: {  	v9 =	vld [tilespmem:s17+$0x20]  }
0x31c: {  	v10 =	vld [tilespmem:s17+$0x60]  }
0x31d: {  	v11 =	vld [tilespmem:s17+$0x50]  }
0x31e: {  	v12 =	vld [tilespmem:s17+$0x70]  }
0x31f: {  	v13 =	vld [tilespmem:s17+$0x10];
	_ =	sdelay $0x1  }
0x320: {  	v5 =	vadd.f32 v18, v5;
	v18 =	vld [tilespmem:s17+$0x40];
	v10 =	vadd.f32 v15, v10  }
0x321: {  	v9 =	vadd.f32 v14, v9;
	v8 =	vadd.f32 v8, v11  }
0x322: {  	v11 =	vld [tilespmem:s17+$0x0];
	v10 =	vsub.f32 $0.0e+00, v10;
	v7 =	vadd.f32 v7, v12  }
0x323: {  	v5 =	vsub.f32 $0.0e+00, v5;
	v9 =	vsub.f32 $0.0e+00, v9  }
0x324: {  	v6 =	vadd.f32 v6, v13;
	v8 =	vsub.f32 $0.0e+00, v8;
	v10 =	vmul.f32 $1.442695020e+00, v10  }
0x325: {  	v5 =	vmul.f32 $1.442695020e+00, v5;
	v9 =	vmul.f32 $1.442695020e+00, v9;
	v12 =	vadd.f32 v17, v18  }
0x326: {  	v7 =	vsub.f32 $0.0e+00, v7;
	v6 =	vsub.f32 $0.0e+00, v6;
	v8 =	vmul.f32 $1.442695020e+00, v8  }
0x327: {  	v11 =	vadd.f32 v16, v11;
	v12 =	vsub.f32 $0.0e+00, v12;
	(erf) = vpow2.f32 v10  }
0x328: {  	s13 =	sadd.s32 s13, s5;
	v6 =	vmul.f32 $1.442695020e+00, v6;
	(erf) = vpow2.f32 v9  }
0x329: {  	v9 =	vsub.f32 $0.0e+00, v11;
	v10 =	vld [tilespmem:s13+$0x20];
	v11 =	vmul.f32 $1.442695020e+00, v12;
	(erf) = vpow2.f32 v5  }
0x32a: {  	v5 =	vmul.f32 $1.442695020e+00, v7;
	v12 =	vld [tilespmem:s13+$0x40];
	(erf) = vpow2.f32 v6  }
0x32b: {  	v6 =	vmul.f32 $1.442695020e+00, v9;
	v7 =	vld [tilespmem:s13+$0x60];
	(erf) = vpow2.f32 v8  }
0x32c: {  	v8 =	vld [tilespmem:s13+$0x50];
	(erf) = vpow2.f32 v11  }
0x32d: {  	v9 =	vld [tilespmem:s13+$0x0];
	(erf) = vpow2.f32 v5  }
0x32e: {  	v11 =	vld [tilespmem:s13+$0x70];
	(erf) = vpow2.f32 v6  }
0x32f: {  	v5 =	vld [tilespmem:s13+$0x10]  }
0x330: {  	v6 =	vpop (erf)  }
0x331: {  	v13 =	vld [tilespmem:s13+$0x30];
	v6 =	vadd.f32 $1.000000000e+00, v6;
	v14 =	vpop (erf)  }
0x332: {  	v17 =	vadd.f32 $1.000000000e+00, v14;
	v15 =	vpop (erf)  }
0x333: {  	v18 =	vadd.f32 $1.000000000e+00, v15;
	v16 =	vpop (erf);
	(erf) = vrcp.f32 v6  }
0x334: {  	v19 =	vadd.f32 $1.000000000e+00, v16;
	(erf) = vrcp.f32 v17;
	v14 =	vpop (erf)  }
0x335: {  	v14 =	vadd.f32 $1.000000000e+00, v14;
	(erf) = vrcp.f32 v18;
	v15 =	vpop (erf)  }
0x336: {  	v15 =	vadd.f32 $1.000000000e+00, v15;
	(erf) = vrcp.f32 v19;
	v6 =	vpop (erf)  }
0x337: {  	v6 =	vadd.f32 $1.000000000e+00, v6;
	v16 =	vpop (erf);
	(erf) = vrcp.f32 v14  }
0x338: {  	v14 =	vadd.f32 $1.000000000e+00, v16;
	(erf) = vrcp.f32 v15  }
0x339: {  	(erf) = vrcp.f32 v6  }
0x33a: {  	(erf) = vrcp.f32 v14;
	_ =	sdelay $0x1  }
0x33b: {  	v6 =	vpop (erf)  }
0x33c: {  	v14 =	vmul.f32 v6, v7;
	v7 =	vpop (erf)  }
0x33d: {  	v15 =	vmul.f32 v7, v10;
	v10 =	vpop (erf)  }
0x33e: {  	v10 =	vmul.f32 v10, v13;
	[tilespmem:s14+$0xFFFFFF70] =	vst v14;
	v6 =	vpop (erf)  }
0x33f: {  	v13 =	vmul.f32 v6, v5;
	[tilespmem:s14+$0xFFFFFF30] =	vst v15;
	v5 =	vld [tilespmem:s14+$0x0];
	v6 =	vpop (erf)  }
0x340: {  	v8 =	vmul.f32 v6, v8;
	[tilespmem:s14+$0xFFFFFF40] =	vst v10;
	v6 =	vld [tilespmem:s14+$0xFFFFFFE0];
	v7 =	vpop (erf)  }
0x341: {  	v10 =	vmul.f32 v7, v12;
	[tilespmem:s14+$0xFFFFFF20] =	vst v13;
	v7 =	vld [tilespmem:s14+$0xFFFFFFB0];
	v12 =	vpop (erf)  }
0x342: {  	v11 =	vmul.f32 v12, v11;
	[tilespmem:s14+$0xFFFFFF60] =	vst v8;
	v8 =	vld [tilespmem:s14+$0xFFFFFFA0];
	v12 =	vpop (erf)  }
0x343: {  	v9 =	vmul.f32 v12, v9;
	[tilespmem:s14+$0xFFFFFF50] =	vst v10;
	v15 =	vld [tilespmem:s14+$0xFFFFFFC0]  }
0x344: {  	s13 =	sand.u32 $0x380, s6;
	[tilespmem:s14+$0xFFFFFF80] =	vst v11;
	v10 =	vld [tilespmem:s14+$0xFFFFFF90]  }
0x345: {  	s10 =	sadd.s32 s13, s10;
	[tilespmem:s14+$0xFFFFFF10] =	vst v9;
	v9 =	vld [tilespmem:s14+$0xFFFFFFD0]  }
0x346: {  	v11 =	vld [tilespmem:s10+$0x0]  }
0x347: {  	v14 =	vld [tilespmem:s10+$0x40]  }
0x348: {  	v17 =	vld [tilespmem:s10+$0x30]  }
.Ltmp7:
0x349: {  	v13 =	vld [tilespmem:s10+$0x10];
	(pc) =	sbr.rel @p1 .LBB2_12-.Ltmp7, $4  }
0x34a: {  	v12 =	vld [tilespmem:s10+$0x20]  }
0x34b: {  	v11 =	vadd.f32 v10, v11;
	v10 =	vld [tilespmem:s10+$0x50]  }
0x34c: {  	v16 =	vadd.f32 v9, v14;
	v9 =	vld [tilespmem:s10+$0x60]  }
0x34d: {  	s14 =	sadd.s32 $0x100, s14;
	v14 =	vsub.f32 $0.0e+00, v11;
	v15 =	vadd.f32 v15, v17;
	v11 =	vld [tilespmem:s10+$0x70]  }
0x34e: {  	_ = 	snop  }
0x34f: {  	v8 =	vadd.f32 v8, v13;
	v45 =	vsub.f32 $0.0e+00, v16  }
0x350: {  	v46 =	vsub.f32 $0.0e+00, v15;
	v14 =	vmul.f32 $1.442695020e+00, v14;
	v6 =	vadd.f32 v6, v10  }
0x351: {  	v7 =	vadd.f32 v7, v12;
	v8 =	vsub.f32 $0.0e+00, v8;
	v47 =	vmul.f32 $1.442695020e+00, v45  }
0x352: {  	v12 =	vmul.f32 $1.442695020e+00, v46;
	(erf) = vpow2.f32 v14;
	v6 =	vsub.f32 $0.0e+00, v6  }
0x353: {  	v4 =	vadd.f32 v4, v9;
	(erf) = vpow2.f32 v47;
	v8 =	vmul.f32 $1.442695020e+00, v8  }
0x354: {  	v5 =	vadd.f32 v5, v11;
	(erf) = vpow2.f32 v12;
	v6 =	vmul.f32 $1.442695020e+00, v6  }
0x355: {  	v7 =	vsub.f32 $0.0e+00, v7;
	v4 =	vsub.f32 $0.0e+00, v4;
	(erf) = vpow2.f32 v8  }
0x356: {  	v5 =	vsub.f32 $0.0e+00, v5;
	(erf) = vpow2.f32 v6  }
0x357: {  	v7 =	vmul.f32 $1.442695020e+00, v7;
	v4 =	vmul.f32 $1.442695020e+00, v4  }
0x358: {  	v5 =	vmul.f32 $1.442695020e+00, v5  }
0x359: {  	(erf) = vpow2.f32 v7  }
0x35a: {  	(erf) = vpow2.f32 v5  }
0x35b: {  	(erf) = vpow2.f32 v4;
	v4 =	vpop (erf)  }
0x35c: {  	v5 =	vpop (erf)  }
0x35d: {  	v4 =	vadd.f32 $1.000000000e+00, v4;
	v48 =	vpop (erf)  }
0x35e: {  	v5 =	vadd.f32 $1.000000000e+00, v5;
	v49 =	vpop (erf)  }
0x35f: {  	(erf) = vrcp.f32 v4;
	v4 =	vadd.f32 $1.000000000e+00, v49;
	v50 =	vpop (erf)  }
0x360: {  	(erf) = vrcp.f32 v5;
	v5 =	vadd.f32 $1.000000000e+00, v50;
	_ =	sdelay $0x1  }
0x361: {  	v51 =	vpop (erf);
	(erf) = vrcp.f32 v4  }
0x362: {  	v7 =	vadd.f32 $1.000000000e+00, v51;
	v4 =	vpop (erf);
	(erf) = vrcp.f32 v5  }
0x363: {  	s4 =	sadd.s32 s13, s5;
	v6 =	vadd.f32 $1.000000000e+00, v48;
	v5 =	vpop (erf)  }
0x364: {  	v53 =	vld [tilespmem:s4+$0x0];
	(erf) = vrcp.f32 v7;
	v5 =	vadd.f32 $1.000000000e+00, v5  }
0x365: {  	v54 =	vld [tilespmem:s4+$0x40];
	v4 =	vadd.f32 $1.000000000e+00, v4;
	(erf) = vrcp.f32 v6  }
0x366: {  	(erf) = vrcp.f32 v5;
	v5 =	vld [tilespmem:s4+$0x10]  }
0x367: {  	(erf) = vrcp.f32 v4;
	v4 =	vld [tilespmem:s4+$0x50]  }
0x368: {  	v55 =	vpop (erf)  }
0x369: {  	v58 =	vpop (erf)  }
0x36a: {  	v56 =	vld [tilespmem:s4+$0x20];
	v60 =	vpop (erf)  }
0x36b: {  	v57 =	vld [tilespmem:s4+$0x30];
	v7 =	vmul.f32 v55, v53;
	v61 =	vpop (erf);
	v5 =	vmul.f32 v60, v5  }
0x36c: {  	v59 =	vld [tilespmem:s4+$0x60];
	v6 =	vmul.f32 v58, v54;
	v4 =	vmul.f32 v61, v4  }
0x36d: {  	v52 =	vld [tilespmem:s4+$0x70];
	[tilespmem:s3+$0xFFFFFF90] =	vst v7  }
0x36e: {  	[tilespmem:s3+$0xFFFFFFD0] =	vst v6;
	v62 =	vpop (erf)  }
0x36f: {  	v6 =	vmul.f32 v62, v56;
	[tilespmem:s3+$0xFFFFFFA0] =	vst v5;
	v5 =	vpop (erf)  }
0x370: {  	[tilespmem:s3+$0xFFFFFFE0] =	vst v4;
	v5 =	vmul.f32 v5, v57;
	v4 =	vpop (erf)  }
.Ltmp8:
0x371: {  	[tilespmem:s3+$0xFFFFFFB0] =	vst v6;
	v4 =	vmul.f32 v4, v59;
	v63 =	vpop (erf);
	(pc) =	sbr.rel @p0 .LBB2_15-.Ltmp8, $4  }
0x372: {  	v6 =	vmul.f32 v63, v52;
	[tilespmem:s3+$0xFFFFFFC0] =	vst v5  }
0x373: {  	[tilespmem:s3+$0xFFFFFFF0] =	vst v4  }
0x374: {  	s26 =	simm.s32 $0x280;
	[tilespmem:s3+$0x0] =	vst v6  }
0x375: {  	[spmem:s19] =	stream.indirect.scatter.add.f32 [tilespmem:s7], [sflag:$0xA], $0x80, s26, s31, $0xb8;
	[tilespmem:$0x1E300] =	vst v63  }
0x376: {  	s4 =	sld [smem:$0x7F9];
	_ =	sdelay $0x1  }
0x377: {  	s3 =	sshll.u32 s2, $0x5  }
0x378: {  	s3 =	sadd.s32 s3, s4  }
0x379: {  	s3 =	smul.u32 $0x5, s3  }
.Ltmp9:
0x37a: {  	_ = 	snop;
	(pc) =	sbr.rel .LBB2_6-.Ltmp9, $4  }
0x37b: {  	s5 =	simm.s32 $0x80;
	s26 =	sadd.s32 s23, s3  }
0x37c: {  	[tilespmem:s5], [sflag:$0x2] =	stream.linear.gather [hbm4b:s26+s1], $0x28, $0x38;
	[tilespmem:$0x1E300] =	vst v63  }
0x37d: {  	s2 =	sadd.s32 $0x1, s2;
	s3 =	sadd.s32 s24, s3  }
0x37e: {  	[tilespmem:s12], [sflag:$0x4] =	stream.linear.gather [hbm4b:s3+s1], $0x28, $0x38;
	[tilespmem:$0x1E300] =	vst v63  }
.LBB2_16:
0x37f: {  	_ =	sfence.sel $0x180000  }
0x380: {  	[bflag:$0x0] =	sbarrier.arrive $0xFFFF  }
0x381: {  	_ =	strace $0x90000047  }
0x382: {  	s0 =	stileid.u32;
	[bflag:$0x2] =	sbarrier.arrive $0xFFFF  }
0x383: {  	p0 =	sne.s32 s0, $0x0;
	s0 =	rddreg [dreg:$0x3]  }
0x384: {  	s0 =	sadd.s32 @!p0 $0x100000, s0  }
0x385: {  	[sflag:s0] =	ssyncadd.tile.s32 @!p0 $0x1;
	_ =	shalt  }
.Lfunc_end2:
_tile_overlayer_lowered:
.L_overlay_start_2:
0x386: {  	(tag) =	ssettag $0x2  }
0x387: {  	s0 =	rddreg [dreg:$0x0];
	s2 =	stileid.u32  }
0x388: {  	s1 =	rddreg [dreg:$0x1];
	p0 =	sne.s32 s2, $0x0  }
0x389: {  	s3 =	rddreg [dreg:$0x2];
	[bflag:$0x3] =	sbarrier.arrive $0xFFFF;
	s2 =	simm.s32 @!p0 $0x1C0B  }
0x38a: {  	[timem:s3], [sflag:s2] =	dma.local @!p0 [hbm:s0], s1  }
0x38b: {  	s0 =	simm.s32 @!p0 $0xB  }
0x38c: {  	_ =	swait.ge @!p0 [sflag:s0], s1  }
0x38d: {  	s1 =	ssub.s32 @!p0 $0x0, s1;
	[sflag:s0] =	ssyncset.done @!p0 $0x0  }
0x38e: {  	[sflag:s0] =	ssyncadd.s32 @!p0 s1  }
0x38f: {  	[bflag:$0x3] =	sbarrier.arrive $0xFFFF  }
0x390: {  	_ =	shalt  }

</sc_bundles>
